<compile_context>
chip_gen: v7x
topology: tpu7x:2x2x1
jax: 0.10.2.dev20260603
libtpu: 0.0.44.dev20260713+nightly
codegen_flags: <defaults>
</compile_context>

<pallas_src>
import functools

import jax
import jax.numpy as jnp
from jax import lax
from jax.experimental import pallas as pl
from jax.experimental.pallas import tpu as pltpu
from jax.experimental.pallas import tpu_sc as plsc

N_CELLS = 10000
N_GENES = 10000
D_FEAT = 128
N_EDGES = 320000

_NC = 2
_NS = 16
_NW = _NC * _NS
_LANES = 16
_W = D_FEAT // 2

_EPW = N_EDGES // _NW
_CHUNK = 80
_NCHUNK = _EPW // _CHUNK
_NBLK = D_FEAT // _LANES
_UNROLL = 8
_RPT = N_CELLS // _NS


def _dot_decoder_body(src_hbm, dst_hbm, u_hbm, v_hbm, out_hbm,
                      sidx_all, didx_all, u0, v0, u1, v1, parts, out_v,
                      u_sp,
                      sem_u0, sem_v0, sem_u1, sem_v1, sem_fill):
    cid = lax.axis_index("c")
    sid = lax.axis_index("s")
    wid = sid * _NC + cid
    base = wid * _EPW
    lanes = lax.iota(jnp.int32, _LANES)

    pltpu.async_copy(u_hbm.at[pl.ds(sid * _RPT, _RPT)],
                     u_sp.at[pl.ds(sid * _RPT, _RPT)], sem_fill)
    pltpu.sync_copy(src_hbm.at[pl.ds(base, _EPW)], sidx_all)
    pltpu.sync_copy(dst_hbm.at[pl.ds(base, _EPW)], didx_all)
    pltpu.make_async_copy(u_hbm.at[pl.ds(0, _RPT)],
                          u_sp.at[pl.ds(0, _RPT)], sem_fill).wait()
    plsc.subcore_barrier()

    bufs = ((u0, v0, sem_u0, sem_v0), (u1, v1, sem_u1, sem_v1))

    def issue(c, b):
        ub, vb, su, sv = bufs[b]
        pltpu.async_copy(u_sp.at[sidx_all.at[pl.ds(c * _CHUNK, _CHUNK)]],
                         ub, su)
        pltpu.async_copy(v_hbm.at[didx_all.at[pl.ds(c * _CHUNK, _CHUNK)]],
                         vb, sv)

    def wait(b):
        ub, vb, su, sv = bufs[b]
        pltpu.make_async_copy(u_sp.at[pl.ds(0, _CHUNK)], ub, su).wait()
        pltpu.make_async_copy(v_hbm.at[pl.ds(0, _CHUNK)], vb, sv).wait()

    def compute(c, b):
        ub, vb, _, _ = bufs[b]

        def edge_body(e2, _):
            for t in range(_UNROLL):
                e = e2 * _UNROLL + t
                acc0 = None
                acc1 = None
                for j in range(_NBLK // 2):
                    uab = plsc.bitcast(ub[e, pl.ds(j * _LANES, _LANES)],
                                       jnp.bfloat16)
                    vab = plsc.bitcast(vb[e, pl.ds(j * _LANES, _LANES)],
                                       jnp.bfloat16)
                    prod = uab * vab
                    pe, po = plsc.unpack(prod,
                                         format=plsc.PackFormat.INTERLEAVED,
                                         preferred_element_type=jnp.float32)
                    if acc0 is None:
                        acc0 = pe
                        acc1 = po
                    else:
                        acc0 = acc0 + pe
                        acc1 = acc1 + po
                parts[e, :] = acc0 + acc1
            return _

        lax.fori_loop(0, _CHUNK // _UNROLL, edge_body, None)

        for g in range(_CHUNK // _LANES):
            rows = g * _LANES + lanes
            acc0 = plsc.load_gather(parts, [rows, jnp.zeros((_LANES,), jnp.int32)])
            acc1 = plsc.load_gather(parts, [rows, jnp.full((_LANES,), 1, jnp.int32)])
            for k in range(2, _LANES, 2):
                acc0 = acc0 + plsc.load_gather(
                    parts, [rows, jnp.full((_LANES,), k, jnp.int32)])
                acc1 = acc1 + plsc.load_gather(
                    parts, [rows, jnp.full((_LANES,), k + 1, jnp.int32)])
            x = acc0 + acc1
            pred = 1.0 / (1.0 + jnp.exp(-x))
            out_v[pl.ds(c * _CHUNK + g * _LANES, _LANES)] = pred

    issue(0, 0)

    def pair_body(c2, _):
        c = c2 * 2
        wait(0)
        issue(c + 1, 1)
        compute(c, 0)
        wait(1)
        issue(c + 2, 0)
        compute(c + 1, 1)
        return _

    lax.fori_loop(0, (_NCHUNK - 1) // 2, pair_body, None)
    wait(0)
    compute(_NCHUNK - 1, 0)

    pltpu.sync_copy(out_v, out_hbm.at[pl.ds(base, _EPW)])


@jax.jit
def _dot_decoder(src, dst, ufeats, ifeats):
    mesh = plsc.VectorSubcoreMesh(core_axis_name="c", subcore_axis_name="s")
    scores = pl.kernel(
        _dot_decoder_body,
        out_type=jax.ShapeDtypeStruct((N_EDGES,), jnp.float32),
        mesh=mesh,
        compiler_params=pltpu.CompilerParams(needs_layout_passes=False,
                                             use_tc_tiling_on_sc=False),
        scratch_types=[
            pltpu.VMEM((_EPW,), jnp.int32),
            pltpu.VMEM((_EPW,), jnp.int32),
            pltpu.VMEM((_CHUNK, _W), jnp.uint32),
            pltpu.VMEM((_CHUNK, _W), jnp.uint32),
            pltpu.VMEM((_CHUNK, _W), jnp.uint32),
            pltpu.VMEM((_CHUNK, _W), jnp.uint32),
            pltpu.VMEM((_CHUNK, _LANES), jnp.float32),
            pltpu.VMEM((_EPW,), jnp.float32),
            pltpu.VMEM_SHARED((N_CELLS, _W), jnp.uint32),
            pltpu.SemaphoreType.DMA,
            pltpu.SemaphoreType.DMA,
            pltpu.SemaphoreType.DMA,
            pltpu.SemaphoreType.DMA,
            pltpu.SemaphoreType.DMA,
        ],
    )(src, dst, ufeats, ifeats)
    return scores


def kernel(ufeats, ifeats, edge_index):
    src = edge_index[0].astype(jnp.int32)
    dst = edge_index[1].astype(jnp.int32)
    scores = _dot_decoder(src, dst, _pack_bf16(ufeats), _pack_bf16(ifeats))
    return scores.reshape(N_EDGES, 1)


def _pack_bf16(x):
    b = lax.bitcast_convert_type(x, jnp.uint32)
    r = (b + 0x7FFF + ((b >> 16) & 1)) >> 16
    lo = r[:, :D_FEAT // 2]
    hi = r[:, D_FEAT // 2:]
    return lo | (hi << 16)

# --- scband reference (transcript-rebuilt; emitter-appended) ---
"""Pipeline reference for scband-dot-decoder-43198781063357 (READ-ONLY COPY).

The authoritative reference and input builder live on the scoring server;
editing this copy changes nothing except your own understanding.
"""

import jax, jax.numpy as jnp
import numpy as np

N_CELLS = 10000
N_GENES = 10000
D_FEAT = 128
N_EDGES = 320000

def setup_inputs(seed: int = 0) -> dict:
    key = jax.random.key(seed)
    k1, k2, k3 = jax.random.split(key, 3)
    ufeats = jax.random.normal(k1, (N_CELLS, D_FEAT), dtype=jnp.float32)
    ifeats = jax.random.normal(k2, (N_GENES, D_FEAT), dtype=jnp.float32)
    src = jax.random.randint(k3, (N_EDGES,), 0, N_CELLS, dtype=jnp.int64 if jax.config.jax_enable_x64 else jnp.int32)
    dst = jax.random.randint(jax.random.fold_in(k3, 1), (N_EDGES,), 0, N_GENES, dtype=jnp.int64 if jax.config.jax_enable_x64 else jnp.int32)
    edge_index = jnp.stack([src, dst], axis=0)
    return {"ufeats": ufeats, "ifeats": ifeats, "edge_index": edge_index}

def reference(ufeats, ifeats, edge_index):
    # DGL heterograph dot decoder: graph.apply_edges(fn.u_dot_v('h','h','score'))
    # u = cell nodes (ufeats), v = gene nodes (ifeats); per-edge dot product, then sigmoid.
    src = edge_index[0]
    dst = edge_index[1]
    u = jnp.take(ufeats, src, axis=0)  # gather: [E, d]
    v = jnp.take(ifeats, dst, axis=0)  # gather: [E, d]
    score = jnp.sum(u * v, axis=-1, keepdims=True)  # [E, 1]
    pred = jax.nn.sigmoid(score)
    return pred

if __name__ == "__main__":
    import jax
    _d = setup_inputs()
    print(jax.jit(kernel)(*tuple(_d.values())))

</pallas_src>

<mosaic_0001>
#map = affine_map<(d0, d1) -> (0)>
#map1 = affine_map<(d0, d1) -> (0, 0)>
module attributes {stable_mosaic.version = 14 : i64} {
  func.func @_dot_decoder_body(%arg0: i32, %arg1: i32, %arg2: memref<320000xi32, #tpu.memory_space<hbm>>, %arg3: memref<320000xi32, #tpu.memory_space<hbm>>, %arg4: memref<10000x64xi32, #tpu.memory_space<hbm>>, %arg5: memref<10000x64xi32, #tpu.memory_space<hbm>>, %arg6: memref<320000xf32, #tpu.memory_space<hbm>>, %arg7: memref<10000xi32, #tpu.memory_space<vmem>>, %arg8: memref<10000xi32, #tpu.memory_space<vmem>>, %arg9: memref<80x64xi32, #tpu.memory_space<vmem>>, %arg10: memref<80x64xi32, #tpu.memory_space<vmem>>, %arg11: memref<80x64xi32, #tpu.memory_space<vmem>>, %arg12: memref<80x64xi32, #tpu.memory_space<vmem>>, %arg13: memref<80x16xf32, #tpu.memory_space<vmem>>, %arg14: memref<10000xf32, #tpu.memory_space<vmem>>, %arg15: memref<10000x64xi32, #tpu.memory_space<vmem_shared>>, %arg16: memref<!tpu.dma_semaphore, #tpu.memory_space<semaphore_mem>>, %arg17: memref<!tpu.dma_semaphore, #tpu.memory_space<semaphore_mem>>, %arg18: memref<!tpu.dma_semaphore, #tpu.memory_space<semaphore_mem>>, %arg19: memref<!tpu.dma_semaphore, #tpu.memory_space<semaphore_mem>>, %arg20: memref<!tpu.dma_semaphore, #tpu.memory_space<semaphore_mem>>) attributes {dimension_semantics = [#tpu.dimension_semantics<core_parallel>, #tpu.dimension_semantics<subcore_parallel>], iteration_bounds = array<i64: 2, 16>, scalar_prefetch = 0 : i64, scratch_operands = 14 : i64, tpu.core_type = #tpu.core_type<sc_vector_subcore>, window_params = [{transform_indices = #map}, {transform_indices = #map}, {transform_indices = #map1}, {transform_indices = #map1}, {transform_indices = #map}]} {
    %mul3A = arith.constant 2 : i32
    %mul3A_0 = arith.muli %arg1, %mul3A : i32
    %add3A = arith.addi %mul3A_0, %arg0 : i32
    %mul3A_1 = arith.constant 10000 : i32
    %mul3A_2 = arith.muli %add3A, %mul3A_1 : i32
    %iota3A = tpu.iota {dimensions = array<i32: 0>} : vector<16xi32>
    %mul3A_3 = arith.constant 625 : i32
    %mul3A_4 = arith.muli %arg1, %mul3A_3 : i32
    %mul3A_5 = arith.constant 625 : i32
    %mul3A_6 = arith.muli %arg1, %mul3A_5 : i32
    %dma_start3A = arith.constant 0 : i32
    %dma_start3A_7 = tpu.memref_slice %arg15[%mul3A_6, %dma_start3A] : memref<10000x64xi32, #tpu.memory_space<vmem_shared>> -> memref<625x64xi32, #tpu.memory_space<vmem_shared>>
    %dma_start3A_8 = arith.constant 0 : i32
    %dma_start3A_9 = tpu.memref_slice %arg4[%mul3A_4, %dma_start3A_8] : memref<10000x64xi32, #tpu.memory_space<hbm>> -> memref<625x64xi32, #tpu.memory_space<hbm>>
    tpu.enqueue_dma source(%dma_start3A_9 : memref<625x64xi32, #tpu.memory_space<hbm>>) target(%dma_start3A_7 : memref<625x64xi32, #tpu.memory_space<vmem_shared>>) target_semaphore(%arg20 : memref<!tpu.dma_semaphore, #tpu.memory_space<semaphore_mem>>)
    "tpu.region"() ({
      %run_scoped3A = tpu.sem_alloc : memref<!tpu.dma_semaphore, #tpu.memory_space<semaphore_mem>>
      %dma_start3A_430 = tpu.memref_slice %arg2[%mul3A_2] : memref<320000xi32, #tpu.memory_space<hbm>> -> memref<10000xi32, #tpu.memory_space<hbm>>
      %dma_start3A_431 = tpu.memref_slice %arg2[%mul3A_2] : memref<320000xi32, #tpu.memory_space<hbm>> -> memref<10000xi32, #tpu.memory_space<hbm>>
      tpu.enqueue_dma source(%dma_start3A_431 : memref<10000xi32, #tpu.memory_space<hbm>>) target(%arg7 : memref<10000xi32, #tpu.memory_space<vmem>>) target_semaphore(%run_scoped3A : memref<!tpu.dma_semaphore, #tpu.memory_space<semaphore_mem>>)
      %dma_wait3A_432 = tpu.memref_slice %arg2[%mul3A_2] : memref<320000xi32, #tpu.memory_space<hbm>> -> memref<10000xi32, #tpu.memory_space<hbm>>
      %dma_wait3A_433 = tpu.memref_slice %arg2[%mul3A_2] : memref<320000xi32, #tpu.memory_space<hbm>> -> memref<10000xi32, #tpu.memory_space<hbm>>
      tpu.wait_dma2 semaphore(%run_scoped3A : memref<!tpu.dma_semaphore, #tpu.memory_space<semaphore_mem>>) src(%dma_wait3A_433 : memref<10000xi32, #tpu.memory_space<hbm>>) dst(%arg7 : memref<10000xi32, #tpu.memory_space<vmem>>)
      tpu.yield
    }) : () -> ()
    "tpu.region"() ({
      %run_scoped3A = tpu.sem_alloc : memref<!tpu.dma_semaphore, #tpu.memory_space<semaphore_mem>>
      %dma_start3A_430 = tpu.memref_slice %arg3[%mul3A_2] : memref<320000xi32, #tpu.memory_space<hbm>> -> memref<10000xi32, #tpu.memory_space<hbm>>
      %dma_start3A_431 = tpu.memref_slice %arg3[%mul3A_2] : memref<320000xi32, #tpu.memory_space<hbm>> -> memref<10000xi32, #tpu.memory_space<hbm>>
      tpu.enqueue_dma source(%dma_start3A_431 : memref<10000xi32, #tpu.memory_space<hbm>>) target(%arg8 : memref<10000xi32, #tpu.memory_space<vmem>>) target_semaphore(%run_scoped3A : memref<!tpu.dma_semaphore, #tpu.memory_space<semaphore_mem>>)
      %dma_wait3A_432 = tpu.memref_slice %arg3[%mul3A_2] : memref<320000xi32, #tpu.memory_space<hbm>> -> memref<10000xi32, #tpu.memory_space<hbm>>
      %dma_wait3A_433 = tpu.memref_slice %arg3[%mul3A_2] : memref<320000xi32, #tpu.memory_space<hbm>> -> memref<10000xi32, #tpu.memory_space<hbm>>
      tpu.wait_dma2 semaphore(%run_scoped3A : memref<!tpu.dma_semaphore, #tpu.memory_space<semaphore_mem>>) src(%dma_wait3A_433 : memref<10000xi32, #tpu.memory_space<hbm>>) dst(%arg8 : memref<10000xi32, #tpu.memory_space<vmem>>)
      tpu.yield
    }) : () -> ()
    %dma_wait3A = arith.constant 0 : i32
    %dma_wait3A_10 = arith.constant 0 : i32
    %dma_wait3A_11 = tpu.memref_slice %arg15[%dma_wait3A, %dma_wait3A_10] : memref<10000x64xi32, #tpu.memory_space<vmem_shared>> -> memref<625x64xi32, #tpu.memory_space<vmem_shared>>
    %dma_wait3A_12 = arith.constant 0 : i32
    %dma_wait3A_13 = arith.constant 0 : i32
    %dma_wait3A_14 = tpu.memref_slice %arg4[%dma_wait3A_12, %dma_wait3A_13] : memref<10000x64xi32, #tpu.memory_space<hbm>> -> memref<625x64xi32, #tpu.memory_space<hbm>>
    tpu.wait_dma2 semaphore(%arg20 : memref<!tpu.dma_semaphore, #tpu.memory_space<semaphore_mem>>) src(%dma_wait3A_14 : memref<625x64xi32, #tpu.memory_space<hbm>>) dst(%dma_wait3A_11 : memref<625x64xi32, #tpu.memory_space<vmem_shared>>)
    %barrier3A = arith.constant 0 : index
    tpu.barrier barrier_id(%barrier3A)
    %dma_start3A_15 = arith.constant 0 : i32
    %dma_start3A_16 = tpu.memref_slice %arg7[%dma_start3A_15] : memref<10000xi32, #tpu.memory_space<vmem>> -> memref<80xi32, #tpu.memory_space<vmem>>
    %dma_start3A_17 = arith.constant 0 : i32
    %dma_start3A_18 = arith.constant 0 : i32
    %dma_start3A_19 = tpu.memref_slice %arg15[%dma_start3A_17, %dma_start3A_18] : memref<10000x64xi32, #tpu.memory_space<vmem_shared>> -> memref<10000x64xi32, #tpu.memory_space<vmem_shared>>
    tpu.enqueue_indirect_dma source(%dma_start3A_19 : memref<10000x64xi32, #tpu.memory_space<vmem_shared>>) target(%arg9 : memref<80x64xi32, #tpu.memory_space<vmem>>) offsets(%dma_start3A_16 : memref<80xi32, #tpu.memory_space<vmem>>) semaphore(%arg16 : memref<!tpu.dma_semaphore, #tpu.memory_space<semaphore_mem>>)
    %dma_start3A_20 = arith.constant 0 : i32
    %dma_start3A_21 = tpu.memref_slice %arg8[%dma_start3A_20] : memref<10000xi32, #tpu.memory_space<vmem>> -> memref<80xi32, #tpu.memory_space<vmem>>
    %dma_start3A_22 = arith.constant 0 : i32
    %dma_start3A_23 = arith.constant 0 : i32
    %dma_start3A_24 = tpu.memref_slice %arg5[%dma_start3A_22, %dma_start3A_23] : memref<10000x64xi32, #tpu.memory_space<hbm>> -> memref<10000x64xi32, #tpu.memory_space<hbm>>
    tpu.enqueue_indirect_dma source(%dma_start3A_24 : memref<10000x64xi32, #tpu.memory_space<hbm>>) target(%arg10 : memref<80x64xi32, #tpu.memory_space<vmem>>) offsets(%dma_start3A_21 : memref<80xi32, #tpu.memory_space<vmem>>) semaphore(%arg17 : memref<!tpu.dma_semaphore, #tpu.memory_space<semaphore_mem>>)
    %scan3A = arith.constant 0 : i32
    %scan3A_25 = arith.constant 62 : i32
    %scan3A_26 = arith.addi %scan3A, %scan3A_25 : i32
    %scan3A_27 = arith.constant 1 : i32
    scf.for %scan3A_430 = %scan3A to %scan3A_26 step %scan3A_27  : i32 {
      %mul3A_431 = arith.constant 2 : i32
      %mul3A_432 = arith.muli %scan3A_430, %mul3A_431 : i32
      %dma_wait3A_433 = arith.constant 0 : i32
      %dma_wait3A_434 = arith.constant 0 : i32
      %dma_wait3A_435 = tpu.memref_slice %arg15[%dma_wait3A_433, %dma_wait3A_434] : memref<10000x64xi32, #tpu.memory_space<vmem_shared>> -> memref<80x64xi32, #tpu.memory_space<vmem_shared>>
      %dma_wait3A_436 = arith.constant 0 : i32
      %dma_wait3A_437 = arith.constant 0 : i32
      %dma_wait3A_438 = tpu.memref_slice %arg15[%dma_wait3A_436, %dma_wait3A_437] : memref<10000x64xi32, #tpu.memory_space<vmem_shared>> -> memref<80x64xi32, #tpu.memory_space<vmem_shared>>
      tpu.wait_dma2 semaphore(%arg16 : memref<!tpu.dma_semaphore, #tpu.memory_space<semaphore_mem>>) src(%dma_wait3A_438 : memref<80x64xi32, #tpu.memory_space<vmem_shared>>) dst(%arg9 : memref<80x64xi32, #tpu.memory_space<vmem>>)
      %dma_wait3A_439 = arith.constant 0 : i32
      %dma_wait3A_440 = arith.constant 0 : i32
      %dma_wait3A_441 = tpu.memref_slice %arg5[%dma_wait3A_439, %dma_wait3A_440] : memref<10000x64xi32, #tpu.memory_space<hbm>> -> memref<80x64xi32, #tpu.memory_space<hbm>>
      %dma_wait3A_442 = arith.constant 0 : i32
      %dma_wait3A_443 = arith.constant 0 : i32
      %dma_wait3A_444 = tpu.memref_slice %arg5[%dma_wait3A_442, %dma_wait3A_443] : memref<10000x64xi32, #tpu.memory_space<hbm>> -> memref<80x64xi32, #tpu.memory_space<hbm>>
      tpu.wait_dma2 semaphore(%arg17 : memref<!tpu.dma_semaphore, #tpu.memory_space<semaphore_mem>>) src(%dma_wait3A_444 : memref<80x64xi32, #tpu.memory_space<hbm>>) dst(%arg10 : memref<80x64xi32, #tpu.memory_space<vmem>>)
      %add3A_445 = arith.constant 1 : i32
      %add3A_446 = arith.addi %mul3A_432, %add3A_445 : i32
      %mul3A_447 = arith.constant 80 : i32
      %mul3A_448 = arith.muli %add3A_446, %mul3A_447 : i32
      %dma_start3A_449 = tpu.memref_slice %arg7[%mul3A_448] : memref<10000xi32, #tpu.memory_space<vmem>> -> memref<80xi32, #tpu.memory_space<vmem>>
      %dma_start3A_450 = arith.constant 0 : i32
      %dma_start3A_451 = arith.constant 0 : i32
      %dma_start3A_452 = tpu.memref_slice %arg15[%dma_start3A_450, %dma_start3A_451] : memref<10000x64xi32, #tpu.memory_space<vmem_shared>> -> memref<10000x64xi32, #tpu.memory_space<vmem_shared>>
      tpu.enqueue_indirect_dma source(%dma_start3A_452 : memref<10000x64xi32, #tpu.memory_space<vmem_shared>>) target(%arg11 : memref<80x64xi32, #tpu.memory_space<vmem>>) offsets(%dma_start3A_449 : memref<80xi32, #tpu.memory_space<vmem>>) semaphore(%arg18 : memref<!tpu.dma_semaphore, #tpu.memory_space<semaphore_mem>>)
      %mul3A_453 = arith.constant 80 : i32
      %mul3A_454 = arith.muli %add3A_446, %mul3A_453 : i32
      %dma_start3A_455 = tpu.memref_slice %arg8[%mul3A_454] : memref<10000xi32, #tpu.memory_space<vmem>> -> memref<80xi32, #tpu.memory_space<vmem>>
      %dma_start3A_456 = arith.constant 0 : i32
      %dma_start3A_457 = arith.constant 0 : i32
      %dma_start3A_458 = tpu.memref_slice %arg5[%dma_start3A_456, %dma_start3A_457] : memref<10000x64xi32, #tpu.memory_space<hbm>> -> memref<10000x64xi32, #tpu.memory_space<hbm>>
      tpu.enqueue_indirect_dma source(%dma_start3A_458 : memref<10000x64xi32, #tpu.memory_space<hbm>>) target(%arg12 : memref<80x64xi32, #tpu.memory_space<vmem>>) offsets(%dma_start3A_455 : memref<80xi32, #tpu.memory_space<vmem>>) semaphore(%arg19 : memref<!tpu.dma_semaphore, #tpu.memory_space<semaphore_mem>>)
      %scan3A_459 = arith.constant 0 : i32
      %scan3A_460 = arith.constant 10 : i32
      %scan3A_461 = arith.addi %scan3A_459, %scan3A_460 : i32
      %scan3A_462 = arith.constant 1 : i32
      scf.for %scan3A_1317 = %scan3A_459 to %scan3A_461 step %scan3A_462  : i32 {
        %mul3A_1318 = arith.constant 8 : i32
        %mul3A_1319 = arith.muli %scan3A_1317, %mul3A_1318 : i32
        %add3A_1320 = arith.constant 0 : i32
        %add3A_1321 = arith.addi %mul3A_1319, %add3A_1320 : i32
        %get3A = arith.index_cast %add3A_1321 : i32 to index
        %get3A_1322 = arith.constant 0 : index
        %get3A_1323 = tpu.vector_load %arg9[%get3A, %get3A_1322] {strides = array<i32>} : memref<80x64xi32, #tpu.memory_space<vmem>>, vector<16xi32>,
        %bitcast3A = vector.bitcast %get3A_1323 : vector<16xi32> to vector<32xbf16>
        %get3A_1324 = arith.index_cast %add3A_1321 : i32 to index
        %get3A_1325 = arith.constant 0 : index
        %get3A_1326 = tpu.vector_load %arg10[%get3A_1324, %get3A_1325] {strides = array<i32>} : memref<80x64xi32, #tpu.memory_space<vmem>>, vector<16xi32>,
        %bitcast3A_1327 = vector.bitcast %get3A_1326 : vector<16xi32> to vector<32xbf16>
        %mul3A_1328 = arith.mulf %bitcast3A, %bitcast3A_1327 : vector<32xbf16>
        %unpack3A = tpu.unpack_subelements %mul3A_1328, 0 {pack_format = #tpu.pack_format<interleaved>} : vector<32xbf16> -> vector<16xf32>
        %unpack3A_1329 = tpu.unpack_subelements %mul3A_1328, 1 {pack_format = #tpu.pack_format<interleaved>} : vector<32xbf16> -> vector<16xf32>
        %get3A_1330 = arith.index_cast %add3A_1321 : i32 to index
        %get3A_1331 = arith.constant 16 : index
        %get3A_1332 = tpu.vector_load %arg9[%get3A_1330, %get3A_1331] {strides = array<i32>} : memref<80x64xi32, #tpu.memory_space<vmem>>, vector<16xi32>,
        %bitcast3A_1333 = vector.bitcast %get3A_1332 : vector<16xi32> to vector<32xbf16>
        %get3A_1334 = arith.index_cast %add3A_1321 : i32 to index
        %get3A_1335 = arith.constant 16 : index
        %get3A_1336 = tpu.vector_load %arg10[%get3A_1334, %get3A_1335] {strides = array<i32>} : memref<80x64xi32, #tpu.memory_space<vmem>>, vector<16xi32>,
        %bitcast3A_1337 = vector.bitcast %get3A_1336 : vector<16xi32> to vector<32xbf16>
        %mul3A_1338 = arith.mulf %bitcast3A_1333, %bitcast3A_1337 : vector<32xbf16>
        %unpack3A_1339 = tpu.unpack_subelements %mul3A_1338, 0 {pack_format = #tpu.pack_format<interleaved>} : vector<32xbf16> -> vector<16xf32>
        %unpack3A_1340 = tpu.unpack_subelements %mul3A_1338, 1 {pack_format = #tpu.pack_format<interleaved>} : vector<32xbf16> -> vector<16xf32>
        %add3A_1341 = arith.addf %unpack3A, %unpack3A_1339 : vector<16xf32>
        %add3A_1342 = arith.addf %unpack3A_1329, %unpack3A_1340 : vector<16xf32>
        %get3A_1343 = arith.index_cast %add3A_1321 : i32 to index
        %get3A_1344 = arith.constant 32 : index
        %get3A_1345 = tpu.vector_load %arg9[%get3A_1343, %get3A_1344] {strides = array<i32>} : memref<80x64xi32, #tpu.memory_space<vmem>>, vector<16xi32>,
        %bitcast3A_1346 = vector.bitcast %get3A_1345 : vector<16xi32> to vector<32xbf16>
        %get3A_1347 = arith.index_cast %add3A_1321 : i32 to index
        %get3A_1348 = arith.constant 32 : index
        %get3A_1349 = tpu.vector_load %arg10[%get3A_1347, %get3A_1348] {strides = array<i32>} : memref<80x64xi32, #tpu.memory_space<vmem>>, vector<16xi32>,
        %bitcast3A_1350 = vector.bitcast %get3A_1349 : vector<16xi32> to vector<32xbf16>
        %mul3A_1351 = arith.mulf %bitcast3A_1346, %bitcast3A_1350 : vector<32xbf16>
        %unpack3A_1352 = tpu.unpack_subelements %mul3A_1351, 0 {pack_format = #tpu.pack_format<interleaved>} : vector<32xbf16> -> vector<16xf32>
        %unpack3A_1353 = tpu.unpack_subelements %mul3A_1351, 1 {pack_format = #tpu.pack_format<interleaved>} : vector<32xbf16> -> vector<16xf32>
        %add3A_1354 = arith.addf %add3A_1341, %unpack3A_1352 : vector<16xf32>
        %add3A_1355 = arith.addf %add3A_1342, %unpack3A_1353 : vector<16xf32>
        %get3A_1356 = arith.index_cast %add3A_1321 : i32 to index
        %get3A_1357 = arith.constant 48 : index
        %get3A_1358 = tpu.vector_load %arg9[%get3A_1356, %get3A_1357] {strides = array<i32>} : memref<80x64xi32, #tpu.memory_space<vmem>>, vector<16xi32>,
        %bitcast3A_1359 = vector.bitcast %get3A_1358 : vector<16xi32> to vector<32xbf16>
        %get3A_1360 = arith.index_cast %add3A_1321 : i32 to index
        %get3A_1361 = arith.constant 48 : index
        %get3A_1362 = tpu.vector_load %arg10[%get3A_1360, %get3A_1361] {strides = array<i32>} : memref<80x64xi32, #tpu.memory_space<vmem>>, vector<16xi32>,
        %bitcast3A_1363 = vector.bitcast %get3A_1362 : vector<16xi32> to vector<32xbf16>
        %mul3A_1364 = arith.mulf %bitcast3A_1359, %bitcast3A_1363 : vector<32xbf16>
        %unpack3A_1365 = tpu.unpack_subelements %mul3A_1364, 0 {pack_format = #tpu.pack_format<interleaved>} : vector<32xbf16> -> vector<16xf32>
        %unpack3A_1366 = tpu.unpack_subelements %mul3A_1364, 1 {pack_format = #tpu.pack_format<interleaved>} : vector<32xbf16> -> vector<16xf32>
        %add3A_1367 = arith.addf %add3A_1354, %unpack3A_1365 : vector<16xf32>
        %add3A_1368 = arith.addf %add3A_1355, %unpack3A_1366 : vector<16xf32>
        %add3A_1369 = arith.addf %add3A_1367, %add3A_1368 : vector<16xf32>
        %swap3A_1370 = arith.index_cast %add3A_1321 : i32 to index
        %swap3A_1371 = arith.constant 0 : index
        %swap3A_1372 = tpu.vector_load %arg13[%swap3A_1370, %swap3A_1371] {strides = array<i32>} : memref<80x16xf32, #tpu.memory_space<vmem>>, vector<16xf32>,
        tpu.vector_store %arg13[%swap3A_1370, %swap3A_1371], %add3A_1369 {strides = array<i32>} : memref<80x16xf32, #tpu.memory_space<vmem>>, vector<16xf32>,
        %mul3A_1373 = arith.constant 8 : i32
        %mul3A_1374 = arith.muli %scan3A_1317, %mul3A_1373 : i32
        %add3A_1375 = arith.constant 1 : i32
        %add3A_1376 = arith.addi %mul3A_1374, %add3A_1375 : i32
        %get3A_1377 = arith.index_cast %add3A_1376 : i32 to index
        %get3A_1378 = arith.constant 0 : index
        %get3A_1379 = tpu.vector_load %arg9[%get3A_1377, %get3A_1378] {strides = array<i32>} : memref<80x64xi32, #tpu.memory_space<vmem>>, vector<16xi32>,
        %bitcast3A_1380 = vector.bitcast %get3A_1379 : vector<16xi32> to vector<32xbf16>
        %get3A_1381 = arith.index_cast %add3A_1376 : i32 to index
        %get3A_1382 = arith.constant 0 : index
        %get3A_1383 = tpu.vector_load %arg10[%get3A_1381, %get3A_1382] {strides = array<i32>} : memref<80x64xi32, #tpu.memory_space<vmem>>, vector<16xi32>,
        %bitcast3A_1384 = vector.bitcast %get3A_1383 : vector<16xi32> to vector<32xbf16>
        %mul3A_1385 = arith.mulf %bitcast3A_1380, %bitcast3A_1384 : vector<32xbf16>
        %unpack3A_1386 = tpu.unpack_subelements %mul3A_1385, 0 {pack_format = #tpu.pack_format<interleaved>} : vector<32xbf16> -> vector<16xf32>
        %unpack3A_1387 = tpu.unpack_subelements %mul3A_1385, 1 {pack_format = #tpu.pack_format<interleaved>} : vector<32xbf16> -> vector<16xf32>
        %get3A_1388 = arith.index_cast %add3A_1376 : i32 to index
        %get3A_1389 = arith.constant 16 : index
        %get3A_1390 = tpu.vector_load %arg9[%get3A_1388, %get3A_1389] {strides = array<i32>} : memref<80x64xi32, #tpu.memory_space<vmem>>, vector<16xi32>,
        %bitcast3A_1391 = vector.bitcast %get3A_1390 : vector<16xi32> to vector<32xbf16>
        %get3A_1392 = arith.index_cast %add3A_1376 : i32 to index
        %get3A_1393 = arith.constant 16 : index
        %get3A_1394 = tpu.vector_load %arg10[%get3A_1392, %get3A_1393] {strides = array<i32>} : memref<80x64xi32, #tpu.memory_space<vmem>>, vector<16xi32>,
        %bitcast3A_1395 = vector.bitcast %get3A_1394 : vector<16xi32> to vector<32xbf16>
        %mul3A_1396 = arith.mulf %bitcast3A_1391, %bitcast3A_1395 : vector<32xbf16>
        %unpack3A_1397 = tpu.unpack_subelements %mul3A_1396, 0 {pack_format = #tpu.pack_format<interleaved>} : vector<32xbf16> -> vector<16xf32>
        %unpack3A_1398 = tpu.unpack_subelements %mul3A_1396, 1 {pack_format = #tpu.pack_format<interleaved>} : vector<32xbf16> -> vector<16xf32>
        %add3A_1399 = arith.addf %unpack3A_1386, %unpack3A_1397 : vector<16xf32>
        %add3A_1400 = arith.addf %unpack3A_1387, %unpack3A_1398 : vector<16xf32>
        %get3A_1401 = arith.index_cast %add3A_1376 : i32 to index
        %get3A_1402 = arith.constant 32 : index
        %get3A_1403 = tpu.vector_load %arg9[%get3A_1401, %get3A_1402] {strides = array<i32>} : memref<80x64xi32, #tpu.memory_space<vmem>>, vector<16xi32>,
        %bitcast3A_1404 = vector.bitcast %get3A_1403 : vector<16xi32> to vector<32xbf16>
        %get3A_1405 = arith.index_cast %add3A_1376 : i32 to index
        %get3A_1406 = arith.constant 32 : index
        %get3A_1407 = tpu.vector_load %arg10[%get3A_1405, %get3A_1406] {strides = array<i32>} : memref<80x64xi32, #tpu.memory_space<vmem>>, vector<16xi32>,
        %bitcast3A_1408 = vector.bitcast %get3A_1407 : vector<16xi32> to vector<32xbf16>
        %mul3A_1409 = arith.mulf %bitcast3A_1404, %bitcast3A_1408 : vector<32xbf16>
        %unpack3A_1410 = tpu.unpack_subelements %mul3A_1409, 0 {pack_format = #tpu.pack_format<interleaved>} : vector<32xbf16> -> vector<16xf32>
        %unpack3A_1411 = tpu.unpack_subelements %mul3A_1409, 1 {pack_format = #tpu.pack_format<interleaved>} : vector<32xbf16> -> vector<16xf32>
        %add3A_1412 = arith.addf %add3A_1399, %unpack3A_1410 : vector<16xf32>
        %add3A_1413 = arith.addf %add3A_1400, %unpack3A_1411 : vector<16xf32>
        %get3A_1414 = arith.index_cast %add3A_1376 : i32 to index
        %get3A_1415 = arith.constant 48 : index
        %get3A_1416 = tpu.vector_load %arg9[%get3A_1414, %get3A_1415] {strides = array<i32>} : memref<80x64xi32, #tpu.memory_space<vmem>>, vector<16xi32>,
        %bitcast3A_1417 = vector.bitcast %get3A_1416 : vector<16xi32> to vector<32xbf16>
        %get3A_1418 = arith.index_cast %add3A_1376 : i32 to index
        %get3A_1419 = arith.constant 48 : index
        %get3A_1420 = tpu.vector_load %arg10[%get3A_1418, %get3A_1419] {strides = array<i32>} : memref<80x64xi32, #tpu.memory_space<vmem>>, vector<16xi32>,
        %bitcast3A_1421 = vector.bitcast %get3A_1420 : vector<16xi32> to vector<32xbf16>
        %mul3A_1422 = arith.mulf %bitcast3A_1417, %bitcast3A_1421 : vector<32xbf16>
        %unpack3A_1423 = tpu.unpack_subelements %mul3A_1422, 0 {pack_format = #tpu.pack_format<interleaved>} : vector<32xbf16> -> vector<16xf32>
        %unpack3A_1424 = tpu.unpack_subelements %mul3A_1422, 1 {pack_format = #tpu.pack_format<interleaved>} : vector<32xbf16> -> vector<16xf32>
        %add3A_1425 = arith.addf %add3A_1412, %unpack3A_1423 : vector<16xf32>
        %add3A_1426 = arith.addf %add3A_1413, %unpack3A_1424 : vector<16xf32>
        %add3A_1427 = arith.addf %add3A_1425, %add3A_1426 : vector<16xf32>
        %swap3A_1428 = arith.index_cast %add3A_1376 : i32 to index
        %swap3A_1429 = arith.constant 0 : index
        %swap3A_1430 = tpu.vector_load %arg13[%swap3A_1428, %swap3A_1429] {strides = array<i32>} : memref<80x16xf32, #tpu.memory_space<vmem>>, vector<16xf32>,
        tpu.vector_store %arg13[%swap3A_1428, %swap3A_1429], %add3A_1427 {strides = array<i32>} : memref<80x16xf32, #tpu.memory_space<vmem>>, vector<16xf32>,
        %mul3A_1431 = arith.constant 8 : i32
        %mul3A_1432 = arith.muli %scan3A_1317, %mul3A_1431 : i32
        %add3A_1433 = arith.constant 2 : i32
        %add3A_1434 = arith.addi %mul3A_1432, %add3A_1433 : i32
        %get3A_1435 = arith.index_cast %add3A_1434 : i32 to index
        %get3A_1436 = arith.constant 0 : index
        %get3A_1437 = tpu.vector_load %arg9[%get3A_1435, %get3A_1436] {strides = array<i32>} : memref<80x64xi32, #tpu.memory_space<vmem>>, vector<16xi32>,
        %bitcast3A_1438 = vector.bitcast %get3A_1437 : vector<16xi32> to vector<32xbf16>
        %get3A_1439 = arith.index_cast %add3A_1434 : i32 to index
        %get3A_1440 = arith.constant 0 : index
        %get3A_1441 = tpu.vector_load %arg10[%get3A_1439, %get3A_1440] {strides = array<i32>} : memref<80x64xi32, #tpu.memory_space<vmem>>, vector<16xi32>,
        %bitcast3A_1442 = vector.bitcast %get3A_1441 : vector<16xi32> to vector<32xbf16>
        %mul3A_1443 = arith.mulf %bitcast3A_1438, %bitcast3A_1442 : vector<32xbf16>
        %unpack3A_1444 = tpu.unpack_subelements %mul3A_1443, 0 {pack_format = #tpu.pack_format<interleaved>} : vector<32xbf16> -> vector<16xf32>
        %unpack3A_1445 = tpu.unpack_subelements %mul3A_1443, 1 {pack_format = #tpu.pack_format<interleaved>} : vector<32xbf16> -> vector<16xf32>
        %get3A_1446 = arith.index_cast %add3A_1434 : i32 to index
        %get3A_1447 = arith.constant 16 : index
        %get3A_1448 = tpu.vector_load %arg9[%get3A_1446, %get3A_1447] {strides = array<i32>} : memref<80x64xi32, #tpu.memory_space<vmem>>, vector<16xi32>,
        %bitcast3A_1449 = vector.bitcast %get3A_1448 : vector<16xi32> to vector<32xbf16>
        %get3A_1450 = arith.index_cast %add3A_1434 : i32 to index
        %get3A_1451 = arith.constant 16 : index
        %get3A_1452 = tpu.vector_load %arg10[%get3A_1450, %get3A_1451] {strides = array<i32>} : memref<80x64xi32, #tpu.memory_space<vmem>>, vector<16xi32>,
        %bitcast3A_1453 = vector.bitcast %get3A_1452 : vector<16xi32> to vector<32xbf16>
        %mul3A_1454 = arith.mulf %bitcast3A_1449, %bitcast3A_1453 : vector<32xbf16>
        %unpack3A_1455 = tpu.unpack_subelements %mul3A_1454, 0 {pack_format = #tpu.pack_format<interleaved>} : vector<32xbf16> -> vector<16xf32>
        %unpack3A_1456 = tpu.unpack_subelements %mul3A_1454, 1 {pack_format = #tpu.pack_format<interleaved>} : vector<32xbf16> -> vector<16xf32>
        %add3A_1457 = arith.addf %unpack3A_1444, %unpack3A_1455 : vector<16xf32>
        %add3A_1458 = arith.addf %unpack3A_1445, %unpack3A_1456 : vector<16xf32>
        %get3A_1459 = arith.index_cast %add3A_1434 : i32 to index
        %get3A_1460 = arith.constant 32 : index
        %get3A_1461 = tpu.vector_load %arg9[%get3A_1459, %get3A_1460] {strides = array<i32>} : memref<80x64xi32, #tpu.memory_space<vmem>>, vector<16xi32>,
        %bitcast3A_1462 = vector.bitcast %get3A_1461 : vector<16xi32> to vector<32xbf16>
        %get3A_1463 = arith.index_cast %add3A_1434 : i32 to index
        %get3A_1464 = arith.constant 32 : index
        %get3A_1465 = tpu.vector_load %arg10[%get3A_1463, %get3A_1464] {strides = array<i32>} : memref<80x64xi32, #tpu.memory_space<vmem>>, vector<16xi32>,
        %bitcast3A_1466 = vector.bitcast %get3A_1465 : vector<16xi32> to vector<32xbf16>
        %mul3A_1467 = arith.mulf %bitcast3A_1462, %bitcast3A_1466 : vector<32xbf16>
        %unpack3A_1468 = tpu.unpack_subelements %mul3A_1467, 0 {pack_format = #tpu.pack_format<interleaved>} : vector<32xbf16> -> vector<16xf32>
        %unpack3A_1469 = tpu.unpack_subelements %mul3A_1467, 1 {pack_format = #tpu.pack_format<interleaved>} : vector<32xbf16> -> vector<16xf32>
        %add3A_1470 = arith.addf %add3A_1457, %unpack3A_1468 : vector<16xf32>
        %add3A_1471 = arith.addf %add3A_1458, %unpack3A_1469 : vector<16xf32>
        %get3A_1472 = arith.index_cast %add3A_1434 : i32 to index
        %get3A_1473 = arith.constant 48 : index
        %get3A_1474 = tpu.vector_load %arg9[%get3A_1472, %get3A_1473] {strides = array<i32>} : memref<80x64xi32, #tpu.memory_space<vmem>>, vector<16xi32>,
        %bitcast3A_1475 = vector.bitcast %get3A_1474 : vector<16xi32> to vector<32xbf16>
        %get3A_1476 = arith.index_cast %add3A_1434 : i32 to index
        %get3A_1477 = arith.constant 48 : index
        %get3A_1478 = tpu.vector_load %arg10[%get3A_1476, %get3A_1477] {strides = array<i32>} : memref<80x64xi32, #tpu.memory_space<vmem>>, vector<16xi32>,
        %bitcast3A_1479 = vector.bitcast %get3A_1478 : vector<16xi32> to vector<32xbf16>
        %mul3A_1480 = arith.mulf %bitcast3A_1475, %bitcast3A_1479 : vector<32xbf16>
        %unpack3A_1481 = tpu.unpack_subelements %mul3A_1480, 0 {pack_format = #tpu.pack_format<interleaved>} : vector<32xbf16> -> vector<16xf32>
        %unpack3A_1482 = tpu.unpack_subelements %mul3A_1480, 1 {pack_format = #tpu.pack_format<interleaved>} : vector<32xbf16> -> vector<16xf32>
        %add3A_1483 = arith.addf %add3A_1470, %unpack3A_1481 : vector<16xf32>
        %add3A_1484 = arith.addf %add3A_1471, %unpack3A_1482 : vector<16xf32>
        %add3A_1485 = arith.addf %add3A_1483, %add3A_1484 : vector<16xf32>
        %swap3A_1486 = arith.index_cast %add3A_1434 : i32 to index
        %swap3A_1487 = arith.constant 0 : index
        %swap3A_1488 = tpu.vector_load %arg13[%swap3A_1486, %swap3A_1487] {strides = array<i32>} : memref<80x16xf32, #tpu.memory_space<vmem>>, vector<16xf32>,
        tpu.vector_store %arg13[%swap3A_1486, %swap3A_1487], %add3A_1485 {strides = array<i32>} : memref<80x16xf32, #tpu.memory_space<vmem>>, vector<16xf32>,
        %mul3A_1489 = arith.constant 8 : i32
        %mul3A_1490 = arith.muli %scan3A_1317, %mul3A_1489 : i32
        %add3A_1491 = arith.constant 3 : i32
        %add3A_1492 = arith.addi %mul3A_1490, %add3A_1491 : i32
        %get3A_1493 = arith.index_cast %add3A_1492 : i32 to index
        %get3A_1494 = arith.constant 0 : index
        %get3A_1495 = tpu.vector_load %arg9[%get3A_1493, %get3A_1494] {strides = array<i32>} : memref<80x64xi32, #tpu.memory_space<vmem>>, vector<16xi32>,
        %bitcast3A_1496 = vector.bitcast %get3A_1495 : vector<16xi32> to vector<32xbf16>
        %get3A_1497 = arith.index_cast %add3A_1492 : i32 to index
        %get3A_1498 = arith.constant 0 : index
        %get3A_1499 = tpu.vector_load %arg10[%get3A_1497, %get3A_1498] {strides = array<i32>} : memref<80x64xi32, #tpu.memory_space<vmem>>, vector<16xi32>,
        %bitcast3A_1500 = vector.bitcast %get3A_1499 : vector<16xi32> to vector<32xbf16>
        %mul3A_1501 = arith.mulf %bitcast3A_1496, %bitcast3A_1500 : vector<32xbf16>
        %unpack3A_1502 = tpu.unpack_subelements %mul3A_1501, 0 {pack_format = #tpu.pack_format<interleaved>} : vector<32xbf16> -> vector<16xf32>
        %unpack3A_1503 = tpu.unpack_subelements %mul3A_1501, 1 {pack_format = #tpu.pack_format<interleaved>} : vector<32xbf16> -> vector<16xf32>
        %get3A_1504 = arith.index_cast %add3A_1492 : i32 to index
        %get3A_1505 = arith.constant 16 : index
        %get3A_1506 = tpu.vector_load %arg9[%get3A_1504, %get3A_1505] {strides = array<i32>} : memref<80x64xi32, #tpu.memory_space<vmem>>, vector<16xi32>,
        %bitcast3A_1507 = vector.bitcast %get3A_1506 : vector<16xi32> to vector<32xbf16>
        %get3A_1508 = arith.index_cast %add3A_1492 : i32 to index
        %get3A_1509 = arith.constant 16 : index
        %get3A_1510 = tpu.vector_load %arg10[%get3A_1508, %get3A_1509] {strides = array<i32>} : memref<80x64xi32, #tpu.memory_space<vmem>>, vector<16xi32>,
        %bitcast3A_1511 = vector.bitcast %get3A_1510 : vector<16xi32> to vector<32xbf16>
        %mul3A_1512 = arith.mulf %bitcast3A_1507, %bitcast3A_1511 : vector<32xbf16>
        %unpack3A_1513 = tpu.unpack_subelements %mul3A_1512, 0 {pack_format = #tpu.pack_format<interleaved>} : vector<32xbf16> -> vector<16xf32>
        %unpack3A_1514 = tpu.unpack_subelements %mul3A_1512, 1 {pack_format = #tpu.pack_format<interleaved>} : vector<32xbf16> -> vector<16xf32>
        %add3A_1515 = arith.addf %unpack3A_1502, %unpack3A_1513 : vector<16xf32>
        %add3A_1516 = arith.addf %unpack3A_1503, %unpack3A_1514 : vector<16xf32>
        %get3A_1517 = arith.index_cast %add3A_1492 : i32 to index
        %get3A_1518 = arith.constant 32 : index
        %get3A_1519 = tpu.vector_load %arg9[%get3A_1517, %get3A_1518] {strides = array<i32>} : memref<80x64xi32, #tpu.memory_space<vmem>>, vector<16xi32>,
        %bitcast3A_1520 = vector.bitcast %get3A_1519 : vector<16xi32> to vector<32xbf16>
        %get3A_1521 = arith.index_cast %add3A_1492 : i32 to index
        %get3A_1522 = arith.constant 32 : index
        %get3A_1523 = tpu.vector_load %arg10[%get3A_1521, %get3A_1522] {strides = array<i32>} : memref<80x64xi32, #tpu.memory_space<vmem>>, vector<16xi32>,
        %bitcast3A_1524 = vector.bitcast %get3A_1523 : vector<16xi32> to vector<32xbf16>
        %mul3A_1525 = arith.mulf %bitcast3A_1520, %bitcast3A_1524 : vector<32xbf16>
        %unpack3A_1526 = tpu.unpack_subelements %mul3A_1525, 0 {pack_format = #tpu.pack_format<interleaved>} : vector<32xbf16> -> vector<16xf32>
        %unpack3A_1527 = tpu.unpack_subelements %mul3A_1525, 1 {pack_format = #tpu.pack_format<interleaved>} : vector<32xbf16> -> vector<16xf32>
        %add3A_1528 = arith.addf %add3A_1515, %unpack3A_1526 : vector<16xf32>
        %add3A_1529 = arith.addf %add3A_1516, %unpack3A_1527 : vector<16xf32>
        %get3A_1530 = arith.index_cast %add3A_1492 : i32 to index
        %get3A_1531 = arith.constant 48 : index
        %get3A_1532 = tpu.vector_load %arg9[%get3A_1530, %get3A_1531] {strides = array<i32>} : memref<80x64xi32, #tpu.memory_space<vmem>>, vector<16xi32>,
        %bitcast3A_1533 = vector.bitcast %get3A_1532 : vector<16xi32> to vector<32xbf16>
        %get3A_1534 = arith.index_cast %add3A_1492 : i32 to index
        %get3A_1535 = arith.constant 48 : index
        %get3A_1536 = tpu.vector_load %arg10[%get3A_1534, %get3A_1535] {strides = array<i32>} : memref<80x64xi32, #tpu.memory_space<vmem>>, vector<16xi32>,
        %bitcast3A_1537 = vector.bitcast %get3A_1536 : vector<16xi32> to vector<32xbf16>
        %mul3A_1538 = arith.mulf %bitcast3A_1533, %bitcast3A_1537 : vector<32xbf16>
        %unpack3A_1539 = tpu.unpack_subelements %mul3A_1538, 0 {pack_format = #tpu.pack_format<interleaved>} : vector<32xbf16> -> vector<16xf32>
        %unpack3A_1540 = tpu.unpack_subelements %mul3A_1538, 1 {pack_format = #tpu.pack_format<interleaved>} : vector<32xbf16> -> vector<16xf32>
        %add3A_1541 = arith.addf %add3A_1528, %unpack3A_1539 : vector<16xf32>
        %add3A_1542 = arith.addf %add3A_1529, %unpack3A_1540 : vector<16xf32>
        %add3A_1543 = arith.addf %add3A_1541, %add3A_1542 : vector<16xf32>
        %swap3A_1544 = arith.index_cast %add3A_1492 : i32 to index
        %swap3A_1545 = arith.constant 0 : index
        %swap3A_1546 = tpu.vector_load %arg13[%swap3A_1544, %swap3A_1545] {strides = array<i32>} : memref<80x16xf32, #tpu.memory_space<vmem>>, vector<16xf32>,
        tpu.vector_store %arg13[%swap3A_1544, %swap3A_1545], %add3A_1543 {strides = array<i32>} : memref<80x16xf32, #tpu.memory_space<vmem>>, vector<16xf32>,
        %mul3A_1547 = arith.constant 8 : i32
        %mul3A_1548 = arith.muli %scan3A_1317, %mul3A_1547 : i32
        %add3A_1549 = arith.constant 4 : i32
        %add3A_1550 = arith.addi %mul3A_1548, %add3A_1549 : i32
        %get3A_1551 = arith.index_cast %add3A_1550 : i32 to index
        %get3A_1552 = arith.constant 0 : index
        %get3A_1553 = tpu.vector_load %arg9[%get3A_1551, %get3A_1552] {strides = array<i32>} : memref<80x64xi32, #tpu.memory_space<vmem>>, vector<16xi32>,
        %bitcast3A_1554 = vector.bitcast %get3A_1553 : vector<16xi32> to vector<32xbf16>
        %get3A_1555 = arith.index_cast %add3A_1550 : i32 to index
        %get3A_1556 = arith.constant 0 : index
        %get3A_1557 = tpu.vector_load %arg10[%get3A_1555, %get3A_1556] {strides = array<i32>} : memref<80x64xi32, #tpu.memory_space<vmem>>, vector<16xi32>,
        %bitcast3A_1558 = vector.bitcast %get3A_1557 : vector<16xi32> to vector<32xbf16>
        %mul3A_1559 = arith.mulf %bitcast3A_1554, %bitcast3A_1558 : vector<32xbf16>
        %unpack3A_1560 = tpu.unpack_subelements %mul3A_1559, 0 {pack_format = #tpu.pack_format<interleaved>} : vector<32xbf16> -> vector<16xf32>
        %unpack3A_1561 = tpu.unpack_subelements %mul3A_1559, 1 {pack_format = #tpu.pack_format<interleaved>} : vector<32xbf16> -> vector<16xf32>
        %get3A_1562 = arith.index_cast %add3A_1550 : i32 to index
        %get3A_1563 = arith.constant 16 : index
        %get3A_1564 = tpu.vector_load %arg9[%get3A_1562, %get3A_1563] {strides = array<i32>} : memref<80x64xi32, #tpu.memory_space<vmem>>, vector<16xi32>,
        %bitcast3A_1565 = vector.bitcast %get3A_1564 : vector<16xi32> to vector<32xbf16>
        %get3A_1566 = arith.index_cast %add3A_1550 : i32 to index
        %get3A_1567 = arith.constant 16 : index
        %get3A_1568 = tpu.vector_load %arg10[%get3A_1566, %get3A_1567] {strides = array<i32>} : memref<80x64xi32, #tpu.memory_space<vmem>>, vector<16xi32>,
        %bitcast3A_1569 = vector.bitcast %get3A_1568 : vector<16xi32> to vector<32xbf16>
        %mul3A_1570 = arith.mulf %bitcast3A_1565, %bitcast3A_1569 : vector<32xbf16>
        %unpack3A_1571 = tpu.unpack_subelements %mul3A_1570, 0 {pack_format = #tpu.pack_format<interleaved>} : vector<32xbf16> -> vector<16xf32>
        %unpack3A_1572 = tpu.unpack_subelements %mul3A_1570, 1 {pack_format = #tpu.pack_format<interleaved>} : vector<32xbf16> -> vector<16xf32>
        %add3A_1573 = arith.addf %unpack3A_1560, %unpack3A_1571 : vector<16xf32>
        %add3A_1574 = arith.addf %unpack3A_1561, %unpack3A_1572 : vector<16xf32>
        %get3A_1575 = arith.index_cast %add3A_1550 : i32 to index
        %get3A_1576 = arith.constant 32 : index
        %get3A_1577 = tpu.vector_load %arg9[%get3A_1575, %get3A_1576] {strides = array<i32>} : memref<80x64xi32, #tpu.memory_space<vmem>>, vector<16xi32>,
        %bitcast3A_1578 = vector.bitcast %get3A_1577 : vector<16xi32> to vector<32xbf16>
        %get3A_1579 = arith.index_cast %add3A_1550 : i32 to index
        %get3A_1580 = arith.constant 32 : index
        %get3A_1581 = tpu.vector_load %arg10[%get3A_1579, %get3A_1580] {strides = array<i32>} : memref<80x64xi32, #tpu.memory_space<vmem>>, vector<16xi32>,
        %bitcast3A_1582 = vector.bitcast %get3A_1581 : vector<16xi32> to vector<32xbf16>
        %mul3A_1583 = arith.mulf %bitcast3A_1578, %bitcast3A_1582 : vector<32xbf16>
        %unpack3A_1584 = tpu.unpack_subelements %mul3A_1583, 0 {pack_format = #tpu.pack_format<interleaved>} : vector<32xbf16> -> vector<16xf32>
        %unpack3A_1585 = tpu.unpack_subelements %mul3A_1583, 1 {pack_format = #tpu.pack_format<interleaved>} : vector<32xbf16> -> vector<16xf32>
        %add3A_1586 = arith.addf %add3A_1573, %unpack3A_1584 : vector<16xf32>
        %add3A_1587 = arith.addf %add3A_1574, %unpack3A_1585 : vector<16xf32>
        %get3A_1588 = arith.index_cast %add3A_1550 : i32 to index
        %get3A_1589 = arith.constant 48 : index
        %get3A_1590 = tpu.vector_load %arg9[%get3A_1588, %get3A_1589] {strides = array<i32>} : memref<80x64xi32, #tpu.memory_space<vmem>>, vector<16xi32>,
        %bitcast3A_1591 = vector.bitcast %get3A_1590 : vector<16xi32> to vector<32xbf16>
        %get3A_1592 = arith.index_cast %add3A_1550 : i32 to index
        %get3A_1593 = arith.constant 48 : index
        %get3A_1594 = tpu.vector_load %arg10[%get3A_1592, %get3A_1593] {strides = array<i32>} : memref<80x64xi32, #tpu.memory_space<vmem>>, vector<16xi32>,
        %bitcast3A_1595 = vector.bitcast %get3A_1594 : vector<16xi32> to vector<32xbf16>
        %mul3A_1596 = arith.mulf %bitcast3A_1591, %bitcast3A_1595 : vector<32xbf16>
        %unpack3A_1597 = tpu.unpack_subelements %mul3A_1596, 0 {pack_format = #tpu.pack_format<interleaved>} : vector<32xbf16> -> vector<16xf32>
        %unpack3A_1598 = tpu.unpack_subelements %mul3A_1596, 1 {pack_format = #tpu.pack_format<interleaved>} : vector<32xbf16> -> vector<16xf32>
        %add3A_1599 = arith.addf %add3A_1586, %unpack3A_1597 : vector<16xf32>
        %add3A_1600 = arith.addf %add3A_1587, %unpack3A_1598 : vector<16xf32>
        %add3A_1601 = arith.addf %add3A_1599, %add3A_1600 : vector<16xf32>
        %swap3A_1602 = arith.index_cast %add3A_1550 : i32 to index
        %swap3A_1603 = arith.constant 0 : index
        %swap3A_1604 = tpu.vector_load %arg13[%swap3A_1602, %swap3A_1603] {strides = array<i32>} : memref<80x16xf32, #tpu.memory_space<vmem>>, vector<16xf32>,
        tpu.vector_store %arg13[%swap3A_1602, %swap3A_1603], %add3A_1601 {strides = array<i32>} : memref<80x16xf32, #tpu.memory_space<vmem>>, vector<16xf32>,
        %mul3A_1605 = arith.constant 8 : i32
        %mul3A_1606 = arith.muli %scan3A_1317, %mul3A_1605 : i32
        %add3A_1607 = arith.constant 5 : i32
        %add3A_1608 = arith.addi %mul3A_1606, %add3A_1607 : i32
        %get3A_1609 = arith.index_cast %add3A_1608 : i32 to index
        %get3A_1610 = arith.constant 0 : index
        %get3A_1611 = tpu.vector_load %arg9[%get3A_1609, %get3A_1610] {strides = array<i32>} : memref<80x64xi32, #tpu.memory_space<vmem>>, vector<16xi32>,
        %bitcast3A_1612 = vector.bitcast %get3A_1611 : vector<16xi32> to vector<32xbf16>
        %get3A_1613 = arith.index_cast %add3A_1608 : i32 to index
        %get3A_1614 = arith.constant 0 : index
        %get3A_1615 = tpu.vector_load %arg10[%get3A_1613, %get3A_1614] {strides = array<i32>} : memref<80x64xi32, #tpu.memory_space<vmem>>, vector<16xi32>,
        %bitcast3A_1616 = vector.bitcast %get3A_1615 : vector<16xi32> to vector<32xbf16>
        %mul3A_1617 = arith.mulf %bitcast3A_1612, %bitcast3A_1616 : vector<32xbf16>
        %unpack3A_1618 = tpu.unpack_subelements %mul3A_1617, 0 {pack_format = #tpu.pack_format<interleaved>} : vector<32xbf16> -> vector<16xf32>
        %unpack3A_1619 = tpu.unpack_subelements %mul3A_1617, 1 {pack_format = #tpu.pack_format<interleaved>} : vector<32xbf16> -> vector<16xf32>
        %get3A_1620 = arith.index_cast %add3A_1608 : i32 to index
        %get3A_1621 = arith.constant 16 : index
        %get3A_1622 = tpu.vector_load %arg9[%get3A_1620, %get3A_1621] {strides = array<i32>} : memref<80x64xi32, #tpu.memory_space<vmem>>, vector<16xi32>,
        %bitcast3A_1623 = vector.bitcast %get3A_1622 : vector<16xi32> to vector<32xbf16>
        %get3A_1624 = arith.index_cast %add3A_1608 : i32 to index
        %get3A_1625 = arith.constant 16 : index
        %get3A_1626 = tpu.vector_load %arg10[%get3A_1624, %get3A_1625] {strides = array<i32>} : memref<80x64xi32, #tpu.memory_space<vmem>>, vector<16xi32>,
        %bitcast3A_1627 = vector.bitcast %get3A_1626 : vector<16xi32> to vector<32xbf16>
        %mul3A_1628 = arith.mulf %bitcast3A_1623, %bitcast3A_1627 : vector<32xbf16>
        %unpack3A_1629 = tpu.unpack_subelements %mul3A_1628, 0 {pack_format = #tpu.pack_format<interleaved>} : vector<32xbf16> -> vector<16xf32>
        %unpack3A_1630 = tpu.unpack_subelements %mul3A_1628, 1 {pack_format = #tpu.pack_format<interleaved>} : vector<32xbf16> -> vector<16xf32>
        %add3A_1631 = arith.addf %unpack3A_1618, %unpack3A_1629 : vector<16xf32>
        %add3A_1632 = arith.addf %unpack3A_1619, %unpack3A_1630 : vector<16xf32>
        %get3A_1633 = arith.index_cast %add3A_1608 : i32 to index
        %get3A_1634 = arith.constant 32 : index
        %get3A_1635 = tpu.vector_load %arg9[%get3A_1633, %get3A_1634] {strides = array<i32>} : memref<80x64xi32, #tpu.memory_space<vmem>>, vector<16xi32>,
        %bitcast3A_1636 = vector.bitcast %get3A_1635 : vector<16xi32> to vector<32xbf16>
        %get3A_1637 = arith.index_cast %add3A_1608 : i32 to index
        %get3A_1638 = arith.constant 32 : index
        %get3A_1639 = tpu.vector_load %arg10[%get3A_1637, %get3A_1638] {strides = array<i32>} : memref<80x64xi32, #tpu.memory_space<vmem>>, vector<16xi32>,
        %bitcast3A_1640 = vector.bitcast %get3A_1639 : vector<16xi32> to vector<32xbf16>
        %mul3A_1641 = arith.mulf %bitcast3A_1636, %bitcast3A_1640 : vector<32xbf16>
        %unpack3A_1642 = tpu.unpack_subelements %mul3A_1641, 0 {pack_format = #tpu.pack_format<interleaved>} : vector<32xbf16> -> vector<16xf32>
        %unpack3A_1643 = tpu.unpack_subelements %mul3A_1641, 1 {pack_format = #tpu.pack_format<interleaved>} : vector<32xbf16> -> vector<16xf32>
        %add3A_1644 = arith.addf %add3A_1631, %unpack3A_1642 : vector<16xf32>
        %add3A_1645 = arith.addf %add3A_1632, %unpack3A_1643 : vector<16xf32>
        %get3A_1646 = arith.index_cast %add3A_1608 : i32 to index
        %get3A_1647 = arith.constant 48 : index
        %get3A_1648 = tpu.vector_load %arg9[%get3A_1646, %get3A_1647] {strides = array<i32>} : memref<80x64xi32, #tpu.memory_space<vmem>>, vector<16xi32>,
        %bitcast3A_1649 = vector.bitcast %get3A_1648 : vector<16xi32> to vector<32xbf16>
        %get3A_1650 = arith.index_cast %add3A_1608 : i32 to index
        %get3A_1651 = arith.constant 48 : index
        %get3A_1652 = tpu.vector_load %arg10[%get3A_1650, %get3A_1651] {strides = array<i32>} : memref<80x64xi32, #tpu.memory_space<vmem>>, vector<16xi32>,
        %bitcast3A_1653 = vector.bitcast %get3A_1652 : vector<16xi32> to vector<32xbf16>
        %mul3A_1654 = arith.mulf %bitcast3A_1649, %bitcast3A_1653 : vector<32xbf16>
        %unpack3A_1655 = tpu.unpack_subelements %mul3A_1654, 0 {pack_format = #tpu.pack_format<interleaved>} : vector<32xbf16> -> vector<16xf32>
        %unpack3A_1656 = tpu.unpack_subelements %mul3A_1654, 1 {pack_format = #tpu.pack_format<interleaved>} : vector<32xbf16> -> vector<16xf32>
        %add3A_1657 = arith.addf %add3A_1644, %unpack3A_1655 : vector<16xf32>
        %add3A_1658 = arith.addf %add3A_1645, %unpack3A_1656 : vector<16xf32>
        %add3A_1659 = arith.addf %add3A_1657, %add3A_1658 : vector<16xf32>
        %swap3A_1660 = arith.index_cast %add3A_1608 : i32 to index
        %swap3A_1661 = arith.constant 0 : index
        %swap3A_1662 = tpu.vector_load %arg13[%swap3A_1660, %swap3A_1661] {strides = array<i32>} : memref<80x16xf32, #tpu.memory_space<vmem>>, vector<16xf32>,
        tpu.vector_store %arg13[%swap3A_1660, %swap3A_1661], %add3A_1659 {strides = array<i32>} : memref<80x16xf32, #tpu.memory_space<vmem>>, vector<16xf32>,
        %mul3A_1663 = arith.constant 8 : i32
        %mul3A_1664 = arith.muli %scan3A_1317, %mul3A_1663 : i32
        %add3A_1665 = arith.constant 6 : i32
        %add3A_1666 = arith.addi %mul3A_1664, %add3A_1665 : i32
        %get3A_1667 = arith.index_cast %add3A_1666 : i32 to index
        %get3A_1668 = arith.constant 0 : index
        %get3A_1669 = tpu.vector_load %arg9[%get3A_1667, %get3A_1668] {strides = array<i32>} : memref<80x64xi32, #tpu.memory_space<vmem>>, vector<16xi32>,
        %bitcast3A_1670 = vector.bitcast %get3A_1669 : vector<16xi32> to vector<32xbf16>
        %get3A_1671 = arith.index_cast %add3A_1666 : i32 to index
        %get3A_1672 = arith.constant 0 : index
        %get3A_1673 = tpu.vector_load %arg10[%get3A_1671, %get3A_1672] {strides = array<i32>} : memref<80x64xi32, #tpu.memory_space<vmem>>, vector<16xi32>,
        %bitcast3A_1674 = vector.bitcast %get3A_1673 : vector<16xi32> to vector<32xbf16>
        %mul3A_1675 = arith.mulf %bitcast3A_1670, %bitcast3A_1674 : vector<32xbf16>
        %unpack3A_1676 = tpu.unpack_subelements %mul3A_1675, 0 {pack_format = #tpu.pack_format<interleaved>} : vector<32xbf16> -> vector<16xf32>
        %unpack3A_1677 = tpu.unpack_subelements %mul3A_1675, 1 {pack_format = #tpu.pack_format<interleaved>} : vector<32xbf16> -> vector<16xf32>
        %get3A_1678 = arith.index_cast %add3A_1666 : i32 to index
        %get3A_1679 = arith.constant 16 : index
        %get3A_1680 = tpu.vector_load %arg9[%get3A_1678, %get3A_1679] {strides = array<i32>} : memref<80x64xi32, #tpu.memory_space<vmem>>, vector<16xi32>,
        %bitcast3A_1681 = vector.bitcast %get3A_1680 : vector<16xi32> to vector<32xbf16>
        %get3A_1682 = arith.index_cast %add3A_1666 : i32 to index
        %get3A_1683 = arith.constant 16 : index
        %get3A_1684 = tpu.vector_load %arg10[%get3A_1682, %get3A_1683] {strides = array<i32>} : memref<80x64xi32, #tpu.memory_space<vmem>>, vector<16xi32>,
        %bitcast3A_1685 = vector.bitcast %get3A_1684 : vector<16xi32> to vector<32xbf16>
        %mul3A_1686 = arith.mulf %bitcast3A_1681, %bitcast3A_1685 : vector<32xbf16>
        %unpack3A_1687 = tpu.unpack_subelements %mul3A_1686, 0 {pack_format = #tpu.pack_format<interleaved>} : vector<32xbf16> -> vector<16xf32>
        %unpack3A_1688 = tpu.unpack_subelements %mul3A_1686, 1 {pack_format = #tpu.pack_format<interleaved>} : vector<32xbf16> -> vector<16xf32>
        %add3A_1689 = arith.addf %unpack3A_1676, %unpack3A_1687 : vector<16xf32>
        %add3A_1690 = arith.addf %unpack3A_1677, %unpack3A_1688 : vector<16xf32>
        %get3A_1691 = arith.index_cast %add3A_1666 : i32 to index
        %get3A_1692 = arith.constant 32 : index
        %get3A_1693 = tpu.vector_load %arg9[%get3A_1691, %get3A_1692] {strides = array<i32>} : memref<80x64xi32, #tpu.memory_space<vmem>>, vector<16xi32>,
        %bitcast3A_1694 = vector.bitcast %get3A_1693 : vector<16xi32> to vector<32xbf16>
        %get3A_1695 = arith.index_cast %add3A_1666 : i32 to index
        %get3A_1696 = arith.constant 32 : index
        %get3A_1697 = tpu.vector_load %arg10[%get3A_1695, %get3A_1696] {strides = array<i32>} : memref<80x64xi32, #tpu.memory_space<vmem>>, vector<16xi32>,
        %bitcast3A_1698 = vector.bitcast %get3A_1697 : vector<16xi32> to vector<32xbf16>
        %mul3A_1699 = arith.mulf %bitcast3A_1694, %bitcast3A_1698 : vector<32xbf16>
        %unpack3A_1700 = tpu.unpack_subelements %mul3A_1699, 0 {pack_format = #tpu.pack_format<interleaved>} : vector<32xbf16> -> vector<16xf32>
        %unpack3A_1701 = tpu.unpack_subelements %mul3A_1699, 1 {pack_format = #tpu.pack_format<interleaved>} : vector<32xbf16> -> vector<16xf32>
        %add3A_1702 = arith.addf %add3A_1689, %unpack3A_1700 : vector<16xf32>
        %add3A_1703 = arith.addf %add3A_1690, %unpack3A_1701 : vector<16xf32>
        %get3A_1704 = arith.index_cast %add3A_1666 : i32 to index
        %get3A_1705 = arith.constant 48 : index
        %get3A_1706 = tpu.vector_load %arg9[%get3A_1704, %get3A_1705] {strides = array<i32>} : memref<80x64xi32, #tpu.memory_space<vmem>>, vector<16xi32>,
        %bitcast3A_1707 = vector.bitcast %get3A_1706 : vector<16xi32> to vector<32xbf16>
        %get3A_1708 = arith.index_cast %add3A_1666 : i32 to index
        %get3A_1709 = arith.constant 48 : index
        %get3A_1710 = tpu.vector_load %arg10[%get3A_1708, %get3A_1709] {strides = array<i32>} : memref<80x64xi32, #tpu.memory_space<vmem>>, vector<16xi32>,
        %bitcast3A_1711 = vector.bitcast %get3A_1710 : vector<16xi32> to vector<32xbf16>
        %mul3A_1712 = arith.mulf %bitcast3A_1707, %bitcast3A_1711 : vector<32xbf16>
        %unpack3A_1713 = tpu.unpack_subelements %mul3A_1712, 0 {pack_format = #tpu.pack_format<interleaved>} : vector<32xbf16> -> vector<16xf32>
        %unpack3A_1714 = tpu.unpack_subelements %mul3A_1712, 1 {pack_format = #tpu.pack_format<interleaved>} : vector<32xbf16> -> vector<16xf32>
        %add3A_1715 = arith.addf %add3A_1702, %unpack3A_1713 : vector<16xf32>
        %add3A_1716 = arith.addf %add3A_1703, %unpack3A_1714 : vector<16xf32>
        %add3A_1717 = arith.addf %add3A_1715, %add3A_1716 : vector<16xf32>
        %swap3A_1718 = arith.index_cast %add3A_1666 : i32 to index
        %swap3A_1719 = arith.constant 0 : index
        %swap3A_1720 = tpu.vector_load %arg13[%swap3A_1718, %swap3A_1719] {strides = array<i32>} : memref<80x16xf32, #tpu.memory_space<vmem>>, vector<16xf32>,
        tpu.vector_store %arg13[%swap3A_1718, %swap3A_1719], %add3A_1717 {strides = array<i32>} : memref<80x16xf32, #tpu.memory_space<vmem>>, vector<16xf32>,
        %mul3A_1721 = arith.constant 8 : i32
        %mul3A_1722 = arith.muli %scan3A_1317, %mul3A_1721 : i32
        %add3A_1723 = arith.constant 7 : i32
        %add3A_1724 = arith.addi %mul3A_1722, %add3A_1723 : i32
        %get3A_1725 = arith.index_cast %add3A_1724 : i32 to index
        %get3A_1726 = arith.constant 0 : index
        %get3A_1727 = tpu.vector_load %arg9[%get3A_1725, %get3A_1726] {strides = array<i32>} : memref<80x64xi32, #tpu.memory_space<vmem>>, vector<16xi32>,
        %bitcast3A_1728 = vector.bitcast %get3A_1727 : vector<16xi32> to vector<32xbf16>
        %get3A_1729 = arith.index_cast %add3A_1724 : i32 to index
        %get3A_1730 = arith.constant 0 : index
        %get3A_1731 = tpu.vector_load %arg10[%get3A_1729, %get3A_1730] {strides = array<i32>} : memref<80x64xi32, #tpu.memory_space<vmem>>, vector<16xi32>,
        %bitcast3A_1732 = vector.bitcast %get3A_1731 : vector<16xi32> to vector<32xbf16>
        %mul3A_1733 = arith.mulf %bitcast3A_1728, %bitcast3A_1732 : vector<32xbf16>
        %unpack3A_1734 = tpu.unpack_subelements %mul3A_1733, 0 {pack_format = #tpu.pack_format<interleaved>} : vector<32xbf16> -> vector<16xf32>
        %unpack3A_1735 = tpu.unpack_subelements %mul3A_1733, 1 {pack_format = #tpu.pack_format<interleaved>} : vector<32xbf16> -> vector<16xf32>
        %get3A_1736 = arith.index_cast %add3A_1724 : i32 to index
        %get3A_1737 = arith.constant 16 : index
        %get3A_1738 = tpu.vector_load %arg9[%get3A_1736, %get3A_1737] {strides = array<i32>} : memref<80x64xi32, #tpu.memory_space<vmem>>, vector<16xi32>,
        %bitcast3A_1739 = vector.bitcast %get3A_1738 : vector<16xi32> to vector<32xbf16>
        %get3A_1740 = arith.index_cast %add3A_1724 : i32 to index
        %get3A_1741 = arith.constant 16 : index
        %get3A_1742 = tpu.vector_load %arg10[%get3A_1740, %get3A_1741] {strides = array<i32>} : memref<80x64xi32, #tpu.memory_space<vmem>>, vector<16xi32>,
        %bitcast3A_1743 = vector.bitcast %get3A_1742 : vector<16xi32> to vector<32xbf16>
        %mul3A_1744 = arith.mulf %bitcast3A_1739, %bitcast3A_1743 : vector<32xbf16>
        %unpack3A_1745 = tpu.unpack_subelements %mul3A_1744, 0 {pack_format = #tpu.pack_format<interleaved>} : vector<32xbf16> -> vector<16xf32>
        %unpack3A_1746 = tpu.unpack_subelements %mul3A_1744, 1 {pack_format = #tpu.pack_format<interleaved>} : vector<32xbf16> -> vector<16xf32>
        %add3A_1747 = arith.addf %unpack3A_1734, %unpack3A_1745 : vector<16xf32>
        %add3A_1748 = arith.addf %unpack3A_1735, %unpack3A_1746 : vector<16xf32>
        %get3A_1749 = arith.index_cast %add3A_1724 : i32 to index
        %get3A_1750 = arith.constant 32 : index
        %get3A_1751 = tpu.vector_load %arg9[%get3A_1749, %get3A_1750] {strides = array<i32>} : memref<80x64xi32, #tpu.memory_space<vmem>>, vector<16xi32>,
        %bitcast3A_1752 = vector.bitcast %get3A_1751 : vector<16xi32> to vector<32xbf16>
        %get3A_1753 = arith.index_cast %add3A_1724 : i32 to index
        %get3A_1754 = arith.constant 32 : index
        %get3A_1755 = tpu.vector_load %arg10[%get3A_1753, %get3A_1754] {strides = array<i32>} : memref<80x64xi32, #tpu.memory_space<vmem>>, vector<16xi32>,
        %bitcast3A_1756 = vector.bitcast %get3A_1755 : vector<16xi32> to vector<32xbf16>
        %mul3A_1757 = arith.mulf %bitcast3A_1752, %bitcast3A_1756 : vector<32xbf16>
        %unpack3A_1758 = tpu.unpack_subelements %mul3A_1757, 0 {pack_format = #tpu.pack_format<interleaved>} : vector<32xbf16> -> vector<16xf32>
        %unpack3A_1759 = tpu.unpack_subelements %mul3A_1757, 1 {pack_format = #tpu.pack_format<interleaved>} : vector<32xbf16> -> vector<16xf32>
        %add3A_1760 = arith.addf %add3A_1747, %unpack3A_1758 : vector<16xf32>
        %add3A_1761 = arith.addf %add3A_1748, %unpack3A_1759 : vector<16xf32>
        %get3A_1762 = arith.index_cast %add3A_1724 : i32 to index
        %get3A_1763 = arith.constant 48 : index
        %get3A_1764 = tpu.vector_load %arg9[%get3A_1762, %get3A_1763] {strides = array<i32>} : memref<80x64xi32, #tpu.memory_space<vmem>>, vector<16xi32>,
        %bitcast3A_1765 = vector.bitcast %get3A_1764 : vector<16xi32> to vector<32xbf16>
        %get3A_1766 = arith.index_cast %add3A_1724 : i32 to index
        %get3A_1767 = arith.constant 48 : index
        %get3A_1768 = tpu.vector_load %arg10[%get3A_1766, %get3A_1767] {strides = array<i32>} : memref<80x64xi32, #tpu.memory_space<vmem>>, vector<16xi32>,
        %bitcast3A_1769 = vector.bitcast %get3A_1768 : vector<16xi32> to vector<32xbf16>
        %mul3A_1770 = arith.mulf %bitcast3A_1765, %bitcast3A_1769 : vector<32xbf16>
        %unpack3A_1771 = tpu.unpack_subelements %mul3A_1770, 0 {pack_format = #tpu.pack_format<interleaved>} : vector<32xbf16> -> vector<16xf32>
        %unpack3A_1772 = tpu.unpack_subelements %mul3A_1770, 1 {pack_format = #tpu.pack_format<interleaved>} : vector<32xbf16> -> vector<16xf32>
        %add3A_1773 = arith.addf %add3A_1760, %unpack3A_1771 : vector<16xf32>
        %add3A_1774 = arith.addf %add3A_1761, %unpack3A_1772 : vector<16xf32>
        %add3A_1775 = arith.addf %add3A_1773, %add3A_1774 : vector<16xf32>
        %swap3A_1776 = arith.index_cast %add3A_1724 : i32 to index
        %swap3A_1777 = arith.constant 0 : index
        %swap3A_1778 = tpu.vector_load %arg13[%swap3A_1776, %swap3A_1777] {strides = array<i32>} : memref<80x16xf32, #tpu.memory_space<vmem>>, vector<16xf32>,
        tpu.vector_store %arg13[%swap3A_1776, %swap3A_1777], %add3A_1775 {strides = array<i32>} : memref<80x16xf32, #tpu.memory_space<vmem>>, vector<16xf32>,
      }
      %scan3A_463 = arith.constant 10 : i32
      %add3A_464 = arith.constant 0 : i32
      %add3A_465 = vector.broadcast %add3A_464 : i32 to vector<16xi32>
      %add3A_466 = arith.addi %add3A_465, %iota3A : vector<16xi32>
      %broadcast_in_dim3A_467 = arith.constant 0 : i32
      %broadcast_in_dim3A_468 = vector.broadcast %broadcast_in_dim3A_467 : i32 to vector<16xi32>
      %gather3A_469 = tpu.vector_load_idx %arg13[%add3A_466, %broadcast_in_dim3A_468] : memref<80x16xf32, #tpu.memory_space<vmem>>[vector<16xi32>, vector<16xi32>], vector<16xf32>,
      %broadcast_in_dim3A_470 = arith.constant 1 : i32
      %broadcast_in_dim3A_471 = vector.broadcast %broadcast_in_dim3A_470 : i32 to vector<16xi32>
      %gather3A_472 = tpu.vector_load_idx %arg13[%add3A_466, %broadcast_in_dim3A_471] : memref<80x16xf32, #tpu.memory_space<vmem>>[vector<16xi32>, vector<16xi32>], vector<16xf32>,
      %broadcast_in_dim3A_473 = arith.constant 2 : i32
      %broadcast_in_dim3A_474 = vector.broadcast %broadcast_in_dim3A_473 : i32 to vector<16xi32>
      %gather3A_475 = tpu.vector_load_idx %arg13[%add3A_466, %broadcast_in_dim3A_474] : memref<80x16xf32, #tpu.memory_space<vmem>>[vector<16xi32>, vector<16xi32>], vector<16xf32>,
      %add3A_476 = arith.addf %gather3A_469, %gather3A_475 : vector<16xf32>
      %broadcast_in_dim3A_477 = arith.constant 3 : i32
      %broadcast_in_dim3A_478 = vector.broadcast %broadcast_in_dim3A_477 : i32 to vector<16xi32>
      %gather3A_479 = tpu.vector_load_idx %arg13[%add3A_466, %broadcast_in_dim3A_478] : memref<80x16xf32, #tpu.memory_space<vmem>>[vector<16xi32>, vector<16xi32>], vector<16xf32>,
      %add3A_480 = arith.addf %gather3A_472, %gather3A_479 : vector<16xf32>
      %broadcast_in_dim3A_481 = arith.constant 4 : i32
      %broadcast_in_dim3A_482 = vector.broadcast %broadcast_in_dim3A_481 : i32 to vector<16xi32>
      %gather3A_483 = tpu.vector_load_idx %arg13[%add3A_466, %broadcast_in_dim3A_482] : memref<80x16xf32, #tpu.memory_space<vmem>>[vector<16xi32>, vector<16xi32>], vector<16xf32>,
      %add3A_484 = arith.addf %add3A_476, %gather3A_483 : vector<16xf32>
      %broadcast_in_dim3A_485 = arith.constant 5 : i32
      %broadcast_in_dim3A_486 = vector.broadcast %broadcast_in_dim3A_485 : i32 to vector<16xi32>
      %gather3A_487 = tpu.vector_load_idx %arg13[%add3A_466, %broadcast_in_dim3A_486] : memref<80x16xf32, #tpu.memory_space<vmem>>[vector<16xi32>, vector<16xi32>], vector<16xf32>,
      %add3A_488 = arith.addf %add3A_480, %gather3A_487 : vector<16xf32>
      %broadcast_in_dim3A_489 = arith.constant 6 : i32
      %broadcast_in_dim3A_490 = vector.broadcast %broadcast_in_dim3A_489 : i32 to vector<16xi32>
      %gather3A_491 = tpu.vector_load_idx %arg13[%add3A_466, %broadcast_in_dim3A_490] : memref<80x16xf32, #tpu.memory_space<vmem>>[vector<16xi32>, vector<16xi32>], vector<16xf32>,
      %add3A_492 = arith.addf %add3A_484, %gather3A_491 : vector<16xf32>
      %broadcast_in_dim3A_493 = arith.constant 7 : i32
      %broadcast_in_dim3A_494 = vector.broadcast %broadcast_in_dim3A_493 : i32 to vector<16xi32>
      %gather3A_495 = tpu.vector_load_idx %arg13[%add3A_466, %broadcast_in_dim3A_494] : memref<80x16xf32, #tpu.memory_space<vmem>>[vector<16xi32>, vector<16xi32>], vector<16xf32>,
      %add3A_496 = arith.addf %add3A_488, %gather3A_495 : vector<16xf32>
      %broadcast_in_dim3A_497 = arith.constant 8 : i32
      %broadcast_in_dim3A_498 = vector.broadcast %broadcast_in_dim3A_497 : i32 to vector<16xi32>
      %gather3A_499 = tpu.vector_load_idx %arg13[%add3A_466, %broadcast_in_dim3A_498] : memref<80x16xf32, #tpu.memory_space<vmem>>[vector<16xi32>, vector<16xi32>], vector<16xf32>,
      %add3A_500 = arith.addf %add3A_492, %gather3A_499 : vector<16xf32>
      %broadcast_in_dim3A_501 = arith.constant 9 : i32
      %broadcast_in_dim3A_502 = vector.broadcast %broadcast_in_dim3A_501 : i32 to vector<16xi32>
      %gather3A_503 = tpu.vector_load_idx %arg13[%add3A_466, %broadcast_in_dim3A_502] : memref<80x16xf32, #tpu.memory_space<vmem>>[vector<16xi32>, vector<16xi32>], vector<16xf32>,
      %add3A_504 = arith.addf %add3A_496, %gather3A_503 : vector<16xf32>
      %broadcast_in_dim3A_505 = arith.constant 10 : i32
      %broadcast_in_dim3A_506 = vector.broadcast %broadcast_in_dim3A_505 : i32 to vector<16xi32>
      %gather3A_507 = tpu.vector_load_idx %arg13[%add3A_466, %broadcast_in_dim3A_506] : memref<80x16xf32, #tpu.memory_space<vmem>>[vector<16xi32>, vector<16xi32>], vector<16xf32>,
      %add3A_508 = arith.addf %add3A_500, %gather3A_507 : vector<16xf32>
      %broadcast_in_dim3A_509 = arith.constant 11 : i32
      %broadcast_in_dim3A_510 = vector.broadcast %broadcast_in_dim3A_509 : i32 to vector<16xi32>
      %gather3A_511 = tpu.vector_load_idx %arg13[%add3A_466, %broadcast_in_dim3A_510] : memref<80x16xf32, #tpu.memory_space<vmem>>[vector<16xi32>, vector<16xi32>], vector<16xf32>,
      %add3A_512 = arith.addf %add3A_504, %gather3A_511 : vector<16xf32>
      %broadcast_in_dim3A_513 = arith.constant 12 : i32
      %broadcast_in_dim3A_514 = vector.broadcast %broadcast_in_dim3A_513 : i32 to vector<16xi32>
      %gather3A_515 = tpu.vector_load_idx %arg13[%add3A_466, %broadcast_in_dim3A_514] : memref<80x16xf32, #tpu.memory_space<vmem>>[vector<16xi32>, vector<16xi32>], vector<16xf32>,
      %add3A_516 = arith.addf %add3A_508, %gather3A_515 : vector<16xf32>
      %broadcast_in_dim3A_517 = arith.constant 13 : i32
      %broadcast_in_dim3A_518 = vector.broadcast %broadcast_in_dim3A_517 : i32 to vector<16xi32>
      %gather3A_519 = tpu.vector_load_idx %arg13[%add3A_466, %broadcast_in_dim3A_518] : memref<80x16xf32, #tpu.memory_space<vmem>>[vector<16xi32>, vector<16xi32>], vector<16xf32>,
      %add3A_520 = arith.addf %add3A_512, %gather3A_519 : vector<16xf32>
      %broadcast_in_dim3A_521 = arith.constant 14 : i32
      %broadcast_in_dim3A_522 = vector.broadcast %broadcast_in_dim3A_521 : i32 to vector<16xi32>
      %gather3A_523 = tpu.vector_load_idx %arg13[%add3A_466, %broadcast_in_dim3A_522] : memref<80x16xf32, #tpu.memory_space<vmem>>[vector<16xi32>, vector<16xi32>], vector<16xf32>,
      %add3A_524 = arith.addf %add3A_516, %gather3A_523 : vector<16xf32>
      %broadcast_in_dim3A_525 = arith.constant 15 : i32
      %broadcast_in_dim3A_526 = vector.broadcast %broadcast_in_dim3A_525 : i32 to vector<16xi32>
      %gather3A_527 = tpu.vector_load_idx %arg13[%add3A_466, %broadcast_in_dim3A_526] : memref<80x16xf32, #tpu.memory_space<vmem>>[vector<16xi32>, vector<16xi32>], vector<16xf32>,
      %add3A_528 = arith.addf %add3A_520, %gather3A_527 : vector<16xf32>
      %add3A_529 = arith.addf %add3A_524, %add3A_528 : vector<16xf32>
      %neg3A_530 = arith.constant 0.000000e+00 : f32
      %neg3A_531 = vector.broadcast %neg3A_530 : f32 to vector<16xf32>
      %neg3A_532 = arith.subf %neg3A_531, %add3A_529 : vector<16xf32>
      %exp3A_533 = math.exp %neg3A_532 : vector<16xf32>
      %add3A_534 = arith.constant 1.000000e+00 : f32
      %add3A_535 = vector.broadcast %add3A_534 : f32 to vector<16xf32>
      %add3A_536 = arith.addf %add3A_535, %exp3A_533 : vector<16xf32>
      %div3A_537 = arith.constant 1.000000e+00 : f32
      %div3A_538 = vector.broadcast %div3A_537 : f32 to vector<16xf32>
      %div3A_539 = arith.divf %div3A_538, %add3A_536 : vector<16xf32>
      %mul3A_540 = arith.constant 80 : i32
      %mul3A_541 = arith.muli %mul3A_432, %mul3A_540 : i32
      %add3A_542 = arith.constant 0 : i32
      %add3A_543 = arith.addi %mul3A_541, %add3A_542 : i32
      %swap3A_544 = arith.index_cast %add3A_543 : i32 to index
      %swap3A_545 = tpu.vector_load %arg14[%swap3A_544] {strides = array<i32>} : memref<10000xf32, #tpu.memory_space<vmem>>, vector<16xf32>,
      tpu.vector_store %arg14[%swap3A_544], %div3A_539 {strides = array<i32>} : memref<10000xf32, #tpu.memory_space<vmem>>, vector<16xf32>,
      %add3A_546 = arith.constant 16 : i32
      %add3A_547 = vector.broadcast %add3A_546 : i32 to vector<16xi32>
      %add3A_548 = arith.addi %add3A_547, %iota3A : vector<16xi32>
      %broadcast_in_dim3A_549 = arith.constant 0 : i32
      %broadcast_in_dim3A_550 = vector.broadcast %broadcast_in_dim3A_549 : i32 to vector<16xi32>
      %gather3A_551 = tpu.vector_load_idx %arg13[%add3A_548, %broadcast_in_dim3A_550] : memref<80x16xf32, #tpu.memory_space<vmem>>[vector<16xi32>, vector<16xi32>], vector<16xf32>,
      %broadcast_in_dim3A_552 = arith.constant 1 : i32
      %broadcast_in_dim3A_553 = vector.broadcast %broadcast_in_dim3A_552 : i32 to vector<16xi32>
      %gather3A_554 = tpu.vector_load_idx %arg13[%add3A_548, %broadcast_in_dim3A_553] : memref<80x16xf32, #tpu.memory_space<vmem>>[vector<16xi32>, vector<16xi32>], vector<16xf32>,
      %broadcast_in_dim3A_555 = arith.constant 2 : i32
      %broadcast_in_dim3A_556 = vector.broadcast %broadcast_in_dim3A_555 : i32 to vector<16xi32>
      %gather3A_557 = tpu.vector_load_idx %arg13[%add3A_548, %broadcast_in_dim3A_556] : memref<80x16xf32, #tpu.memory_space<vmem>>[vector<16xi32>, vector<16xi32>], vector<16xf32>,
      %add3A_558 = arith.addf %gather3A_551, %gather3A_557 : vector<16xf32>
      %broadcast_in_dim3A_559 = arith.constant 3 : i32
      %broadcast_in_dim3A_560 = vector.broadcast %broadcast_in_dim3A_559 : i32 to vector<16xi32>
      %gather3A_561 = tpu.vector_load_idx %arg13[%add3A_548, %broadcast_in_dim3A_560] : memref<80x16xf32, #tpu.memory_space<vmem>>[vector<16xi32>, vector<16xi32>], vector<16xf32>,
      %add3A_562 = arith.addf %gather3A_554, %gather3A_561 : vector<16xf32>
      %broadcast_in_dim3A_563 = arith.constant 4 : i32
      %broadcast_in_dim3A_564 = vector.broadcast %broadcast_in_dim3A_563 : i32 to vector<16xi32>
      %gather3A_565 = tpu.vector_load_idx %arg13[%add3A_548, %broadcast_in_dim3A_564] : memref<80x16xf32, #tpu.memory_space<vmem>>[vector<16xi32>, vector<16xi32>], vector<16xf32>,
      %add3A_566 = arith.addf %add3A_558, %gather3A_565 : vector<16xf32>
      %broadcast_in_dim3A_567 = arith.constant 5 : i32
      %broadcast_in_dim3A_568 = vector.broadcast %broadcast_in_dim3A_567 : i32 to vector<16xi32>
      %gather3A_569 = tpu.vector_load_idx %arg13[%add3A_548, %broadcast_in_dim3A_568] : memref<80x16xf32, #tpu.memory_space<vmem>>[vector<16xi32>, vector<16xi32>], vector<16xf32>,
      %add3A_570 = arith.addf %add3A_562, %gather3A_569 : vector<16xf32>
      %broadcast_in_dim3A_571 = arith.constant 6 : i32
      %broadcast_in_dim3A_572 = vector.broadcast %broadcast_in_dim3A_571 : i32 to vector<16xi32>
      %gather3A_573 = tpu.vector_load_idx %arg13[%add3A_548, %broadcast_in_dim3A_572] : memref<80x16xf32, #tpu.memory_space<vmem>>[vector<16xi32>, vector<16xi32>], vector<16xf32>,
      %add3A_574 = arith.addf %add3A_566, %gather3A_573 : vector<16xf32>
      %broadcast_in_dim3A_575 = arith.constant 7 : i32
      %broadcast_in_dim3A_576 = vector.broadcast %broadcast_in_dim3A_575 : i32 to vector<16xi32>
      %gather3A_577 = tpu.vector_load_idx %arg13[%add3A_548, %broadcast_in_dim3A_576] : memref<80x16xf32, #tpu.memory_space<vmem>>[vector<16xi32>, vector<16xi32>], vector<16xf32>,
      %add3A_578 = arith.addf %add3A_570, %gather3A_577 : vector<16xf32>
      %broadcast_in_dim3A_579 = arith.constant 8 : i32
      %broadcast_in_dim3A_580 = vector.broadcast %broadcast_in_dim3A_579 : i32 to vector<16xi32>
      %gather3A_581 = tpu.vector_load_idx %arg13[%add3A_548, %broadcast_in_dim3A_580] : memref<80x16xf32, #tpu.memory_space<vmem>>[vector<16xi32>, vector<16xi32>], vector<16xf32>,
      %add3A_582 = arith.addf %add3A_574, %gather3A_581 : vector<16xf32>
      %broadcast_in_dim3A_583 = arith.constant 9 : i32
      %broadcast_in_dim3A_584 = vector.broadcast %broadcast_in_dim3A_583 : i32 to vector<16xi32>
      %gather3A_585 = tpu.vector_load_idx %arg13[%add3A_548, %broadcast_in_dim3A_584] : memref<80x16xf32, #tpu.memory_space<vmem>>[vector<16xi32>, vector<16xi32>], vector<16xf32>,
      %add3A_586 = arith.addf %add3A_578, %gather3A_585 : vector<16xf32>
      %broadcast_in_dim3A_587 = arith.constant 10 : i32
      %broadcast_in_dim3A_588 = vector.broadcast %broadcast_in_dim3A_587 : i32 to vector<16xi32>
      %gather3A_589 = tpu.vector_load_idx %arg13[%add3A_548, %broadcast_in_dim3A_588] : memref<80x16xf32, #tpu.memory_space<vmem>>[vector<16xi32>, vector<16xi32>], vector<16xf32>,
      %add3A_590 = arith.addf %add3A_582, %gather3A_589 : vector<16xf32>
      %broadcast_in_dim3A_591 = arith.constant 11 : i32
      %broadcast_in_dim3A_592 = vector.broadcast %broadcast_in_dim3A_591 : i32 to vector<16xi32>
      %gather3A_593 = tpu.vector_load_idx %arg13[%add3A_548, %broadcast_in_dim3A_592] : memref<80x16xf32, #tpu.memory_space<vmem>>[vector<16xi32>, vector<16xi32>], vector<16xf32>,
      %add3A_594 = arith.addf %add3A_586, %gather3A_593 : vector<16xf32>
      %broadcast_in_dim3A_595 = arith.constant 12 : i32
      %broadcast_in_dim3A_596 = vector.broadcast %broadcast_in_dim3A_595 : i32 to vector<16xi32>
      %gather3A_597 = tpu.vector_load_idx %arg13[%add3A_548, %broadcast_in_dim3A_596] : memref<80x16xf32, #tpu.memory_space<vmem>>[vector<16xi32>, vector<16xi32>], vector<16xf32>,
      %add3A_598 = arith.addf %add3A_590, %gather3A_597 : vector<16xf32>
      %broadcast_in_dim3A_599 = arith.constant 13 : i32
      %broadcast_in_dim3A_600 = vector.broadcast %broadcast_in_dim3A_599 : i32 to vector<16xi32>
      %gather3A_601 = tpu.vector_load_idx %arg13[%add3A_548, %broadcast_in_dim3A_600] : memref<80x16xf32, #tpu.memory_space<vmem>>[vector<16xi32>, vector<16xi32>], vector<16xf32>,
      %add3A_602 = arith.addf %add3A_594, %gather3A_601 : vector<16xf32>
      %broadcast_in_dim3A_603 = arith.constant 14 : i32
      %broadcast_in_dim3A_604 = vector.broadcast %broadcast_in_dim3A_603 : i32 to vector<16xi32>
      %gather3A_605 = tpu.vector_load_idx %arg13[%add3A_548, %broadcast_in_dim3A_604] : memref<80x16xf32, #tpu.memory_space<vmem>>[vector<16xi32>, vector<16xi32>], vector<16xf32>,
      %add3A_606 = arith.addf %add3A_598, %gather3A_605 : vector<16xf32>
      %broadcast_in_dim3A_607 = arith.constant 15 : i32
      %broadcast_in_dim3A_608 = vector.broadcast %broadcast_in_dim3A_607 : i32 to vector<16xi32>
      %gather3A_609 = tpu.vector_load_idx %arg13[%add3A_548, %broadcast_in_dim3A_608] : memref<80x16xf32, #tpu.memory_space<vmem>>[vector<16xi32>, vector<16xi32>], vector<16xf32>,
      %add3A_610 = arith.addf %add3A_602, %gather3A_609 : vector<16xf32>
      %add3A_611 = arith.addf %add3A_606, %add3A_610 : vector<16xf32>
      %neg3A_612 = arith.constant 0.000000e+00 : f32
      %neg3A_613 = vector.broadcast %neg3A_612 : f32 to vector<16xf32>
      %neg3A_614 = arith.subf %neg3A_613, %add3A_611 : vector<16xf32>
      %exp3A_615 = math.exp %neg3A_614 : vector<16xf32>
      %add3A_616 = arith.constant 1.000000e+00 : f32
      %add3A_617 = vector.broadcast %add3A_616 : f32 to vector<16xf32>
      %add3A_618 = arith.addf %add3A_617, %exp3A_615 : vector<16xf32>
      %div3A_619 = arith.constant 1.000000e+00 : f32
      %div3A_620 = vector.broadcast %div3A_619 : f32 to vector<16xf32>
      %div3A_621 = arith.divf %div3A_620, %add3A_618 : vector<16xf32>
      %mul3A_622 = arith.constant 80 : i32
      %mul3A_623 = arith.muli %mul3A_432, %mul3A_622 : i32
      %add3A_624 = arith.constant 16 : i32
      %add3A_625 = arith.addi %mul3A_623, %add3A_624 : i32
      %swap3A_626 = arith.index_cast %add3A_625 : i32 to index
      %swap3A_627 = tpu.vector_load %arg14[%swap3A_626] {strides = array<i32>} : memref<10000xf32, #tpu.memory_space<vmem>>, vector<16xf32>,
      tpu.vector_store %arg14[%swap3A_626], %div3A_621 {strides = array<i32>} : memref<10000xf32, #tpu.memory_space<vmem>>, vector<16xf32>,
      %add3A_628 = arith.constant 32 : i32
      %add3A_629 = vector.broadcast %add3A_628 : i32 to vector<16xi32>
      %add3A_630 = arith.addi %add3A_629, %iota3A : vector<16xi32>
      %broadcast_in_dim3A_631 = arith.constant 0 : i32
      %broadcast_in_dim3A_632 = vector.broadcast %broadcast_in_dim3A_631 : i32 to vector<16xi32>
      %gather3A_633 = tpu.vector_load_idx %arg13[%add3A_630, %broadcast_in_dim3A_632] : memref<80x16xf32, #tpu.memory_space<vmem>>[vector<16xi32>, vector<16xi32>], vector<16xf32>,
      %broadcast_in_dim3A_634 = arith.constant 1 : i32
      %broadcast_in_dim3A_635 = vector.broadcast %broadcast_in_dim3A_634 : i32 to vector<16xi32>
      %gather3A_636 = tpu.vector_load_idx %arg13[%add3A_630, %broadcast_in_dim3A_635] : memref<80x16xf32, #tpu.memory_space<vmem>>[vector<16xi32>, vector<16xi32>], vector<16xf32>,
      %broadcast_in_dim3A_637 = arith.constant 2 : i32
      %broadcast_in_dim3A_638 = vector.broadcast %broadcast_in_dim3A_637 : i32 to vector<16xi32>
      %gather3A_639 = tpu.vector_load_idx %arg13[%add3A_630, %broadcast_in_dim3A_638] : memref<80x16xf32, #tpu.memory_space<vmem>>[vector<16xi32>, vector<16xi32>], vector<16xf32>,
      %add3A_640 = arith.addf %gather3A_633, %gather3A_639 : vector<16xf32>
      %broadcast_in_dim3A_641 = arith.constant 3 : i32
      %broadcast_in_dim3A_642 = vector.broadcast %broadcast_in_dim3A_641 : i32 to vector<16xi32>
      %gather3A_643 = tpu.vector_load_idx %arg13[%add3A_630, %broadcast_in_dim3A_642] : memref<80x16xf32, #tpu.memory_space<vmem>>[vector<16xi32>, vector<16xi32>], vector<16xf32>,
      %add3A_644 = arith.addf %gather3A_636, %gather3A_643 : vector<16xf32>
      %broadcast_in_dim3A_645 = arith.constant 4 : i32
      %broadcast_in_dim3A_646 = vector.broadcast %broadcast_in_dim3A_645 : i32 to vector<16xi32>
      %gather3A_647 = tpu.vector_load_idx %arg13[%add3A_630, %broadcast_in_dim3A_646] : memref<80x16xf32, #tpu.memory_space<vmem>>[vector<16xi32>, vector<16xi32>], vector<16xf32>,
      %add3A_648 = arith.addf %add3A_640, %gather3A_647 : vector<16xf32>
      %broadcast_in_dim3A_649 = arith.constant 5 : i32
      %broadcast_in_dim3A_650 = vector.broadcast %broadcast_in_dim3A_649 : i32 to vector<16xi32>
      %gather3A_651 = tpu.vector_load_idx %arg13[%add3A_630, %broadcast_in_dim3A_650] : memref<80x16xf32, #tpu.memory_space<vmem>>[vector<16xi32>, vector<16xi32>], vector<16xf32>,
      %add3A_652 = arith.addf %add3A_644, %gather3A_651 : vector<16xf32>
      %broadcast_in_dim3A_653 = arith.constant 6 : i32
      %broadcast_in_dim3A_654 = vector.broadcast %broadcast_in_dim3A_653 : i32 to vector<16xi32>
      %gather3A_655 = tpu.vector_load_idx %arg13[%add3A_630, %broadcast_in_dim3A_654] : memref<80x16xf32, #tpu.memory_space<vmem>>[vector<16xi32>, vector<16xi32>], vector<16xf32>,
      %add3A_656 = arith.addf %add3A_648, %gather3A_655 : vector<16xf32>
      %broadcast_in_dim3A_657 = arith.constant 7 : i32
      %broadcast_in_dim3A_658 = vector.broadcast %broadcast_in_dim3A_657 : i32 to vector<16xi32>
      %gather3A_659 = tpu.vector_load_idx %arg13[%add3A_630, %broadcast_in_dim3A_658] : memref<80x16xf32, #tpu.memory_space<vmem>>[vector<16xi32>, vector<16xi32>], vector<16xf32>,
      %add3A_660 = arith.addf %add3A_652, %gather3A_659 : vector<16xf32>
      %broadcast_in_dim3A_661 = arith.constant 8 : i32
      %broadcast_in_dim3A_662 = vector.broadcast %broadcast_in_dim3A_661 : i32 to vector<16xi32>
      %gather3A_663 = tpu.vector_load_idx %arg13[%add3A_630, %broadcast_in_dim3A_662] : memref<80x16xf32, #tpu.memory_space<vmem>>[vector<16xi32>, vector<16xi32>], vector<16xf32>,
      %add3A_664 = arith.addf %add3A_656, %gather3A_663 : vector<16xf32>
      %broadcast_in_dim3A_665 = arith.constant 9 : i32
      %broadcast_in_dim3A_666 = vector.broadcast %broadcast_in_dim3A_665 : i32 to vector<16xi32>
      %gather3A_667 = tpu.vector_load_idx %arg13[%add3A_630, %broadcast_in_dim3A_666] : memref<80x16xf32, #tpu.memory_space<vmem>>[vector<16xi32>, vector<16xi32>], vector<16xf32>,
      %add3A_668 = arith.addf %add3A_660, %gather3A_667 : vector<16xf32>
      %broadcast_in_dim3A_669 = arith.constant 10 : i32
      %broadcast_in_dim3A_670 = vector.broadcast %broadcast_in_dim3A_669 : i32 to vector<16xi32>
      %gather3A_671 = tpu.vector_load_idx %arg13[%add3A_630, %broadcast_in_dim3A_670] : memref<80x16xf32, #tpu.memory_space<vmem>>[vector<16xi32>, vector<16xi32>], vector<16xf32>,
      %add3A_672 = arith.addf %add3A_664, %gather3A_671 : vector<16xf32>
      %broadcast_in_dim3A_673 = arith.constant 11 : i32
      %broadcast_in_dim3A_674 = vector.broadcast %broadcast_in_dim3A_673 : i32 to vector<16xi32>
      %gather3A_675 = tpu.vector_load_idx %arg13[%add3A_630, %broadcast_in_dim3A_674] : memref<80x16xf32, #tpu.memory_space<vmem>>[vector<16xi32>, vector<16xi32>], vector<16xf32>,
      %add3A_676 = arith.addf %add3A_668, %gather3A_675 : vector<16xf32>
      %broadcast_in_dim3A_677 = arith.constant 12 : i32
      %broadcast_in_dim3A_678 = vector.broadcast %broadcast_in_dim3A_677 : i32 to vector<16xi32>
      %gather3A_679 = tpu.vector_load_idx %arg13[%add3A_630, %broadcast_in_dim3A_678] : memref<80x16xf32, #tpu.memory_space<vmem>>[vector<16xi32>, vector<16xi32>], vector<16xf32>,
      %add3A_680 = arith.addf %add3A_672, %gather3A_679 : vector<16xf32>
      %broadcast_in_dim3A_681 = arith.constant 13 : i32
      %broadcast_in_dim3A_682 = vector.broadcast %broadcast_in_dim3A_681 : i32 to vector<16xi32>
      %gather3A_683 = tpu.vector_load_idx %arg13[%add3A_630, %broadcast_in_dim3A_682] : memref<80x16xf32, #tpu.memory_space<vmem>>[vector<16xi32>, vector<16xi32>], vector<16xf32>,
      %add3A_684 = arith.addf %add3A_676, %gather3A_683 : vector<16xf32>
      %broadcast_in_dim3A_685 = arith.constant 14 : i32
      %broadcast_in_dim3A_686 = vector.broadcast %broadcast_in_dim3A_685 : i32 to vector<16xi32>
      %gather3A_687 = tpu.vector_load_idx %arg13[%add3A_630, %broadcast_in_dim3A_686] : memref<80x16xf32, #tpu.memory_space<vmem>>[vector<16xi32>, vector<16xi32>], vector<16xf32>,
      %add3A_688 = arith.addf %add3A_680, %gather3A_687 : vector<16xf32>
      %broadcast_in_dim3A_689 = arith.constant 15 : i32
      %broadcast_in_dim3A_690 = vector.broadcast %broadcast_in_dim3A_689 : i32 to vector<16xi32>
      %gather3A_691 = tpu.vector_load_idx %arg13[%add3A_630, %broadcast_in_dim3A_690] : memref<80x16xf32, #tpu.memory_space<vmem>>[vector<16xi32>, vector<16xi32>], vector<16xf32>,
      %add3A_692 = arith.addf %add3A_684, %gather3A_691 : vector<16xf32>
      %add3A_693 = arith.addf %add3A_688, %add3A_692 : vector<16xf32>
      %neg3A_694 = arith.constant 0.000000e+00 : f32
      %neg3A_695 = vector.broadcast %neg3A_694 : f32 to vector<16xf32>
      %neg3A_696 = arith.subf %neg3A_695, %add3A_693 : vector<16xf32>
      %exp3A_697 = math.exp %neg3A_696 : vector<16xf32>
      %add3A_698 = arith.constant 1.000000e+00 : f32
      %add3A_699 = vector.broadcast %add3A_698 : f32 to vector<16xf32>
      %add3A_700 = arith.addf %add3A_699, %exp3A_697 : vector<16xf32>
      %div3A_701 = arith.constant 1.000000e+00 : f32
      %div3A_702 = vector.broadcast %div3A_701 : f32 to vector<16xf32>
      %div3A_703 = arith.divf %div3A_702, %add3A_700 : vector<16xf32>
      %mul3A_704 = arith.constant 80 : i32
      %mul3A_705 = arith.muli %mul3A_432, %mul3A_704 : i32
      %add3A_706 = arith.constant 32 : i32
      %add3A_707 = arith.addi %mul3A_705, %add3A_706 : i32
      %swap3A_708 = arith.index_cast %add3A_707 : i32 to index
      %swap3A_709 = tpu.vector_load %arg14[%swap3A_708] {strides = array<i32>} : memref<10000xf32, #tpu.memory_space<vmem>>, vector<16xf32>,
      tpu.vector_store %arg14[%swap3A_708], %div3A_703 {strides = array<i32>} : memref<10000xf32, #tpu.memory_space<vmem>>, vector<16xf32>,
      %add3A_710 = arith.constant 48 : i32
      %add3A_711 = vector.broadcast %add3A_710 : i32 to vector<16xi32>
      %add3A_712 = arith.addi %add3A_711, %iota3A : vector<16xi32>
      %broadcast_in_dim3A_713 = arith.constant 0 : i32
      %broadcast_in_dim3A_714 = vector.broadcast %broadcast_in_dim3A_713 : i32 to vector<16xi32>
      %gather3A_715 = tpu.vector_load_idx %arg13[%add3A_712, %broadcast_in_dim3A_714] : memref<80x16xf32, #tpu.memory_space<vmem>>[vector<16xi32>, vector<16xi32>], vector<16xf32>,
      %broadcast_in_dim3A_716 = arith.constant 1 : i32
      %broadcast_in_dim3A_717 = vector.broadcast %broadcast_in_dim3A_716 : i32 to vector<16xi32>
      %gather3A_718 = tpu.vector_load_idx %arg13[%add3A_712, %broadcast_in_dim3A_717] : memref<80x16xf32, #tpu.memory_space<vmem>>[vector<16xi32>, vector<16xi32>], vector<16xf32>,
      %broadcast_in_dim3A_719 = arith.constant 2 : i32
      %broadcast_in_dim3A_720 = vector.broadcast %broadcast_in_dim3A_719 : i32 to vector<16xi32>
      %gather3A_721 = tpu.vector_load_idx %arg13[%add3A_712, %broadcast_in_dim3A_720] : memref<80x16xf32, #tpu.memory_space<vmem>>[vector<16xi32>, vector<16xi32>], vector<16xf32>,
      %add3A_722 = arith.addf %gather3A_715, %gather3A_721 : vector<16xf32>
      %broadcast_in_dim3A_723 = arith.constant 3 : i32
      %broadcast_in_dim3A_724 = vector.broadcast %broadcast_in_dim3A_723 : i32 to vector<16xi32>
      %gather3A_725 = tpu.vector_load_idx %arg13[%add3A_712, %broadcast_in_dim3A_724] : memref<80x16xf32, #tpu.memory_space<vmem>>[vector<16xi32>, vector<16xi32>], vector<16xf32>,
      %add3A_726 = arith.addf %gather3A_718, %gather3A_725 : vector<16xf32>
      %broadcast_in_dim3A_727 = arith.constant 4 : i32
      %broadcast_in_dim3A_728 = vector.broadcast %broadcast_in_dim3A_727 : i32 to vector<16xi32>
      %gather3A_729 = tpu.vector_load_idx %arg13[%add3A_712, %broadcast_in_dim3A_728] : memref<80x16xf32, #tpu.memory_space<vmem>>[vector<16xi32>, vector<16xi32>], vector<16xf32>,
      %add3A_730 = arith.addf %add3A_722, %gather3A_729 : vector<16xf32>
      %broadcast_in_dim3A_731 = arith.constant 5 : i32
      %broadcast_in_dim3A_732 = vector.broadcast %broadcast_in_dim3A_731 : i32 to vector<16xi32>
      %gather3A_733 = tpu.vector_load_idx %arg13[%add3A_712, %broadcast_in_dim3A_732] : memref<80x16xf32, #tpu.memory_space<vmem>>[vector<16xi32>, vector<16xi32>], vector<16xf32>,
      %add3A_734 = arith.addf %add3A_726, %gather3A_733 : vector<16xf32>
      %broadcast_in_dim3A_735 = arith.constant 6 : i32
      %broadcast_in_dim3A_736 = vector.broadcast %broadcast_in_dim3A_735 : i32 to vector<16xi32>
      %gather3A_737 = tpu.vector_load_idx %arg13[%add3A_712, %broadcast_in_dim3A_736] : memref<80x16xf32, #tpu.memory_space<vmem>>[vector<16xi32>, vector<16xi32>], vector<16xf32>,
      %add3A_738 = arith.addf %add3A_730, %gather3A_737 : vector<16xf32>
      %broadcast_in_dim3A_739 = arith.constant 7 : i32
      %broadcast_in_dim3A_740 = vector.broadcast %broadcast_in_dim3A_739 : i32 to vector<16xi32>
      %gather3A_741 = tpu.vector_load_idx %arg13[%add3A_712, %broadcast_in_dim3A_740] : memref<80x16xf32, #tpu.memory_space<vmem>>[vector<16xi32>, vector<16xi32>], vector<16xf32>,
      %add3A_742 = arith.addf %add3A_734, %gather3A_741 : vector<16xf32>
      %broadcast_in_dim3A_743 = arith.constant 8 : i32
      %broadcast_in_dim3A_744 = vector.broadcast %broadcast_in_dim3A_743 : i32 to vector<16xi32>
      %gather3A_745 = tpu.vector_load_idx %arg13[%add3A_712, %broadcast_in_dim3A_744] : memref<80x16xf32, #tpu.memory_space<vmem>>[vector<16xi32>, vector<16xi32>], vector<16xf32>,
      %add3A_746 = arith.addf %add3A_738, %gather3A_745 : vector<16xf32>
      %broadcast_in_dim3A_747 = arith.constant 9 : i32
      %broadcast_in_dim3A_748 = vector.broadcast %broadcast_in_dim3A_747 : i32 to vector<16xi32>
      %gather3A_749 = tpu.vector_load_idx %arg13[%add3A_712, %broadcast_in_dim3A_748] : memref<80x16xf32, #tpu.memory_space<vmem>>[vector<16xi32>, vector<16xi32>], vector<16xf32>,
      %add3A_750 = arith.addf %add3A_742, %gather3A_749 : vector<16xf32>
      %broadcast_in_dim3A_751 = arith.constant 10 : i32
      %broadcast_in_dim3A_752 = vector.broadcast %broadcast_in_dim3A_751 : i32 to vector<16xi32>
      %gather3A_753 = tpu.vector_load_idx %arg13[%add3A_712, %broadcast_in_dim3A_752] : memref<80x16xf32, #tpu.memory_space<vmem>>[vector<16xi32>, vector<16xi32>], vector<16xf32>,
      %add3A_754 = arith.addf %add3A_746, %gather3A_753 : vector<16xf32>
      %broadcast_in_dim3A_755 = arith.constant 11 : i32
      %broadcast_in_dim3A_756 = vector.broadcast %broadcast_in_dim3A_755 : i32 to vector<16xi32>
      %gather3A_757 = tpu.vector_load_idx %arg13[%add3A_712, %broadcast_in_dim3A_756] : memref<80x16xf32, #tpu.memory_space<vmem>>[vector<16xi32>, vector<16xi32>], vector<16xf32>,
      %add3A_758 = arith.addf %add3A_750, %gather3A_757 : vector<16xf32>
      %broadcast_in_dim3A_759 = arith.constant 12 : i32
      %broadcast_in_dim3A_760 = vector.broadcast %broadcast_in_dim3A_759 : i32 to vector<16xi32>
      %gather3A_761 = tpu.vector_load_idx %arg13[%add3A_712, %broadcast_in_dim3A_760] : memref<80x16xf32, #tpu.memory_space<vmem>>[vector<16xi32>, vector<16xi32>], vector<16xf32>,
      %add3A_762 = arith.addf %add3A_754, %gather3A_761 : vector<16xf32>
      %broadcast_in_dim3A_763 = arith.constant 13 : i32
      %broadcast_in_dim3A_764 = vector.broadcast %broadcast_in_dim3A_763 : i32 to vector<16xi32>
      %gather3A_765 = tpu.vector_load_idx %arg13[%add3A_712, %broadcast_in_dim3A_764] : memref<80x16xf32, #tpu.memory_space<vmem>>[vector<16xi32>, vector<16xi32>], vector<16xf32>,
      %add3A_766 = arith.addf %add3A_758, %gather3A_765 : vector<16xf32>
      %broadcast_in_dim3A_767 = arith.constant 14 : i32
      %broadcast_in_dim3A_768 = vector.broadcast %broadcast_in_dim3A_767 : i32 to vector<16xi32>
      %gather3A_769 = tpu.vector_load_idx %arg13[%add3A_712, %broadcast_in_dim3A_768] : memref<80x16xf32, #tpu.memory_space<vmem>>[vector<16xi32>, vector<16xi32>], vector<16xf32>,
      %add3A_770 = arith.addf %add3A_762, %gather3A_769 : vector<16xf32>
      %broadcast_in_dim3A_771 = arith.constant 15 : i32
      %broadcast_in_dim3A_772 = vector.broadcast %broadcast_in_dim3A_771 : i32 to vector<16xi32>
      %gather3A_773 = tpu.vector_load_idx %arg13[%add3A_712, %broadcast_in_dim3A_772] : memref<80x16xf32, #tpu.memory_space<vmem>>[vector<16xi32>, vector<16xi32>], vector<16xf32>,
      %add3A_774 = arith.addf %add3A_766, %gather3A_773 : vector<16xf32>
      %add3A_775 = arith.addf %add3A_770, %add3A_774 : vector<16xf32>
      %neg3A_776 = arith.constant 0.000000e+00 : f32
      %neg3A_777 = vector.broadcast %neg3A_776 : f32 to vector<16xf32>
      %neg3A_778 = arith.subf %neg3A_777, %add3A_775 : vector<16xf32>
      %exp3A_779 = math.exp %neg3A_778 : vector<16xf32>
      %add3A_780 = arith.constant 1.000000e+00 : f32
      %add3A_781 = vector.broadcast %add3A_780 : f32 to vector<16xf32>
      %add3A_782 = arith.addf %add3A_781, %exp3A_779 : vector<16xf32>
      %div3A_783 = arith.constant 1.000000e+00 : f32
      %div3A_784 = vector.broadcast %div3A_783 : f32 to vector<16xf32>
      %div3A_785 = arith.divf %div3A_784, %add3A_782 : vector<16xf32>
      %mul3A_786 = arith.constant 80 : i32
      %mul3A_787 = arith.muli %mul3A_432, %mul3A_786 : i32
      %add3A_788 = arith.constant 48 : i32
      %add3A_789 = arith.addi %mul3A_787, %add3A_788 : i32
      %swap3A_790 = arith.index_cast %add3A_789 : i32 to index
      %swap3A_791 = tpu.vector_load %arg14[%swap3A_790] {strides = array<i32>} : memref<10000xf32, #tpu.memory_space<vmem>>, vector<16xf32>,
      tpu.vector_store %arg14[%swap3A_790], %div3A_785 {strides = array<i32>} : memref<10000xf32, #tpu.memory_space<vmem>>, vector<16xf32>,
      %add3A_792 = arith.constant 64 : i32
      %add3A_793 = vector.broadcast %add3A_792 : i32 to vector<16xi32>
      %add3A_794 = arith.addi %add3A_793, %iota3A : vector<16xi32>
      %broadcast_in_dim3A_795 = arith.constant 0 : i32
      %broadcast_in_dim3A_796 = vector.broadcast %broadcast_in_dim3A_795 : i32 to vector<16xi32>
      %gather3A_797 = tpu.vector_load_idx %arg13[%add3A_794, %broadcast_in_dim3A_796] : memref<80x16xf32, #tpu.memory_space<vmem>>[vector<16xi32>, vector<16xi32>], vector<16xf32>,
      %broadcast_in_dim3A_798 = arith.constant 1 : i32
      %broadcast_in_dim3A_799 = vector.broadcast %broadcast_in_dim3A_798 : i32 to vector<16xi32>
      %gather3A_800 = tpu.vector_load_idx %arg13[%add3A_794, %broadcast_in_dim3A_799] : memref<80x16xf32, #tpu.memory_space<vmem>>[vector<16xi32>, vector<16xi32>], vector<16xf32>,
      %broadcast_in_dim3A_801 = arith.constant 2 : i32
      %broadcast_in_dim3A_802 = vector.broadcast %broadcast_in_dim3A_801 : i32 to vector<16xi32>
      %gather3A_803 = tpu.vector_load_idx %arg13[%add3A_794, %broadcast_in_dim3A_802] : memref<80x16xf32, #tpu.memory_space<vmem>>[vector<16xi32>, vector<16xi32>], vector<16xf32>,
      %add3A_804 = arith.addf %gather3A_797, %gather3A_803 : vector<16xf32>
      %broadcast_in_dim3A_805 = arith.constant 3 : i32
      %broadcast_in_dim3A_806 = vector.broadcast %broadcast_in_dim3A_805 : i32 to vector<16xi32>
      %gather3A_807 = tpu.vector_load_idx %arg13[%add3A_794, %broadcast_in_dim3A_806] : memref<80x16xf32, #tpu.memory_space<vmem>>[vector<16xi32>, vector<16xi32>], vector<16xf32>,
      %add3A_808 = arith.addf %gather3A_800, %gather3A_807 : vector<16xf32>
      %broadcast_in_dim3A_809 = arith.constant 4 : i32
      %broadcast_in_dim3A_810 = vector.broadcast %broadcast_in_dim3A_809 : i32 to vector<16xi32>
      %gather3A_811 = tpu.vector_load_idx %arg13[%add3A_794, %broadcast_in_dim3A_810] : memref<80x16xf32, #tpu.memory_space<vmem>>[vector<16xi32>, vector<16xi32>], vector<16xf32>,
      %add3A_812 = arith.addf %add3A_804, %gather3A_811 : vector<16xf32>
      %broadcast_in_dim3A_813 = arith.constant 5 : i32
      %broadcast_in_dim3A_814 = vector.broadcast %broadcast_in_dim3A_813 : i32 to vector<16xi32>
      %gather3A_815 = tpu.vector_load_idx %arg13[%add3A_794, %broadcast_in_dim3A_814] : memref<80x16xf32, #tpu.memory_space<vmem>>[vector<16xi32>, vector<16xi32>], vector<16xf32>,
      %add3A_816 = arith.addf %add3A_808, %gather3A_815 : vector<16xf32>
      %broadcast_in_dim3A_817 = arith.constant 6 : i32
      %broadcast_in_dim3A_818 = vector.broadcast %broadcast_in_dim3A_817 : i32 to vector<16xi32>
      %gather3A_819 = tpu.vector_load_idx %arg13[%add3A_794, %broadcast_in_dim3A_818] : memref<80x16xf32, #tpu.memory_space<vmem>>[vector<16xi32>, vector<16xi32>], vector<16xf32>,
      %add3A_820 = arith.addf %add3A_812, %gather3A_819 : vector<16xf32>
      %broadcast_in_dim3A_821 = arith.constant 7 : i32
      %broadcast_in_dim3A_822 = vector.broadcast %broadcast_in_dim3A_821 : i32 to vector<16xi32>
      %gather3A_823 = tpu.vector_load_idx %arg13[%add3A_794, %broadcast_in_dim3A_822] : memref<80x16xf32, #tpu.memory_space<vmem>>[vector<16xi32>, vector<16xi32>], vector<16xf32>,
      %add3A_824 = arith.addf %add3A_816, %gather3A_823 : vector<16xf32>
      %broadcast_in_dim3A_825 = arith.constant 8 : i32
      %broadcast_in_dim3A_826 = vector.broadcast %broadcast_in_dim3A_825 : i32 to vector<16xi32>
      %gather3A_827 = tpu.vector_load_idx %arg13[%add3A_794, %broadcast_in_dim3A_826] : memref<80x16xf32, #tpu.memory_space<vmem>>[vector<16xi32>, vector<16xi32>], vector<16xf32>,
      %add3A_828 = arith.addf %add3A_820, %gather3A_827 : vector<16xf32>
      %broadcast_in_dim3A_829 = arith.constant 9 : i32
      %broadcast_in_dim3A_830 = vector.broadcast %broadcast_in_dim3A_829 : i32 to vector<16xi32>
      %gather3A_831 = tpu.vector_load_idx %arg13[%add3A_794, %broadcast_in_dim3A_830] : memref<80x16xf32, #tpu.memory_space<vmem>>[vector<16xi32>, vector<16xi32>], vector<16xf32>,
      %add3A_832 = arith.addf %add3A_824, %gather3A_831 : vector<16xf32>
      %broadcast_in_dim3A_833 = arith.constant 10 : i32
      %broadcast_in_dim3A_834 = vector.broadcast %broadcast_in_dim3A_833 : i32 to vector<16xi32>
      %gather3A_835 = tpu.vector_load_idx %arg13[%add3A_794, %broadcast_in_dim3A_834] : memref<80x16xf32, #tpu.memory_space<vmem>>[vector<16xi32>, vector<16xi32>], vector<16xf32>,
      %add3A_836 = arith.addf %add3A_828, %gather3A_835 : vector<16xf32>
      %broadcast_in_dim3A_837 = arith.constant 11 : i32
      %broadcast_in_dim3A_838 = vector.broadcast %broadcast_in_dim3A_837 : i32 to vector<16xi32>
      %gather3A_839 = tpu.vector_load_idx %arg13[%add3A_794, %broadcast_in_dim3A_838] : memref<80x16xf32, #tpu.memory_space<vmem>>[vector<16xi32>, vector<16xi32>], vector<16xf32>,
      %add3A_840 = arith.addf %add3A_832, %gather3A_839 : vector<16xf32>
      %broadcast_in_dim3A_841 = arith.constant 12 : i32
      %broadcast_in_dim3A_842 = vector.broadcast %broadcast_in_dim3A_841 : i32 to vector<16xi32>
      %gather3A_843 = tpu.vector_load_idx %arg13[%add3A_794, %broadcast_in_dim3A_842] : memref<80x16xf32, #tpu.memory_space<vmem>>[vector<16xi32>, vector<16xi32>], vector<16xf32>,
      %add3A_844 = arith.addf %add3A_836, %gather3A_843 : vector<16xf32>
      %broadcast_in_dim3A_845 = arith.constant 13 : i32
      %broadcast_in_dim3A_846 = vector.broadcast %broadcast_in_dim3A_845 : i32 to vector<16xi32>
      %gather3A_847 = tpu.vector_load_idx %arg13[%add3A_794, %broadcast_in_dim3A_846] : memref<80x16xf32, #tpu.memory_space<vmem>>[vector<16xi32>, vector<16xi32>], vector<16xf32>,
      %add3A_848 = arith.addf %add3A_840, %gather3A_847 : vector<16xf32>
      %broadcast_in_dim3A_849 = arith.constant 14 : i32
      %broadcast_in_dim3A_850 = vector.broadcast %broadcast_in_dim3A_849 : i32 to vector<16xi32>
      %gather3A_851 = tpu.vector_load_idx %arg13[%add3A_794, %broadcast_in_dim3A_850] : memref<80x16xf32, #tpu.memory_space<vmem>>[vector<16xi32>, vector<16xi32>], vector<16xf32>,
      %add3A_852 = arith.addf %add3A_844, %gather3A_851 : vector<16xf32>
      %broadcast_in_dim3A_853 = arith.constant 15 : i32
      %broadcast_in_dim3A_854 = vector.broadcast %broadcast_in_dim3A_853 : i32 to vector<16xi32>
      %gather3A_855 = tpu.vector_load_idx %arg13[%add3A_794, %broadcast_in_dim3A_854] : memref<80x16xf32, #tpu.memory_space<vmem>>[vector<16xi32>, vector<16xi32>], vector<16xf32>,
      %add3A_856 = arith.addf %add3A_848, %gather3A_855 : vector<16xf32>
      %add3A_857 = arith.addf %add3A_852, %add3A_856 : vector<16xf32>
      %neg3A_858 = arith.constant 0.000000e+00 : f32
      %neg3A_859 = vector.broadcast %neg3A_858 : f32 to vector<16xf32>
      %neg3A_860 = arith.subf %neg3A_859, %add3A_857 : vector<16xf32>
      %exp3A_861 = math.exp %neg3A_860 : vector<16xf32>
      %add3A_862 = arith.constant 1.000000e+00 : f32
      %add3A_863 = vector.broadcast %add3A_862 : f32 to vector<16xf32>
      %add3A_864 = arith.addf %add3A_863, %exp3A_861 : vector<16xf32>
      %div3A_865 = arith.constant 1.000000e+00 : f32
      %div3A_866 = vector.broadcast %div3A_865 : f32 to vector<16xf32>
      %div3A_867 = arith.divf %div3A_866, %add3A_864 : vector<16xf32>
      %mul3A_868 = arith.constant 80 : i32
      %mul3A_869 = arith.muli %mul3A_432, %mul3A_868 : i32
      %add3A_870 = arith.constant 64 : i32
      %add3A_871 = arith.addi %mul3A_869, %add3A_870 : i32
      %swap3A_872 = arith.index_cast %add3A_871 : i32 to index
      %swap3A_873 = tpu.vector_load %arg14[%swap3A_872] {strides = array<i32>} : memref<10000xf32, #tpu.memory_space<vmem>>, vector<16xf32>,
      tpu.vector_store %arg14[%swap3A_872], %div3A_867 {strides = array<i32>} : memref<10000xf32, #tpu.memory_space<vmem>>, vector<16xf32>,
      %dma_wait3A_874 = arith.constant 0 : i32
      %dma_wait3A_875 = arith.constant 0 : i32
      %dma_wait3A_876 = tpu.memref_slice %arg15[%dma_wait3A_874, %dma_wait3A_875] : memref<10000x64xi32, #tpu.memory_space<vmem_shared>> -> memref<80x64xi32, #tpu.memory_space<vmem_shared>>
      %dma_wait3A_877 = arith.constant 0 : i32
      %dma_wait3A_878 = arith.constant 0 : i32
      %dma_wait3A_879 = tpu.memref_slice %arg15[%dma_wait3A_877, %dma_wait3A_878] : memref<10000x64xi32, #tpu.memory_space<vmem_shared>> -> memref<80x64xi32, #tpu.memory_space<vmem_shared>>
      tpu.wait_dma2 semaphore(%arg18 : memref<!tpu.dma_semaphore, #tpu.memory_space<semaphore_mem>>) src(%dma_wait3A_879 : memref<80x64xi32, #tpu.memory_space<vmem_shared>>) dst(%arg11 : memref<80x64xi32, #tpu.memory_space<vmem>>)
      %dma_wait3A_880 = arith.constant 0 : i32
      %dma_wait3A_881 = arith.constant 0 : i32
      %dma_wait3A_882 = tpu.memref_slice %arg5[%dma_wait3A_880, %dma_wait3A_881] : memref<10000x64xi32, #tpu.memory_space<hbm>> -> memref<80x64xi32, #tpu.memory_space<hbm>>
      %dma_wait3A_883 = arith.constant 0 : i32
      %dma_wait3A_884 = arith.constant 0 : i32
      %dma_wait3A_885 = tpu.memref_slice %arg5[%dma_wait3A_883, %dma_wait3A_884] : memref<10000x64xi32, #tpu.memory_space<hbm>> -> memref<80x64xi32, #tpu.memory_space<hbm>>
      tpu.wait_dma2 semaphore(%arg19 : memref<!tpu.dma_semaphore, #tpu.memory_space<semaphore_mem>>) src(%dma_wait3A_885 : memref<80x64xi32, #tpu.memory_space<hbm>>) dst(%arg12 : memref<80x64xi32, #tpu.memory_space<vmem>>)
      %add3A_886 = arith.constant 2 : i32
      %add3A_887 = arith.addi %mul3A_432, %add3A_886 : i32
      %mul3A_888 = arith.constant 80 : i32
      %mul3A_889 = arith.muli %add3A_887, %mul3A_888 : i32
      %dma_start3A_890 = tpu.memref_slice %arg7[%mul3A_889] : memref<10000xi32, #tpu.memory_space<vmem>> -> memref<80xi32, #tpu.memory_space<vmem>>
      %dma_start3A_891 = arith.constant 0 : i32
      %dma_start3A_892 = arith.constant 0 : i32
      %dma_start3A_893 = tpu.memref_slice %arg15[%dma_start3A_891, %dma_start3A_892] : memref<10000x64xi32, #tpu.memory_space<vmem_shared>> -> memref<10000x64xi32, #tpu.memory_space<vmem_shared>>
      tpu.enqueue_indirect_dma source(%dma_start3A_893 : memref<10000x64xi32, #tpu.memory_space<vmem_shared>>) target(%arg9 : memref<80x64xi32, #tpu.memory_space<vmem>>) offsets(%dma_start3A_890 : memref<80xi32, #tpu.memory_space<vmem>>) semaphore(%arg16 : memref<!tpu.dma_semaphore, #tpu.memory_space<semaphore_mem>>)
      %mul3A_894 = arith.constant 80 : i32
      %mul3A_895 = arith.muli %add3A_887, %mul3A_894 : i32
      %dma_start3A_896 = tpu.memref_slice %arg8[%mul3A_895] : memref<10000xi32, #tpu.memory_space<vmem>> -> memref<80xi32, #tpu.memory_space<vmem>>
      %dma_start3A_897 = arith.constant 0 : i32
      %dma_start3A_898 = arith.constant 0 : i32
      %dma_start3A_899 = tpu.memref_slice %arg5[%dma_start3A_897, %dma_start3A_898] : memref<10000x64xi32, #tpu.memory_space<hbm>> -> memref<10000x64xi32, #tpu.memory_space<hbm>>
      tpu.enqueue_indirect_dma source(%dma_start3A_899 : memref<10000x64xi32, #tpu.memory_space<hbm>>) target(%arg10 : memref<80x64xi32, #tpu.memory_space<vmem>>) offsets(%dma_start3A_896 : memref<80xi32, #tpu.memory_space<vmem>>) semaphore(%arg17 : memref<!tpu.dma_semaphore, #tpu.memory_space<semaphore_mem>>)
      %add3A_900 = arith.constant 1 : i32
      %add3A_901 = arith.addi %mul3A_432, %add3A_900 : i32
      %scan3A_902 = arith.constant 0 : i32
      %scan3A_903 = arith.constant 10 : i32
      %scan3A_904 = arith.addi %scan3A_902, %scan3A_903 : i32
      %scan3A_905 = arith.constant 1 : i32
      scf.for %scan3A_1317 = %scan3A_902 to %scan3A_904 step %scan3A_905  : i32 {
        %mul3A_1318 = arith.constant 8 : i32
        %mul3A_1319 = arith.muli %scan3A_1317, %mul3A_1318 : i32
        %add3A_1320 = arith.constant 0 : i32
        %add3A_1321 = arith.addi %mul3A_1319, %add3A_1320 : i32
        %get3A = arith.index_cast %add3A_1321 : i32 to index
        %get3A_1322 = arith.constant 0 : index
        %get3A_1323 = tpu.vector_load %arg11[%get3A, %get3A_1322] {strides = array<i32>} : memref<80x64xi32, #tpu.memory_space<vmem>>, vector<16xi32>,
        %bitcast3A = vector.bitcast %get3A_1323 : vector<16xi32> to vector<32xbf16>
        %get3A_1324 = arith.index_cast %add3A_1321 : i32 to index
        %get3A_1325 = arith.constant 0 : index
        %get3A_1326 = tpu.vector_load %arg12[%get3A_1324, %get3A_1325] {strides = array<i32>} : memref<80x64xi32, #tpu.memory_space<vmem>>, vector<16xi32>,
        %bitcast3A_1327 = vector.bitcast %get3A_1326 : vector<16xi32> to vector<32xbf16>
        %mul3A_1328 = arith.mulf %bitcast3A, %bitcast3A_1327 : vector<32xbf16>
        %unpack3A = tpu.unpack_subelements %mul3A_1328, 0 {pack_format = #tpu.pack_format<interleaved>} : vector<32xbf16> -> vector<16xf32>
        %unpack3A_1329 = tpu.unpack_subelements %mul3A_1328, 1 {pack_format = #tpu.pack_format<interleaved>} : vector<32xbf16> -> vector<16xf32>
        %get3A_1330 = arith.index_cast %add3A_1321 : i32 to index
        %get3A_1331 = arith.constant 16 : index
        %get3A_1332 = tpu.vector_load %arg11[%get3A_1330, %get3A_1331] {strides = array<i32>} : memref<80x64xi32, #tpu.memory_space<vmem>>, vector<16xi32>,
        %bitcast3A_1333 = vector.bitcast %get3A_1332 : vector<16xi32> to vector<32xbf16>
        %get3A_1334 = arith.index_cast %add3A_1321 : i32 to index
        %get3A_1335 = arith.constant 16 : index
        %get3A_1336 = tpu.vector_load %arg12[%get3A_1334, %get3A_1335] {strides = array<i32>} : memref<80x64xi32, #tpu.memory_space<vmem>>, vector<16xi32>,
        %bitcast3A_1337 = vector.bitcast %get3A_1336 : vector<16xi32> to vector<32xbf16>
        %mul3A_1338 = arith.mulf %bitcast3A_1333, %bitcast3A_1337 : vector<32xbf16>
        %unpack3A_1339 = tpu.unpack_subelements %mul3A_1338, 0 {pack_format = #tpu.pack_format<interleaved>} : vector<32xbf16> -> vector<16xf32>
        %unpack3A_1340 = tpu.unpack_subelements %mul3A_1338, 1 {pack_format = #tpu.pack_format<interleaved>} : vector<32xbf16> -> vector<16xf32>
        %add3A_1341 = arith.addf %unpack3A, %unpack3A_1339 : vector<16xf32>
        %add3A_1342 = arith.addf %unpack3A_1329, %unpack3A_1340 : vector<16xf32>
        %get3A_1343 = arith.index_cast %add3A_1321 : i32 to index
        %get3A_1344 = arith.constant 32 : index
        %get3A_1345 = tpu.vector_load %arg11[%get3A_1343, %get3A_1344] {strides = array<i32>} : memref<80x64xi32, #tpu.memory_space<vmem>>, vector<16xi32>,
        %bitcast3A_1346 = vector.bitcast %get3A_1345 : vector<16xi32> to vector<32xbf16>
        %get3A_1347 = arith.index_cast %add3A_1321 : i32 to index
        %get3A_1348 = arith.constant 32 : index
        %get3A_1349 = tpu.vector_load %arg12[%get3A_1347, %get3A_1348] {strides = array<i32>} : memref<80x64xi32, #tpu.memory_space<vmem>>, vector<16xi32>,
        %bitcast3A_1350 = vector.bitcast %get3A_1349 : vector<16xi32> to vector<32xbf16>
        %mul3A_1351 = arith.mulf %bitcast3A_1346, %bitcast3A_1350 : vector<32xbf16>
        %unpack3A_1352 = tpu.unpack_subelements %mul3A_1351, 0 {pack_format = #tpu.pack_format<interleaved>} : vector<32xbf16> -> vector<16xf32>
        %unpack3A_1353 = tpu.unpack_subelements %mul3A_1351, 1 {pack_format = #tpu.pack_format<interleaved>} : vector<32xbf16> -> vector<16xf32>
        %add3A_1354 = arith.addf %add3A_1341, %unpack3A_1352 : vector<16xf32>
        %add3A_1355 = arith.addf %add3A_1342, %unpack3A_1353 : vector<16xf32>
        %get3A_1356 = arith.index_cast %add3A_1321 : i32 to index
        %get3A_1357 = arith.constant 48 : index
        %get3A_1358 = tpu.vector_load %arg11[%get3A_1356, %get3A_1357] {strides = array<i32>} : memref<80x64xi32, #tpu.memory_space<vmem>>, vector<16xi32>,
        %bitcast3A_1359 = vector.bitcast %get3A_1358 : vector<16xi32> to vector<32xbf16>
        %get3A_1360 = arith.index_cast %add3A_1321 : i32 to index
        %get3A_1361 = arith.constant 48 : index
        %get3A_1362 = tpu.vector_load %arg12[%get3A_1360, %get3A_1361] {strides = array<i32>} : memref<80x64xi32, #tpu.memory_space<vmem>>, vector<16xi32>,
        %bitcast3A_1363 = vector.bitcast %get3A_1362 : vector<16xi32> to vector<32xbf16>
        %mul3A_1364 = arith.mulf %bitcast3A_1359, %bitcast3A_1363 : vector<32xbf16>
        %unpack3A_1365 = tpu.unpack_subelements %mul3A_1364, 0 {pack_format = #tpu.pack_format<interleaved>} : vector<32xbf16> -> vector<16xf32>
        %unpack3A_1366 = tpu.unpack_subelements %mul3A_1364, 1 {pack_format = #tpu.pack_format<interleaved>} : vector<32xbf16> -> vector<16xf32>
        %add3A_1367 = arith.addf %add3A_1354, %unpack3A_1365 : vector<16xf32>
        %add3A_1368 = arith.addf %add3A_1355, %unpack3A_1366 : vector<16xf32>
        %add3A_1369 = arith.addf %add3A_1367, %add3A_1368 : vector<16xf32>
        %swap3A_1370 = arith.index_cast %add3A_1321 : i32 to index
        %swap3A_1371 = arith.constant 0 : index
        %swap3A_1372 = tpu.vector_load %arg13[%swap3A_1370, %swap3A_1371] {strides = array<i32>} : memref<80x16xf32, #tpu.memory_space<vmem>>, vector<16xf32>,
        tpu.vector_store %arg13[%swap3A_1370, %swap3A_1371], %add3A_1369 {strides = array<i32>} : memref<80x16xf32, #tpu.memory_space<vmem>>, vector<16xf32>,
        %mul3A_1373 = arith.constant 8 : i32
        %mul3A_1374 = arith.muli %scan3A_1317, %mul3A_1373 : i32
        %add3A_1375 = arith.constant 1 : i32
        %add3A_1376 = arith.addi %mul3A_1374, %add3A_1375 : i32
        %get3A_1377 = arith.index_cast %add3A_1376 : i32 to index
        %get3A_1378 = arith.constant 0 : index
        %get3A_1379 = tpu.vector_load %arg11[%get3A_1377, %get3A_1378] {strides = array<i32>} : memref<80x64xi32, #tpu.memory_space<vmem>>, vector<16xi32>,
        %bitcast3A_1380 = vector.bitcast %get3A_1379 : vector<16xi32> to vector<32xbf16>
        %get3A_1381 = arith.index_cast %add3A_1376 : i32 to index
        %get3A_1382 = arith.constant 0 : index
        %get3A_1383 = tpu.vector_load %arg12[%get3A_1381, %get3A_1382] {strides = array<i32>} : memref<80x64xi32, #tpu.memory_space<vmem>>, vector<16xi32>,
        %bitcast3A_1384 = vector.bitcast %get3A_1383 : vector<16xi32> to vector<32xbf16>
        %mul3A_1385 = arith.mulf %bitcast3A_1380, %bitcast3A_1384 : vector<32xbf16>
        %unpack3A_1386 = tpu.unpack_subelements %mul3A_1385, 0 {pack_format = #tpu.pack_format<interleaved>} : vector<32xbf16> -> vector<16xf32>
        %unpack3A_1387 = tpu.unpack_subelements %mul3A_1385, 1 {pack_format = #tpu.pack_format<interleaved>} : vector<32xbf16> -> vector<16xf32>
        %get3A_1388 = arith.index_cast %add3A_1376 : i32 to index
        %get3A_1389 = arith.constant 16 : index
        %get3A_1390 = tpu.vector_load %arg11[%get3A_1388, %get3A_1389] {strides = array<i32>} : memref<80x64xi32, #tpu.memory_space<vmem>>, vector<16xi32>,
        %bitcast3A_1391 = vector.bitcast %get3A_1390 : vector<16xi32> to vector<32xbf16>
        %get3A_1392 = arith.index_cast %add3A_1376 : i32 to index
        %get3A_1393 = arith.constant 16 : index
        %get3A_1394 = tpu.vector_load %arg12[%get3A_1392, %get3A_1393] {strides = array<i32>} : memref<80x64xi32, #tpu.memory_space<vmem>>, vector<16xi32>,
        %bitcast3A_1395 = vector.bitcast %get3A_1394 : vector<16xi32> to vector<32xbf16>
        %mul3A_1396 = arith.mulf %bitcast3A_1391, %bitcast3A_1395 : vector<32xbf16>
        %unpack3A_1397 = tpu.unpack_subelements %mul3A_1396, 0 {pack_format = #tpu.pack_format<interleaved>} : vector<32xbf16> -> vector<16xf32>
        %unpack3A_1398 = tpu.unpack_subelements %mul3A_1396, 1 {pack_format = #tpu.pack_format<interleaved>} : vector<32xbf16> -> vector<16xf32>
        %add3A_1399 = arith.addf %unpack3A_1386, %unpack3A_1397 : vector<16xf32>
        %add3A_1400 = arith.addf %unpack3A_1387, %unpack3A_1398 : vector<16xf32>
        %get3A_1401 = arith.index_cast %add3A_1376 : i32 to index
        %get3A_1402 = arith.constant 32 : index
        %get3A_1403 = tpu.vector_load %arg11[%get3A_1401, %get3A_1402] {strides = array<i32>} : memref<80x64xi32, #tpu.memory_space<vmem>>, vector<16xi32>,
        %bitcast3A_1404 = vector.bitcast %get3A_1403 : vector<16xi32> to vector<32xbf16>
        %get3A_1405 = arith.index_cast %add3A_1376 : i32 to index
        %get3A_1406 = arith.constant 32 : index
        %get3A_1407 = tpu.vector_load %arg12[%get3A_1405, %get3A_1406] {strides = array<i32>} : memref<80x64xi32, #tpu.memory_space<vmem>>, vector<16xi32>,
        %bitcast3A_1408 = vector.bitcast %get3A_1407 : vector<16xi32> to vector<32xbf16>
        %mul3A_1409 = arith.mulf %bitcast3A_1404, %bitcast3A_1408 : vector<32xbf16>
        %unpack3A_1410 = tpu.unpack_subelements %mul3A_1409, 0 {pack_format = #tpu.pack_format<interleaved>} : vector<32xbf16> -> vector<16xf32>
        %unpack3A_1411 = tpu.unpack_subelements %mul3A_1409, 1 {pack_format = #tpu.pack_format<interleaved>} : vector<32xbf16> -> vector<16xf32>
        %add3A_1412 = arith.addf %add3A_1399, %unpack3A_1410 : vector<16xf32>
        %add3A_1413 = arith.addf %add3A_1400, %unpack3A_1411 : vector<16xf32>
        %get3A_1414 = arith.index_cast %add3A_1376 : i32 to index
        %get3A_1415 = arith.constant 48 : index
        %get3A_1416 = tpu.vector_load %arg11[%get3A_1414, %get3A_1415] {strides = array<i32>} : memref<80x64xi32, #tpu.memory_space<vmem>>, vector<16xi32>,
        %bitcast3A_1417 = vector.bitcast %get3A_1416 : vector<16xi32> to vector<32xbf16>
        %get3A_1418 = arith.index_cast %add3A_1376 : i32 to index
        %get3A_1419 = arith.constant 48 : index
        %get3A_1420 = tpu.vector_load %arg12[%get3A_1418, %get3A_1419] {strides = array<i32>} : memref<80x64xi32, #tpu.memory_space<vmem>>, vector<16xi32>,
        %bitcast3A_1421 = vector.bitcast %get3A_1420 : vector<16xi32> to vector<32xbf16>
        %mul3A_1422 = arith.mulf %bitcast3A_1417, %bitcast3A_1421 : vector<32xbf16>
        %unpack3A_1423 = tpu.unpack_subelements %mul3A_1422, 0 {pack_format = #tpu.pack_format<interleaved>} : vector<32xbf16> -> vector<16xf32>
        %unpack3A_1424 = tpu.unpack_subelements %mul3A_1422, 1 {pack_format = #tpu.pack_format<interleaved>} : vector<32xbf16> -> vector<16xf32>
        %add3A_1425 = arith.addf %add3A_1412, %unpack3A_1423 : vector<16xf32>
        %add3A_1426 = arith.addf %add3A_1413, %unpack3A_1424 : vector<16xf32>
        %add3A_1427 = arith.addf %add3A_1425, %add3A_1426 : vector<16xf32>
        %swap3A_1428 = arith.index_cast %add3A_1376 : i32 to index
        %swap3A_1429 = arith.constant 0 : index
        %swap3A_1430 = tpu.vector_load %arg13[%swap3A_1428, %swap3A_1429] {strides = array<i32>} : memref<80x16xf32, #tpu.memory_space<vmem>>, vector<16xf32>,
        tpu.vector_store %arg13[%swap3A_1428, %swap3A_1429], %add3A_1427 {strides = array<i32>} : memref<80x16xf32, #tpu.memory_space<vmem>>, vector<16xf32>,
        %mul3A_1431 = arith.constant 8 : i32
        %mul3A_1432 = arith.muli %scan3A_1317, %mul3A_1431 : i32
        %add3A_1433 = arith.constant 2 : i32
        %add3A_1434 = arith.addi %mul3A_1432, %add3A_1433 : i32
        %get3A_1435 = arith.index_cast %add3A_1434 : i32 to index
        %get3A_1436 = arith.constant 0 : index
        %get3A_1437 = tpu.vector_load %arg11[%get3A_1435, %get3A_1436] {strides = array<i32>} : memref<80x64xi32, #tpu.memory_space<vmem>>, vector<16xi32>,
        %bitcast3A_1438 = vector.bitcast %get3A_1437 : vector<16xi32> to vector<32xbf16>
        %get3A_1439 = arith.index_cast %add3A_1434 : i32 to index
        %get3A_1440 = arith.constant 0 : index
        %get3A_1441 = tpu.vector_load %arg12[%get3A_1439, %get3A_1440] {strides = array<i32>} : memref<80x64xi32, #tpu.memory_space<vmem>>, vector<16xi32>,
        %bitcast3A_1442 = vector.bitcast %get3A_1441 : vector<16xi32> to vector<32xbf16>
        %mul3A_1443 = arith.mulf %bitcast3A_1438, %bitcast3A_1442 : vector<32xbf16>
        %unpack3A_1444 = tpu.unpack_subelements %mul3A_1443, 0 {pack_format = #tpu.pack_format<interleaved>} : vector<32xbf16> -> vector<16xf32>
        %unpack3A_1445 = tpu.unpack_subelements %mul3A_1443, 1 {pack_format = #tpu.pack_format<interleaved>} : vector<32xbf16> -> vector<16xf32>
        %get3A_1446 = arith.index_cast %add3A_1434 : i32 to index
        %get3A_1447 = arith.constant 16 : index
        %get3A_1448 = tpu.vector_load %arg11[%get3A_1446, %get3A_1447] {strides = array<i32>} : memref<80x64xi32, #tpu.memory_space<vmem>>, vector<16xi32>,
        %bitcast3A_1449 = vector.bitcast %get3A_1448 : vector<16xi32> to vector<32xbf16>
        %get3A_1450 = arith.index_cast %add3A_1434 : i32 to index
        %get3A_1451 = arith.constant 16 : index
        %get3A_1452 = tpu.vector_load %arg12[%get3A_1450, %get3A_1451] {strides = array<i32>} : memref<80x64xi32, #tpu.memory_space<vmem>>, vector<16xi32>,
        %bitcast3A_1453 = vector.bitcast %get3A_1452 : vector<16xi32> to vector<32xbf16>
        %mul3A_1454 = arith.mulf %bitcast3A_1449, %bitcast3A_1453 : vector<32xbf16>
        %unpack3A_1455 = tpu.unpack_subelements %mul3A_1454, 0 {pack_format = #tpu.pack_format<interleaved>} : vector<32xbf16> -> vector<16xf32>
        %unpack3A_1456 = tpu.unpack_subelements %mul3A_1454, 1 {pack_format = #tpu.pack_format<interleaved>} : vector<32xbf16> -> vector<16xf32>
        %add3A_1457 = arith.addf %unpack3A_1444, %unpack3A_1455 : vector<16xf32>
        %add3A_1458 = arith.addf %unpack3A_1445, %unpack3A_1456 : vector<16xf32>
        %get3A_1459 = arith.index_cast %add3A_1434 : i32 to index
        %get3A_1460 = arith.constant 32 : index
        %get3A_1461 = tpu.vector_load %arg11[%get3A_1459, %get3A_1460] {strides = array<i32>} : memref<80x64xi32, #tpu.memory_space<vmem>>, vector<16xi32>,
        %bitcast3A_1462 = vector.bitcast %get3A_1461 : vector<16xi32> to vector<32xbf16>
        %get3A_1463 = arith.index_cast %add3A_1434 : i32 to index
        %get3A_1464 = arith.constant 32 : index
        %get3A_1465 = tpu.vector_load %arg12[%get3A_1463, %get3A_1464] {strides = array<i32>} : memref<80x64xi32, #tpu.memory_space<vmem>>, vector<16xi32>,
        %bitcast3A_1466 = vector.bitcast %get3A_1465 : vector<16xi32> to vector<32xbf16>
        %mul3A_1467 = arith.mulf %bitcast3A_1462, %bitcast3A_1466 : vector<32xbf16>
        %unpack3A_1468 = tpu.unpack_subelements %mul3A_1467, 0 {pack_format = #tpu.pack_format<interleaved>} : vector<32xbf16> -> vector<16xf32>
        %unpack3A_1469 = tpu.unpack_subelements %mul3A_1467, 1 {pack_format = #tpu.pack_format<interleaved>} : vector<32xbf16> -> vector<16xf32>
        %add3A_1470 = arith.addf %add3A_1457, %unpack3A_1468 : vector<16xf32>
        %add3A_1471 = arith.addf %add3A_1458, %unpack3A_1469 : vector<16xf32>
        %get3A_1472 = arith.index_cast %add3A_1434 : i32 to index
        %get3A_1473 = arith.constant 48 : index
        %get3A_1474 = tpu.vector_load %arg11[%get3A_1472, %get3A_1473] {strides = array<i32>} : memref<80x64xi32, #tpu.memory_space<vmem>>, vector<16xi32>,
        %bitcast3A_1475 = vector.bitcast %get3A_1474 : vector<16xi32> to vector<32xbf16>
        %get3A_1476 = arith.index_cast %add3A_1434 : i32 to index
        %get3A_1477 = arith.constant 48 : index
        %get3A_1478 = tpu.vector_load %arg12[%get3A_1476, %get3A_1477] {strides = array<i32>} : memref<80x64xi32, #tpu.memory_space<vmem>>, vector<16xi32>,
        %bitcast3A_1479 = vector.bitcast %get3A_1478 : vector<16xi32> to vector<32xbf16>
        %mul3A_1480 = arith.mulf %bitcast3A_1475, %bitcast3A_1479 : vector<32xbf16>
        %unpack3A_1481 = tpu.unpack_subelements %mul3A_1480, 0 {pack_format = #tpu.pack_format<interleaved>} : vector<32xbf16> -> vector<16xf32>
        %unpack3A_1482 = tpu.unpack_subelements %mul3A_1480, 1 {pack_format = #tpu.pack_format<interleaved>} : vector<32xbf16> -> vector<16xf32>
        %add3A_1483 = arith.addf %add3A_1470, %unpack3A_1481 : vector<16xf32>
        %add3A_1484 = arith.addf %add3A_1471, %unpack3A_1482 : vector<16xf32>
        %add3A_1485 = arith.addf %add3A_1483, %add3A_1484 : vector<16xf32>
        %swap3A_1486 = arith.index_cast %add3A_1434 : i32 to index
        %swap3A_1487 = arith.constant 0 : index
        %swap3A_1488 = tpu.vector_load %arg13[%swap3A_1486, %swap3A_1487] {strides = array<i32>} : memref<80x16xf32, #tpu.memory_space<vmem>>, vector<16xf32>,
        tpu.vector_store %arg13[%swap3A_1486, %swap3A_1487], %add3A_1485 {strides = array<i32>} : memref<80x16xf32, #tpu.memory_space<vmem>>, vector<16xf32>,
        %mul3A_1489 = arith.constant 8 : i32
        %mul3A_1490 = arith.muli %scan3A_1317, %mul3A_1489 : i32
        %add3A_1491 = arith.constant 3 : i32
        %add3A_1492 = arith.addi %mul3A_1490, %add3A_1491 : i32
        %get3A_1493 = arith.index_cast %add3A_1492 : i32 to index
        %get3A_1494 = arith.constant 0 : index
        %get3A_1495 = tpu.vector_load %arg11[%get3A_1493, %get3A_1494] {strides = array<i32>} : memref<80x64xi32, #tpu.memory_space<vmem>>, vector<16xi32>,
        %bitcast3A_1496 = vector.bitcast %get3A_1495 : vector<16xi32> to vector<32xbf16>
        %get3A_1497 = arith.index_cast %add3A_1492 : i32 to index
        %get3A_1498 = arith.constant 0 : index
        %get3A_1499 = tpu.vector_load %arg12[%get3A_1497, %get3A_1498] {strides = array<i32>} : memref<80x64xi32, #tpu.memory_space<vmem>>, vector<16xi32>,
        %bitcast3A_1500 = vector.bitcast %get3A_1499 : vector<16xi32> to vector<32xbf16>
        %mul3A_1501 = arith.mulf %bitcast3A_1496, %bitcast3A_1500 : vector<32xbf16>
        %unpack3A_1502 = tpu.unpack_subelements %mul3A_1501, 0 {pack_format = #tpu.pack_format<interleaved>} : vector<32xbf16> -> vector<16xf32>
        %unpack3A_1503 = tpu.unpack_subelements %mul3A_1501, 1 {pack_format = #tpu.pack_format<interleaved>} : vector<32xbf16> -> vector<16xf32>
        %get3A_1504 = arith.index_cast %add3A_1492 : i32 to index
        %get3A_1505 = arith.constant 16 : index
        %get3A_1506 = tpu.vector_load %arg11[%get3A_1504, %get3A_1505] {strides = array<i32>} : memref<80x64xi32, #tpu.memory_space<vmem>>, vector<16xi32>,
        %bitcast3A_1507 = vector.bitcast %get3A_1506 : vector<16xi32> to vector<32xbf16>
        %get3A_1508 = arith.index_cast %add3A_1492 : i32 to index
        %get3A_1509 = arith.constant 16 : index
        %get3A_1510 = tpu.vector_load %arg12[%get3A_1508, %get3A_1509] {strides = array<i32>} : memref<80x64xi32, #tpu.memory_space<vmem>>, vector<16xi32>,
        %bitcast3A_1511 = vector.bitcast %get3A_1510 : vector<16xi32> to vector<32xbf16>
        %mul3A_1512 = arith.mulf %bitcast3A_1507, %bitcast3A_1511 : vector<32xbf16>
        %unpack3A_1513 = tpu.unpack_subelements %mul3A_1512, 0 {pack_format = #tpu.pack_format<interleaved>} : vector<32xbf16> -> vector<16xf32>
        %unpack3A_1514 = tpu.unpack_subelements %mul3A_1512, 1 {pack_format = #tpu.pack_format<interleaved>} : vector<32xbf16> -> vector<16xf32>
        %add3A_1515 = arith.addf %unpack3A_1502, %unpack3A_1513 : vector<16xf32>
        %add3A_1516 = arith.addf %unpack3A_1503, %unpack3A_1514 : vector<16xf32>
        %get3A_1517 = arith.index_cast %add3A_1492 : i32 to index
        %get3A_1518 = arith.constant 32 : index
        %get3A_1519 = tpu.vector_load %arg11[%get3A_1517, %get3A_1518] {strides = array<i32>} : memref<80x64xi32, #tpu.memory_space<vmem>>, vector<16xi32>,
        %bitcast3A_1520 = vector.bitcast %get3A_1519 : vector<16xi32> to vector<32xbf16>
        %get3A_1521 = arith.index_cast %add3A_1492 : i32 to index
        %get3A_1522 = arith.constant 32 : index
        %get3A_1523 = tpu.vector_load %arg12[%get3A_1521, %get3A_1522] {strides = array<i32>} : memref<80x64xi32, #tpu.memory_space<vmem>>, vector<16xi32>,
        %bitcast3A_1524 = vector.bitcast %get3A_1523 : vector<16xi32> to vector<32xbf16>
        %mul3A_1525 = arith.mulf %bitcast3A_1520, %bitcast3A_1524 : vector<32xbf16>
        %unpack3A_1526 = tpu.unpack_subelements %mul3A_1525, 0 {pack_format = #tpu.pack_format<interleaved>} : vector<32xbf16> -> vector<16xf32>
        %unpack3A_1527 = tpu.unpack_subelements %mul3A_1525, 1 {pack_format = #tpu.pack_format<interleaved>} : vector<32xbf16> -> vector<16xf32>
        %add3A_1528 = arith.addf %add3A_1515, %unpack3A_1526 : vector<16xf32>
        %add3A_1529 = arith.addf %add3A_1516, %unpack3A_1527 : vector<16xf32>
        %get3A_1530 = arith.index_cast %add3A_1492 : i32 to index
        %get3A_1531 = arith.constant 48 : index
        %get3A_1532 = tpu.vector_load %arg11[%get3A_1530, %get3A_1531] {strides = array<i32>} : memref<80x64xi32, #tpu.memory_space<vmem>>, vector<16xi32>,
        %bitcast3A_1533 = vector.bitcast %get3A_1532 : vector<16xi32> to vector<32xbf16>
        %get3A_1534 = arith.index_cast %add3A_1492 : i32 to index
        %get3A_1535 = arith.constant 48 : index
        %get3A_1536 = tpu.vector_load %arg12[%get3A_1534, %get3A_1535] {strides = array<i32>} : memref<80x64xi32, #tpu.memory_space<vmem>>, vector<16xi32>,
        %bitcast3A_1537 = vector.bitcast %get3A_1536 : vector<16xi32> to vector<32xbf16>
        %mul3A_1538 = arith.mulf %bitcast3A_1533, %bitcast3A_1537 : vector<32xbf16>
        %unpack3A_1539 = tpu.unpack_subelements %mul3A_1538, 0 {pack_format = #tpu.pack_format<interleaved>} : vector<32xbf16> -> vector<16xf32>
        %unpack3A_1540 = tpu.unpack_subelements %mul3A_1538, 1 {pack_format = #tpu.pack_format<interleaved>} : vector<32xbf16> -> vector<16xf32>
        %add3A_1541 = arith.addf %add3A_1528, %unpack3A_1539 : vector<16xf32>
        %add3A_1542 = arith.addf %add3A_1529, %unpack3A_1540 : vector<16xf32>
        %add3A_1543 = arith.addf %add3A_1541, %add3A_1542 : vector<16xf32>
        %swap3A_1544 = arith.index_cast %add3A_1492 : i32 to index
        %swap3A_1545 = arith.constant 0 : index
        %swap3A_1546 = tpu.vector_load %arg13[%swap3A_1544, %swap3A_1545] {strides = array<i32>} : memref<80x16xf32, #tpu.memory_space<vmem>>, vector<16xf32>,
        tpu.vector_store %arg13[%swap3A_1544, %swap3A_1545], %add3A_1543 {strides = array<i32>} : memref<80x16xf32, #tpu.memory_space<vmem>>, vector<16xf32>,
        %mul3A_1547 = arith.constant 8 : i32
        %mul3A_1548 = arith.muli %scan3A_1317, %mul3A_1547 : i32
        %add3A_1549 = arith.constant 4 : i32
        %add3A_1550 = arith.addi %mul3A_1548, %add3A_1549 : i32
        %get3A_1551 = arith.index_cast %add3A_1550 : i32 to index
        %get3A_1552 = arith.constant 0 : index
        %get3A_1553 = tpu.vector_load %arg11[%get3A_1551, %get3A_1552] {strides = array<i32>} : memref<80x64xi32, #tpu.memory_space<vmem>>, vector<16xi32>,
        %bitcast3A_1554 = vector.bitcast %get3A_1553 : vector<16xi32> to vector<32xbf16>
        %get3A_1555 = arith.index_cast %add3A_1550 : i32 to index
        %get3A_1556 = arith.constant 0 : index
        %get3A_1557 = tpu.vector_load %arg12[%get3A_1555, %get3A_1556] {strides = array<i32>} : memref<80x64xi32, #tpu.memory_space<vmem>>, vector<16xi32>,
        %bitcast3A_1558 = vector.bitcast %get3A_1557 : vector<16xi32> to vector<32xbf16>
        %mul3A_1559 = arith.mulf %bitcast3A_1554, %bitcast3A_1558 : vector<32xbf16>
        %unpack3A_1560 = tpu.unpack_subelements %mul3A_1559, 0 {pack_format = #tpu.pack_format<interleaved>} : vector<32xbf16> -> vector<16xf32>
        %unpack3A_1561 = tpu.unpack_subelements %mul3A_1559, 1 {pack_format = #tpu.pack_format<interleaved>} : vector<32xbf16> -> vector<16xf32>
        %get3A_1562 = arith.index_cast %add3A_1550 : i32 to index
        %get3A_1563 = arith.constant 16 : index
        %get3A_1564 = tpu.vector_load %arg11[%get3A_1562, %get3A_1563] {strides = array<i32>} : memref<80x64xi32, #tpu.memory_space<vmem>>, vector<16xi32>,
        %bitcast3A_1565 = vector.bitcast %get3A_1564 : vector<16xi32> to vector<32xbf16>
        %get3A_1566 = arith.index_cast %add3A_1550 : i32 to index
        %get3A_1567 = arith.constant 16 : index
        %get3A_1568 = tpu.vector_load %arg12[%get3A_1566, %get3A_1567] {strides = array<i32>} : memref<80x64xi32, #tpu.memory_space<vmem>>, vector<16xi32>,
        %bitcast3A_1569 = vector.bitcast %get3A_1568 : vector<16xi32> to vector<32xbf16>
        %mul3A_1570 = arith.mulf %bitcast3A_1565, %bitcast3A_1569 : vector<32xbf16>
        %unpack3A_1571 = tpu.unpack_subelements %mul3A_1570, 0 {pack_format = #tpu.pack_format<interleaved>} : vector<32xbf16> -> vector<16xf32>
        %unpack3A_1572 = tpu.unpack_subelements %mul3A_1570, 1 {pack_format = #tpu.pack_format<interleaved>} : vector<32xbf16> -> vector<16xf32>
        %add3A_1573 = arith.addf %unpack3A_1560, %unpack3A_1571 : vector<16xf32>
        %add3A_1574 = arith.addf %unpack3A_1561, %unpack3A_1572 : vector<16xf32>
        %get3A_1575 = arith.index_cast %add3A_1550 : i32 to index
        %get3A_1576 = arith.constant 32 : index
        %get3A_1577 = tpu.vector_load %arg11[%get3A_1575, %get3A_1576] {strides = array<i32>} : memref<80x64xi32, #tpu.memory_space<vmem>>, vector<16xi32>,
        %bitcast3A_1578 = vector.bitcast %get3A_1577 : vector<16xi32> to vector<32xbf16>
        %get3A_1579 = arith.index_cast %add3A_1550 : i32 to index
        %get3A_1580 = arith.constant 32 : index
        %get3A_1581 = tpu.vector_load %arg12[%get3A_1579, %get3A_1580] {strides = array<i32>} : memref<80x64xi32, #tpu.memory_space<vmem>>, vector<16xi32>,
        %bitcast3A_1582 = vector.bitcast %get3A_1581 : vector<16xi32> to vector<32xbf16>
        %mul3A_1583 = arith.mulf %bitcast3A_1578, %bitcast3A_1582 : vector<32xbf16>
        %unpack3A_1584 = tpu.unpack_subelements %mul3A_1583, 0 {pack_format = #tpu.pack_format<interleaved>} : vector<32xbf16> -> vector<16xf32>
        %unpack3A_1585 = tpu.unpack_subelements %mul3A_1583, 1 {pack_format = #tpu.pack_format<interleaved>} : vector<32xbf16> -> vector<16xf32>
        %add3A_1586 = arith.addf %add3A_1573, %unpack3A_1584 : vector<16xf32>
        %add3A_1587 = arith.addf %add3A_1574, %unpack3A_1585 : vector<16xf32>
        %get3A_1588 = arith.index_cast %add3A_1550 : i32 to index
        %get3A_1589 = arith.constant 48 : index
        %get3A_1590 = tpu.vector_load %arg11[%get3A_1588, %get3A_1589] {strides = array<i32>} : memref<80x64xi32, #tpu.memory_space<vmem>>, vector<16xi32>,
        %bitcast3A_1591 = vector.bitcast %get3A_1590 : vector<16xi32> to vector<32xbf16>
        %get3A_1592 = arith.index_cast %add3A_1550 : i32 to index
        %get3A_1593 = arith.constant 48 : index
        %get3A_1594 = tpu.vector_load %arg12[%get3A_1592, %get3A_1593] {strides = array<i32>} : memref<80x64xi32, #tpu.memory_space<vmem>>, vector<16xi32>,
        %bitcast3A_1595 = vector.bitcast %get3A_1594 : vector<16xi32> to vector<32xbf16>
        %mul3A_1596 = arith.mulf %bitcast3A_1591, %bitcast3A_1595 : vector<32xbf16>
        %unpack3A_1597 = tpu.unpack_subelements %mul3A_1596, 0 {pack_format = #tpu.pack_format<interleaved>} : vector<32xbf16> -> vector<16xf32>
        %unpack3A_1598 = tpu.unpack_subelements %mul3A_1596, 1 {pack_format = #tpu.pack_format<interleaved>} : vector<32xbf16> -> vector<16xf32>
        %add3A_1599 = arith.addf %add3A_1586, %unpack3A_1597 : vector<16xf32>
        %add3A_1600 = arith.addf %add3A_1587, %unpack3A_1598 : vector<16xf32>
        %add3A_1601 = arith.addf %add3A_1599, %add3A_1600 : vector<16xf32>
        %swap3A_1602 = arith.index_cast %add3A_1550 : i32 to index
        %swap3A_1603 = arith.constant 0 : index
        %swap3A_1604 = tpu.vector_load %arg13[%swap3A_1602, %swap3A_1603] {strides = array<i32>} : memref<80x16xf32, #tpu.memory_space<vmem>>, vector<16xf32>,
        tpu.vector_store %arg13[%swap3A_1602, %swap3A_1603], %add3A_1601 {strides = array<i32>} : memref<80x16xf32, #tpu.memory_space<vmem>>, vector<16xf32>,
        %mul3A_1605 = arith.constant 8 : i32
        %mul3A_1606 = arith.muli %scan3A_1317, %mul3A_1605 : i32
        %add3A_1607 = arith.constant 5 : i32
        %add3A_1608 = arith.addi %mul3A_1606, %add3A_1607 : i32
        %get3A_1609 = arith.index_cast %add3A_1608 : i32 to index
        %get3A_1610 = arith.constant 0 : index
        %get3A_1611 = tpu.vector_load %arg11[%get3A_1609, %get3A_1610] {strides = array<i32>} : memref<80x64xi32, #tpu.memory_space<vmem>>, vector<16xi32>,
        %bitcast3A_1612 = vector.bitcast %get3A_1611 : vector<16xi32> to vector<32xbf16>
        %get3A_1613 = arith.index_cast %add3A_1608 : i32 to index
        %get3A_1614 = arith.constant 0 : index
        %get3A_1615 = tpu.vector_load %arg12[%get3A_1613, %get3A_1614] {strides = array<i32>} : memref<80x64xi32, #tpu.memory_space<vmem>>, vector<16xi32>,
        %bitcast3A_1616 = vector.bitcast %get3A_1615 : vector<16xi32> to vector<32xbf16>
        %mul3A_1617 = arith.mulf %bitcast3A_1612, %bitcast3A_1616 : vector<32xbf16>
        %unpack3A_1618 = tpu.unpack_subelements %mul3A_1617, 0 {pack_format = #tpu.pack_format<interleaved>} : vector<32xbf16> -> vector<16xf32>
        %unpack3A_1619 = tpu.unpack_subelements %mul3A_1617, 1 {pack_format = #tpu.pack_format<interleaved>} : vector<32xbf16> -> vector<16xf32>
        %get3A_1620 = arith.index_cast %add3A_1608 : i32 to index
        %get3A_1621 = arith.constant 16 : index
        %get3A_1622 = tpu.vector_load %arg11[%get3A_1620, %get3A_1621] {strides = array<i32>} : memref<80x64xi32, #tpu.memory_space<vmem>>, vector<16xi32>,
        %bitcast3A_1623 = vector.bitcast %get3A_1622 : vector<16xi32> to vector<32xbf16>
        %get3A_1624 = arith.index_cast %add3A_1608 : i32 to index
        %get3A_1625 = arith.constant 16 : index
        %get3A_1626 = tpu.vector_load %arg12[%get3A_1624, %get3A_1625] {strides = array<i32>} : memref<80x64xi32, #tpu.memory_space<vmem>>, vector<16xi32>,
        %bitcast3A_1627 = vector.bitcast %get3A_1626 : vector<16xi32> to vector<32xbf16>
        %mul3A_1628 = arith.mulf %bitcast3A_1623, %bitcast3A_1627 : vector<32xbf16>
        %unpack3A_1629 = tpu.unpack_subelements %mul3A_1628, 0 {pack_format = #tpu.pack_format<interleaved>} : vector<32xbf16> -> vector<16xf32>
        %unpack3A_1630 = tpu.unpack_subelements %mul3A_1628, 1 {pack_format = #tpu.pack_format<interleaved>} : vector<32xbf16> -> vector<16xf32>
        %add3A_1631 = arith.addf %unpack3A_1618, %unpack3A_1629 : vector<16xf32>
        %add3A_1632 = arith.addf %unpack3A_1619, %unpack3A_1630 : vector<16xf32>
        %get3A_1633 = arith.index_cast %add3A_1608 : i32 to index
        %get3A_1634 = arith.constant 32 : index
        %get3A_1635 = tpu.vector_load %arg11[%get3A_1633, %get3A_1634] {strides = array<i32>} : memref<80x64xi32, #tpu.memory_space<vmem>>, vector<16xi32>,
        %bitcast3A_1636 = vector.bitcast %get3A_1635 : vector<16xi32> to vector<32xbf16>
        %get3A_1637 = arith.index_cast %add3A_1608 : i32 to index
        %get3A_1638 = arith.constant 32 : index
        %get3A_1639 = tpu.vector_load %arg12[%get3A_1637, %get3A_1638] {strides = array<i32>} : memref<80x64xi32, #tpu.memory_space<vmem>>, vector<16xi32>,
        %bitcast3A_1640 = vector.bitcast %get3A_1639 : vector<16xi32> to vector<32xbf16>
        %mul3A_1641 = arith.mulf %bitcast3A_1636, %bitcast3A_1640 : vector<32xbf16>
        %unpack3A_1642 = tpu.unpack_subelements %mul3A_1641, 0 {pack_format = #tpu.pack_format<interleaved>} : vector<32xbf16> -> vector<16xf32>
        %unpack3A_1643 = tpu.unpack_subelements %mul3A_1641, 1 {pack_format = #tpu.pack_format<interleaved>} : vector<32xbf16> -> vector<16xf32>
        %add3A_1644 = arith.addf %add3A_1631, %unpack3A_1642 : vector<16xf32>
        %add3A_1645 = arith.addf %add3A_1632, %unpack3A_1643 : vector<16xf32>
        %get3A_1646 = arith.index_cast %add3A_1608 : i32 to index
        %get3A_1647 = arith.constant 48 : index
        %get3A_1648 = tpu.vector_load %arg11[%get3A_1646, %get3A_1647] {strides = array<i32>} : memref<80x64xi32, #tpu.memory_space<vmem>>, vector<16xi32>,
        %bitcast3A_1649 = vector.bitcast %get3A_1648 : vector<16xi32> to vector<32xbf16>
        %get3A_1650 = arith.index_cast %add3A_1608 : i32 to index
        %get3A_1651 = arith.constant 48 : index
        %get3A_1652 = tpu.vector_load %arg12[%get3A_1650, %get3A_1651] {strides = array<i32>} : memref<80x64xi32, #tpu.memory_space<vmem>>, vector<16xi32>,
        %bitcast3A_1653 = vector.bitcast %get3A_1652 : vector<16xi32> to vector<32xbf16>
        %mul3A_1654 = arith.mulf %bitcast3A_1649, %bitcast3A_1653 : vector<32xbf16>
        %unpack3A_1655 = tpu.unpack_subelements %mul3A_1654, 0 {pack_format = #tpu.pack_format<interleaved>} : vector<32xbf16> -> vector<16xf32>
        %unpack3A_1656 = tpu.unpack_subelements %mul3A_1654, 1 {pack_format = #tpu.pack_format<interleaved>} : vector<32xbf16> -> vector<16xf32>
        %add3A_1657 = arith.addf %add3A_1644, %unpack3A_1655 : vector<16xf32>
        %add3A_1658 = arith.addf %add3A_1645, %unpack3A_1656 : vector<16xf32>
        %add3A_1659 = arith.addf %add3A_1657, %add3A_1658 : vector<16xf32>
        %swap3A_1660 = arith.index_cast %add3A_1608 : i32 to index
        %swap3A_1661 = arith.constant 0 : index
        %swap3A_1662 = tpu.vector_load %arg13[%swap3A_1660, %swap3A_1661] {strides = array<i32>} : memref<80x16xf32, #tpu.memory_space<vmem>>, vector<16xf32>,
        tpu.vector_store %arg13[%swap3A_1660, %swap3A_1661], %add3A_1659 {strides = array<i32>} : memref<80x16xf32, #tpu.memory_space<vmem>>, vector<16xf32>,
        %mul3A_1663 = arith.constant 8 : i32
        %mul3A_1664 = arith.muli %scan3A_1317, %mul3A_1663 : i32
        %add3A_1665 = arith.constant 6 : i32
        %add3A_1666 = arith.addi %mul3A_1664, %add3A_1665 : i32
        %get3A_1667 = arith.index_cast %add3A_1666 : i32 to index
        %get3A_1668 = arith.constant 0 : index
        %get3A_1669 = tpu.vector_load %arg11[%get3A_1667, %get3A_1668] {strides = array<i32>} : memref<80x64xi32, #tpu.memory_space<vmem>>, vector<16xi32>,
        %bitcast3A_1670 = vector.bitcast %get3A_1669 : vector<16xi32> to vector<32xbf16>
        %get3A_1671 = arith.index_cast %add3A_1666 : i32 to index
        %get3A_1672 = arith.constant 0 : index
        %get3A_1673 = tpu.vector_load %arg12[%get3A_1671, %get3A_1672] {strides = array<i32>} : memref<80x64xi32, #tpu.memory_space<vmem>>, vector<16xi32>,
        %bitcast3A_1674 = vector.bitcast %get3A_1673 : vector<16xi32> to vector<32xbf16>
        %mul3A_1675 = arith.mulf %bitcast3A_1670, %bitcast3A_1674 : vector<32xbf16>
        %unpack3A_1676 = tpu.unpack_subelements %mul3A_1675, 0 {pack_format = #tpu.pack_format<interleaved>} : vector<32xbf16> -> vector<16xf32>
        %unpack3A_1677 = tpu.unpack_subelements %mul3A_1675, 1 {pack_format = #tpu.pack_format<interleaved>} : vector<32xbf16> -> vector<16xf32>
        %get3A_1678 = arith.index_cast %add3A_1666 : i32 to index
        %get3A_1679 = arith.constant 16 : index
        %get3A_1680 = tpu.vector_load %arg11[%get3A_1678, %get3A_1679] {strides = array<i32>} : memref<80x64xi32, #tpu.memory_space<vmem>>, vector<16xi32>,
        %bitcast3A_1681 = vector.bitcast %get3A_1680 : vector<16xi32> to vector<32xbf16>
        %get3A_1682 = arith.index_cast %add3A_1666 : i32 to index
        %get3A_1683 = arith.constant 16 : index
        %get3A_1684 = tpu.vector_load %arg12[%get3A_1682, %get3A_1683] {strides = array<i32>} : memref<80x64xi32, #tpu.memory_space<vmem>>, vector<16xi32>,
        %bitcast3A_1685 = vector.bitcast %get3A_1684 : vector<16xi32> to vector<32xbf16>
        %mul3A_1686 = arith.mulf %bitcast3A_1681, %bitcast3A_1685 : vector<32xbf16>
        %unpack3A_1687 = tpu.unpack_subelements %mul3A_1686, 0 {pack_format = #tpu.pack_format<interleaved>} : vector<32xbf16> -> vector<16xf32>
        %unpack3A_1688 = tpu.unpack_subelements %mul3A_1686, 1 {pack_format = #tpu.pack_format<interleaved>} : vector<32xbf16> -> vector<16xf32>
        %add3A_1689 = arith.addf %unpack3A_1676, %unpack3A_1687 : vector<16xf32>
        %add3A_1690 = arith.addf %unpack3A_1677, %unpack3A_1688 : vector<16xf32>
        %get3A_1691 = arith.index_cast %add3A_1666 : i32 to index
        %get3A_1692 = arith.constant 32 : index
        %get3A_1693 = tpu.vector_load %arg11[%get3A_1691, %get3A_1692] {strides = array<i32>} : memref<80x64xi32, #tpu.memory_space<vmem>>, vector<16xi32>,
        %bitcast3A_1694 = vector.bitcast %get3A_1693 : vector<16xi32> to vector<32xbf16>
        %get3A_1695 = arith.index_cast %add3A_1666 : i32 to index
        %get3A_1696 = arith.constant 32 : index
        %get3A_1697 = tpu.vector_load %arg12[%get3A_1695, %get3A_1696] {strides = array<i32>} : memref<80x64xi32, #tpu.memory_space<vmem>>, vector<16xi32>,
        %bitcast3A_1698 = vector.bitcast %get3A_1697 : vector<16xi32> to vector<32xbf16>
        %mul3A_1699 = arith.mulf %bitcast3A_1694, %bitcast3A_1698 : vector<32xbf16>
        %unpack3A_1700 = tpu.unpack_subelements %mul3A_1699, 0 {pack_format = #tpu.pack_format<interleaved>} : vector<32xbf16> -> vector<16xf32>
        %unpack3A_1701 = tpu.unpack_subelements %mul3A_1699, 1 {pack_format = #tpu.pack_format<interleaved>} : vector<32xbf16> -> vector<16xf32>
        %add3A_1702 = arith.addf %add3A_1689, %unpack3A_1700 : vector<16xf32>
        %add3A_1703 = arith.addf %add3A_1690, %unpack3A_1701 : vector<16xf32>
        %get3A_1704 = arith.index_cast %add3A_1666 : i32 to index
        %get3A_1705 = arith.constant 48 : index
        %get3A_1706 = tpu.vector_load %arg11[%get3A_1704, %get3A_1705] {strides = array<i32>} : memref<80x64xi32, #tpu.memory_space<vmem>>, vector<16xi32>,
        %bitcast3A_1707 = vector.bitcast %get3A_1706 : vector<16xi32> to vector<32xbf16>
        %get3A_1708 = arith.index_cast %add3A_1666 : i32 to index
        %get3A_1709 = arith.constant 48 : index
        %get3A_1710 = tpu.vector_load %arg12[%get3A_1708, %get3A_1709] {strides = array<i32>} : memref<80x64xi32, #tpu.memory_space<vmem>>, vector<16xi32>,
        %bitcast3A_1711 = vector.bitcast %get3A_1710 : vector<16xi32> to vector<32xbf16>
        %mul3A_1712 = arith.mulf %bitcast3A_1707, %bitcast3A_1711 : vector<32xbf16>
        %unpack3A_1713 = tpu.unpack_subelements %mul3A_1712, 0 {pack_format = #tpu.pack_format<interleaved>} : vector<32xbf16> -> vector<16xf32>
        %unpack3A_1714 = tpu.unpack_subelements %mul3A_1712, 1 {pack_format = #tpu.pack_format<interleaved>} : vector<32xbf16> -> vector<16xf32>
        %add3A_1715 = arith.addf %add3A_1702, %unpack3A_1713 : vector<16xf32>
        %add3A_1716 = arith.addf %add3A_1703, %unpack3A_1714 : vector<16xf32>
        %add3A_1717 = arith.addf %add3A_1715, %add3A_1716 : vector<16xf32>
        %swap3A_1718 = arith.index_cast %add3A_1666 : i32 to index
        %swap3A_1719 = arith.constant 0 : index
        %swap3A_1720 = tpu.vector_load %arg13[%swap3A_1718, %swap3A_1719] {strides = array<i32>} : memref<80x16xf32, #tpu.memory_space<vmem>>, vector<16xf32>,
        tpu.vector_store %arg13[%swap3A_1718, %swap3A_1719], %add3A_1717 {strides = array<i32>} : memref<80x16xf32, #tpu.memory_space<vmem>>, vector<16xf32>,
        %mul3A_1721 = arith.constant 8 : i32
        %mul3A_1722 = arith.muli %scan3A_1317, %mul3A_1721 : i32
        %add3A_1723 = arith.constant 7 : i32
        %add3A_1724 = arith.addi %mul3A_1722, %add3A_1723 : i32
        %get3A_1725 = arith.index_cast %add3A_1724 : i32 to index
        %get3A_1726 = arith.constant 0 : index
        %get3A_1727 = tpu.vector_load %arg11[%get3A_1725, %get3A_1726] {strides = array<i32>} : memref<80x64xi32, #tpu.memory_space<vmem>>, vector<16xi32>,
        %bitcast3A_1728 = vector.bitcast %get3A_1727 : vector<16xi32> to vector<32xbf16>
        %get3A_1729 = arith.index_cast %add3A_1724 : i32 to index
        %get3A_1730 = arith.constant 0 : index
        %get3A_1731 = tpu.vector_load %arg12[%get3A_1729, %get3A_1730] {strides = array<i32>} : memref<80x64xi32, #tpu.memory_space<vmem>>, vector<16xi32>,
        %bitcast3A_1732 = vector.bitcast %get3A_1731 : vector<16xi32> to vector<32xbf16>
        %mul3A_1733 = arith.mulf %bitcast3A_1728, %bitcast3A_1732 : vector<32xbf16>
        %unpack3A_1734 = tpu.unpack_subelements %mul3A_1733, 0 {pack_format = #tpu.pack_format<interleaved>} : vector<32xbf16> -> vector<16xf32>
        %unpack3A_1735 = tpu.unpack_subelements %mul3A_1733, 1 {pack_format = #tpu.pack_format<interleaved>} : vector<32xbf16> -> vector<16xf32>
        %get3A_1736 = arith.index_cast %add3A_1724 : i32 to index
        %get3A_1737 = arith.constant 16 : index
        %get3A_1738 = tpu.vector_load %arg11[%get3A_1736, %get3A_1737] {strides = array<i32>} : memref<80x64xi32, #tpu.memory_space<vmem>>, vector<16xi32>,
        %bitcast3A_1739 = vector.bitcast %get3A_1738 : vector<16xi32> to vector<32xbf16>
        %get3A_1740 = arith.index_cast %add3A_1724 : i32 to index
        %get3A_1741 = arith.constant 16 : index
        %get3A_1742 = tpu.vector_load %arg12[%get3A_1740, %get3A_1741] {strides = array<i32>} : memref<80x64xi32, #tpu.memory_space<vmem>>, vector<16xi32>,
        %bitcast3A_1743 = vector.bitcast %get3A_1742 : vector<16xi32> to vector<32xbf16>
        %mul3A_1744 = arith.mulf %bitcast3A_1739, %bitcast3A_1743 : vector<32xbf16>
        %unpack3A_1745 = tpu.unpack_subelements %mul3A_1744, 0 {pack_format = #tpu.pack_format<interleaved>} : vector<32xbf16> -> vector<16xf32>
        %unpack3A_1746 = tpu.unpack_subelements %mul3A_1744, 1 {pack_format = #tpu.pack_format<interleaved>} : vector<32xbf16> -> vector<16xf32>
        %add3A_1747 = arith.addf %unpack3A_1734, %unpack3A_1745 : vector<16xf32>
        %add3A_1748 = arith.addf %unpack3A_1735, %unpack3A_1746 : vector<16xf32>
        %get3A_1749 = arith.index_cast %add3A_1724 : i32 to index
        %get3A_1750 = arith.constant 32 : index
        %get3A_1751 = tpu.vector_load %arg11[%get3A_1749, %get3A_1750] {strides = array<i32>} : memref<80x64xi32, #tpu.memory_space<vmem>>, vector<16xi32>,
        %bitcast3A_1752 = vector.bitcast %get3A_1751 : vector<16xi32> to vector<32xbf16>
        %get3A_1753 = arith.index_cast %add3A_1724 : i32 to index
        %get3A_1754 = arith.constant 32 : index
        %get3A_1755 = tpu.vector_load %arg12[%get3A_1753, %get3A_1754] {strides = array<i32>} : memref<80x64xi32, #tpu.memory_space<vmem>>, vector<16xi32>,
        %bitcast3A_1756 = vector.bitcast %get3A_1755 : vector<16xi32> to vector<32xbf16>
        %mul3A_1757 = arith.mulf %bitcast3A_1752, %bitcast3A_1756 : vector<32xbf16>
        %unpack3A_1758 = tpu.unpack_subelements %mul3A_1757, 0 {pack_format = #tpu.pack_format<interleaved>} : vector<32xbf16> -> vector<16xf32>
        %unpack3A_1759 = tpu.unpack_subelements %mul3A_1757, 1 {pack_format = #tpu.pack_format<interleaved>} : vector<32xbf16> -> vector<16xf32>
        %add3A_1760 = arith.addf %add3A_1747, %unpack3A_1758 : vector<16xf32>
        %add3A_1761 = arith.addf %add3A_1748, %unpack3A_1759 : vector<16xf32>
        %get3A_1762 = arith.index_cast %add3A_1724 : i32 to index
        %get3A_1763 = arith.constant 48 : index
        %get3A_1764 = tpu.vector_load %arg11[%get3A_1762, %get3A_1763] {strides = array<i32>} : memref<80x64xi32, #tpu.memory_space<vmem>>, vector<16xi32>,
        %bitcast3A_1765 = vector.bitcast %get3A_1764 : vector<16xi32> to vector<32xbf16>
        %get3A_1766 = arith.index_cast %add3A_1724 : i32 to index
        %get3A_1767 = arith.constant 48 : index
        %get3A_1768 = tpu.vector_load %arg12[%get3A_1766, %get3A_1767] {strides = array<i32>} : memref<80x64xi32, #tpu.memory_space<vmem>>, vector<16xi32>,
        %bitcast3A_1769 = vector.bitcast %get3A_1768 : vector<16xi32> to vector<32xbf16>
        %mul3A_1770 = arith.mulf %bitcast3A_1765, %bitcast3A_1769 : vector<32xbf16>
        %unpack3A_1771 = tpu.unpack_subelements %mul3A_1770, 0 {pack_format = #tpu.pack_format<interleaved>} : vector<32xbf16> -> vector<16xf32>
        %unpack3A_1772 = tpu.unpack_subelements %mul3A_1770, 1 {pack_format = #tpu.pack_format<interleaved>} : vector<32xbf16> -> vector<16xf32>
        %add3A_1773 = arith.addf %add3A_1760, %unpack3A_1771 : vector<16xf32>
        %add3A_1774 = arith.addf %add3A_1761, %unpack3A_1772 : vector<16xf32>
        %add3A_1775 = arith.addf %add3A_1773, %add3A_1774 : vector<16xf32>
        %swap3A_1776 = arith.index_cast %add3A_1724 : i32 to index
        %swap3A_1777 = arith.constant 0 : index
        %swap3A_1778 = tpu.vector_load %arg13[%swap3A_1776, %swap3A_1777] {strides = array<i32>} : memref<80x16xf32, #tpu.memory_space<vmem>>, vector<16xf32>,
        tpu.vector_store %arg13[%swap3A_1776, %swap3A_1777], %add3A_1775 {strides = array<i32>} : memref<80x16xf32, #tpu.memory_space<vmem>>, vector<16xf32>,
      }
      %scan3A_906 = arith.constant 10 : i32
      %add3A_907 = arith.constant 0 : i32
      %add3A_908 = vector.broadcast %add3A_907 : i32 to vector<16xi32>
      %add3A_909 = arith.addi %add3A_908, %iota3A : vector<16xi32>
      %broadcast_in_dim3A_910 = arith.constant 0 : i32
      %broadcast_in_dim3A_911 = vector.broadcast %broadcast_in_dim3A_910 : i32 to vector<16xi32>
      %gather3A_912 = tpu.vector_load_idx %arg13[%add3A_909, %broadcast_in_dim3A_911] : memref<80x16xf32, #tpu.memory_space<vmem>>[vector<16xi32>, vector<16xi32>], vector<16xf32>,
      %broadcast_in_dim3A_913 = arith.constant 1 : i32
      %broadcast_in_dim3A_914 = vector.broadcast %broadcast_in_dim3A_913 : i32 to vector<16xi32>
      %gather3A_915 = tpu.vector_load_idx %arg13[%add3A_909, %broadcast_in_dim3A_914] : memref<80x16xf32, #tpu.memory_space<vmem>>[vector<16xi32>, vector<16xi32>], vector<16xf32>,
      %broadcast_in_dim3A_916 = arith.constant 2 : i32
      %broadcast_in_dim3A_917 = vector.broadcast %broadcast_in_dim3A_916 : i32 to vector<16xi32>
      %gather3A_918 = tpu.vector_load_idx %arg13[%add3A_909, %broadcast_in_dim3A_917] : memref<80x16xf32, #tpu.memory_space<vmem>>[vector<16xi32>, vector<16xi32>], vector<16xf32>,
      %add3A_919 = arith.addf %gather3A_912, %gather3A_918 : vector<16xf32>
      %broadcast_in_dim3A_920 = arith.constant 3 : i32
      %broadcast_in_dim3A_921 = vector.broadcast %broadcast_in_dim3A_920 : i32 to vector<16xi32>
      %gather3A_922 = tpu.vector_load_idx %arg13[%add3A_909, %broadcast_in_dim3A_921] : memref<80x16xf32, #tpu.memory_space<vmem>>[vector<16xi32>, vector<16xi32>], vector<16xf32>,
      %add3A_923 = arith.addf %gather3A_915, %gather3A_922 : vector<16xf32>
      %broadcast_in_dim3A_924 = arith.constant 4 : i32
      %broadcast_in_dim3A_925 = vector.broadcast %broadcast_in_dim3A_924 : i32 to vector<16xi32>
      %gather3A_926 = tpu.vector_load_idx %arg13[%add3A_909, %broadcast_in_dim3A_925] : memref<80x16xf32, #tpu.memory_space<vmem>>[vector<16xi32>, vector<16xi32>], vector<16xf32>,
      %add3A_927 = arith.addf %add3A_919, %gather3A_926 : vector<16xf32>
      %broadcast_in_dim3A_928 = arith.constant 5 : i32
      %broadcast_in_dim3A_929 = vector.broadcast %broadcast_in_dim3A_928 : i32 to vector<16xi32>
      %gather3A_930 = tpu.vector_load_idx %arg13[%add3A_909, %broadcast_in_dim3A_929] : memref<80x16xf32, #tpu.memory_space<vmem>>[vector<16xi32>, vector<16xi32>], vector<16xf32>,
      %add3A_931 = arith.addf %add3A_923, %gather3A_930 : vector<16xf32>
      %broadcast_in_dim3A_932 = arith.constant 6 : i32
      %broadcast_in_dim3A_933 = vector.broadcast %broadcast_in_dim3A_932 : i32 to vector<16xi32>
      %gather3A_934 = tpu.vector_load_idx %arg13[%add3A_909, %broadcast_in_dim3A_933] : memref<80x16xf32, #tpu.memory_space<vmem>>[vector<16xi32>, vector<16xi32>], vector<16xf32>,
      %add3A_935 = arith.addf %add3A_927, %gather3A_934 : vector<16xf32>
      %broadcast_in_dim3A_936 = arith.constant 7 : i32
      %broadcast_in_dim3A_937 = vector.broadcast %broadcast_in_dim3A_936 : i32 to vector<16xi32>
      %gather3A_938 = tpu.vector_load_idx %arg13[%add3A_909, %broadcast_in_dim3A_937] : memref<80x16xf32, #tpu.memory_space<vmem>>[vector<16xi32>, vector<16xi32>], vector<16xf32>,
      %add3A_939 = arith.addf %add3A_931, %gather3A_938 : vector<16xf32>
      %broadcast_in_dim3A_940 = arith.constant 8 : i32
      %broadcast_in_dim3A_941 = vector.broadcast %broadcast_in_dim3A_940 : i32 to vector<16xi32>
      %gather3A_942 = tpu.vector_load_idx %arg13[%add3A_909, %broadcast_in_dim3A_941] : memref<80x16xf32, #tpu.memory_space<vmem>>[vector<16xi32>, vector<16xi32>], vector<16xf32>,
      %add3A_943 = arith.addf %add3A_935, %gather3A_942 : vector<16xf32>
      %broadcast_in_dim3A_944 = arith.constant 9 : i32
      %broadcast_in_dim3A_945 = vector.broadcast %broadcast_in_dim3A_944 : i32 to vector<16xi32>
      %gather3A_946 = tpu.vector_load_idx %arg13[%add3A_909, %broadcast_in_dim3A_945] : memref<80x16xf32, #tpu.memory_space<vmem>>[vector<16xi32>, vector<16xi32>], vector<16xf32>,
      %add3A_947 = arith.addf %add3A_939, %gather3A_946 : vector<16xf32>
      %broadcast_in_dim3A_948 = arith.constant 10 : i32
      %broadcast_in_dim3A_949 = vector.broadcast %broadcast_in_dim3A_948 : i32 to vector<16xi32>
      %gather3A_950 = tpu.vector_load_idx %arg13[%add3A_909, %broadcast_in_dim3A_949] : memref<80x16xf32, #tpu.memory_space<vmem>>[vector<16xi32>, vector<16xi32>], vector<16xf32>,
      %add3A_951 = arith.addf %add3A_943, %gather3A_950 : vector<16xf32>
      %broadcast_in_dim3A_952 = arith.constant 11 : i32
      %broadcast_in_dim3A_953 = vector.broadcast %broadcast_in_dim3A_952 : i32 to vector<16xi32>
      %gather3A_954 = tpu.vector_load_idx %arg13[%add3A_909, %broadcast_in_dim3A_953] : memref<80x16xf32, #tpu.memory_space<vmem>>[vector<16xi32>, vector<16xi32>], vector<16xf32>,
      %add3A_955 = arith.addf %add3A_947, %gather3A_954 : vector<16xf32>
      %broadcast_in_dim3A_956 = arith.constant 12 : i32
      %broadcast_in_dim3A_957 = vector.broadcast %broadcast_in_dim3A_956 : i32 to vector<16xi32>
      %gather3A_958 = tpu.vector_load_idx %arg13[%add3A_909, %broadcast_in_dim3A_957] : memref<80x16xf32, #tpu.memory_space<vmem>>[vector<16xi32>, vector<16xi32>], vector<16xf32>,
      %add3A_959 = arith.addf %add3A_951, %gather3A_958 : vector<16xf32>
      %broadcast_in_dim3A_960 = arith.constant 13 : i32
      %broadcast_in_dim3A_961 = vector.broadcast %broadcast_in_dim3A_960 : i32 to vector<16xi32>
      %gather3A_962 = tpu.vector_load_idx %arg13[%add3A_909, %broadcast_in_dim3A_961] : memref<80x16xf32, #tpu.memory_space<vmem>>[vector<16xi32>, vector<16xi32>], vector<16xf32>,
      %add3A_963 = arith.addf %add3A_955, %gather3A_962 : vector<16xf32>
      %broadcast_in_dim3A_964 = arith.constant 14 : i32
      %broadcast_in_dim3A_965 = vector.broadcast %broadcast_in_dim3A_964 : i32 to vector<16xi32>
      %gather3A_966 = tpu.vector_load_idx %arg13[%add3A_909, %broadcast_in_dim3A_965] : memref<80x16xf32, #tpu.memory_space<vmem>>[vector<16xi32>, vector<16xi32>], vector<16xf32>,
      %add3A_967 = arith.addf %add3A_959, %gather3A_966 : vector<16xf32>
      %broadcast_in_dim3A_968 = arith.constant 15 : i32
      %broadcast_in_dim3A_969 = vector.broadcast %broadcast_in_dim3A_968 : i32 to vector<16xi32>
      %gather3A_970 = tpu.vector_load_idx %arg13[%add3A_909, %broadcast_in_dim3A_969] : memref<80x16xf32, #tpu.memory_space<vmem>>[vector<16xi32>, vector<16xi32>], vector<16xf32>,
      %add3A_971 = arith.addf %add3A_963, %gather3A_970 : vector<16xf32>
      %add3A_972 = arith.addf %add3A_967, %add3A_971 : vector<16xf32>
      %neg3A_973 = arith.constant 0.000000e+00 : f32
      %neg3A_974 = vector.broadcast %neg3A_973 : f32 to vector<16xf32>
      %neg3A_975 = arith.subf %neg3A_974, %add3A_972 : vector<16xf32>
      %exp3A_976 = math.exp %neg3A_975 : vector<16xf32>
      %add3A_977 = arith.constant 1.000000e+00 : f32
      %add3A_978 = vector.broadcast %add3A_977 : f32 to vector<16xf32>
      %add3A_979 = arith.addf %add3A_978, %exp3A_976 : vector<16xf32>
      %div3A_980 = arith.constant 1.000000e+00 : f32
      %div3A_981 = vector.broadcast %div3A_980 : f32 to vector<16xf32>
      %div3A_982 = arith.divf %div3A_981, %add3A_979 : vector<16xf32>
      %mul3A_983 = arith.constant 80 : i32
      %mul3A_984 = arith.muli %add3A_901, %mul3A_983 : i32
      %add3A_985 = arith.constant 0 : i32
      %add3A_986 = arith.addi %mul3A_984, %add3A_985 : i32
      %swap3A_987 = arith.index_cast %add3A_986 : i32 to index
      %swap3A_988 = tpu.vector_load %arg14[%swap3A_987] {strides = array<i32>} : memref<10000xf32, #tpu.memory_space<vmem>>, vector<16xf32>,
      tpu.vector_store %arg14[%swap3A_987], %div3A_982 {strides = array<i32>} : memref<10000xf32, #tpu.memory_space<vmem>>, vector<16xf32>,
      %add3A_989 = arith.constant 16 : i32
      %add3A_990 = vector.broadcast %add3A_989 : i32 to vector<16xi32>
      %add3A_991 = arith.addi %add3A_990, %iota3A : vector<16xi32>
      %broadcast_in_dim3A_992 = arith.constant 0 : i32
      %broadcast_in_dim3A_993 = vector.broadcast %broadcast_in_dim3A_992 : i32 to vector<16xi32>
      %gather3A_994 = tpu.vector_load_idx %arg13[%add3A_991, %broadcast_in_dim3A_993] : memref<80x16xf32, #tpu.memory_space<vmem>>[vector<16xi32>, vector<16xi32>], vector<16xf32>,
      %broadcast_in_dim3A_995 = arith.constant 1 : i32
      %broadcast_in_dim3A_996 = vector.broadcast %broadcast_in_dim3A_995 : i32 to vector<16xi32>
      %gather3A_997 = tpu.vector_load_idx %arg13[%add3A_991, %broadcast_in_dim3A_996] : memref<80x16xf32, #tpu.memory_space<vmem>>[vector<16xi32>, vector<16xi32>], vector<16xf32>,
      %broadcast_in_dim3A_998 = arith.constant 2 : i32
      %broadcast_in_dim3A_999 = vector.broadcast %broadcast_in_dim3A_998 : i32 to vector<16xi32>
      %gather3A_1000 = tpu.vector_load_idx %arg13[%add3A_991, %broadcast_in_dim3A_999] : memref<80x16xf32, #tpu.memory_space<vmem>>[vector<16xi32>, vector<16xi32>], vector<16xf32>,
      %add3A_1001 = arith.addf %gather3A_994, %gather3A_1000 : vector<16xf32>
      %broadcast_in_dim3A_1002 = arith.constant 3 : i32
      %broadcast_in_dim3A_1003 = vector.broadcast %broadcast_in_dim3A_1002 : i32 to vector<16xi32>
      %gather3A_1004 = tpu.vector_load_idx %arg13[%add3A_991, %broadcast_in_dim3A_1003] : memref<80x16xf32, #tpu.memory_space<vmem>>[vector<16xi32>, vector<16xi32>], vector<16xf32>,
      %add3A_1005 = arith.addf %gather3A_997, %gather3A_1004 : vector<16xf32>
      %broadcast_in_dim3A_1006 = arith.constant 4 : i32
      %broadcast_in_dim3A_1007 = vector.broadcast %broadcast_in_dim3A_1006 : i32 to vector<16xi32>
      %gather3A_1008 = tpu.vector_load_idx %arg13[%add3A_991, %broadcast_in_dim3A_1007] : memref<80x16xf32, #tpu.memory_space<vmem>>[vector<16xi32>, vector<16xi32>], vector<16xf32>,
      %add3A_1009 = arith.addf %add3A_1001, %gather3A_1008 : vector<16xf32>
      %broadcast_in_dim3A_1010 = arith.constant 5 : i32
      %broadcast_in_dim3A_1011 = vector.broadcast %broadcast_in_dim3A_1010 : i32 to vector<16xi32>
      %gather3A_1012 = tpu.vector_load_idx %arg13[%add3A_991, %broadcast_in_dim3A_1011] : memref<80x16xf32, #tpu.memory_space<vmem>>[vector<16xi32>, vector<16xi32>], vector<16xf32>,
      %add3A_1013 = arith.addf %add3A_1005, %gather3A_1012 : vector<16xf32>
      %broadcast_in_dim3A_1014 = arith.constant 6 : i32
      %broadcast_in_dim3A_1015 = vector.broadcast %broadcast_in_dim3A_1014 : i32 to vector<16xi32>
      %gather3A_1016 = tpu.vector_load_idx %arg13[%add3A_991, %broadcast_in_dim3A_1015] : memref<80x16xf32, #tpu.memory_space<vmem>>[vector<16xi32>, vector<16xi32>], vector<16xf32>,
      %add3A_1017 = arith.addf %add3A_1009, %gather3A_1016 : vector<16xf32>
      %broadcast_in_dim3A_1018 = arith.constant 7 : i32
      %broadcast_in_dim3A_1019 = vector.broadcast %broadcast_in_dim3A_1018 : i32 to vector<16xi32>
      %gather3A_1020 = tpu.vector_load_idx %arg13[%add3A_991, %broadcast_in_dim3A_1019] : memref<80x16xf32, #tpu.memory_space<vmem>>[vector<16xi32>, vector<16xi32>], vector<16xf32>,
      %add3A_1021 = arith.addf %add3A_1013, %gather3A_1020 : vector<16xf32>
      %broadcast_in_dim3A_1022 = arith.constant 8 : i32
      %broadcast_in_dim3A_1023 = vector.broadcast %broadcast_in_dim3A_1022 : i32 to vector<16xi32>
      %gather3A_1024 = tpu.vector_load_idx %arg13[%add3A_991, %broadcast_in_dim3A_1023] : memref<80x16xf32, #tpu.memory_space<vmem>>[vector<16xi32>, vector<16xi32>], vector<16xf32>,
      %add3A_1025 = arith.addf %add3A_1017, %gather3A_1024 : vector<16xf32>
      %broadcast_in_dim3A_1026 = arith.constant 9 : i32
      %broadcast_in_dim3A_1027 = vector.broadcast %broadcast_in_dim3A_1026 : i32 to vector<16xi32>
      %gather3A_1028 = tpu.vector_load_idx %arg13[%add3A_991, %broadcast_in_dim3A_1027] : memref<80x16xf32, #tpu.memory_space<vmem>>[vector<16xi32>, vector<16xi32>], vector<16xf32>,
      %add3A_1029 = arith.addf %add3A_1021, %gather3A_1028 : vector<16xf32>
      %broadcast_in_dim3A_1030 = arith.constant 10 : i32
      %broadcast_in_dim3A_1031 = vector.broadcast %broadcast_in_dim3A_1030 : i32 to vector<16xi32>
      %gather3A_1032 = tpu.vector_load_idx %arg13[%add3A_991, %broadcast_in_dim3A_1031] : memref<80x16xf32, #tpu.memory_space<vmem>>[vector<16xi32>, vector<16xi32>], vector<16xf32>,
      %add3A_1033 = arith.addf %add3A_1025, %gather3A_1032 : vector<16xf32>
      %broadcast_in_dim3A_1034 = arith.constant 11 : i32
      %broadcast_in_dim3A_1035 = vector.broadcast %broadcast_in_dim3A_1034 : i32 to vector<16xi32>
      %gather3A_1036 = tpu.vector_load_idx %arg13[%add3A_991, %broadcast_in_dim3A_1035] : memref<80x16xf32, #tpu.memory_space<vmem>>[vector<16xi32>, vector<16xi32>], vector<16xf32>,
      %add3A_1037 = arith.addf %add3A_1029, %gather3A_1036 : vector<16xf32>
      %broadcast_in_dim3A_1038 = arith.constant 12 : i32
      %broadcast_in_dim3A_1039 = vector.broadcast %broadcast_in_dim3A_1038 : i32 to vector<16xi32>
      %gather3A_1040 = tpu.vector_load_idx %arg13[%add3A_991, %broadcast_in_dim3A_1039] : memref<80x16xf32, #tpu.memory_space<vmem>>[vector<16xi32>, vector<16xi32>], vector<16xf32>,
      %add3A_1041 = arith.addf %add3A_1033, %gather3A_1040 : vector<16xf32>
      %broadcast_in_dim3A_1042 = arith.constant 13 : i32
      %broadcast_in_dim3A_1043 = vector.broadcast %broadcast_in_dim3A_1042 : i32 to vector<16xi32>
      %gather3A_1044 = tpu.vector_load_idx %arg13[%add3A_991, %broadcast_in_dim3A_1043] : memref<80x16xf32, #tpu.memory_space<vmem>>[vector<16xi32>, vector<16xi32>], vector<16xf32>,
      %add3A_1045 = arith.addf %add3A_1037, %gather3A_1044 : vector<16xf32>
      %broadcast_in_dim3A_1046 = arith.constant 14 : i32
      %broadcast_in_dim3A_1047 = vector.broadcast %broadcast_in_dim3A_1046 : i32 to vector<16xi32>
      %gather3A_1048 = tpu.vector_load_idx %arg13[%add3A_991, %broadcast_in_dim3A_1047] : memref<80x16xf32, #tpu.memory_space<vmem>>[vector<16xi32>, vector<16xi32>], vector<16xf32>,
      %add3A_1049 = arith.addf %add3A_1041, %gather3A_1048 : vector<16xf32>
      %broadcast_in_dim3A_1050 = arith.constant 15 : i32
      %broadcast_in_dim3A_1051 = vector.broadcast %broadcast_in_dim3A_1050 : i32 to vector<16xi32>
      %gather3A_1052 = tpu.vector_load_idx %arg13[%add3A_991, %broadcast_in_dim3A_1051] : memref<80x16xf32, #tpu.memory_space<vmem>>[vector<16xi32>, vector<16xi32>], vector<16xf32>,
      %add3A_1053 = arith.addf %add3A_1045, %gather3A_1052 : vector<16xf32>
      %add3A_1054 = arith.addf %add3A_1049, %add3A_1053 : vector<16xf32>
      %neg3A_1055 = arith.constant 0.000000e+00 : f32
      %neg3A_1056 = vector.broadcast %neg3A_1055 : f32 to vector<16xf32>
      %neg3A_1057 = arith.subf %neg3A_1056, %add3A_1054 : vector<16xf32>
      %exp3A_1058 = math.exp %neg3A_1057 : vector<16xf32>
      %add3A_1059 = arith.constant 1.000000e+00 : f32
      %add3A_1060 = vector.broadcast %add3A_1059 : f32 to vector<16xf32>
      %add3A_1061 = arith.addf %add3A_1060, %exp3A_1058 : vector<16xf32>
      %div3A_1062 = arith.constant 1.000000e+00 : f32
      %div3A_1063 = vector.broadcast %div3A_1062 : f32 to vector<16xf32>
      %div3A_1064 = arith.divf %div3A_1063, %add3A_1061 : vector<16xf32>
      %mul3A_1065 = arith.constant 80 : i32
      %mul3A_1066 = arith.muli %add3A_901, %mul3A_1065 : i32
      %add3A_1067 = arith.constant 16 : i32
      %add3A_1068 = arith.addi %mul3A_1066, %add3A_1067 : i32
      %swap3A_1069 = arith.index_cast %add3A_1068 : i32 to index
      %swap3A_1070 = tpu.vector_load %arg14[%swap3A_1069] {strides = array<i32>} : memref<10000xf32, #tpu.memory_space<vmem>>, vector<16xf32>,
      tpu.vector_store %arg14[%swap3A_1069], %div3A_1064 {strides = array<i32>} : memref<10000xf32, #tpu.memory_space<vmem>>, vector<16xf32>,
      %add3A_1071 = arith.constant 32 : i32
      %add3A_1072 = vector.broadcast %add3A_1071 : i32 to vector<16xi32>
      %add3A_1073 = arith.addi %add3A_1072, %iota3A : vector<16xi32>
      %broadcast_in_dim3A_1074 = arith.constant 0 : i32
      %broadcast_in_dim3A_1075 = vector.broadcast %broadcast_in_dim3A_1074 : i32 to vector<16xi32>
      %gather3A_1076 = tpu.vector_load_idx %arg13[%add3A_1073, %broadcast_in_dim3A_1075] : memref<80x16xf32, #tpu.memory_space<vmem>>[vector<16xi32>, vector<16xi32>], vector<16xf32>,
      %broadcast_in_dim3A_1077 = arith.constant 1 : i32
      %broadcast_in_dim3A_1078 = vector.broadcast %broadcast_in_dim3A_1077 : i32 to vector<16xi32>
      %gather3A_1079 = tpu.vector_load_idx %arg13[%add3A_1073, %broadcast_in_dim3A_1078] : memref<80x16xf32, #tpu.memory_space<vmem>>[vector<16xi32>, vector<16xi32>], vector<16xf32>,
      %broadcast_in_dim3A_1080 = arith.constant 2 : i32
      %broadcast_in_dim3A_1081 = vector.broadcast %broadcast_in_dim3A_1080 : i32 to vector<16xi32>
      %gather3A_1082 = tpu.vector_load_idx %arg13[%add3A_1073, %broadcast_in_dim3A_1081] : memref<80x16xf32, #tpu.memory_space<vmem>>[vector<16xi32>, vector<16xi32>], vector<16xf32>,
      %add3A_1083 = arith.addf %gather3A_1076, %gather3A_1082 : vector<16xf32>
      %broadcast_in_dim3A_1084 = arith.constant 3 : i32
      %broadcast_in_dim3A_1085 = vector.broadcast %broadcast_in_dim3A_1084 : i32 to vector<16xi32>
      %gather3A_1086 = tpu.vector_load_idx %arg13[%add3A_1073, %broadcast_in_dim3A_1085] : memref<80x16xf32, #tpu.memory_space<vmem>>[vector<16xi32>, vector<16xi32>], vector<16xf32>,
      %add3A_1087 = arith.addf %gather3A_1079, %gather3A_1086 : vector<16xf32>
      %broadcast_in_dim3A_1088 = arith.constant 4 : i32
      %broadcast_in_dim3A_1089 = vector.broadcast %broadcast_in_dim3A_1088 : i32 to vector<16xi32>
      %gather3A_1090 = tpu.vector_load_idx %arg13[%add3A_1073, %broadcast_in_dim3A_1089] : memref<80x16xf32, #tpu.memory_space<vmem>>[vector<16xi32>, vector<16xi32>], vector<16xf32>,
      %add3A_1091 = arith.addf %add3A_1083, %gather3A_1090 : vector<16xf32>
      %broadcast_in_dim3A_1092 = arith.constant 5 : i32
      %broadcast_in_dim3A_1093 = vector.broadcast %broadcast_in_dim3A_1092 : i32 to vector<16xi32>
      %gather3A_1094 = tpu.vector_load_idx %arg13[%add3A_1073, %broadcast_in_dim3A_1093] : memref<80x16xf32, #tpu.memory_space<vmem>>[vector<16xi32>, vector<16xi32>], vector<16xf32>,
      %add3A_1095 = arith.addf %add3A_1087, %gather3A_1094 : vector<16xf32>
      %broadcast_in_dim3A_1096 = arith.constant 6 : i32
      %broadcast_in_dim3A_1097 = vector.broadcast %broadcast_in_dim3A_1096 : i32 to vector<16xi32>
      %gather3A_1098 = tpu.vector_load_idx %arg13[%add3A_1073, %broadcast_in_dim3A_1097] : memref<80x16xf32, #tpu.memory_space<vmem>>[vector<16xi32>, vector<16xi32>], vector<16xf32>,
      %add3A_1099 = arith.addf %add3A_1091, %gather3A_1098 : vector<16xf32>
      %broadcast_in_dim3A_1100 = arith.constant 7 : i32
      %broadcast_in_dim3A_1101 = vector.broadcast %broadcast_in_dim3A_1100 : i32 to vector<16xi32>
      %gather3A_1102 = tpu.vector_load_idx %arg13[%add3A_1073, %broadcast_in_dim3A_1101] : memref<80x16xf32, #tpu.memory_space<vmem>>[vector<16xi32>, vector<16xi32>], vector<16xf32>,
      %add3A_1103 = arith.addf %add3A_1095, %gather3A_1102 : vector<16xf32>
      %broadcast_in_dim3A_1104 = arith.constant 8 : i32
      %broadcast_in_dim3A_1105 = vector.broadcast %broadcast_in_dim3A_1104 : i32 to vector<16xi32>
      %gather3A_1106 = tpu.vector_load_idx %arg13[%add3A_1073, %broadcast_in_dim3A_1105] : memref<80x16xf32, #tpu.memory_space<vmem>>[vector<16xi32>, vector<16xi32>], vector<16xf32>,
      %add3A_1107 = arith.addf %add3A_1099, %gather3A_1106 : vector<16xf32>
      %broadcast_in_dim3A_1108 = arith.constant 9 : i32
      %broadcast_in_dim3A_1109 = vector.broadcast %broadcast_in_dim3A_1108 : i32 to vector<16xi32>
      %gather3A_1110 = tpu.vector_load_idx %arg13[%add3A_1073, %broadcast_in_dim3A_1109] : memref<80x16xf32, #tpu.memory_space<vmem>>[vector<16xi32>, vector<16xi32>], vector<16xf32>,
      %add3A_1111 = arith.addf %add3A_1103, %gather3A_1110 : vector<16xf32>
      %broadcast_in_dim3A_1112 = arith.constant 10 : i32
      %broadcast_in_dim3A_1113 = vector.broadcast %broadcast_in_dim3A_1112 : i32 to vector<16xi32>
      %gather3A_1114 = tpu.vector_load_idx %arg13[%add3A_1073, %broadcast_in_dim3A_1113] : memref<80x16xf32, #tpu.memory_space<vmem>>[vector<16xi32>, vector<16xi32>], vector<16xf32>,
      %add3A_1115 = arith.addf %add3A_1107, %gather3A_1114 : vector<16xf32>
      %broadcast_in_dim3A_1116 = arith.constant 11 : i32
      %broadcast_in_dim3A_1117 = vector.broadcast %broadcast_in_dim3A_1116 : i32 to vector<16xi32>
      %gather3A_1118 = tpu.vector_load_idx %arg13[%add3A_1073, %broadcast_in_dim3A_1117] : memref<80x16xf32, #tpu.memory_space<vmem>>[vector<16xi32>, vector<16xi32>], vector<16xf32>,
      %add3A_1119 = arith.addf %add3A_1111, %gather3A_1118 : vector<16xf32>
      %broadcast_in_dim3A_1120 = arith.constant 12 : i32
      %broadcast_in_dim3A_1121 = vector.broadcast %broadcast_in_dim3A_1120 : i32 to vector<16xi32>
      %gather3A_1122 = tpu.vector_load_idx %arg13[%add3A_1073, %broadcast_in_dim3A_1121] : memref<80x16xf32, #tpu.memory_space<vmem>>[vector<16xi32>, vector<16xi32>], vector<16xf32>,
      %add3A_1123 = arith.addf %add3A_1115, %gather3A_1122 : vector<16xf32>
      %broadcast_in_dim3A_1124 = arith.constant 13 : i32
      %broadcast_in_dim3A_1125 = vector.broadcast %broadcast_in_dim3A_1124 : i32 to vector<16xi32>
      %gather3A_1126 = tpu.vector_load_idx %arg13[%add3A_1073, %broadcast_in_dim3A_1125] : memref<80x16xf32, #tpu.memory_space<vmem>>[vector<16xi32>, vector<16xi32>], vector<16xf32>,
      %add3A_1127 = arith.addf %add3A_1119, %gather3A_1126 : vector<16xf32>
      %broadcast_in_dim3A_1128 = arith.constant 14 : i32
      %broadcast_in_dim3A_1129 = vector.broadcast %broadcast_in_dim3A_1128 : i32 to vector<16xi32>
      %gather3A_1130 = tpu.vector_load_idx %arg13[%add3A_1073, %broadcast_in_dim3A_1129] : memref<80x16xf32, #tpu.memory_space<vmem>>[vector<16xi32>, vector<16xi32>], vector<16xf32>,
      %add3A_1131 = arith.addf %add3A_1123, %gather3A_1130 : vector<16xf32>
      %broadcast_in_dim3A_1132 = arith.constant 15 : i32
      %broadcast_in_dim3A_1133 = vector.broadcast %broadcast_in_dim3A_1132 : i32 to vector<16xi32>
      %gather3A_1134 = tpu.vector_load_idx %arg13[%add3A_1073, %broadcast_in_dim3A_1133] : memref<80x16xf32, #tpu.memory_space<vmem>>[vector<16xi32>, vector<16xi32>], vector<16xf32>,
      %add3A_1135 = arith.addf %add3A_1127, %gather3A_1134 : vector<16xf32>
      %add3A_1136 = arith.addf %add3A_1131, %add3A_1135 : vector<16xf32>
      %neg3A_1137 = arith.constant 0.000000e+00 : f32
      %neg3A_1138 = vector.broadcast %neg3A_1137 : f32 to vector<16xf32>
      %neg3A_1139 = arith.subf %neg3A_1138, %add3A_1136 : vector<16xf32>
      %exp3A_1140 = math.exp %neg3A_1139 : vector<16xf32>
      %add3A_1141 = arith.constant 1.000000e+00 : f32
      %add3A_1142 = vector.broadcast %add3A_1141 : f32 to vector<16xf32>
      %add3A_1143 = arith.addf %add3A_1142, %exp3A_1140 : vector<16xf32>
      %div3A_1144 = arith.constant 1.000000e+00 : f32
      %div3A_1145 = vector.broadcast %div3A_1144 : f32 to vector<16xf32>
      %div3A_1146 = arith.divf %div3A_1145, %add3A_1143 : vector<16xf32>
      %mul3A_1147 = arith.constant 80 : i32
      %mul3A_1148 = arith.muli %add3A_901, %mul3A_1147 : i32
      %add3A_1149 = arith.constant 32 : i32
      %add3A_1150 = arith.addi %mul3A_1148, %add3A_1149 : i32
      %swap3A_1151 = arith.index_cast %add3A_1150 : i32 to index
      %swap3A_1152 = tpu.vector_load %arg14[%swap3A_1151] {strides = array<i32>} : memref<10000xf32, #tpu.memory_space<vmem>>, vector<16xf32>,
      tpu.vector_store %arg14[%swap3A_1151], %div3A_1146 {strides = array<i32>} : memref<10000xf32, #tpu.memory_space<vmem>>, vector<16xf32>,
      %add3A_1153 = arith.constant 48 : i32
      %add3A_1154 = vector.broadcast %add3A_1153 : i32 to vector<16xi32>
      %add3A_1155 = arith.addi %add3A_1154, %iota3A : vector<16xi32>
      %broadcast_in_dim3A_1156 = arith.constant 0 : i32
      %broadcast_in_dim3A_1157 = vector.broadcast %broadcast_in_dim3A_1156 : i32 to vector<16xi32>
      %gather3A_1158 = tpu.vector_load_idx %arg13[%add3A_1155, %broadcast_in_dim3A_1157] : memref<80x16xf32, #tpu.memory_space<vmem>>[vector<16xi32>, vector<16xi32>], vector<16xf32>,
      %broadcast_in_dim3A_1159 = arith.constant 1 : i32
      %broadcast_in_dim3A_1160 = vector.broadcast %broadcast_in_dim3A_1159 : i32 to vector<16xi32>
      %gather3A_1161 = tpu.vector_load_idx %arg13[%add3A_1155, %broadcast_in_dim3A_1160] : memref<80x16xf32, #tpu.memory_space<vmem>>[vector<16xi32>, vector<16xi32>], vector<16xf32>,
      %broadcast_in_dim3A_1162 = arith.constant 2 : i32
      %broadcast_in_dim3A_1163 = vector.broadcast %broadcast_in_dim3A_1162 : i32 to vector<16xi32>
      %gather3A_1164 = tpu.vector_load_idx %arg13[%add3A_1155, %broadcast_in_dim3A_1163] : memref<80x16xf32, #tpu.memory_space<vmem>>[vector<16xi32>, vector<16xi32>], vector<16xf32>,
      %add3A_1165 = arith.addf %gather3A_1158, %gather3A_1164 : vector<16xf32>
      %broadcast_in_dim3A_1166 = arith.constant 3 : i32
      %broadcast_in_dim3A_1167 = vector.broadcast %broadcast_in_dim3A_1166 : i32 to vector<16xi32>
      %gather3A_1168 = tpu.vector_load_idx %arg13[%add3A_1155, %broadcast_in_dim3A_1167] : memref<80x16xf32, #tpu.memory_space<vmem>>[vector<16xi32>, vector<16xi32>], vector<16xf32>,
      %add3A_1169 = arith.addf %gather3A_1161, %gather3A_1168 : vector<16xf32>
      %broadcast_in_dim3A_1170 = arith.constant 4 : i32
      %broadcast_in_dim3A_1171 = vector.broadcast %broadcast_in_dim3A_1170 : i32 to vector<16xi32>
      %gather3A_1172 = tpu.vector_load_idx %arg13[%add3A_1155, %broadcast_in_dim3A_1171] : memref<80x16xf32, #tpu.memory_space<vmem>>[vector<16xi32>, vector<16xi32>], vector<16xf32>,
      %add3A_1173 = arith.addf %add3A_1165, %gather3A_1172 : vector<16xf32>
      %broadcast_in_dim3A_1174 = arith.constant 5 : i32
      %broadcast_in_dim3A_1175 = vector.broadcast %broadcast_in_dim3A_1174 : i32 to vector<16xi32>
      %gather3A_1176 = tpu.vector_load_idx %arg13[%add3A_1155, %broadcast_in_dim3A_1175] : memref<80x16xf32, #tpu.memory_space<vmem>>[vector<16xi32>, vector<16xi32>], vector<16xf32>,
      %add3A_1177 = arith.addf %add3A_1169, %gather3A_1176 : vector<16xf32>
      %broadcast_in_dim3A_1178 = arith.constant 6 : i32
      %broadcast_in_dim3A_1179 = vector.broadcast %broadcast_in_dim3A_1178 : i32 to vector<16xi32>
      %gather3A_1180 = tpu.vector_load_idx %arg13[%add3A_1155, %broadcast_in_dim3A_1179] : memref<80x16xf32, #tpu.memory_space<vmem>>[vector<16xi32>, vector<16xi32>], vector<16xf32>,
      %add3A_1181 = arith.addf %add3A_1173, %gather3A_1180 : vector<16xf32>
      %broadcast_in_dim3A_1182 = arith.constant 7 : i32
      %broadcast_in_dim3A_1183 = vector.broadcast %broadcast_in_dim3A_1182 : i32 to vector<16xi32>
      %gather3A_1184 = tpu.vector_load_idx %arg13[%add3A_1155, %broadcast_in_dim3A_1183] : memref<80x16xf32, #tpu.memory_space<vmem>>[vector<16xi32>, vector<16xi32>], vector<16xf32>,
      %add3A_1185 = arith.addf %add3A_1177, %gather3A_1184 : vector<16xf32>
      %broadcast_in_dim3A_1186 = arith.constant 8 : i32
      %broadcast_in_dim3A_1187 = vector.broadcast %broadcast_in_dim3A_1186 : i32 to vector<16xi32>
      %gather3A_1188 = tpu.vector_load_idx %arg13[%add3A_1155, %broadcast_in_dim3A_1187] : memref<80x16xf32, #tpu.memory_space<vmem>>[vector<16xi32>, vector<16xi32>], vector<16xf32>,
      %add3A_1189 = arith.addf %add3A_1181, %gather3A_1188 : vector<16xf32>
      %broadcast_in_dim3A_1190 = arith.constant 9 : i32
      %broadcast_in_dim3A_1191 = vector.broadcast %broadcast_in_dim3A_1190 : i32 to vector<16xi32>
      %gather3A_1192 = tpu.vector_load_idx %arg13[%add3A_1155, %broadcast_in_dim3A_1191] : memref<80x16xf32, #tpu.memory_space<vmem>>[vector<16xi32>, vector<16xi32>], vector<16xf32>,
      %add3A_1193 = arith.addf %add3A_1185, %gather3A_1192 : vector<16xf32>
      %broadcast_in_dim3A_1194 = arith.constant 10 : i32
      %broadcast_in_dim3A_1195 = vector.broadcast %broadcast_in_dim3A_1194 : i32 to vector<16xi32>
      %gather3A_1196 = tpu.vector_load_idx %arg13[%add3A_1155, %broadcast_in_dim3A_1195] : memref<80x16xf32, #tpu.memory_space<vmem>>[vector<16xi32>, vector<16xi32>], vector<16xf32>,
      %add3A_1197 = arith.addf %add3A_1189, %gather3A_1196 : vector<16xf32>
      %broadcast_in_dim3A_1198 = arith.constant 11 : i32
      %broadcast_in_dim3A_1199 = vector.broadcast %broadcast_in_dim3A_1198 : i32 to vector<16xi32>
      %gather3A_1200 = tpu.vector_load_idx %arg13[%add3A_1155, %broadcast_in_dim3A_1199] : memref<80x16xf32, #tpu.memory_space<vmem>>[vector<16xi32>, vector<16xi32>], vector<16xf32>,
      %add3A_1201 = arith.addf %add3A_1193, %gather3A_1200 : vector<16xf32>
      %broadcast_in_dim3A_1202 = arith.constant 12 : i32
      %broadcast_in_dim3A_1203 = vector.broadcast %broadcast_in_dim3A_1202 : i32 to vector<16xi32>
      %gather3A_1204 = tpu.vector_load_idx %arg13[%add3A_1155, %broadcast_in_dim3A_1203] : memref<80x16xf32, #tpu.memory_space<vmem>>[vector<16xi32>, vector<16xi32>], vector<16xf32>,
      %add3A_1205 = arith.addf %add3A_1197, %gather3A_1204 : vector<16xf32>
      %broadcast_in_dim3A_1206 = arith.constant 13 : i32
      %broadcast_in_dim3A_1207 = vector.broadcast %broadcast_in_dim3A_1206 : i32 to vector<16xi32>
      %gather3A_1208 = tpu.vector_load_idx %arg13[%add3A_1155, %broadcast_in_dim3A_1207] : memref<80x16xf32, #tpu.memory_space<vmem>>[vector<16xi32>, vector<16xi32>], vector<16xf32>,
      %add3A_1209 = arith.addf %add3A_1201, %gather3A_1208 : vector<16xf32>
      %broadcast_in_dim3A_1210 = arith.constant 14 : i32
      %broadcast_in_dim3A_1211 = vector.broadcast %broadcast_in_dim3A_1210 : i32 to vector<16xi32>
      %gather3A_1212 = tpu.vector_load_idx %arg13[%add3A_1155, %broadcast_in_dim3A_1211] : memref<80x16xf32, #tpu.memory_space<vmem>>[vector<16xi32>, vector<16xi32>], vector<16xf32>,
      %add3A_1213 = arith.addf %add3A_1205, %gather3A_1212 : vector<16xf32>
      %broadcast_in_dim3A_1214 = arith.constant 15 : i32
      %broadcast_in_dim3A_1215 = vector.broadcast %broadcast_in_dim3A_1214 : i32 to vector<16xi32>
      %gather3A_1216 = tpu.vector_load_idx %arg13[%add3A_1155, %broadcast_in_dim3A_1215] : memref<80x16xf32, #tpu.memory_space<vmem>>[vector<16xi32>, vector<16xi32>], vector<16xf32>,
      %add3A_1217 = arith.addf %add3A_1209, %gather3A_1216 : vector<16xf32>
      %add3A_1218 = arith.addf %add3A_1213, %add3A_1217 : vector<16xf32>
      %neg3A_1219 = arith.constant 0.000000e+00 : f32
      %neg3A_1220 = vector.broadcast %neg3A_1219 : f32 to vector<16xf32>
      %neg3A_1221 = arith.subf %neg3A_1220, %add3A_1218 : vector<16xf32>
      %exp3A_1222 = math.exp %neg3A_1221 : vector<16xf32>
      %add3A_1223 = arith.constant 1.000000e+00 : f32
      %add3A_1224 = vector.broadcast %add3A_1223 : f32 to vector<16xf32>
      %add3A_1225 = arith.addf %add3A_1224, %exp3A_1222 : vector<16xf32>
      %div3A_1226 = arith.constant 1.000000e+00 : f32
      %div3A_1227 = vector.broadcast %div3A_1226 : f32 to vector<16xf32>
      %div3A_1228 = arith.divf %div3A_1227, %add3A_1225 : vector<16xf32>
      %mul3A_1229 = arith.constant 80 : i32
      %mul3A_1230 = arith.muli %add3A_901, %mul3A_1229 : i32
      %add3A_1231 = arith.constant 48 : i32
      %add3A_1232 = arith.addi %mul3A_1230, %add3A_1231 : i32
      %swap3A_1233 = arith.index_cast %add3A_1232 : i32 to index
      %swap3A_1234 = tpu.vector_load %arg14[%swap3A_1233] {strides = array<i32>} : memref<10000xf32, #tpu.memory_space<vmem>>, vector<16xf32>,
      tpu.vector_store %arg14[%swap3A_1233], %div3A_1228 {strides = array<i32>} : memref<10000xf32, #tpu.memory_space<vmem>>, vector<16xf32>,
      %add3A_1235 = arith.constant 64 : i32
      %add3A_1236 = vector.broadcast %add3A_1235 : i32 to vector<16xi32>
      %add3A_1237 = arith.addi %add3A_1236, %iota3A : vector<16xi32>
      %broadcast_in_dim3A_1238 = arith.constant 0 : i32
      %broadcast_in_dim3A_1239 = vector.broadcast %broadcast_in_dim3A_1238 : i32 to vector<16xi32>
      %gather3A_1240 = tpu.vector_load_idx %arg13[%add3A_1237, %broadcast_in_dim3A_1239] : memref<80x16xf32, #tpu.memory_space<vmem>>[vector<16xi32>, vector<16xi32>], vector<16xf32>,
      %broadcast_in_dim3A_1241 = arith.constant 1 : i32
      %broadcast_in_dim3A_1242 = vector.broadcast %broadcast_in_dim3A_1241 : i32 to vector<16xi32>
      %gather3A_1243 = tpu.vector_load_idx %arg13[%add3A_1237, %broadcast_in_dim3A_1242] : memref<80x16xf32, #tpu.memory_space<vmem>>[vector<16xi32>, vector<16xi32>], vector<16xf32>,
      %broadcast_in_dim3A_1244 = arith.constant 2 : i32
      %broadcast_in_dim3A_1245 = vector.broadcast %broadcast_in_dim3A_1244 : i32 to vector<16xi32>
      %gather3A_1246 = tpu.vector_load_idx %arg13[%add3A_1237, %broadcast_in_dim3A_1245] : memref<80x16xf32, #tpu.memory_space<vmem>>[vector<16xi32>, vector<16xi32>], vector<16xf32>,
      %add3A_1247 = arith.addf %gather3A_1240, %gather3A_1246 : vector<16xf32>
      %broadcast_in_dim3A_1248 = arith.constant 3 : i32
      %broadcast_in_dim3A_1249 = vector.broadcast %broadcast_in_dim3A_1248 : i32 to vector<16xi32>
      %gather3A_1250 = tpu.vector_load_idx %arg13[%add3A_1237, %broadcast_in_dim3A_1249] : memref<80x16xf32, #tpu.memory_space<vmem>>[vector<16xi32>, vector<16xi32>], vector<16xf32>,
      %add3A_1251 = arith.addf %gather3A_1243, %gather3A_1250 : vector<16xf32>
      %broadcast_in_dim3A_1252 = arith.constant 4 : i32
      %broadcast_in_dim3A_1253 = vector.broadcast %broadcast_in_dim3A_1252 : i32 to vector<16xi32>
      %gather3A_1254 = tpu.vector_load_idx %arg13[%add3A_1237, %broadcast_in_dim3A_1253] : memref<80x16xf32, #tpu.memory_space<vmem>>[vector<16xi32>, vector<16xi32>], vector<16xf32>,
      %add3A_1255 = arith.addf %add3A_1247, %gather3A_1254 : vector<16xf32>
      %broadcast_in_dim3A_1256 = arith.constant 5 : i32
      %broadcast_in_dim3A_1257 = vector.broadcast %broadcast_in_dim3A_1256 : i32 to vector<16xi32>
      %gather3A_1258 = tpu.vector_load_idx %arg13[%add3A_1237, %broadcast_in_dim3A_1257] : memref<80x16xf32, #tpu.memory_space<vmem>>[vector<16xi32>, vector<16xi32>], vector<16xf32>,
      %add3A_1259 = arith.addf %add3A_1251, %gather3A_1258 : vector<16xf32>
      %broadcast_in_dim3A_1260 = arith.constant 6 : i32
      %broadcast_in_dim3A_1261 = vector.broadcast %broadcast_in_dim3A_1260 : i32 to vector<16xi32>
      %gather3A_1262 = tpu.vector_load_idx %arg13[%add3A_1237, %broadcast_in_dim3A_1261] : memref<80x16xf32, #tpu.memory_space<vmem>>[vector<16xi32>, vector<16xi32>], vector<16xf32>,
      %add3A_1263 = arith.addf %add3A_1255, %gather3A_1262 : vector<16xf32>
      %broadcast_in_dim3A_1264 = arith.constant 7 : i32
      %broadcast_in_dim3A_1265 = vector.broadcast %broadcast_in_dim3A_1264 : i32 to vector<16xi32>
      %gather3A_1266 = tpu.vector_load_idx %arg13[%add3A_1237, %broadcast_in_dim3A_1265] : memref<80x16xf32, #tpu.memory_space<vmem>>[vector<16xi32>, vector<16xi32>], vector<16xf32>,
      %add3A_1267 = arith.addf %add3A_1259, %gather3A_1266 : vector<16xf32>
      %broadcast_in_dim3A_1268 = arith.constant 8 : i32
      %broadcast_in_dim3A_1269 = vector.broadcast %broadcast_in_dim3A_1268 : i32 to vector<16xi32>
      %gather3A_1270 = tpu.vector_load_idx %arg13[%add3A_1237, %broadcast_in_dim3A_1269] : memref<80x16xf32, #tpu.memory_space<vmem>>[vector<16xi32>, vector<16xi32>], vector<16xf32>,
      %add3A_1271 = arith.addf %add3A_1263, %gather3A_1270 : vector<16xf32>
      %broadcast_in_dim3A_1272 = arith.constant 9 : i32
      %broadcast_in_dim3A_1273 = vector.broadcast %broadcast_in_dim3A_1272 : i32 to vector<16xi32>
      %gather3A_1274 = tpu.vector_load_idx %arg13[%add3A_1237, %broadcast_in_dim3A_1273] : memref<80x16xf32, #tpu.memory_space<vmem>>[vector<16xi32>, vector<16xi32>], vector<16xf32>,
      %add3A_1275 = arith.addf %add3A_1267, %gather3A_1274 : vector<16xf32>
      %broadcast_in_dim3A_1276 = arith.constant 10 : i32
      %broadcast_in_dim3A_1277 = vector.broadcast %broadcast_in_dim3A_1276 : i32 to vector<16xi32>
      %gather3A_1278 = tpu.vector_load_idx %arg13[%add3A_1237, %broadcast_in_dim3A_1277] : memref<80x16xf32, #tpu.memory_space<vmem>>[vector<16xi32>, vector<16xi32>], vector<16xf32>,
      %add3A_1279 = arith.addf %add3A_1271, %gather3A_1278 : vector<16xf32>
      %broadcast_in_dim3A_1280 = arith.constant 11 : i32
      %broadcast_in_dim3A_1281 = vector.broadcast %broadcast_in_dim3A_1280 : i32 to vector<16xi32>
      %gather3A_1282 = tpu.vector_load_idx %arg13[%add3A_1237, %broadcast_in_dim3A_1281] : memref<80x16xf32, #tpu.memory_space<vmem>>[vector<16xi32>, vector<16xi32>], vector<16xf32>,
      %add3A_1283 = arith.addf %add3A_1275, %gather3A_1282 : vector<16xf32>
      %broadcast_in_dim3A_1284 = arith.constant 12 : i32
      %broadcast_in_dim3A_1285 = vector.broadcast %broadcast_in_dim3A_1284 : i32 to vector<16xi32>
      %gather3A_1286 = tpu.vector_load_idx %arg13[%add3A_1237, %broadcast_in_dim3A_1285] : memref<80x16xf32, #tpu.memory_space<vmem>>[vector<16xi32>, vector<16xi32>], vector<16xf32>,
      %add3A_1287 = arith.addf %add3A_1279, %gather3A_1286 : vector<16xf32>
      %broadcast_in_dim3A_1288 = arith.constant 13 : i32
      %broadcast_in_dim3A_1289 = vector.broadcast %broadcast_in_dim3A_1288 : i32 to vector<16xi32>
      %gather3A_1290 = tpu.vector_load_idx %arg13[%add3A_1237, %broadcast_in_dim3A_1289] : memref<80x16xf32, #tpu.memory_space<vmem>>[vector<16xi32>, vector<16xi32>], vector<16xf32>,
      %add3A_1291 = arith.addf %add3A_1283, %gather3A_1290 : vector<16xf32>
      %broadcast_in_dim3A_1292 = arith.constant 14 : i32
      %broadcast_in_dim3A_1293 = vector.broadcast %broadcast_in_dim3A_1292 : i32 to vector<16xi32>
      %gather3A_1294 = tpu.vector_load_idx %arg13[%add3A_1237, %broadcast_in_dim3A_1293] : memref<80x16xf32, #tpu.memory_space<vmem>>[vector<16xi32>, vector<16xi32>], vector<16xf32>,
      %add3A_1295 = arith.addf %add3A_1287, %gather3A_1294 : vector<16xf32>
      %broadcast_in_dim3A_1296 = arith.constant 15 : i32
      %broadcast_in_dim3A_1297 = vector.broadcast %broadcast_in_dim3A_1296 : i32 to vector<16xi32>
      %gather3A_1298 = tpu.vector_load_idx %arg13[%add3A_1237, %broadcast_in_dim3A_1297] : memref<80x16xf32, #tpu.memory_space<vmem>>[vector<16xi32>, vector<16xi32>], vector<16xf32>,
      %add3A_1299 = arith.addf %add3A_1291, %gather3A_1298 : vector<16xf32>
      %add3A_1300 = arith.addf %add3A_1295, %add3A_1299 : vector<16xf32>
      %neg3A_1301 = arith.constant 0.000000e+00 : f32
      %neg3A_1302 = vector.broadcast %neg3A_1301 : f32 to vector<16xf32>
      %neg3A_1303 = arith.subf %neg3A_1302, %add3A_1300 : vector<16xf32>
      %exp3A_1304 = math.exp %neg3A_1303 : vector<16xf32>
      %add3A_1305 = arith.constant 1.000000e+00 : f32
      %add3A_1306 = vector.broadcast %add3A_1305 : f32 to vector<16xf32>
      %add3A_1307 = arith.addf %add3A_1306, %exp3A_1304 : vector<16xf32>
      %div3A_1308 = arith.constant 1.000000e+00 : f32
      %div3A_1309 = vector.broadcast %div3A_1308 : f32 to vector<16xf32>
      %div3A_1310 = arith.divf %div3A_1309, %add3A_1307 : vector<16xf32>
      %mul3A_1311 = arith.constant 80 : i32
      %mul3A_1312 = arith.muli %add3A_901, %mul3A_1311 : i32
      %add3A_1313 = arith.constant 64 : i32
      %add3A_1314 = arith.addi %mul3A_1312, %add3A_1313 : i32
      %swap3A_1315 = arith.index_cast %add3A_1314 : i32 to index
      %swap3A_1316 = tpu.vector_load %arg14[%swap3A_1315] {strides = array<i32>} : memref<10000xf32, #tpu.memory_space<vmem>>, vector<16xf32>,
      tpu.vector_store %arg14[%swap3A_1315], %div3A_1310 {strides = array<i32>} : memref<10000xf32, #tpu.memory_space<vmem>>, vector<16xf32>,
    }
    %scan3A_28 = arith.constant 62 : i32
    %dma_wait3A_29 = arith.constant 0 : i32
    %dma_wait3A_30 = arith.constant 0 : i32
    %dma_wait3A_31 = tpu.memref_slice %arg15[%dma_wait3A_29, %dma_wait3A_30] : memref<10000x64xi32, #tpu.memory_space<vmem_shared>> -> memref<80x64xi32, #tpu.memory_space<vmem_shared>>
    %dma_wait3A_32 = arith.constant 0 : i32
    %dma_wait3A_33 = arith.constant 0 : i32
    %dma_wait3A_34 = tpu.memref_slice %arg15[%dma_wait3A_32, %dma_wait3A_33] : memref<10000x64xi32, #tpu.memory_space<vmem_shared>> -> memref<80x64xi32, #tpu.memory_space<vmem_shared>>
    tpu.wait_dma2 semaphore(%arg16 : memref<!tpu.dma_semaphore, #tpu.memory_space<semaphore_mem>>) src(%dma_wait3A_34 : memref<80x64xi32, #tpu.memory_space<vmem_shared>>) dst(%arg9 : memref<80x64xi32, #tpu.memory_space<vmem>>)
    %dma_wait3A_35 = arith.constant 0 : i32
    %dma_wait3A_36 = arith.constant 0 : i32
    %dma_wait3A_37 = tpu.memref_slice %arg5[%dma_wait3A_35, %dma_wait3A_36] : memref<10000x64xi32, #tpu.memory_space<hbm>> -> memref<80x64xi32, #tpu.memory_space<hbm>>
    %dma_wait3A_38 = arith.constant 0 : i32
    %dma_wait3A_39 = arith.constant 0 : i32
    %dma_wait3A_40 = tpu.memref_slice %arg5[%dma_wait3A_38, %dma_wait3A_39] : memref<10000x64xi32, #tpu.memory_space<hbm>> -> memref<80x64xi32, #tpu.memory_space<hbm>>
    tpu.wait_dma2 semaphore(%arg17 : memref<!tpu.dma_semaphore, #tpu.memory_space<semaphore_mem>>) src(%dma_wait3A_40 : memref<80x64xi32, #tpu.memory_space<hbm>>) dst(%arg10 : memref<80x64xi32, #tpu.memory_space<vmem>>)
    %scan3A_41 = arith.constant 0 : i32
    %scan3A_42 = arith.constant 10 : i32
    %scan3A_43 = arith.addi %scan3A_41, %scan3A_42 : i32
    %scan3A_44 = arith.constant 1 : i32
    scf.for %scan3A_430 = %scan3A_41 to %scan3A_43 step %scan3A_44  : i32 {
      %mul3A_431 = arith.constant 8 : i32
      %mul3A_432 = arith.muli %scan3A_430, %mul3A_431 : i32
      %add3A_433 = arith.constant 0 : i32
      %add3A_434 = arith.addi %mul3A_432, %add3A_433 : i32
      %get3A = arith.index_cast %add3A_434 : i32 to index
      %get3A_435 = arith.constant 0 : index
      %get3A_436 = tpu.vector_load %arg9[%get3A, %get3A_435] {strides = array<i32>} : memref<80x64xi32, #tpu.memory_space<vmem>>, vector<16xi32>,
      %bitcast3A = vector.bitcast %get3A_436 : vector<16xi32> to vector<32xbf16>
      %get3A_437 = arith.index_cast %add3A_434 : i32 to index
      %get3A_438 = arith.constant 0 : index
      %get3A_439 = tpu.vector_load %arg10[%get3A_437, %get3A_438] {strides = array<i32>} : memref<80x64xi32, #tpu.memory_space<vmem>>, vector<16xi32>,
      %bitcast3A_440 = vector.bitcast %get3A_439 : vector<16xi32> to vector<32xbf16>
      %mul3A_441 = arith.mulf %bitcast3A, %bitcast3A_440 : vector<32xbf16>
      %unpack3A = tpu.unpack_subelements %mul3A_441, 0 {pack_format = #tpu.pack_format<interleaved>} : vector<32xbf16> -> vector<16xf32>
      %unpack3A_442 = tpu.unpack_subelements %mul3A_441, 1 {pack_format = #tpu.pack_format<interleaved>} : vector<32xbf16> -> vector<16xf32>
      %get3A_443 = arith.index_cast %add3A_434 : i32 to index
      %get3A_444 = arith.constant 16 : index
      %get3A_445 = tpu.vector_load %arg9[%get3A_443, %get3A_444] {strides = array<i32>} : memref<80x64xi32, #tpu.memory_space<vmem>>, vector<16xi32>,
      %bitcast3A_446 = vector.bitcast %get3A_445 : vector<16xi32> to vector<32xbf16>
      %get3A_447 = arith.index_cast %add3A_434 : i32 to index
      %get3A_448 = arith.constant 16 : index
      %get3A_449 = tpu.vector_load %arg10[%get3A_447, %get3A_448] {strides = array<i32>} : memref<80x64xi32, #tpu.memory_space<vmem>>, vector<16xi32>,
      %bitcast3A_450 = vector.bitcast %get3A_449 : vector<16xi32> to vector<32xbf16>
      %mul3A_451 = arith.mulf %bitcast3A_446, %bitcast3A_450 : vector<32xbf16>
      %unpack3A_452 = tpu.unpack_subelements %mul3A_451, 0 {pack_format = #tpu.pack_format<interleaved>} : vector<32xbf16> -> vector<16xf32>
      %unpack3A_453 = tpu.unpack_subelements %mul3A_451, 1 {pack_format = #tpu.pack_format<interleaved>} : vector<32xbf16> -> vector<16xf32>
      %add3A_454 = arith.addf %unpack3A, %unpack3A_452 : vector<16xf32>
      %add3A_455 = arith.addf %unpack3A_442, %unpack3A_453 : vector<16xf32>
      %get3A_456 = arith.index_cast %add3A_434 : i32 to index
      %get3A_457 = arith.constant 32 : index
      %get3A_458 = tpu.vector_load %arg9[%get3A_456, %get3A_457] {strides = array<i32>} : memref<80x64xi32, #tpu.memory_space<vmem>>, vector<16xi32>,
      %bitcast3A_459 = vector.bitcast %get3A_458 : vector<16xi32> to vector<32xbf16>
      %get3A_460 = arith.index_cast %add3A_434 : i32 to index
      %get3A_461 = arith.constant 32 : index
      %get3A_462 = tpu.vector_load %arg10[%get3A_460, %get3A_461] {strides = array<i32>} : memref<80x64xi32, #tpu.memory_space<vmem>>, vector<16xi32>,
      %bitcast3A_463 = vector.bitcast %get3A_462 : vector<16xi32> to vector<32xbf16>
      %mul3A_464 = arith.mulf %bitcast3A_459, %bitcast3A_463 : vector<32xbf16>
      %unpack3A_465 = tpu.unpack_subelements %mul3A_464, 0 {pack_format = #tpu.pack_format<interleaved>} : vector<32xbf16> -> vector<16xf32>
      %unpack3A_466 = tpu.unpack_subelements %mul3A_464, 1 {pack_format = #tpu.pack_format<interleaved>} : vector<32xbf16> -> vector<16xf32>
      %add3A_467 = arith.addf %add3A_454, %unpack3A_465 : vector<16xf32>
      %add3A_468 = arith.addf %add3A_455, %unpack3A_466 : vector<16xf32>
      %get3A_469 = arith.index_cast %add3A_434 : i32 to index
      %get3A_470 = arith.constant 48 : index
      %get3A_471 = tpu.vector_load %arg9[%get3A_469, %get3A_470] {strides = array<i32>} : memref<80x64xi32, #tpu.memory_space<vmem>>, vector<16xi32>,
      %bitcast3A_472 = vector.bitcast %get3A_471 : vector<16xi32> to vector<32xbf16>
      %get3A_473 = arith.index_cast %add3A_434 : i32 to index
      %get3A_474 = arith.constant 48 : index
      %get3A_475 = tpu.vector_load %arg10[%get3A_473, %get3A_474] {strides = array<i32>} : memref<80x64xi32, #tpu.memory_space<vmem>>, vector<16xi32>,
      %bitcast3A_476 = vector.bitcast %get3A_475 : vector<16xi32> to vector<32xbf16>
      %mul3A_477 = arith.mulf %bitcast3A_472, %bitcast3A_476 : vector<32xbf16>
      %unpack3A_478 = tpu.unpack_subelements %mul3A_477, 0 {pack_format = #tpu.pack_format<interleaved>} : vector<32xbf16> -> vector<16xf32>
      %unpack3A_479 = tpu.unpack_subelements %mul3A_477, 1 {pack_format = #tpu.pack_format<interleaved>} : vector<32xbf16> -> vector<16xf32>
      %add3A_480 = arith.addf %add3A_467, %unpack3A_478 : vector<16xf32>
      %add3A_481 = arith.addf %add3A_468, %unpack3A_479 : vector<16xf32>
      %add3A_482 = arith.addf %add3A_480, %add3A_481 : vector<16xf32>
      %swap3A_483 = arith.index_cast %add3A_434 : i32 to index
      %swap3A_484 = arith.constant 0 : index
      %swap3A_485 = tpu.vector_load %arg13[%swap3A_483, %swap3A_484] {strides = array<i32>} : memref<80x16xf32, #tpu.memory_space<vmem>>, vector<16xf32>,
      tpu.vector_store %arg13[%swap3A_483, %swap3A_484], %add3A_482 {strides = array<i32>} : memref<80x16xf32, #tpu.memory_space<vmem>>, vector<16xf32>,
      %mul3A_486 = arith.constant 8 : i32
      %mul3A_487 = arith.muli %scan3A_430, %mul3A_486 : i32
      %add3A_488 = arith.constant 1 : i32
      %add3A_489 = arith.addi %mul3A_487, %add3A_488 : i32
      %get3A_490 = arith.index_cast %add3A_489 : i32 to index
      %get3A_491 = arith.constant 0 : index
      %get3A_492 = tpu.vector_load %arg9[%get3A_490, %get3A_491] {strides = array<i32>} : memref<80x64xi32, #tpu.memory_space<vmem>>, vector<16xi32>,
      %bitcast3A_493 = vector.bitcast %get3A_492 : vector<16xi32> to vector<32xbf16>
      %get3A_494 = arith.index_cast %add3A_489 : i32 to index
      %get3A_495 = arith.constant 0 : index
      %get3A_496 = tpu.vector_load %arg10[%get3A_494, %get3A_495] {strides = array<i32>} : memref<80x64xi32, #tpu.memory_space<vmem>>, vector<16xi32>,
      %bitcast3A_497 = vector.bitcast %get3A_496 : vector<16xi32> to vector<32xbf16>
      %mul3A_498 = arith.mulf %bitcast3A_493, %bitcast3A_497 : vector<32xbf16>
      %unpack3A_499 = tpu.unpack_subelements %mul3A_498, 0 {pack_format = #tpu.pack_format<interleaved>} : vector<32xbf16> -> vector<16xf32>
      %unpack3A_500 = tpu.unpack_subelements %mul3A_498, 1 {pack_format = #tpu.pack_format<interleaved>} : vector<32xbf16> -> vector<16xf32>
      %get3A_501 = arith.index_cast %add3A_489 : i32 to index
      %get3A_502 = arith.constant 16 : index
      %get3A_503 = tpu.vector_load %arg9[%get3A_501, %get3A_502] {strides = array<i32>} : memref<80x64xi32, #tpu.memory_space<vmem>>, vector<16xi32>,
      %bitcast3A_504 = vector.bitcast %get3A_503 : vector<16xi32> to vector<32xbf16>
      %get3A_505 = arith.index_cast %add3A_489 : i32 to index
      %get3A_506 = arith.constant 16 : index
      %get3A_507 = tpu.vector_load %arg10[%get3A_505, %get3A_506] {strides = array<i32>} : memref<80x64xi32, #tpu.memory_space<vmem>>, vector<16xi32>,
      %bitcast3A_508 = vector.bitcast %get3A_507 : vector<16xi32> to vector<32xbf16>
      %mul3A_509 = arith.mulf %bitcast3A_504, %bitcast3A_508 : vector<32xbf16>
      %unpack3A_510 = tpu.unpack_subelements %mul3A_509, 0 {pack_format = #tpu.pack_format<interleaved>} : vector<32xbf16> -> vector<16xf32>
      %unpack3A_511 = tpu.unpack_subelements %mul3A_509, 1 {pack_format = #tpu.pack_format<interleaved>} : vector<32xbf16> -> vector<16xf32>
      %add3A_512 = arith.addf %unpack3A_499, %unpack3A_510 : vector<16xf32>
      %add3A_513 = arith.addf %unpack3A_500, %unpack3A_511 : vector<16xf32>
      %get3A_514 = arith.index_cast %add3A_489 : i32 to index
      %get3A_515 = arith.constant 32 : index
      %get3A_516 = tpu.vector_load %arg9[%get3A_514, %get3A_515] {strides = array<i32>} : memref<80x64xi32, #tpu.memory_space<vmem>>, vector<16xi32>,
      %bitcast3A_517 = vector.bitcast %get3A_516 : vector<16xi32> to vector<32xbf16>
      %get3A_518 = arith.index_cast %add3A_489 : i32 to index
      %get3A_519 = arith.constant 32 : index
      %get3A_520 = tpu.vector_load %arg10[%get3A_518, %get3A_519] {strides = array<i32>} : memref<80x64xi32, #tpu.memory_space<vmem>>, vector<16xi32>,
      %bitcast3A_521 = vector.bitcast %get3A_520 : vector<16xi32> to vector<32xbf16>
      %mul3A_522 = arith.mulf %bitcast3A_517, %bitcast3A_521 : vector<32xbf16>
      %unpack3A_523 = tpu.unpack_subelements %mul3A_522, 0 {pack_format = #tpu.pack_format<interleaved>} : vector<32xbf16> -> vector<16xf32>
      %unpack3A_524 = tpu.unpack_subelements %mul3A_522, 1 {pack_format = #tpu.pack_format<interleaved>} : vector<32xbf16> -> vector<16xf32>
      %add3A_525 = arith.addf %add3A_512, %unpack3A_523 : vector<16xf32>
      %add3A_526 = arith.addf %add3A_513, %unpack3A_524 : vector<16xf32>
      %get3A_527 = arith.index_cast %add3A_489 : i32 to index
      %get3A_528 = arith.constant 48 : index
      %get3A_529 = tpu.vector_load %arg9[%get3A_527, %get3A_528] {strides = array<i32>} : memref<80x64xi32, #tpu.memory_space<vmem>>, vector<16xi32>,
      %bitcast3A_530 = vector.bitcast %get3A_529 : vector<16xi32> to vector<32xbf16>
      %get3A_531 = arith.index_cast %add3A_489 : i32 to index
      %get3A_532 = arith.constant 48 : index
      %get3A_533 = tpu.vector_load %arg10[%get3A_531, %get3A_532] {strides = array<i32>} : memref<80x64xi32, #tpu.memory_space<vmem>>, vector<16xi32>,
      %bitcast3A_534 = vector.bitcast %get3A_533 : vector<16xi32> to vector<32xbf16>
      %mul3A_535 = arith.mulf %bitcast3A_530, %bitcast3A_534 : vector<32xbf16>
      %unpack3A_536 = tpu.unpack_subelements %mul3A_535, 0 {pack_format = #tpu.pack_format<interleaved>} : vector<32xbf16> -> vector<16xf32>
      %unpack3A_537 = tpu.unpack_subelements %mul3A_535, 1 {pack_format = #tpu.pack_format<interleaved>} : vector<32xbf16> -> vector<16xf32>
      %add3A_538 = arith.addf %add3A_525, %unpack3A_536 : vector<16xf32>
      %add3A_539 = arith.addf %add3A_526, %unpack3A_537 : vector<16xf32>
      %add3A_540 = arith.addf %add3A_538, %add3A_539 : vector<16xf32>
      %swap3A_541 = arith.index_cast %add3A_489 : i32 to index
      %swap3A_542 = arith.constant 0 : index
      %swap3A_543 = tpu.vector_load %arg13[%swap3A_541, %swap3A_542] {strides = array<i32>} : memref<80x16xf32, #tpu.memory_space<vmem>>, vector<16xf32>,
      tpu.vector_store %arg13[%swap3A_541, %swap3A_542], %add3A_540 {strides = array<i32>} : memref<80x16xf32, #tpu.memory_space<vmem>>, vector<16xf32>,
      %mul3A_544 = arith.constant 8 : i32
      %mul3A_545 = arith.muli %scan3A_430, %mul3A_544 : i32
      %add3A_546 = arith.constant 2 : i32
      %add3A_547 = arith.addi %mul3A_545, %add3A_546 : i32
      %get3A_548 = arith.index_cast %add3A_547 : i32 to index
      %get3A_549 = arith.constant 0 : index
      %get3A_550 = tpu.vector_load %arg9[%get3A_548, %get3A_549] {strides = array<i32>} : memref<80x64xi32, #tpu.memory_space<vmem>>, vector<16xi32>,
      %bitcast3A_551 = vector.bitcast %get3A_550 : vector<16xi32> to vector<32xbf16>
      %get3A_552 = arith.index_cast %add3A_547 : i32 to index
      %get3A_553 = arith.constant 0 : index
      %get3A_554 = tpu.vector_load %arg10[%get3A_552, %get3A_553] {strides = array<i32>} : memref<80x64xi32, #tpu.memory_space<vmem>>, vector<16xi32>,
      %bitcast3A_555 = vector.bitcast %get3A_554 : vector<16xi32> to vector<32xbf16>
      %mul3A_556 = arith.mulf %bitcast3A_551, %bitcast3A_555 : vector<32xbf16>
      %unpack3A_557 = tpu.unpack_subelements %mul3A_556, 0 {pack_format = #tpu.pack_format<interleaved>} : vector<32xbf16> -> vector<16xf32>
      %unpack3A_558 = tpu.unpack_subelements %mul3A_556, 1 {pack_format = #tpu.pack_format<interleaved>} : vector<32xbf16> -> vector<16xf32>
      %get3A_559 = arith.index_cast %add3A_547 : i32 to index
      %get3A_560 = arith.constant 16 : index
      %get3A_561 = tpu.vector_load %arg9[%get3A_559, %get3A_560] {strides = array<i32>} : memref<80x64xi32, #tpu.memory_space<vmem>>, vector<16xi32>,
      %bitcast3A_562 = vector.bitcast %get3A_561 : vector<16xi32> to vector<32xbf16>
      %get3A_563 = arith.index_cast %add3A_547 : i32 to index
      %get3A_564 = arith.constant 16 : index
      %get3A_565 = tpu.vector_load %arg10[%get3A_563, %get3A_564] {strides = array<i32>} : memref<80x64xi32, #tpu.memory_space<vmem>>, vector<16xi32>,
      %bitcast3A_566 = vector.bitcast %get3A_565 : vector<16xi32> to vector<32xbf16>
      %mul3A_567 = arith.mulf %bitcast3A_562, %bitcast3A_566 : vector<32xbf16>
      %unpack3A_568 = tpu.unpack_subelements %mul3A_567, 0 {pack_format = #tpu.pack_format<interleaved>} : vector<32xbf16> -> vector<16xf32>
      %unpack3A_569 = tpu.unpack_subelements %mul3A_567, 1 {pack_format = #tpu.pack_format<interleaved>} : vector<32xbf16> -> vector<16xf32>
      %add3A_570 = arith.addf %unpack3A_557, %unpack3A_568 : vector<16xf32>
      %add3A_571 = arith.addf %unpack3A_558, %unpack3A_569 : vector<16xf32>
      %get3A_572 = arith.index_cast %add3A_547 : i32 to index
      %get3A_573 = arith.constant 32 : index
      %get3A_574 = tpu.vector_load %arg9[%get3A_572, %get3A_573] {strides = array<i32>} : memref<80x64xi32, #tpu.memory_space<vmem>>, vector<16xi32>,
      %bitcast3A_575 = vector.bitcast %get3A_574 : vector<16xi32> to vector<32xbf16>
      %get3A_576 = arith.index_cast %add3A_547 : i32 to index
      %get3A_577 = arith.constant 32 : index
      %get3A_578 = tpu.vector_load %arg10[%get3A_576, %get3A_577] {strides = array<i32>} : memref<80x64xi32, #tpu.memory_space<vmem>>, vector<16xi32>,
      %bitcast3A_579 = vector.bitcast %get3A_578 : vector<16xi32> to vector<32xbf16>
      %mul3A_580 = arith.mulf %bitcast3A_575, %bitcast3A_579 : vector<32xbf16>
      %unpack3A_581 = tpu.unpack_subelements %mul3A_580, 0 {pack_format = #tpu.pack_format<interleaved>} : vector<32xbf16> -> vector<16xf32>
      %unpack3A_582 = tpu.unpack_subelements %mul3A_580, 1 {pack_format = #tpu.pack_format<interleaved>} : vector<32xbf16> -> vector<16xf32>
      %add3A_583 = arith.addf %add3A_570, %unpack3A_581 : vector<16xf32>
      %add3A_584 = arith.addf %add3A_571, %unpack3A_582 : vector<16xf32>
      %get3A_585 = arith.index_cast %add3A_547 : i32 to index
      %get3A_586 = arith.constant 48 : index
      %get3A_587 = tpu.vector_load %arg9[%get3A_585, %get3A_586] {strides = array<i32>} : memref<80x64xi32, #tpu.memory_space<vmem>>, vector<16xi32>,
      %bitcast3A_588 = vector.bitcast %get3A_587 : vector<16xi32> to vector<32xbf16>
      %get3A_589 = arith.index_cast %add3A_547 : i32 to index
      %get3A_590 = arith.constant 48 : index
      %get3A_591 = tpu.vector_load %arg10[%get3A_589, %get3A_590] {strides = array<i32>} : memref<80x64xi32, #tpu.memory_space<vmem>>, vector<16xi32>,
      %bitcast3A_592 = vector.bitcast %get3A_591 : vector<16xi32> to vector<32xbf16>
      %mul3A_593 = arith.mulf %bitcast3A_588, %bitcast3A_592 : vector<32xbf16>
      %unpack3A_594 = tpu.unpack_subelements %mul3A_593, 0 {pack_format = #tpu.pack_format<interleaved>} : vector<32xbf16> -> vector<16xf32>
      %unpack3A_595 = tpu.unpack_subelements %mul3A_593, 1 {pack_format = #tpu.pack_format<interleaved>} : vector<32xbf16> -> vector<16xf32>
      %add3A_596 = arith.addf %add3A_583, %unpack3A_594 : vector<16xf32>
      %add3A_597 = arith.addf %add3A_584, %unpack3A_595 : vector<16xf32>
      %add3A_598 = arith.addf %add3A_596, %add3A_597 : vector<16xf32>
      %swap3A_599 = arith.index_cast %add3A_547 : i32 to index
      %swap3A_600 = arith.constant 0 : index
      %swap3A_601 = tpu.vector_load %arg13[%swap3A_599, %swap3A_600] {strides = array<i32>} : memref<80x16xf32, #tpu.memory_space<vmem>>, vector<16xf32>,
      tpu.vector_store %arg13[%swap3A_599, %swap3A_600], %add3A_598 {strides = array<i32>} : memref<80x16xf32, #tpu.memory_space<vmem>>, vector<16xf32>,
      %mul3A_602 = arith.constant 8 : i32
      %mul3A_603 = arith.muli %scan3A_430, %mul3A_602 : i32
      %add3A_604 = arith.constant 3 : i32
      %add3A_605 = arith.addi %mul3A_603, %add3A_604 : i32
      %get3A_606 = arith.index_cast %add3A_605 : i32 to index
      %get3A_607 = arith.constant 0 : index
      %get3A_608 = tpu.vector_load %arg9[%get3A_606, %get3A_607] {strides = array<i32>} : memref<80x64xi32, #tpu.memory_space<vmem>>, vector<16xi32>,
      %bitcast3A_609 = vector.bitcast %get3A_608 : vector<16xi32> to vector<32xbf16>
      %get3A_610 = arith.index_cast %add3A_605 : i32 to index
      %get3A_611 = arith.constant 0 : index
      %get3A_612 = tpu.vector_load %arg10[%get3A_610, %get3A_611] {strides = array<i32>} : memref<80x64xi32, #tpu.memory_space<vmem>>, vector<16xi32>,
      %bitcast3A_613 = vector.bitcast %get3A_612 : vector<16xi32> to vector<32xbf16>
      %mul3A_614 = arith.mulf %bitcast3A_609, %bitcast3A_613 : vector<32xbf16>
      %unpack3A_615 = tpu.unpack_subelements %mul3A_614, 0 {pack_format = #tpu.pack_format<interleaved>} : vector<32xbf16> -> vector<16xf32>
      %unpack3A_616 = tpu.unpack_subelements %mul3A_614, 1 {pack_format = #tpu.pack_format<interleaved>} : vector<32xbf16> -> vector<16xf32>
      %get3A_617 = arith.index_cast %add3A_605 : i32 to index
      %get3A_618 = arith.constant 16 : index
      %get3A_619 = tpu.vector_load %arg9[%get3A_617, %get3A_618] {strides = array<i32>} : memref<80x64xi32, #tpu.memory_space<vmem>>, vector<16xi32>,
      %bitcast3A_620 = vector.bitcast %get3A_619 : vector<16xi32> to vector<32xbf16>
      %get3A_621 = arith.index_cast %add3A_605 : i32 to index
      %get3A_622 = arith.constant 16 : index
      %get3A_623 = tpu.vector_load %arg10[%get3A_621, %get3A_622] {strides = array<i32>} : memref<80x64xi32, #tpu.memory_space<vmem>>, vector<16xi32>,
      %bitcast3A_624 = vector.bitcast %get3A_623 : vector<16xi32> to vector<32xbf16>
      %mul3A_625 = arith.mulf %bitcast3A_620, %bitcast3A_624 : vector<32xbf16>
      %unpack3A_626 = tpu.unpack_subelements %mul3A_625, 0 {pack_format = #tpu.pack_format<interleaved>} : vector<32xbf16> -> vector<16xf32>
      %unpack3A_627 = tpu.unpack_subelements %mul3A_625, 1 {pack_format = #tpu.pack_format<interleaved>} : vector<32xbf16> -> vector<16xf32>
      %add3A_628 = arith.addf %unpack3A_615, %unpack3A_626 : vector<16xf32>
      %add3A_629 = arith.addf %unpack3A_616, %unpack3A_627 : vector<16xf32>
      %get3A_630 = arith.index_cast %add3A_605 : i32 to index
      %get3A_631 = arith.constant 32 : index
      %get3A_632 = tpu.vector_load %arg9[%get3A_630, %get3A_631] {strides = array<i32>} : memref<80x64xi32, #tpu.memory_space<vmem>>, vector<16xi32>,
      %bitcast3A_633 = vector.bitcast %get3A_632 : vector<16xi32> to vector<32xbf16>
      %get3A_634 = arith.index_cast %add3A_605 : i32 to index
      %get3A_635 = arith.constant 32 : index
      %get3A_636 = tpu.vector_load %arg10[%get3A_634, %get3A_635] {strides = array<i32>} : memref<80x64xi32, #tpu.memory_space<vmem>>, vector<16xi32>,
      %bitcast3A_637 = vector.bitcast %get3A_636 : vector<16xi32> to vector<32xbf16>
      %mul3A_638 = arith.mulf %bitcast3A_633, %bitcast3A_637 : vector<32xbf16>
      %unpack3A_639 = tpu.unpack_subelements %mul3A_638, 0 {pack_format = #tpu.pack_format<interleaved>} : vector<32xbf16> -> vector<16xf32>
      %unpack3A_640 = tpu.unpack_subelements %mul3A_638, 1 {pack_format = #tpu.pack_format<interleaved>} : vector<32xbf16> -> vector<16xf32>
      %add3A_641 = arith.addf %add3A_628, %unpack3A_639 : vector<16xf32>
      %add3A_642 = arith.addf %add3A_629, %unpack3A_640 : vector<16xf32>
      %get3A_643 = arith.index_cast %add3A_605 : i32 to index
      %get3A_644 = arith.constant 48 : index
      %get3A_645 = tpu.vector_load %arg9[%get3A_643, %get3A_644] {strides = array<i32>} : memref<80x64xi32, #tpu.memory_space<vmem>>, vector<16xi32>,
      %bitcast3A_646 = vector.bitcast %get3A_645 : vector<16xi32> to vector<32xbf16>
      %get3A_647 = arith.index_cast %add3A_605 : i32 to index
      %get3A_648 = arith.constant 48 : index
      %get3A_649 = tpu.vector_load %arg10[%get3A_647, %get3A_648] {strides = array<i32>} : memref<80x64xi32, #tpu.memory_space<vmem>>, vector<16xi32>,
      %bitcast3A_650 = vector.bitcast %get3A_649 : vector<16xi32> to vector<32xbf16>
      %mul3A_651 = arith.mulf %bitcast3A_646, %bitcast3A_650 : vector<32xbf16>
      %unpack3A_652 = tpu.unpack_subelements %mul3A_651, 0 {pack_format = #tpu.pack_format<interleaved>} : vector<32xbf16> -> vector<16xf32>
      %unpack3A_653 = tpu.unpack_subelements %mul3A_651, 1 {pack_format = #tpu.pack_format<interleaved>} : vector<32xbf16> -> vector<16xf32>
      %add3A_654 = arith.addf %add3A_641, %unpack3A_652 : vector<16xf32>
      %add3A_655 = arith.addf %add3A_642, %unpack3A_653 : vector<16xf32>
      %add3A_656 = arith.addf %add3A_654, %add3A_655 : vector<16xf32>
      %swap3A_657 = arith.index_cast %add3A_605 : i32 to index
      %swap3A_658 = arith.constant 0 : index
      %swap3A_659 = tpu.vector_load %arg13[%swap3A_657, %swap3A_658] {strides = array<i32>} : memref<80x16xf32, #tpu.memory_space<vmem>>, vector<16xf32>,
      tpu.vector_store %arg13[%swap3A_657, %swap3A_658], %add3A_656 {strides = array<i32>} : memref<80x16xf32, #tpu.memory_space<vmem>>, vector<16xf32>,
      %mul3A_660 = arith.constant 8 : i32
      %mul3A_661 = arith.muli %scan3A_430, %mul3A_660 : i32
      %add3A_662 = arith.constant 4 : i32
      %add3A_663 = arith.addi %mul3A_661, %add3A_662 : i32
      %get3A_664 = arith.index_cast %add3A_663 : i32 to index
      %get3A_665 = arith.constant 0 : index
      %get3A_666 = tpu.vector_load %arg9[%get3A_664, %get3A_665] {strides = array<i32>} : memref<80x64xi32, #tpu.memory_space<vmem>>, vector<16xi32>,
      %bitcast3A_667 = vector.bitcast %get3A_666 : vector<16xi32> to vector<32xbf16>
      %get3A_668 = arith.index_cast %add3A_663 : i32 to index
      %get3A_669 = arith.constant 0 : index
      %get3A_670 = tpu.vector_load %arg10[%get3A_668, %get3A_669] {strides = array<i32>} : memref<80x64xi32, #tpu.memory_space<vmem>>, vector<16xi32>,
      %bitcast3A_671 = vector.bitcast %get3A_670 : vector<16xi32> to vector<32xbf16>
      %mul3A_672 = arith.mulf %bitcast3A_667, %bitcast3A_671 : vector<32xbf16>
      %unpack3A_673 = tpu.unpack_subelements %mul3A_672, 0 {pack_format = #tpu.pack_format<interleaved>} : vector<32xbf16> -> vector<16xf32>
      %unpack3A_674 = tpu.unpack_subelements %mul3A_672, 1 {pack_format = #tpu.pack_format<interleaved>} : vector<32xbf16> -> vector<16xf32>
      %get3A_675 = arith.index_cast %add3A_663 : i32 to index
      %get3A_676 = arith.constant 16 : index
      %get3A_677 = tpu.vector_load %arg9[%get3A_675, %get3A_676] {strides = array<i32>} : memref<80x64xi32, #tpu.memory_space<vmem>>, vector<16xi32>,
      %bitcast3A_678 = vector.bitcast %get3A_677 : vector<16xi32> to vector<32xbf16>
      %get3A_679 = arith.index_cast %add3A_663 : i32 to index
      %get3A_680 = arith.constant 16 : index
      %get3A_681 = tpu.vector_load %arg10[%get3A_679, %get3A_680] {strides = array<i32>} : memref<80x64xi32, #tpu.memory_space<vmem>>, vector<16xi32>,
      %bitcast3A_682 = vector.bitcast %get3A_681 : vector<16xi32> to vector<32xbf16>
      %mul3A_683 = arith.mulf %bitcast3A_678, %bitcast3A_682 : vector<32xbf16>
      %unpack3A_684 = tpu.unpack_subelements %mul3A_683, 0 {pack_format = #tpu.pack_format<interleaved>} : vector<32xbf16> -> vector<16xf32>
      %unpack3A_685 = tpu.unpack_subelements %mul3A_683, 1 {pack_format = #tpu.pack_format<interleaved>} : vector<32xbf16> -> vector<16xf32>
      %add3A_686 = arith.addf %unpack3A_673, %unpack3A_684 : vector<16xf32>
      %add3A_687 = arith.addf %unpack3A_674, %unpack3A_685 : vector<16xf32>
      %get3A_688 = arith.index_cast %add3A_663 : i32 to index
      %get3A_689 = arith.constant 32 : index
      %get3A_690 = tpu.vector_load %arg9[%get3A_688, %get3A_689] {strides = array<i32>} : memref<80x64xi32, #tpu.memory_space<vmem>>, vector<16xi32>,
      %bitcast3A_691 = vector.bitcast %get3A_690 : vector<16xi32> to vector<32xbf16>
      %get3A_692 = arith.index_cast %add3A_663 : i32 to index
      %get3A_693 = arith.constant 32 : index
      %get3A_694 = tpu.vector_load %arg10[%get3A_692, %get3A_693] {strides = array<i32>} : memref<80x64xi32, #tpu.memory_space<vmem>>, vector<16xi32>,
      %bitcast3A_695 = vector.bitcast %get3A_694 : vector<16xi32> to vector<32xbf16>
      %mul3A_696 = arith.mulf %bitcast3A_691, %bitcast3A_695 : vector<32xbf16>
      %unpack3A_697 = tpu.unpack_subelements %mul3A_696, 0 {pack_format = #tpu.pack_format<interleaved>} : vector<32xbf16> -> vector<16xf32>
      %unpack3A_698 = tpu.unpack_subelements %mul3A_696, 1 {pack_format = #tpu.pack_format<interleaved>} : vector<32xbf16> -> vector<16xf32>
      %add3A_699 = arith.addf %add3A_686, %unpack3A_697 : vector<16xf32>
      %add3A_700 = arith.addf %add3A_687, %unpack3A_698 : vector<16xf32>
      %get3A_701 = arith.index_cast %add3A_663 : i32 to index
      %get3A_702 = arith.constant 48 : index
      %get3A_703 = tpu.vector_load %arg9[%get3A_701, %get3A_702] {strides = array<i32>} : memref<80x64xi32, #tpu.memory_space<vmem>>, vector<16xi32>,
      %bitcast3A_704 = vector.bitcast %get3A_703 : vector<16xi32> to vector<32xbf16>
      %get3A_705 = arith.index_cast %add3A_663 : i32 to index
      %get3A_706 = arith.constant 48 : index
      %get3A_707 = tpu.vector_load %arg10[%get3A_705, %get3A_706] {strides = array<i32>} : memref<80x64xi32, #tpu.memory_space<vmem>>, vector<16xi32>,
      %bitcast3A_708 = vector.bitcast %get3A_707 : vector<16xi32> to vector<32xbf16>
      %mul3A_709 = arith.mulf %bitcast3A_704, %bitcast3A_708 : vector<32xbf16>
      %unpack3A_710 = tpu.unpack_subelements %mul3A_709, 0 {pack_format = #tpu.pack_format<interleaved>} : vector<32xbf16> -> vector<16xf32>
      %unpack3A_711 = tpu.unpack_subelements %mul3A_709, 1 {pack_format = #tpu.pack_format<interleaved>} : vector<32xbf16> -> vector<16xf32>
      %add3A_712 = arith.addf %add3A_699, %unpack3A_710 : vector<16xf32>
      %add3A_713 = arith.addf %add3A_700, %unpack3A_711 : vector<16xf32>
      %add3A_714 = arith.addf %add3A_712, %add3A_713 : vector<16xf32>
      %swap3A_715 = arith.index_cast %add3A_663 : i32 to index
      %swap3A_716 = arith.constant 0 : index
      %swap3A_717 = tpu.vector_load %arg13[%swap3A_715, %swap3A_716] {strides = array<i32>} : memref<80x16xf32, #tpu.memory_space<vmem>>, vector<16xf32>,
      tpu.vector_store %arg13[%swap3A_715, %swap3A_716], %add3A_714 {strides = array<i32>} : memref<80x16xf32, #tpu.memory_space<vmem>>, vector<16xf32>,
      %mul3A_718 = arith.constant 8 : i32
      %mul3A_719 = arith.muli %scan3A_430, %mul3A_718 : i32
      %add3A_720 = arith.constant 5 : i32
      %add3A_721 = arith.addi %mul3A_719, %add3A_720 : i32
      %get3A_722 = arith.index_cast %add3A_721 : i32 to index
      %get3A_723 = arith.constant 0 : index
      %get3A_724 = tpu.vector_load %arg9[%get3A_722, %get3A_723] {strides = array<i32>} : memref<80x64xi32, #tpu.memory_space<vmem>>, vector<16xi32>,
      %bitcast3A_725 = vector.bitcast %get3A_724 : vector<16xi32> to vector<32xbf16>
      %get3A_726 = arith.index_cast %add3A_721 : i32 to index
      %get3A_727 = arith.constant 0 : index
      %get3A_728 = tpu.vector_load %arg10[%get3A_726, %get3A_727] {strides = array<i32>} : memref<80x64xi32, #tpu.memory_space<vmem>>, vector<16xi32>,
      %bitcast3A_729 = vector.bitcast %get3A_728 : vector<16xi32> to vector<32xbf16>
      %mul3A_730 = arith.mulf %bitcast3A_725, %bitcast3A_729 : vector<32xbf16>
      %unpack3A_731 = tpu.unpack_subelements %mul3A_730, 0 {pack_format = #tpu.pack_format<interleaved>} : vector<32xbf16> -> vector<16xf32>
      %unpack3A_732 = tpu.unpack_subelements %mul3A_730, 1 {pack_format = #tpu.pack_format<interleaved>} : vector<32xbf16> -> vector<16xf32>
      %get3A_733 = arith.index_cast %add3A_721 : i32 to index
      %get3A_734 = arith.constant 16 : index
      %get3A_735 = tpu.vector_load %arg9[%get3A_733, %get3A_734] {strides = array<i32>} : memref<80x64xi32, #tpu.memory_space<vmem>>, vector<16xi32>,
      %bitcast3A_736 = vector.bitcast %get3A_735 : vector<16xi32> to vector<32xbf16>
      %get3A_737 = arith.index_cast %add3A_721 : i32 to index
      %get3A_738 = arith.constant 16 : index
      %get3A_739 = tpu.vector_load %arg10[%get3A_737, %get3A_738] {strides = array<i32>} : memref<80x64xi32, #tpu.memory_space<vmem>>, vector<16xi32>,
      %bitcast3A_740 = vector.bitcast %get3A_739 : vector<16xi32> to vector<32xbf16>
      %mul3A_741 = arith.mulf %bitcast3A_736, %bitcast3A_740 : vector<32xbf16>
      %unpack3A_742 = tpu.unpack_subelements %mul3A_741, 0 {pack_format = #tpu.pack_format<interleaved>} : vector<32xbf16> -> vector<16xf32>
      %unpack3A_743 = tpu.unpack_subelements %mul3A_741, 1 {pack_format = #tpu.pack_format<interleaved>} : vector<32xbf16> -> vector<16xf32>
      %add3A_744 = arith.addf %unpack3A_731, %unpack3A_742 : vector<16xf32>
      %add3A_745 = arith.addf %unpack3A_732, %unpack3A_743 : vector<16xf32>
      %get3A_746 = arith.index_cast %add3A_721 : i32 to index
      %get3A_747 = arith.constant 32 : index
      %get3A_748 = tpu.vector_load %arg9[%get3A_746, %get3A_747] {strides = array<i32>} : memref<80x64xi32, #tpu.memory_space<vmem>>, vector<16xi32>,
      %bitcast3A_749 = vector.bitcast %get3A_748 : vector<16xi32> to vector<32xbf16>
      %get3A_750 = arith.index_cast %add3A_721 : i32 to index
      %get3A_751 = arith.constant 32 : index
      %get3A_752 = tpu.vector_load %arg10[%get3A_750, %get3A_751] {strides = array<i32>} : memref<80x64xi32, #tpu.memory_space<vmem>>, vector<16xi32>,
      %bitcast3A_753 = vector.bitcast %get3A_752 : vector<16xi32> to vector<32xbf16>
      %mul3A_754 = arith.mulf %bitcast3A_749, %bitcast3A_753 : vector<32xbf16>
      %unpack3A_755 = tpu.unpack_subelements %mul3A_754, 0 {pack_format = #tpu.pack_format<interleaved>} : vector<32xbf16> -> vector<16xf32>
      %unpack3A_756 = tpu.unpack_subelements %mul3A_754, 1 {pack_format = #tpu.pack_format<interleaved>} : vector<32xbf16> -> vector<16xf32>
      %add3A_757 = arith.addf %add3A_744, %unpack3A_755 : vector<16xf32>
      %add3A_758 = arith.addf %add3A_745, %unpack3A_756 : vector<16xf32>
      %get3A_759 = arith.index_cast %add3A_721 : i32 to index
      %get3A_760 = arith.constant 48 : index
      %get3A_761 = tpu.vector_load %arg9[%get3A_759, %get3A_760] {strides = array<i32>} : memref<80x64xi32, #tpu.memory_space<vmem>>, vector<16xi32>,
      %bitcast3A_762 = vector.bitcast %get3A_761 : vector<16xi32> to vector<32xbf16>
      %get3A_763 = arith.index_cast %add3A_721 : i32 to index
      %get3A_764 = arith.constant 48 : index
      %get3A_765 = tpu.vector_load %arg10[%get3A_763, %get3A_764] {strides = array<i32>} : memref<80x64xi32, #tpu.memory_space<vmem>>, vector<16xi32>,
      %bitcast3A_766 = vector.bitcast %get3A_765 : vector<16xi32> to vector<32xbf16>
      %mul3A_767 = arith.mulf %bitcast3A_762, %bitcast3A_766 : vector<32xbf16>
      %unpack3A_768 = tpu.unpack_subelements %mul3A_767, 0 {pack_format = #tpu.pack_format<interleaved>} : vector<32xbf16> -> vector<16xf32>
      %unpack3A_769 = tpu.unpack_subelements %mul3A_767, 1 {pack_format = #tpu.pack_format<interleaved>} : vector<32xbf16> -> vector<16xf32>
      %add3A_770 = arith.addf %add3A_757, %unpack3A_768 : vector<16xf32>
      %add3A_771 = arith.addf %add3A_758, %unpack3A_769 : vector<16xf32>
      %add3A_772 = arith.addf %add3A_770, %add3A_771 : vector<16xf32>
      %swap3A_773 = arith.index_cast %add3A_721 : i32 to index
      %swap3A_774 = arith.constant 0 : index
      %swap3A_775 = tpu.vector_load %arg13[%swap3A_773, %swap3A_774] {strides = array<i32>} : memref<80x16xf32, #tpu.memory_space<vmem>>, vector<16xf32>,
      tpu.vector_store %arg13[%swap3A_773, %swap3A_774], %add3A_772 {strides = array<i32>} : memref<80x16xf32, #tpu.memory_space<vmem>>, vector<16xf32>,
      %mul3A_776 = arith.constant 8 : i32
      %mul3A_777 = arith.muli %scan3A_430, %mul3A_776 : i32
      %add3A_778 = arith.constant 6 : i32
      %add3A_779 = arith.addi %mul3A_777, %add3A_778 : i32
      %get3A_780 = arith.index_cast %add3A_779 : i32 to index
      %get3A_781 = arith.constant 0 : index
      %get3A_782 = tpu.vector_load %arg9[%get3A_780, %get3A_781] {strides = array<i32>} : memref<80x64xi32, #tpu.memory_space<vmem>>, vector<16xi32>,
      %bitcast3A_783 = vector.bitcast %get3A_782 : vector<16xi32> to vector<32xbf16>
      %get3A_784 = arith.index_cast %add3A_779 : i32 to index
      %get3A_785 = arith.constant 0 : index
      %get3A_786 = tpu.vector_load %arg10[%get3A_784, %get3A_785] {strides = array<i32>} : memref<80x64xi32, #tpu.memory_space<vmem>>, vector<16xi32>,
      %bitcast3A_787 = vector.bitcast %get3A_786 : vector<16xi32> to vector<32xbf16>
      %mul3A_788 = arith.mulf %bitcast3A_783, %bitcast3A_787 : vector<32xbf16>
      %unpack3A_789 = tpu.unpack_subelements %mul3A_788, 0 {pack_format = #tpu.pack_format<interleaved>} : vector<32xbf16> -> vector<16xf32>
      %unpack3A_790 = tpu.unpack_subelements %mul3A_788, 1 {pack_format = #tpu.pack_format<interleaved>} : vector<32xbf16> -> vector<16xf32>
      %get3A_791 = arith.index_cast %add3A_779 : i32 to index
      %get3A_792 = arith.constant 16 : index
      %get3A_793 = tpu.vector_load %arg9[%get3A_791, %get3A_792] {strides = array<i32>} : memref<80x64xi32, #tpu.memory_space<vmem>>, vector<16xi32>,
      %bitcast3A_794 = vector.bitcast %get3A_793 : vector<16xi32> to vector<32xbf16>
      %get3A_795 = arith.index_cast %add3A_779 : i32 to index
      %get3A_796 = arith.constant 16 : index
      %get3A_797 = tpu.vector_load %arg10[%get3A_795, %get3A_796] {strides = array<i32>} : memref<80x64xi32, #tpu.memory_space<vmem>>, vector<16xi32>,
      %bitcast3A_798 = vector.bitcast %get3A_797 : vector<16xi32> to vector<32xbf16>
      %mul3A_799 = arith.mulf %bitcast3A_794, %bitcast3A_798 : vector<32xbf16>
      %unpack3A_800 = tpu.unpack_subelements %mul3A_799, 0 {pack_format = #tpu.pack_format<interleaved>} : vector<32xbf16> -> vector<16xf32>
      %unpack3A_801 = tpu.unpack_subelements %mul3A_799, 1 {pack_format = #tpu.pack_format<interleaved>} : vector<32xbf16> -> vector<16xf32>
      %add3A_802 = arith.addf %unpack3A_789, %unpack3A_800 : vector<16xf32>
      %add3A_803 = arith.addf %unpack3A_790, %unpack3A_801 : vector<16xf32>
      %get3A_804 = arith.index_cast %add3A_779 : i32 to index
      %get3A_805 = arith.constant 32 : index
      %get3A_806 = tpu.vector_load %arg9[%get3A_804, %get3A_805] {strides = array<i32>} : memref<80x64xi32, #tpu.memory_space<vmem>>, vector<16xi32>,
      %bitcast3A_807 = vector.bitcast %get3A_806 : vector<16xi32> to vector<32xbf16>
      %get3A_808 = arith.index_cast %add3A_779 : i32 to index
      %get3A_809 = arith.constant 32 : index
      %get3A_810 = tpu.vector_load %arg10[%get3A_808, %get3A_809] {strides = array<i32>} : memref<80x64xi32, #tpu.memory_space<vmem>>, vector<16xi32>,
      %bitcast3A_811 = vector.bitcast %get3A_810 : vector<16xi32> to vector<32xbf16>
      %mul3A_812 = arith.mulf %bitcast3A_807, %bitcast3A_811 : vector<32xbf16>
      %unpack3A_813 = tpu.unpack_subelements %mul3A_812, 0 {pack_format = #tpu.pack_format<interleaved>} : vector<32xbf16> -> vector<16xf32>
      %unpack3A_814 = tpu.unpack_subelements %mul3A_812, 1 {pack_format = #tpu.pack_format<interleaved>} : vector<32xbf16> -> vector<16xf32>
      %add3A_815 = arith.addf %add3A_802, %unpack3A_813 : vector<16xf32>
      %add3A_816 = arith.addf %add3A_803, %unpack3A_814 : vector<16xf32>
      %get3A_817 = arith.index_cast %add3A_779 : i32 to index
      %get3A_818 = arith.constant 48 : index
      %get3A_819 = tpu.vector_load %arg9[%get3A_817, %get3A_818] {strides = array<i32>} : memref<80x64xi32, #tpu.memory_space<vmem>>, vector<16xi32>,
      %bitcast3A_820 = vector.bitcast %get3A_819 : vector<16xi32> to vector<32xbf16>
      %get3A_821 = arith.index_cast %add3A_779 : i32 to index
      %get3A_822 = arith.constant 48 : index
      %get3A_823 = tpu.vector_load %arg10[%get3A_821, %get3A_822] {strides = array<i32>} : memref<80x64xi32, #tpu.memory_space<vmem>>, vector<16xi32>,
      %bitcast3A_824 = vector.bitcast %get3A_823 : vector<16xi32> to vector<32xbf16>
      %mul3A_825 = arith.mulf %bitcast3A_820, %bitcast3A_824 : vector<32xbf16>
      %unpack3A_826 = tpu.unpack_subelements %mul3A_825, 0 {pack_format = #tpu.pack_format<interleaved>} : vector<32xbf16> -> vector<16xf32>
      %unpack3A_827 = tpu.unpack_subelements %mul3A_825, 1 {pack_format = #tpu.pack_format<interleaved>} : vector<32xbf16> -> vector<16xf32>
      %add3A_828 = arith.addf %add3A_815, %unpack3A_826 : vector<16xf32>
      %add3A_829 = arith.addf %add3A_816, %unpack3A_827 : vector<16xf32>
      %add3A_830 = arith.addf %add3A_828, %add3A_829 : vector<16xf32>
      %swap3A_831 = arith.index_cast %add3A_779 : i32 to index
      %swap3A_832 = arith.constant 0 : index
      %swap3A_833 = tpu.vector_load %arg13[%swap3A_831, %swap3A_832] {strides = array<i32>} : memref<80x16xf32, #tpu.memory_space<vmem>>, vector<16xf32>,
      tpu.vector_store %arg13[%swap3A_831, %swap3A_832], %add3A_830 {strides = array<i32>} : memref<80x16xf32, #tpu.memory_space<vmem>>, vector<16xf32>,
      %mul3A_834 = arith.constant 8 : i32
      %mul3A_835 = arith.muli %scan3A_430, %mul3A_834 : i32
      %add3A_836 = arith.constant 7 : i32
      %add3A_837 = arith.addi %mul3A_835, %add3A_836 : i32
      %get3A_838 = arith.index_cast %add3A_837 : i32 to index
      %get3A_839 = arith.constant 0 : index
      %get3A_840 = tpu.vector_load %arg9[%get3A_838, %get3A_839] {strides = array<i32>} : memref<80x64xi32, #tpu.memory_space<vmem>>, vector<16xi32>,
      %bitcast3A_841 = vector.bitcast %get3A_840 : vector<16xi32> to vector<32xbf16>
      %get3A_842 = arith.index_cast %add3A_837 : i32 to index
      %get3A_843 = arith.constant 0 : index
      %get3A_844 = tpu.vector_load %arg10[%get3A_842, %get3A_843] {strides = array<i32>} : memref<80x64xi32, #tpu.memory_space<vmem>>, vector<16xi32>,
      %bitcast3A_845 = vector.bitcast %get3A_844 : vector<16xi32> to vector<32xbf16>
      %mul3A_846 = arith.mulf %bitcast3A_841, %bitcast3A_845 : vector<32xbf16>
      %unpack3A_847 = tpu.unpack_subelements %mul3A_846, 0 {pack_format = #tpu.pack_format<interleaved>} : vector<32xbf16> -> vector<16xf32>
      %unpack3A_848 = tpu.unpack_subelements %mul3A_846, 1 {pack_format = #tpu.pack_format<interleaved>} : vector<32xbf16> -> vector<16xf32>
      %get3A_849 = arith.index_cast %add3A_837 : i32 to index
      %get3A_850 = arith.constant 16 : index
      %get3A_851 = tpu.vector_load %arg9[%get3A_849, %get3A_850] {strides = array<i32>} : memref<80x64xi32, #tpu.memory_space<vmem>>, vector<16xi32>,
      %bitcast3A_852 = vector.bitcast %get3A_851 : vector<16xi32> to vector<32xbf16>
      %get3A_853 = arith.index_cast %add3A_837 : i32 to index
      %get3A_854 = arith.constant 16 : index
      %get3A_855 = tpu.vector_load %arg10[%get3A_853, %get3A_854] {strides = array<i32>} : memref<80x64xi32, #tpu.memory_space<vmem>>, vector<16xi32>,
      %bitcast3A_856 = vector.bitcast %get3A_855 : vector<16xi32> to vector<32xbf16>
      %mul3A_857 = arith.mulf %bitcast3A_852, %bitcast3A_856 : vector<32xbf16>
      %unpack3A_858 = tpu.unpack_subelements %mul3A_857, 0 {pack_format = #tpu.pack_format<interleaved>} : vector<32xbf16> -> vector<16xf32>
      %unpack3A_859 = tpu.unpack_subelements %mul3A_857, 1 {pack_format = #tpu.pack_format<interleaved>} : vector<32xbf16> -> vector<16xf32>
      %add3A_860 = arith.addf %unpack3A_847, %unpack3A_858 : vector<16xf32>
      %add3A_861 = arith.addf %unpack3A_848, %unpack3A_859 : vector<16xf32>
      %get3A_862 = arith.index_cast %add3A_837 : i32 to index
      %get3A_863 = arith.constant 32 : index
      %get3A_864 = tpu.vector_load %arg9[%get3A_862, %get3A_863] {strides = array<i32>} : memref<80x64xi32, #tpu.memory_space<vmem>>, vector<16xi32>,
      %bitcast3A_865 = vector.bitcast %get3A_864 : vector<16xi32> to vector<32xbf16>
      %get3A_866 = arith.index_cast %add3A_837 : i32 to index
      %get3A_867 = arith.constant 32 : index
      %get3A_868 = tpu.vector_load %arg10[%get3A_866, %get3A_867] {strides = array<i32>} : memref<80x64xi32, #tpu.memory_space<vmem>>, vector<16xi32>,
      %bitcast3A_869 = vector.bitcast %get3A_868 : vector<16xi32> to vector<32xbf16>
      %mul3A_870 = arith.mulf %bitcast3A_865, %bitcast3A_869 : vector<32xbf16>
      %unpack3A_871 = tpu.unpack_subelements %mul3A_870, 0 {pack_format = #tpu.pack_format<interleaved>} : vector<32xbf16> -> vector<16xf32>
      %unpack3A_872 = tpu.unpack_subelements %mul3A_870, 1 {pack_format = #tpu.pack_format<interleaved>} : vector<32xbf16> -> vector<16xf32>
      %add3A_873 = arith.addf %add3A_860, %unpack3A_871 : vector<16xf32>
      %add3A_874 = arith.addf %add3A_861, %unpack3A_872 : vector<16xf32>
      %get3A_875 = arith.index_cast %add3A_837 : i32 to index
      %get3A_876 = arith.constant 48 : index
      %get3A_877 = tpu.vector_load %arg9[%get3A_875, %get3A_876] {strides = array<i32>} : memref<80x64xi32, #tpu.memory_space<vmem>>, vector<16xi32>,
      %bitcast3A_878 = vector.bitcast %get3A_877 : vector<16xi32> to vector<32xbf16>
      %get3A_879 = arith.index_cast %add3A_837 : i32 to index
      %get3A_880 = arith.constant 48 : index
      %get3A_881 = tpu.vector_load %arg10[%get3A_879, %get3A_880] {strides = array<i32>} : memref<80x64xi32, #tpu.memory_space<vmem>>, vector<16xi32>,
      %bitcast3A_882 = vector.bitcast %get3A_881 : vector<16xi32> to vector<32xbf16>
      %mul3A_883 = arith.mulf %bitcast3A_878, %bitcast3A_882 : vector<32xbf16>
      %unpack3A_884 = tpu.unpack_subelements %mul3A_883, 0 {pack_format = #tpu.pack_format<interleaved>} : vector<32xbf16> -> vector<16xf32>
      %unpack3A_885 = tpu.unpack_subelements %mul3A_883, 1 {pack_format = #tpu.pack_format<interleaved>} : vector<32xbf16> -> vector<16xf32>
      %add3A_886 = arith.addf %add3A_873, %unpack3A_884 : vector<16xf32>
      %add3A_887 = arith.addf %add3A_874, %unpack3A_885 : vector<16xf32>
      %add3A_888 = arith.addf %add3A_886, %add3A_887 : vector<16xf32>
      %swap3A_889 = arith.index_cast %add3A_837 : i32 to index
      %swap3A_890 = arith.constant 0 : index
      %swap3A_891 = tpu.vector_load %arg13[%swap3A_889, %swap3A_890] {strides = array<i32>} : memref<80x16xf32, #tpu.memory_space<vmem>>, vector<16xf32>,
      tpu.vector_store %arg13[%swap3A_889, %swap3A_890], %add3A_888 {strides = array<i32>} : memref<80x16xf32, #tpu.memory_space<vmem>>, vector<16xf32>,
    }
    %scan3A_45 = arith.constant 10 : i32
    %add3A_46 = arith.constant 0 : i32
    %add3A_47 = vector.broadcast %add3A_46 : i32 to vector<16xi32>
    %add3A_48 = arith.addi %add3A_47, %iota3A : vector<16xi32>
    %broadcast_in_dim3A = arith.constant 0 : i32
    %broadcast_in_dim3A_49 = vector.broadcast %broadcast_in_dim3A : i32 to vector<16xi32>
    %gather3A = tpu.vector_load_idx %arg13[%add3A_48, %broadcast_in_dim3A_49] : memref<80x16xf32, #tpu.memory_space<vmem>>[vector<16xi32>, vector<16xi32>], vector<16xf32>,
    %broadcast_in_dim3A_50 = arith.constant 1 : i32
    %broadcast_in_dim3A_51 = vector.broadcast %broadcast_in_dim3A_50 : i32 to vector<16xi32>
    %gather3A_52 = tpu.vector_load_idx %arg13[%add3A_48, %broadcast_in_dim3A_51] : memref<80x16xf32, #tpu.memory_space<vmem>>[vector<16xi32>, vector<16xi32>], vector<16xf32>,
    %broadcast_in_dim3A_53 = arith.constant 2 : i32
    %broadcast_in_dim3A_54 = vector.broadcast %broadcast_in_dim3A_53 : i32 to vector<16xi32>
    %gather3A_55 = tpu.vector_load_idx %arg13[%add3A_48, %broadcast_in_dim3A_54] : memref<80x16xf32, #tpu.memory_space<vmem>>[vector<16xi32>, vector<16xi32>], vector<16xf32>,
    %add3A_56 = arith.addf %gather3A, %gather3A_55 : vector<16xf32>
    %broadcast_in_dim3A_57 = arith.constant 3 : i32
    %broadcast_in_dim3A_58 = vector.broadcast %broadcast_in_dim3A_57 : i32 to vector<16xi32>
    %gather3A_59 = tpu.vector_load_idx %arg13[%add3A_48, %broadcast_in_dim3A_58] : memref<80x16xf32, #tpu.memory_space<vmem>>[vector<16xi32>, vector<16xi32>], vector<16xf32>,
    %add3A_60 = arith.addf %gather3A_52, %gather3A_59 : vector<16xf32>
    %broadcast_in_dim3A_61 = arith.constant 4 : i32
    %broadcast_in_dim3A_62 = vector.broadcast %broadcast_in_dim3A_61 : i32 to vector<16xi32>
    %gather3A_63 = tpu.vector_load_idx %arg13[%add3A_48, %broadcast_in_dim3A_62] : memref<80x16xf32, #tpu.memory_space<vmem>>[vector<16xi32>, vector<16xi32>], vector<16xf32>,
    %add3A_64 = arith.addf %add3A_56, %gather3A_63 : vector<16xf32>
    %broadcast_in_dim3A_65 = arith.constant 5 : i32
    %broadcast_in_dim3A_66 = vector.broadcast %broadcast_in_dim3A_65 : i32 to vector<16xi32>
    %gather3A_67 = tpu.vector_load_idx %arg13[%add3A_48, %broadcast_in_dim3A_66] : memref<80x16xf32, #tpu.memory_space<vmem>>[vector<16xi32>, vector<16xi32>], vector<16xf32>,
    %add3A_68 = arith.addf %add3A_60, %gather3A_67 : vector<16xf32>
    %broadcast_in_dim3A_69 = arith.constant 6 : i32
    %broadcast_in_dim3A_70 = vector.broadcast %broadcast_in_dim3A_69 : i32 to vector<16xi32>
    %gather3A_71 = tpu.vector_load_idx %arg13[%add3A_48, %broadcast_in_dim3A_70] : memref<80x16xf32, #tpu.memory_space<vmem>>[vector<16xi32>, vector<16xi32>], vector<16xf32>,
    %add3A_72 = arith.addf %add3A_64, %gather3A_71 : vector<16xf32>
    %broadcast_in_dim3A_73 = arith.constant 7 : i32
    %broadcast_in_dim3A_74 = vector.broadcast %broadcast_in_dim3A_73 : i32 to vector<16xi32>
    %gather3A_75 = tpu.vector_load_idx %arg13[%add3A_48, %broadcast_in_dim3A_74] : memref<80x16xf32, #tpu.memory_space<vmem>>[vector<16xi32>, vector<16xi32>], vector<16xf32>,
    %add3A_76 = arith.addf %add3A_68, %gather3A_75 : vector<16xf32>
    %broadcast_in_dim3A_77 = arith.constant 8 : i32
    %broadcast_in_dim3A_78 = vector.broadcast %broadcast_in_dim3A_77 : i32 to vector<16xi32>
    %gather3A_79 = tpu.vector_load_idx %arg13[%add3A_48, %broadcast_in_dim3A_78] : memref<80x16xf32, #tpu.memory_space<vmem>>[vector<16xi32>, vector<16xi32>], vector<16xf32>,
    %add3A_80 = arith.addf %add3A_72, %gather3A_79 : vector<16xf32>
    %broadcast_in_dim3A_81 = arith.constant 9 : i32
    %broadcast_in_dim3A_82 = vector.broadcast %broadcast_in_dim3A_81 : i32 to vector<16xi32>
    %gather3A_83 = tpu.vector_load_idx %arg13[%add3A_48, %broadcast_in_dim3A_82] : memref<80x16xf32, #tpu.memory_space<vmem>>[vector<16xi32>, vector<16xi32>], vector<16xf32>,
    %add3A_84 = arith.addf %add3A_76, %gather3A_83 : vector<16xf32>
    %broadcast_in_dim3A_85 = arith.constant 10 : i32
    %broadcast_in_dim3A_86 = vector.broadcast %broadcast_in_dim3A_85 : i32 to vector<16xi32>
    %gather3A_87 = tpu.vector_load_idx %arg13[%add3A_48, %broadcast_in_dim3A_86] : memref<80x16xf32, #tpu.memory_space<vmem>>[vector<16xi32>, vector<16xi32>], vector<16xf32>,
    %add3A_88 = arith.addf %add3A_80, %gather3A_87 : vector<16xf32>
    %broadcast_in_dim3A_89 = arith.constant 11 : i32
    %broadcast_in_dim3A_90 = vector.broadcast %broadcast_in_dim3A_89 : i32 to vector<16xi32>
    %gather3A_91 = tpu.vector_load_idx %arg13[%add3A_48, %broadcast_in_dim3A_90] : memref<80x16xf32, #tpu.memory_space<vmem>>[vector<16xi32>, vector<16xi32>], vector<16xf32>,
    %add3A_92 = arith.addf %add3A_84, %gather3A_91 : vector<16xf32>
    %broadcast_in_dim3A_93 = arith.constant 12 : i32
    %broadcast_in_dim3A_94 = vector.broadcast %broadcast_in_dim3A_93 : i32 to vector<16xi32>
    %gather3A_95 = tpu.vector_load_idx %arg13[%add3A_48, %broadcast_in_dim3A_94] : memref<80x16xf32, #tpu.memory_space<vmem>>[vector<16xi32>, vector<16xi32>], vector<16xf32>,
    %add3A_96 = arith.addf %add3A_88, %gather3A_95 : vector<16xf32>
    %broadcast_in_dim3A_97 = arith.constant 13 : i32
    %broadcast_in_dim3A_98 = vector.broadcast %broadcast_in_dim3A_97 : i32 to vector<16xi32>
    %gather3A_99 = tpu.vector_load_idx %arg13[%add3A_48, %broadcast_in_dim3A_98] : memref<80x16xf32, #tpu.memory_space<vmem>>[vector<16xi32>, vector<16xi32>], vector<16xf32>,
    %add3A_100 = arith.addf %add3A_92, %gather3A_99 : vector<16xf32>
    %broadcast_in_dim3A_101 = arith.constant 14 : i32
    %broadcast_in_dim3A_102 = vector.broadcast %broadcast_in_dim3A_101 : i32 to vector<16xi32>
    %gather3A_103 = tpu.vector_load_idx %arg13[%add3A_48, %broadcast_in_dim3A_102] : memref<80x16xf32, #tpu.memory_space<vmem>>[vector<16xi32>, vector<16xi32>], vector<16xf32>,
    %add3A_104 = arith.addf %add3A_96, %gather3A_103 : vector<16xf32>
    %broadcast_in_dim3A_105 = arith.constant 15 : i32
    %broadcast_in_dim3A_106 = vector.broadcast %broadcast_in_dim3A_105 : i32 to vector<16xi32>
    %gather3A_107 = tpu.vector_load_idx %arg13[%add3A_48, %broadcast_in_dim3A_106] : memref<80x16xf32, #tpu.memory_space<vmem>>[vector<16xi32>, vector<16xi32>], vector<16xf32>,
    %add3A_108 = arith.addf %add3A_100, %gather3A_107 : vector<16xf32>
    %add3A_109 = arith.addf %add3A_104, %add3A_108 : vector<16xf32>
    %neg3A = arith.constant 0.000000e+00 : f32
    %neg3A_110 = vector.broadcast %neg3A : f32 to vector<16xf32>
    %neg3A_111 = arith.subf %neg3A_110, %add3A_109 : vector<16xf32>
    %exp3A = math.exp %neg3A_111 : vector<16xf32>
    %add3A_112 = arith.constant 1.000000e+00 : f32
    %add3A_113 = vector.broadcast %add3A_112 : f32 to vector<16xf32>
    %add3A_114 = arith.addf %add3A_113, %exp3A : vector<16xf32>
    %div3A = arith.constant 1.000000e+00 : f32
    %div3A_115 = vector.broadcast %div3A : f32 to vector<16xf32>
    %div3A_116 = arith.divf %div3A_115, %add3A_114 : vector<16xf32>
    %swap3A = arith.constant 9920 : index
    %swap3A_117 = tpu.vector_load %arg14[%swap3A] {strides = array<i32>} : memref<10000xf32, #tpu.memory_space<vmem>>, vector<16xf32>,
    tpu.vector_store %arg14[%swap3A], %div3A_116 {strides = array<i32>} : memref<10000xf32, #tpu.memory_space<vmem>>, vector<16xf32>,
    %add3A_118 = arith.constant 16 : i32
    %add3A_119 = vector.broadcast %add3A_118 : i32 to vector<16xi32>
    %add3A_120 = arith.addi %add3A_119, %iota3A : vector<16xi32>
    %broadcast_in_dim3A_121 = arith.constant 0 : i32
    %broadcast_in_dim3A_122 = vector.broadcast %broadcast_in_dim3A_121 : i32 to vector<16xi32>
    %gather3A_123 = tpu.vector_load_idx %arg13[%add3A_120, %broadcast_in_dim3A_122] : memref<80x16xf32, #tpu.memory_space<vmem>>[vector<16xi32>, vector<16xi32>], vector<16xf32>,
    %broadcast_in_dim3A_124 = arith.constant 1 : i32
    %broadcast_in_dim3A_125 = vector.broadcast %broadcast_in_dim3A_124 : i32 to vector<16xi32>
    %gather3A_126 = tpu.vector_load_idx %arg13[%add3A_120, %broadcast_in_dim3A_125] : memref<80x16xf32, #tpu.memory_space<vmem>>[vector<16xi32>, vector<16xi32>], vector<16xf32>,
    %broadcast_in_dim3A_127 = arith.constant 2 : i32
    %broadcast_in_dim3A_128 = vector.broadcast %broadcast_in_dim3A_127 : i32 to vector<16xi32>
    %gather3A_129 = tpu.vector_load_idx %arg13[%add3A_120, %broadcast_in_dim3A_128] : memref<80x16xf32, #tpu.memory_space<vmem>>[vector<16xi32>, vector<16xi32>], vector<16xf32>,
    %add3A_130 = arith.addf %gather3A_123, %gather3A_129 : vector<16xf32>
    %broadcast_in_dim3A_131 = arith.constant 3 : i32
    %broadcast_in_dim3A_132 = vector.broadcast %broadcast_in_dim3A_131 : i32 to vector<16xi32>
    %gather3A_133 = tpu.vector_load_idx %arg13[%add3A_120, %broadcast_in_dim3A_132] : memref<80x16xf32, #tpu.memory_space<vmem>>[vector<16xi32>, vector<16xi32>], vector<16xf32>,
    %add3A_134 = arith.addf %gather3A_126, %gather3A_133 : vector<16xf32>
    %broadcast_in_dim3A_135 = arith.constant 4 : i32
    %broadcast_in_dim3A_136 = vector.broadcast %broadcast_in_dim3A_135 : i32 to vector<16xi32>
    %gather3A_137 = tpu.vector_load_idx %arg13[%add3A_120, %broadcast_in_dim3A_136] : memref<80x16xf32, #tpu.memory_space<vmem>>[vector<16xi32>, vector<16xi32>], vector<16xf32>,
    %add3A_138 = arith.addf %add3A_130, %gather3A_137 : vector<16xf32>
    %broadcast_in_dim3A_139 = arith.constant 5 : i32
    %broadcast_in_dim3A_140 = vector.broadcast %broadcast_in_dim3A_139 : i32 to vector<16xi32>
    %gather3A_141 = tpu.vector_load_idx %arg13[%add3A_120, %broadcast_in_dim3A_140] : memref<80x16xf32, #tpu.memory_space<vmem>>[vector<16xi32>, vector<16xi32>], vector<16xf32>,
    %add3A_142 = arith.addf %add3A_134, %gather3A_141 : vector<16xf32>
    %broadcast_in_dim3A_143 = arith.constant 6 : i32
    %broadcast_in_dim3A_144 = vector.broadcast %broadcast_in_dim3A_143 : i32 to vector<16xi32>
    %gather3A_145 = tpu.vector_load_idx %arg13[%add3A_120, %broadcast_in_dim3A_144] : memref<80x16xf32, #tpu.memory_space<vmem>>[vector<16xi32>, vector<16xi32>], vector<16xf32>,
    %add3A_146 = arith.addf %add3A_138, %gather3A_145 : vector<16xf32>
    %broadcast_in_dim3A_147 = arith.constant 7 : i32
    %broadcast_in_dim3A_148 = vector.broadcast %broadcast_in_dim3A_147 : i32 to vector<16xi32>
    %gather3A_149 = tpu.vector_load_idx %arg13[%add3A_120, %broadcast_in_dim3A_148] : memref<80x16xf32, #tpu.memory_space<vmem>>[vector<16xi32>, vector<16xi32>], vector<16xf32>,
    %add3A_150 = arith.addf %add3A_142, %gather3A_149 : vector<16xf32>
    %broadcast_in_dim3A_151 = arith.constant 8 : i32
    %broadcast_in_dim3A_152 = vector.broadcast %broadcast_in_dim3A_151 : i32 to vector<16xi32>
    %gather3A_153 = tpu.vector_load_idx %arg13[%add3A_120, %broadcast_in_dim3A_152] : memref<80x16xf32, #tpu.memory_space<vmem>>[vector<16xi32>, vector<16xi32>], vector<16xf32>,
    %add3A_154 = arith.addf %add3A_146, %gather3A_153 : vector<16xf32>
    %broadcast_in_dim3A_155 = arith.constant 9 : i32
    %broadcast_in_dim3A_156 = vector.broadcast %broadcast_in_dim3A_155 : i32 to vector<16xi32>
    %gather3A_157 = tpu.vector_load_idx %arg13[%add3A_120, %broadcast_in_dim3A_156] : memref<80x16xf32, #tpu.memory_space<vmem>>[vector<16xi32>, vector<16xi32>], vector<16xf32>,
    %add3A_158 = arith.addf %add3A_150, %gather3A_157 : vector<16xf32>
    %broadcast_in_dim3A_159 = arith.constant 10 : i32
    %broadcast_in_dim3A_160 = vector.broadcast %broadcast_in_dim3A_159 : i32 to vector<16xi32>
    %gather3A_161 = tpu.vector_load_idx %arg13[%add3A_120, %broadcast_in_dim3A_160] : memref<80x16xf32, #tpu.memory_space<vmem>>[vector<16xi32>, vector<16xi32>], vector<16xf32>,
    %add3A_162 = arith.addf %add3A_154, %gather3A_161 : vector<16xf32>
    %broadcast_in_dim3A_163 = arith.constant 11 : i32
    %broadcast_in_dim3A_164 = vector.broadcast %broadcast_in_dim3A_163 : i32 to vector<16xi32>
    %gather3A_165 = tpu.vector_load_idx %arg13[%add3A_120, %broadcast_in_dim3A_164] : memref<80x16xf32, #tpu.memory_space<vmem>>[vector<16xi32>, vector<16xi32>], vector<16xf32>,
    %add3A_166 = arith.addf %add3A_158, %gather3A_165 : vector<16xf32>
    %broadcast_in_dim3A_167 = arith.constant 12 : i32
    %broadcast_in_dim3A_168 = vector.broadcast %broadcast_in_dim3A_167 : i32 to vector<16xi32>
    %gather3A_169 = tpu.vector_load_idx %arg13[%add3A_120, %broadcast_in_dim3A_168] : memref<80x16xf32, #tpu.memory_space<vmem>>[vector<16xi32>, vector<16xi32>], vector<16xf32>,
    %add3A_170 = arith.addf %add3A_162, %gather3A_169 : vector<16xf32>
    %broadcast_in_dim3A_171 = arith.constant 13 : i32
    %broadcast_in_dim3A_172 = vector.broadcast %broadcast_in_dim3A_171 : i32 to vector<16xi32>
    %gather3A_173 = tpu.vector_load_idx %arg13[%add3A_120, %broadcast_in_dim3A_172] : memref<80x16xf32, #tpu.memory_space<vmem>>[vector<16xi32>, vector<16xi32>], vector<16xf32>,
    %add3A_174 = arith.addf %add3A_166, %gather3A_173 : vector<16xf32>
    %broadcast_in_dim3A_175 = arith.constant 14 : i32
    %broadcast_in_dim3A_176 = vector.broadcast %broadcast_in_dim3A_175 : i32 to vector<16xi32>
    %gather3A_177 = tpu.vector_load_idx %arg13[%add3A_120, %broadcast_in_dim3A_176] : memref<80x16xf32, #tpu.memory_space<vmem>>[vector<16xi32>, vector<16xi32>], vector<16xf32>,
    %add3A_178 = arith.addf %add3A_170, %gather3A_177 : vector<16xf32>
    %broadcast_in_dim3A_179 = arith.constant 15 : i32
    %broadcast_in_dim3A_180 = vector.broadcast %broadcast_in_dim3A_179 : i32 to vector<16xi32>
    %gather3A_181 = tpu.vector_load_idx %arg13[%add3A_120, %broadcast_in_dim3A_180] : memref<80x16xf32, #tpu.memory_space<vmem>>[vector<16xi32>, vector<16xi32>], vector<16xf32>,
    %add3A_182 = arith.addf %add3A_174, %gather3A_181 : vector<16xf32>
    %add3A_183 = arith.addf %add3A_178, %add3A_182 : vector<16xf32>
    %neg3A_184 = arith.constant 0.000000e+00 : f32
    %neg3A_185 = vector.broadcast %neg3A_184 : f32 to vector<16xf32>
    %neg3A_186 = arith.subf %neg3A_185, %add3A_183 : vector<16xf32>
    %exp3A_187 = math.exp %neg3A_186 : vector<16xf32>
    %add3A_188 = arith.constant 1.000000e+00 : f32
    %add3A_189 = vector.broadcast %add3A_188 : f32 to vector<16xf32>
    %add3A_190 = arith.addf %add3A_189, %exp3A_187 : vector<16xf32>
    %div3A_191 = arith.constant 1.000000e+00 : f32
    %div3A_192 = vector.broadcast %div3A_191 : f32 to vector<16xf32>
    %div3A_193 = arith.divf %div3A_192, %add3A_190 : vector<16xf32>
    %swap3A_194 = arith.constant 9936 : index
    %swap3A_195 = tpu.vector_load %arg14[%swap3A_194] {strides = array<i32>} : memref<10000xf32, #tpu.memory_space<vmem>>, vector<16xf32>,
    tpu.vector_store %arg14[%swap3A_194], %div3A_193 {strides = array<i32>} : memref<10000xf32, #tpu.memory_space<vmem>>, vector<16xf32>,
    %add3A_196 = arith.constant 32 : i32
    %add3A_197 = vector.broadcast %add3A_196 : i32 to vector<16xi32>
    %add3A_198 = arith.addi %add3A_197, %iota3A : vector<16xi32>
    %broadcast_in_dim3A_199 = arith.constant 0 : i32
    %broadcast_in_dim3A_200 = vector.broadcast %broadcast_in_dim3A_199 : i32 to vector<16xi32>
    %gather3A_201 = tpu.vector_load_idx %arg13[%add3A_198, %broadcast_in_dim3A_200] : memref<80x16xf32, #tpu.memory_space<vmem>>[vector<16xi32>, vector<16xi32>], vector<16xf32>,
    %broadcast_in_dim3A_202 = arith.constant 1 : i32
    %broadcast_in_dim3A_203 = vector.broadcast %broadcast_in_dim3A_202 : i32 to vector<16xi32>
    %gather3A_204 = tpu.vector_load_idx %arg13[%add3A_198, %broadcast_in_dim3A_203] : memref<80x16xf32, #tpu.memory_space<vmem>>[vector<16xi32>, vector<16xi32>], vector<16xf32>,
    %broadcast_in_dim3A_205 = arith.constant 2 : i32
    %broadcast_in_dim3A_206 = vector.broadcast %broadcast_in_dim3A_205 : i32 to vector<16xi32>
    %gather3A_207 = tpu.vector_load_idx %arg13[%add3A_198, %broadcast_in_dim3A_206] : memref<80x16xf32, #tpu.memory_space<vmem>>[vector<16xi32>, vector<16xi32>], vector<16xf32>,
    %add3A_208 = arith.addf %gather3A_201, %gather3A_207 : vector<16xf32>
    %broadcast_in_dim3A_209 = arith.constant 3 : i32
    %broadcast_in_dim3A_210 = vector.broadcast %broadcast_in_dim3A_209 : i32 to vector<16xi32>
    %gather3A_211 = tpu.vector_load_idx %arg13[%add3A_198, %broadcast_in_dim3A_210] : memref<80x16xf32, #tpu.memory_space<vmem>>[vector<16xi32>, vector<16xi32>], vector<16xf32>,
    %add3A_212 = arith.addf %gather3A_204, %gather3A_211 : vector<16xf32>
    %broadcast_in_dim3A_213 = arith.constant 4 : i32
    %broadcast_in_dim3A_214 = vector.broadcast %broadcast_in_dim3A_213 : i32 to vector<16xi32>
    %gather3A_215 = tpu.vector_load_idx %arg13[%add3A_198, %broadcast_in_dim3A_214] : memref<80x16xf32, #tpu.memory_space<vmem>>[vector<16xi32>, vector<16xi32>], vector<16xf32>,
    %add3A_216 = arith.addf %add3A_208, %gather3A_215 : vector<16xf32>
    %broadcast_in_dim3A_217 = arith.constant 5 : i32
    %broadcast_in_dim3A_218 = vector.broadcast %broadcast_in_dim3A_217 : i32 to vector<16xi32>
    %gather3A_219 = tpu.vector_load_idx %arg13[%add3A_198, %broadcast_in_dim3A_218] : memref<80x16xf32, #tpu.memory_space<vmem>>[vector<16xi32>, vector<16xi32>], vector<16xf32>,
    %add3A_220 = arith.addf %add3A_212, %gather3A_219 : vector<16xf32>
    %broadcast_in_dim3A_221 = arith.constant 6 : i32
    %broadcast_in_dim3A_222 = vector.broadcast %broadcast_in_dim3A_221 : i32 to vector<16xi32>
    %gather3A_223 = tpu.vector_load_idx %arg13[%add3A_198, %broadcast_in_dim3A_222] : memref<80x16xf32, #tpu.memory_space<vmem>>[vector<16xi32>, vector<16xi32>], vector<16xf32>,
    %add3A_224 = arith.addf %add3A_216, %gather3A_223 : vector<16xf32>
    %broadcast_in_dim3A_225 = arith.constant 7 : i32
    %broadcast_in_dim3A_226 = vector.broadcast %broadcast_in_dim3A_225 : i32 to vector<16xi32>
    %gather3A_227 = tpu.vector_load_idx %arg13[%add3A_198, %broadcast_in_dim3A_226] : memref<80x16xf32, #tpu.memory_space<vmem>>[vector<16xi32>, vector<16xi32>], vector<16xf32>,
    %add3A_228 = arith.addf %add3A_220, %gather3A_227 : vector<16xf32>
    %broadcast_in_dim3A_229 = arith.constant 8 : i32
    %broadcast_in_dim3A_230 = vector.broadcast %broadcast_in_dim3A_229 : i32 to vector<16xi32>
    %gather3A_231 = tpu.vector_load_idx %arg13[%add3A_198, %broadcast_in_dim3A_230] : memref<80x16xf32, #tpu.memory_space<vmem>>[vector<16xi32>, vector<16xi32>], vector<16xf32>,
    %add3A_232 = arith.addf %add3A_224, %gather3A_231 : vector<16xf32>
    %broadcast_in_dim3A_233 = arith.constant 9 : i32
    %broadcast_in_dim3A_234 = vector.broadcast %broadcast_in_dim3A_233 : i32 to vector<16xi32>
    %gather3A_235 = tpu.vector_load_idx %arg13[%add3A_198, %broadcast_in_dim3A_234] : memref<80x16xf32, #tpu.memory_space<vmem>>[vector<16xi32>, vector<16xi32>], vector<16xf32>,
    %add3A_236 = arith.addf %add3A_228, %gather3A_235 : vector<16xf32>
    %broadcast_in_dim3A_237 = arith.constant 10 : i32
    %broadcast_in_dim3A_238 = vector.broadcast %broadcast_in_dim3A_237 : i32 to vector<16xi32>
    %gather3A_239 = tpu.vector_load_idx %arg13[%add3A_198, %broadcast_in_dim3A_238] : memref<80x16xf32, #tpu.memory_space<vmem>>[vector<16xi32>, vector<16xi32>], vector<16xf32>,
    %add3A_240 = arith.addf %add3A_232, %gather3A_239 : vector<16xf32>
    %broadcast_in_dim3A_241 = arith.constant 11 : i32
    %broadcast_in_dim3A_242 = vector.broadcast %broadcast_in_dim3A_241 : i32 to vector<16xi32>
    %gather3A_243 = tpu.vector_load_idx %arg13[%add3A_198, %broadcast_in_dim3A_242] : memref<80x16xf32, #tpu.memory_space<vmem>>[vector<16xi32>, vector<16xi32>], vector<16xf32>,
    %add3A_244 = arith.addf %add3A_236, %gather3A_243 : vector<16xf32>
    %broadcast_in_dim3A_245 = arith.constant 12 : i32
    %broadcast_in_dim3A_246 = vector.broadcast %broadcast_in_dim3A_245 : i32 to vector<16xi32>
    %gather3A_247 = tpu.vector_load_idx %arg13[%add3A_198, %broadcast_in_dim3A_246] : memref<80x16xf32, #tpu.memory_space<vmem>>[vector<16xi32>, vector<16xi32>], vector<16xf32>,
    %add3A_248 = arith.addf %add3A_240, %gather3A_247 : vector<16xf32>
    %broadcast_in_dim3A_249 = arith.constant 13 : i32
    %broadcast_in_dim3A_250 = vector.broadcast %broadcast_in_dim3A_249 : i32 to vector<16xi32>
    %gather3A_251 = tpu.vector_load_idx %arg13[%add3A_198, %broadcast_in_dim3A_250] : memref<80x16xf32, #tpu.memory_space<vmem>>[vector<16xi32>, vector<16xi32>], vector<16xf32>,
    %add3A_252 = arith.addf %add3A_244, %gather3A_251 : vector<16xf32>
    %broadcast_in_dim3A_253 = arith.constant 14 : i32
    %broadcast_in_dim3A_254 = vector.broadcast %broadcast_in_dim3A_253 : i32 to vector<16xi32>
    %gather3A_255 = tpu.vector_load_idx %arg13[%add3A_198, %broadcast_in_dim3A_254] : memref<80x16xf32, #tpu.memory_space<vmem>>[vector<16xi32>, vector<16xi32>], vector<16xf32>,
    %add3A_256 = arith.addf %add3A_248, %gather3A_255 : vector<16xf32>
    %broadcast_in_dim3A_257 = arith.constant 15 : i32
    %broadcast_in_dim3A_258 = vector.broadcast %broadcast_in_dim3A_257 : i32 to vector<16xi32>
    %gather3A_259 = tpu.vector_load_idx %arg13[%add3A_198, %broadcast_in_dim3A_258] : memref<80x16xf32, #tpu.memory_space<vmem>>[vector<16xi32>, vector<16xi32>], vector<16xf32>,
    %add3A_260 = arith.addf %add3A_252, %gather3A_259 : vector<16xf32>
    %add3A_261 = arith.addf %add3A_256, %add3A_260 : vector<16xf32>
    %neg3A_262 = arith.constant 0.000000e+00 : f32
    %neg3A_263 = vector.broadcast %neg3A_262 : f32 to vector<16xf32>
    %neg3A_264 = arith.subf %neg3A_263, %add3A_261 : vector<16xf32>
    %exp3A_265 = math.exp %neg3A_264 : vector<16xf32>
    %add3A_266 = arith.constant 1.000000e+00 : f32
    %add3A_267 = vector.broadcast %add3A_266 : f32 to vector<16xf32>
    %add3A_268 = arith.addf %add3A_267, %exp3A_265 : vector<16xf32>
    %div3A_269 = arith.constant 1.000000e+00 : f32
    %div3A_270 = vector.broadcast %div3A_269 : f32 to vector<16xf32>
    %div3A_271 = arith.divf %div3A_270, %add3A_268 : vector<16xf32>
    %swap3A_272 = arith.constant 9952 : index
    %swap3A_273 = tpu.vector_load %arg14[%swap3A_272] {strides = array<i32>} : memref<10000xf32, #tpu.memory_space<vmem>>, vector<16xf32>,
    tpu.vector_store %arg14[%swap3A_272], %div3A_271 {strides = array<i32>} : memref<10000xf32, #tpu.memory_space<vmem>>, vector<16xf32>,
    %add3A_274 = arith.constant 48 : i32
    %add3A_275 = vector.broadcast %add3A_274 : i32 to vector<16xi32>
    %add3A_276 = arith.addi %add3A_275, %iota3A : vector<16xi32>
    %broadcast_in_dim3A_277 = arith.constant 0 : i32
    %broadcast_in_dim3A_278 = vector.broadcast %broadcast_in_dim3A_277 : i32 to vector<16xi32>
    %gather3A_279 = tpu.vector_load_idx %arg13[%add3A_276, %broadcast_in_dim3A_278] : memref<80x16xf32, #tpu.memory_space<vmem>>[vector<16xi32>, vector<16xi32>], vector<16xf32>,
    %broadcast_in_dim3A_280 = arith.constant 1 : i32
    %broadcast_in_dim3A_281 = vector.broadcast %broadcast_in_dim3A_280 : i32 to vector<16xi32>
    %gather3A_282 = tpu.vector_load_idx %arg13[%add3A_276, %broadcast_in_dim3A_281] : memref<80x16xf32, #tpu.memory_space<vmem>>[vector<16xi32>, vector<16xi32>], vector<16xf32>,
    %broadcast_in_dim3A_283 = arith.constant 2 : i32
    %broadcast_in_dim3A_284 = vector.broadcast %broadcast_in_dim3A_283 : i32 to vector<16xi32>
    %gather3A_285 = tpu.vector_load_idx %arg13[%add3A_276, %broadcast_in_dim3A_284] : memref<80x16xf32, #tpu.memory_space<vmem>>[vector<16xi32>, vector<16xi32>], vector<16xf32>,
    %add3A_286 = arith.addf %gather3A_279, %gather3A_285 : vector<16xf32>
    %broadcast_in_dim3A_287 = arith.constant 3 : i32
    %broadcast_in_dim3A_288 = vector.broadcast %broadcast_in_dim3A_287 : i32 to vector<16xi32>
    %gather3A_289 = tpu.vector_load_idx %arg13[%add3A_276, %broadcast_in_dim3A_288] : memref<80x16xf32, #tpu.memory_space<vmem>>[vector<16xi32>, vector<16xi32>], vector<16xf32>,
    %add3A_290 = arith.addf %gather3A_282, %gather3A_289 : vector<16xf32>
    %broadcast_in_dim3A_291 = arith.constant 4 : i32
    %broadcast_in_dim3A_292 = vector.broadcast %broadcast_in_dim3A_291 : i32 to vector<16xi32>
    %gather3A_293 = tpu.vector_load_idx %arg13[%add3A_276, %broadcast_in_dim3A_292] : memref<80x16xf32, #tpu.memory_space<vmem>>[vector<16xi32>, vector<16xi32>], vector<16xf32>,
    %add3A_294 = arith.addf %add3A_286, %gather3A_293 : vector<16xf32>
    %broadcast_in_dim3A_295 = arith.constant 5 : i32
    %broadcast_in_dim3A_296 = vector.broadcast %broadcast_in_dim3A_295 : i32 to vector<16xi32>
    %gather3A_297 = tpu.vector_load_idx %arg13[%add3A_276, %broadcast_in_dim3A_296] : memref<80x16xf32, #tpu.memory_space<vmem>>[vector<16xi32>, vector<16xi32>], vector<16xf32>,
    %add3A_298 = arith.addf %add3A_290, %gather3A_297 : vector<16xf32>
    %broadcast_in_dim3A_299 = arith.constant 6 : i32
    %broadcast_in_dim3A_300 = vector.broadcast %broadcast_in_dim3A_299 : i32 to vector<16xi32>
    %gather3A_301 = tpu.vector_load_idx %arg13[%add3A_276, %broadcast_in_dim3A_300] : memref<80x16xf32, #tpu.memory_space<vmem>>[vector<16xi32>, vector<16xi32>], vector<16xf32>,
    %add3A_302 = arith.addf %add3A_294, %gather3A_301 : vector<16xf32>
    %broadcast_in_dim3A_303 = arith.constant 7 : i32
    %broadcast_in_dim3A_304 = vector.broadcast %broadcast_in_dim3A_303 : i32 to vector<16xi32>
    %gather3A_305 = tpu.vector_load_idx %arg13[%add3A_276, %broadcast_in_dim3A_304] : memref<80x16xf32, #tpu.memory_space<vmem>>[vector<16xi32>, vector<16xi32>], vector<16xf32>,
    %add3A_306 = arith.addf %add3A_298, %gather3A_305 : vector<16xf32>
    %broadcast_in_dim3A_307 = arith.constant 8 : i32
    %broadcast_in_dim3A_308 = vector.broadcast %broadcast_in_dim3A_307 : i32 to vector<16xi32>
    %gather3A_309 = tpu.vector_load_idx %arg13[%add3A_276, %broadcast_in_dim3A_308] : memref<80x16xf32, #tpu.memory_space<vmem>>[vector<16xi32>, vector<16xi32>], vector<16xf32>,
    %add3A_310 = arith.addf %add3A_302, %gather3A_309 : vector<16xf32>
    %broadcast_in_dim3A_311 = arith.constant 9 : i32
    %broadcast_in_dim3A_312 = vector.broadcast %broadcast_in_dim3A_311 : i32 to vector<16xi32>
    %gather3A_313 = tpu.vector_load_idx %arg13[%add3A_276, %broadcast_in_dim3A_312] : memref<80x16xf32, #tpu.memory_space<vmem>>[vector<16xi32>, vector<16xi32>], vector<16xf32>,
    %add3A_314 = arith.addf %add3A_306, %gather3A_313 : vector<16xf32>
    %broadcast_in_dim3A_315 = arith.constant 10 : i32
    %broadcast_in_dim3A_316 = vector.broadcast %broadcast_in_dim3A_315 : i32 to vector<16xi32>
    %gather3A_317 = tpu.vector_load_idx %arg13[%add3A_276, %broadcast_in_dim3A_316] : memref<80x16xf32, #tpu.memory_space<vmem>>[vector<16xi32>, vector<16xi32>], vector<16xf32>,
    %add3A_318 = arith.addf %add3A_310, %gather3A_317 : vector<16xf32>
    %broadcast_in_dim3A_319 = arith.constant 11 : i32
    %broadcast_in_dim3A_320 = vector.broadcast %broadcast_in_dim3A_319 : i32 to vector<16xi32>
    %gather3A_321 = tpu.vector_load_idx %arg13[%add3A_276, %broadcast_in_dim3A_320] : memref<80x16xf32, #tpu.memory_space<vmem>>[vector<16xi32>, vector<16xi32>], vector<16xf32>,
    %add3A_322 = arith.addf %add3A_314, %gather3A_321 : vector<16xf32>
    %broadcast_in_dim3A_323 = arith.constant 12 : i32
    %broadcast_in_dim3A_324 = vector.broadcast %broadcast_in_dim3A_323 : i32 to vector<16xi32>
    %gather3A_325 = tpu.vector_load_idx %arg13[%add3A_276, %broadcast_in_dim3A_324] : memref<80x16xf32, #tpu.memory_space<vmem>>[vector<16xi32>, vector<16xi32>], vector<16xf32>,
    %add3A_326 = arith.addf %add3A_318, %gather3A_325 : vector<16xf32>
    %broadcast_in_dim3A_327 = arith.constant 13 : i32
    %broadcast_in_dim3A_328 = vector.broadcast %broadcast_in_dim3A_327 : i32 to vector<16xi32>
    %gather3A_329 = tpu.vector_load_idx %arg13[%add3A_276, %broadcast_in_dim3A_328] : memref<80x16xf32, #tpu.memory_space<vmem>>[vector<16xi32>, vector<16xi32>], vector<16xf32>,
    %add3A_330 = arith.addf %add3A_322, %gather3A_329 : vector<16xf32>
    %broadcast_in_dim3A_331 = arith.constant 14 : i32
    %broadcast_in_dim3A_332 = vector.broadcast %broadcast_in_dim3A_331 : i32 to vector<16xi32>
    %gather3A_333 = tpu.vector_load_idx %arg13[%add3A_276, %broadcast_in_dim3A_332] : memref<80x16xf32, #tpu.memory_space<vmem>>[vector<16xi32>, vector<16xi32>], vector<16xf32>,
    %add3A_334 = arith.addf %add3A_326, %gather3A_333 : vector<16xf32>
    %broadcast_in_dim3A_335 = arith.constant 15 : i32
    %broadcast_in_dim3A_336 = vector.broadcast %broadcast_in_dim3A_335 : i32 to vector<16xi32>
    %gather3A_337 = tpu.vector_load_idx %arg13[%add3A_276, %broadcast_in_dim3A_336] : memref<80x16xf32, #tpu.memory_space<vmem>>[vector<16xi32>, vector<16xi32>], vector<16xf32>,
    %add3A_338 = arith.addf %add3A_330, %gather3A_337 : vector<16xf32>
    %add3A_339 = arith.addf %add3A_334, %add3A_338 : vector<16xf32>
    %neg3A_340 = arith.constant 0.000000e+00 : f32
    %neg3A_341 = vector.broadcast %neg3A_340 : f32 to vector<16xf32>
    %neg3A_342 = arith.subf %neg3A_341, %add3A_339 : vector<16xf32>
    %exp3A_343 = math.exp %neg3A_342 : vector<16xf32>
    %add3A_344 = arith.constant 1.000000e+00 : f32
    %add3A_345 = vector.broadcast %add3A_344 : f32 to vector<16xf32>
    %add3A_346 = arith.addf %add3A_345, %exp3A_343 : vector<16xf32>
    %div3A_347 = arith.constant 1.000000e+00 : f32
    %div3A_348 = vector.broadcast %div3A_347 : f32 to vector<16xf32>
    %div3A_349 = arith.divf %div3A_348, %add3A_346 : vector<16xf32>
    %swap3A_350 = arith.constant 9968 : index
    %swap3A_351 = tpu.vector_load %arg14[%swap3A_350] {strides = array<i32>} : memref<10000xf32, #tpu.memory_space<vmem>>, vector<16xf32>,
    tpu.vector_store %arg14[%swap3A_350], %div3A_349 {strides = array<i32>} : memref<10000xf32, #tpu.memory_space<vmem>>, vector<16xf32>,
    %add3A_352 = arith.constant 64 : i32
    %add3A_353 = vector.broadcast %add3A_352 : i32 to vector<16xi32>
    %add3A_354 = arith.addi %add3A_353, %iota3A : vector<16xi32>
    %broadcast_in_dim3A_355 = arith.constant 0 : i32
    %broadcast_in_dim3A_356 = vector.broadcast %broadcast_in_dim3A_355 : i32 to vector<16xi32>
    %gather3A_357 = tpu.vector_load_idx %arg13[%add3A_354, %broadcast_in_dim3A_356] : memref<80x16xf32, #tpu.memory_space<vmem>>[vector<16xi32>, vector<16xi32>], vector<16xf32>,
    %broadcast_in_dim3A_358 = arith.constant 1 : i32
    %broadcast_in_dim3A_359 = vector.broadcast %broadcast_in_dim3A_358 : i32 to vector<16xi32>
    %gather3A_360 = tpu.vector_load_idx %arg13[%add3A_354, %broadcast_in_dim3A_359] : memref<80x16xf32, #tpu.memory_space<vmem>>[vector<16xi32>, vector<16xi32>], vector<16xf32>,
    %broadcast_in_dim3A_361 = arith.constant 2 : i32
    %broadcast_in_dim3A_362 = vector.broadcast %broadcast_in_dim3A_361 : i32 to vector<16xi32>
    %gather3A_363 = tpu.vector_load_idx %arg13[%add3A_354, %broadcast_in_dim3A_362] : memref<80x16xf32, #tpu.memory_space<vmem>>[vector<16xi32>, vector<16xi32>], vector<16xf32>,
    %add3A_364 = arith.addf %gather3A_357, %gather3A_363 : vector<16xf32>
    %broadcast_in_dim3A_365 = arith.constant 3 : i32
    %broadcast_in_dim3A_366 = vector.broadcast %broadcast_in_dim3A_365 : i32 to vector<16xi32>
    %gather3A_367 = tpu.vector_load_idx %arg13[%add3A_354, %broadcast_in_dim3A_366] : memref<80x16xf32, #tpu.memory_space<vmem>>[vector<16xi32>, vector<16xi32>], vector<16xf32>,
    %add3A_368 = arith.addf %gather3A_360, %gather3A_367 : vector<16xf32>
    %broadcast_in_dim3A_369 = arith.constant 4 : i32
    %broadcast_in_dim3A_370 = vector.broadcast %broadcast_in_dim3A_369 : i32 to vector<16xi32>
    %gather3A_371 = tpu.vector_load_idx %arg13[%add3A_354, %broadcast_in_dim3A_370] : memref<80x16xf32, #tpu.memory_space<vmem>>[vector<16xi32>, vector<16xi32>], vector<16xf32>,
    %add3A_372 = arith.addf %add3A_364, %gather3A_371 : vector<16xf32>
    %broadcast_in_dim3A_373 = arith.constant 5 : i32
    %broadcast_in_dim3A_374 = vector.broadcast %broadcast_in_dim3A_373 : i32 to vector<16xi32>
    %gather3A_375 = tpu.vector_load_idx %arg13[%add3A_354, %broadcast_in_dim3A_374] : memref<80x16xf32, #tpu.memory_space<vmem>>[vector<16xi32>, vector<16xi32>], vector<16xf32>,
    %add3A_376 = arith.addf %add3A_368, %gather3A_375 : vector<16xf32>
    %broadcast_in_dim3A_377 = arith.constant 6 : i32
    %broadcast_in_dim3A_378 = vector.broadcast %broadcast_in_dim3A_377 : i32 to vector<16xi32>
    %gather3A_379 = tpu.vector_load_idx %arg13[%add3A_354, %broadcast_in_dim3A_378] : memref<80x16xf32, #tpu.memory_space<vmem>>[vector<16xi32>, vector<16xi32>], vector<16xf32>,
    %add3A_380 = arith.addf %add3A_372, %gather3A_379 : vector<16xf32>
    %broadcast_in_dim3A_381 = arith.constant 7 : i32
    %broadcast_in_dim3A_382 = vector.broadcast %broadcast_in_dim3A_381 : i32 to vector<16xi32>
    %gather3A_383 = tpu.vector_load_idx %arg13[%add3A_354, %broadcast_in_dim3A_382] : memref<80x16xf32, #tpu.memory_space<vmem>>[vector<16xi32>, vector<16xi32>], vector<16xf32>,
    %add3A_384 = arith.addf %add3A_376, %gather3A_383 : vector<16xf32>
    %broadcast_in_dim3A_385 = arith.constant 8 : i32
    %broadcast_in_dim3A_386 = vector.broadcast %broadcast_in_dim3A_385 : i32 to vector<16xi32>
    %gather3A_387 = tpu.vector_load_idx %arg13[%add3A_354, %broadcast_in_dim3A_386] : memref<80x16xf32, #tpu.memory_space<vmem>>[vector<16xi32>, vector<16xi32>], vector<16xf32>,
    %add3A_388 = arith.addf %add3A_380, %gather3A_387 : vector<16xf32>
    %broadcast_in_dim3A_389 = arith.constant 9 : i32
    %broadcast_in_dim3A_390 = vector.broadcast %broadcast_in_dim3A_389 : i32 to vector<16xi32>
    %gather3A_391 = tpu.vector_load_idx %arg13[%add3A_354, %broadcast_in_dim3A_390] : memref<80x16xf32, #tpu.memory_space<vmem>>[vector<16xi32>, vector<16xi32>], vector<16xf32>,
    %add3A_392 = arith.addf %add3A_384, %gather3A_391 : vector<16xf32>
    %broadcast_in_dim3A_393 = arith.constant 10 : i32
    %broadcast_in_dim3A_394 = vector.broadcast %broadcast_in_dim3A_393 : i32 to vector<16xi32>
    %gather3A_395 = tpu.vector_load_idx %arg13[%add3A_354, %broadcast_in_dim3A_394] : memref<80x16xf32, #tpu.memory_space<vmem>>[vector<16xi32>, vector<16xi32>], vector<16xf32>,
    %add3A_396 = arith.addf %add3A_388, %gather3A_395 : vector<16xf32>
    %broadcast_in_dim3A_397 = arith.constant 11 : i32
    %broadcast_in_dim3A_398 = vector.broadcast %broadcast_in_dim3A_397 : i32 to vector<16xi32>
    %gather3A_399 = tpu.vector_load_idx %arg13[%add3A_354, %broadcast_in_dim3A_398] : memref<80x16xf32, #tpu.memory_space<vmem>>[vector<16xi32>, vector<16xi32>], vector<16xf32>,
    %add3A_400 = arith.addf %add3A_392, %gather3A_399 : vector<16xf32>
    %broadcast_in_dim3A_401 = arith.constant 12 : i32
    %broadcast_in_dim3A_402 = vector.broadcast %broadcast_in_dim3A_401 : i32 to vector<16xi32>
    %gather3A_403 = tpu.vector_load_idx %arg13[%add3A_354, %broadcast_in_dim3A_402] : memref<80x16xf32, #tpu.memory_space<vmem>>[vector<16xi32>, vector<16xi32>], vector<16xf32>,
    %add3A_404 = arith.addf %add3A_396, %gather3A_403 : vector<16xf32>
    %broadcast_in_dim3A_405 = arith.constant 13 : i32
    %broadcast_in_dim3A_406 = vector.broadcast %broadcast_in_dim3A_405 : i32 to vector<16xi32>
    %gather3A_407 = tpu.vector_load_idx %arg13[%add3A_354, %broadcast_in_dim3A_406] : memref<80x16xf32, #tpu.memory_space<vmem>>[vector<16xi32>, vector<16xi32>], vector<16xf32>,
    %add3A_408 = arith.addf %add3A_400, %gather3A_407 : vector<16xf32>
    %broadcast_in_dim3A_409 = arith.constant 14 : i32
    %broadcast_in_dim3A_410 = vector.broadcast %broadcast_in_dim3A_409 : i32 to vector<16xi32>
    %gather3A_411 = tpu.vector_load_idx %arg13[%add3A_354, %broadcast_in_dim3A_410] : memref<80x16xf32, #tpu.memory_space<vmem>>[vector<16xi32>, vector<16xi32>], vector<16xf32>,
    %add3A_412 = arith.addf %add3A_404, %gather3A_411 : vector<16xf32>
    %broadcast_in_dim3A_413 = arith.constant 15 : i32
    %broadcast_in_dim3A_414 = vector.broadcast %broadcast_in_dim3A_413 : i32 to vector<16xi32>
    %gather3A_415 = tpu.vector_load_idx %arg13[%add3A_354, %broadcast_in_dim3A_414] : memref<80x16xf32, #tpu.memory_space<vmem>>[vector<16xi32>, vector<16xi32>], vector<16xf32>,
    %add3A_416 = arith.addf %add3A_408, %gather3A_415 : vector<16xf32>
    %add3A_417 = arith.addf %add3A_412, %add3A_416 : vector<16xf32>
    %neg3A_418 = arith.constant 0.000000e+00 : f32
    %neg3A_419 = vector.broadcast %neg3A_418 : f32 to vector<16xf32>
    %neg3A_420 = arith.subf %neg3A_419, %add3A_417 : vector<16xf32>
    %exp3A_421 = math.exp %neg3A_420 : vector<16xf32>
    %add3A_422 = arith.constant 1.000000e+00 : f32
    %add3A_423 = vector.broadcast %add3A_422 : f32 to vector<16xf32>
    %add3A_424 = arith.addf %add3A_423, %exp3A_421 : vector<16xf32>
    %div3A_425 = arith.constant 1.000000e+00 : f32
    %div3A_426 = vector.broadcast %div3A_425 : f32 to vector<16xf32>
    %div3A_427 = arith.divf %div3A_426, %add3A_424 : vector<16xf32>
    %swap3A_428 = arith.constant 9984 : index
    %swap3A_429 = tpu.vector_load %arg14[%swap3A_428] {strides = array<i32>} : memref<10000xf32, #tpu.memory_space<vmem>>, vector<16xf32>,
    tpu.vector_store %arg14[%swap3A_428], %div3A_427 {strides = array<i32>} : memref<10000xf32, #tpu.memory_space<vmem>>, vector<16xf32>,
    "tpu.region"() ({
      %run_scoped3A = tpu.sem_alloc : memref<!tpu.dma_semaphore, #tpu.memory_space<semaphore_mem>>
      %dma_start3A_430 = tpu.memref_slice %arg6[%mul3A_2] : memref<320000xf32, #tpu.memory_space<hbm>> -> memref<10000xf32, #tpu.memory_space<hbm>>
      %dma_start3A_431 = tpu.memref_slice %arg6[%mul3A_2] : memref<320000xf32, #tpu.memory_space<hbm>> -> memref<10000xf32, #tpu.memory_space<hbm>>
      tpu.enqueue_dma source(%arg14 : memref<10000xf32, #tpu.memory_space<vmem>>) target(%dma_start3A_431 : memref<10000xf32, #tpu.memory_space<hbm>>) target_semaphore(%run_scoped3A : memref<!tpu.dma_semaphore, #tpu.memory_space<semaphore_mem>>)
      %dma_wait3A_432 = tpu.memref_slice %arg6[%mul3A_2] : memref<320000xf32, #tpu.memory_space<hbm>> -> memref<10000xf32, #tpu.memory_space<hbm>>
      %dma_wait3A_433 = tpu.memref_slice %arg6[%mul3A_2] : memref<320000xf32, #tpu.memory_space<hbm>> -> memref<10000xf32, #tpu.memory_space<hbm>>
      tpu.wait_dma2 semaphore(%run_scoped3A : memref<!tpu.dma_semaphore, #tpu.memory_space<semaphore_mem>>) src(%arg14 : memref<10000xf32, #tpu.memory_space<vmem>>) dst(%dma_wait3A_433 : memref<10000xf32, #tpu.memory_space<hbm>>)
      tpu.yield
    }) : () -> ()
    return
  }
}

</mosaic_0001>

<sc_bundles>
// kernel: _dot_decoder.3.cloned.1.call-start
scs
__scs_entry_jumppad:
0x0: {  	(pc) =	sbr.rel $0x88, $3  }
0x1: {  	(tag) =	ssettag $0x0;
	lr =	simm.s32 $0x1  }
0x2: {  	[smem:$0x3F9D] =	sst lr;
	_ =	strace $0xD0000000  }
0x3: {  	_ = 	snop  }
0x4: {  	_ = 	snop  }
0x5: {  	_ = 	snop  }
0x6: {  	_ = 	snop  }
0x7: {  	_ = 	snop  }
__scs_overlays_trampoline_lowered:
0x8: {  	[smem:$0x3FAC] =	sst s0  }
0x9: {  	[smem:$0x3FAD] =	sst s1  }
0xa: {  	[smem:$0x3FAE] =	sst s2  }
0xb: {  	[smem:$0x3FAF] =	sst s3  }
0xc: {  	[smem:$0x3FB0] =	sst s4  }
0xd: {  	[smem:$0x3FB1] =	sst s5  }
0xe: {  	[smem:$0x3FB2] =	sst s6  }
0xf: {  	[smem:$0x3FB3] =	sst s7  }
0x10: {  	[smem:$0x3FB4] =	sst s8  }
0x11: {  	[smem:$0x3FB5] =	sst s9;
	s0 =	simm.s32 @!p0 $0x0  }
0x12: {  	s1 =	sld [smem:$0x3F9B];
	s0 =	simm.s32 @p0 $0x1  }
0x13: {  	[smem:$0x3FB6] =	sst s0;
	s0 =	simm.s32 @!p1 $0x0  }
0x14: {  	s2 =	sld [smem:$0x3F9A];
	s0 =	simm.s32 @p1 $0x1  }
0x15: {  	[smem:$0x3FB7] =	sst s0;
	s0 =	simm.s32 @!p2 $0x0  }
0x16: {  	s3 =	sld [smem:$0x3FDB];
	s0 =	simm.s32 @p2 $0x1  }
0x17: {  	s4 =	simm.s32 $0x1BF5;
	[smem:$0x3FB9] =	sst s0  }
0x18: {  	s0 =	sld [smem:$0x3F9C];
	_ =	swait.ge [sflag:s4], $0x0  }
0x19: {  	s7 =	sld [smem:$0x3F9D]  }
0x1a: {  	s8 =	sadd.s32 $0xFFFFE003, lr  }
0x1b: {  	s9 =	sadd.s32 $0xFFFFFEF7, lr;
	s5 =	simm.s32 $0xFFFFFFFF;
	p2 =	slt.u32 s8, $0xFFFFF086  }
0x1c: {  	p1 =	slt.u32 s9, $0xF7A;
	s5 =	simm.s32 @!p2 $0x0  }
0x1d: {  	s5 =	simm.s32 @p1 $0x1;
	p0 =	seq.s32 s7, s2  }
0x1e: {  	s7 =	smul.u32 @!p0 $0xF7A, s2;
	p2 =	seq.s32 @!p0 s5, $0x0  }
0x1f: {  	s9 =	smul.u32 $0xF7A, s1;
	s8 =	simm.s32 @!p0 $0x1BF5;
	p2 =	por !p2, p0  }
0x20: {  	[sflag:s8] =	ssyncset.s32 @!p0 $0xFFFFF086;
	s6 =	sadd.s32 @!p0 s3, s7;
	s7 =	simm.s32 @!p0 $0x108  }
0x21: {  	s3 =	sadd.s32 s3, s9;
	s6 =	sadd.s32 @!p0 $0x88, s6;
	s7 =	simm.s32 @p2 $0x1082  }
0x22: {  	[simem:s7], [sflag:s8] =	dma.local @!p0 [hbm:s6], $0xF7A  }
0x23: {  	s9 =	sor.u32 $0xD0000000, s2;
	s6 =	simm.s32 $0x108;
	_ =	swait.ge @!p0 [sflag:s8], $0x0  }
0x24: {  	s3 =	sadd.s32 $0x88, s3;
	s6 =	simm.s32 @!p1 $0x1082;
	[sflag:s4] =	ssyncset.s32 $0xFFFFF086  }
0x25: {  	[simem:s6], [sflag:s4] =	dma.local [hbm:s3], $0xF7A  }
0x26: {  	[smem:$0x3F9D] =	sst s1;
	(tag) =	ssettag s2;
	_ =	strace s9  }
0x27: {  	s1 =	sld [smem:$0x3FAD]  }
0x28: {  	s2 =	sld [smem:$0x3FAE]  }
0x29: {  	s4 =	sld [smem:$0x3FB0]  }
0x2a: {  	p0 =	seq.s32 s5, $0x0;
	s5 =	sld [smem:$0x3FB1]  }
0x2b: {  	s6 =	sld [smem:$0x3FB2]  }
0x2c: {  	s7 =	sld [smem:$0x3FB3]  }
0x2d: {  	s3 =	simm.s32 $0x108;
	s8 =	sld [smem:$0x3FB4]  }
0x2e: {  	s3 =	simm.s32 @!p0 $0x1082;
	s9 =	sld [smem:$0x3FB5]  }
0x2f: {  	lr =	sadd.s32 s0, s3;
	s0 =	sld [smem:$0x3FAC]  }
0x30: {  	s3 =	sld [smem:$0x3FAF]  }
0x31: {  	[smem:$0x3FB8] =	sst s10  }
0x32: {  	s10 =	sld [smem:$0x3FB6];
	_ =	sdelay $0x3  }
0x33: {  	p0 =	seq.s32 s10, $0x1;
	s10 =	sld [smem:$0x3FB8];
	_ =	sdelay $0x3  }
0x34: {  	[smem:$0x3FB8] =	sst s10  }
0x35: {  	s10 =	sld [smem:$0x3FB7];
	_ =	sdelay $0x3  }
0x36: {  	p1 =	seq.s32 s10, $0x1;
	s10 =	sld [smem:$0x3FB8];
	_ =	sdelay $0x3  }
0x37: {  	[smem:$0x3FB8] =	sst s10  }
0x38: {  	s10 =	sld [smem:$0x3FB9]  }
0x39: {  	_ = 	snop;
	(pc) =	sbr.ind lr, $3  }
0x3a: {  	_ = 	snop  }
0x3b: {  	_ = 	snop  }
0x3c: {  	p2 =	seq.s32 s10, $0x1;
	s10 =	sld [smem:$0x3FB8]  }
0x3d: {  	_ =	shalt  }
0x3e: {  	_ =	shalt  }
0x3f: {  	_ =	shalt  }
0x40: {  	_ =	shalt  }
0x41: {  	_ =	shalt  }
0x42: {  	_ =	shalt  }
0x43: {  	_ =	shalt  }
0x44: {  	_ =	shalt  }
0x45: {  	_ =	shalt  }
0x46: {  	_ =	shalt  }
0x47: {  	_ =	shalt  }
0x48: {  	_ =	shalt  }
0x49: {  	_ =	shalt  }
0x4a: {  	_ =	shalt  }
0x4b: {  	_ =	shalt  }
0x4c: {  	_ =	shalt  }
0x4d: {  	_ =	shalt  }
0x4e: {  	_ =	shalt  }
0x4f: {  	_ =	shalt  }
0x50: {  	_ =	shalt  }
0x51: {  	_ =	shalt  }
0x52: {  	_ =	shalt  }
0x53: {  	_ =	shalt  }
0x54: {  	_ =	shalt  }
0x55: {  	_ =	shalt  }
0x56: {  	_ =	shalt  }
0x57: {  	_ =	shalt  }
0x58: {  	_ =	shalt  }
0x59: {  	_ =	shalt  }
0x5a: {  	_ =	shalt  }
0x5b: {  	_ =	shalt  }
0x5c: {  	_ =	shalt  }
0x5d: {  	_ =	shalt  }
0x5e: {  	_ =	shalt  }
0x5f: {  	_ =	shalt  }
0x60: {  	_ =	shalt  }
0x61: {  	_ =	shalt  }
0x62: {  	_ =	shalt  }
0x63: {  	_ =	shalt  }
0x64: {  	_ =	shalt  }
0x65: {  	_ =	shalt  }
0x66: {  	_ =	shalt  }
0x67: {  	_ =	shalt  }
0x68: {  	_ =	shalt  }
0x69: {  	_ =	shalt  }
0x6a: {  	_ =	shalt  }
0x6b: {  	_ =	shalt  }
0x6c: {  	_ =	shalt  }
0x6d: {  	_ =	shalt  }
0x6e: {  	_ =	shalt  }
0x6f: {  	_ =	shalt  }
0x70: {  	_ =	shalt  }
0x71: {  	_ =	shalt  }
0x72: {  	_ =	shalt  }
0x73: {  	_ =	shalt  }
0x74: {  	_ =	shalt  }
0x75: {  	_ =	shalt  }
0x76: {  	_ =	shalt  }
0x77: {  	_ =	shalt  }
0x78: {  	_ =	shalt  }
0x79: {  	_ =	shalt  }
0x7a: {  	_ =	shalt  }
0x7b: {  	_ =	shalt  }
0x7c: {  	_ =	shalt  }
0x7d: {  	_ =	shalt  }
0x7e: {  	_ =	shalt  }
0x7f: {  	_ =	shalt  }
0x80: {  	_ =	shalt  }
0x81: {  	_ =	shalt  }
0x82: {  	_ =	shalt  }
0x83: {  	_ =	shalt  }
0x84: {  	_ =	shalt  }
0x85: {  	_ =	shalt  }
0x86: {  	_ =	shalt  }
0x87: {  	_ =	shalt  }
.Lfunc_end0:
.L_simem_size_0:
called_computation_lowered:
.L_overlay_start_0:
0x88: {  	s2 =	sld [smem:$0x3FD9]  }
0x89: {  	s3 =	sld [smem:$0x3FFE];
	_ =	sdelay $0x1  }
0x8a: {  	s1 =	srdreg.scid  }
0x8b: {  	s0 =	sand.u32 $0x1, s1  }
0x8c: {  	s17 =	sshll.u32 s0, $0xA;
	s2 =	sadd.s32 s3, s2  }
0x8d: {  	s2 =	sadd.s32 s2, s17  }
0x8e: {  	[smem:$0x3FC4] =	sst s2  }
0x8f: {  	_ = 	snop  }
0x90: {  	s2 =	sld [smem:$0x3FC9]  }
0x91: {  	s18 =	sld [smem:$0x3FC8]  }
0x92: {  	s4 =	sld [smem:$0x3FD0];
	(tm) =	ssettm $0x1  }
0x93: {  	s5 =	sld [smem:$0x3FFB];
	_ =	sdelay $0x3  }
0x94: {  	_ =	strace s5  }
0x95: {  	s5 =	sld [smem:$0x3FFC];
	_ =	sdelay $0x3  }
0x96: {  	_ =	strace s5  }
0x97: {  	s5 =	sld [smem:$0x3FFD];
	_ =	sdelay $0x3  }
0x98: {  	_ =	strace s5  }
0x99: {  	_ =	strace $0x8FFFFFFF  }
0x9a: {  	s19 =	sld [smem:$0x3FDB];
	_ =	sdelay $0x1  }
0x9b: {  	s6 =	simm.s32 $_scs_section_size  }
0x9c: {  	s7 =	simm.s32 $_size__tile_overlayer_lowered;
	s8 =	simm.s32 $_tile_overlayer_lowered  }
0x9d: {  	s22 =	simm.s32 $0x1BFF;
	s21 =	sshll.u32 s8, $0x1;
	s5 =	sadd.s32 s6, s19  }
0x9e: {  	s9 =	simm.s32 $0x0;
	s20 =	sshll.u32 s7, $0x1;
	s7 =	sadd.s32 s21, s5  }
0x9f: {  	[timem:s9], [sflag:s22] =	dma.local [hbm:s7], s20  }
0xa0: {  	_ =	swait.ge [sflag:s22], s20  }
0xa1: {  	s6 =	ssub.s32 $0x0, s20;
	[sflag:s22] =	ssyncset.done $0x0  }
0xa2: {  	[sflag:s22] =	ssyncadd.s32 s6;
	_ =	sdelay $0x1  }
0xa3: {  	s23 =	simm.s32 $0x1B8B  }
0xa4: {  	_ =	swait.ge [sflag:s23], $0x1  }
0xa5: {  	[sflag:s23] =	ssyncset.done $0x0  }
0xa6: {  	s25 =	simm.s32 $0x1B8E;
	s24 =	sld [smem:$0x3FFE];
	[sflag:s23] =	ssyncadd.s32 $0xFFFFFFFF  }
0xa7: {  	s26 =	simm.s32 $execute0_lowered;
	[smem:$0x3FD2] =	sst s25  }
0xa8: {  	s7 =	sshll.u32 s26, $0x1;
	_ =	strace $0x80000046;
	[dreg:$0x1] =	wrdreg $0xFFFFFFFF  }
0xa9: {  	s28 =	simm.s32 $_size_execute0_lowered;
	s5 =	sadd.s32 s5, s7;
	[dreg:$0x0] =	wrdreg $0x0  }
0xaa: {  	s7 =	sshll.u32 s28, $0x1;
	[dreg:$0x2] =	wrdreg s5  }
0xab: {  	[dreg:$0x3] =	wrdreg s7  }
0xac: {  	[dreg:$0x4] =	wrdreg $0xC0  }
0xad: {  	_ =	task [dreg:s9], $0x5FFFF  }
0xae: {  	[dreg:$0x1] =	wrdreg $0xFFFFFFFF  }
0xaf: {  	[dreg:$0x0] =	wrdreg $0x60  }
0xb0: {  	[dreg:$0x2] =	wrdreg s2  }
0xb1: {  	[dreg:$0x3] =	wrdreg s18  }
0xb2: {  	[dreg:$0x4] =	wrdreg s24  }
0xb3: {  	[dreg:$0x5] =	wrdreg s4  }
0xb4: {  	[dreg:$0x6] =	wrdreg $0xCA300  }
0xb5: {  	[dreg:$0x7] =	wrdreg $0x9  }
0xb6: {  	_ =	task.clear_ibuf [dreg:s9], $0x8FFFF;
	_ =	strace $0x90000046  }
0xb7: {  	s29 =	simm.s32 $0x9;
	_ =	strace $0x80000048  }
0xb8: {  	_ =	swait.ge [sflag:s29], $0x1  }
0xb9: {  	[sflag:s29] =	ssyncadd.s32 $0xFFFFFFFF  }
0xba: {  	_ =	strace $0x90000048  }
0xbb: {  	_ =	sfence  }
0xbc: {  	s30 =	sld [smem:$0x0];
	_ =	sdelay $0x2  }
0xbd: {  	s31 =	sshll.u32 s1, $0xD;
	s1 =	sshrl.u32 s1, $0x2  }
0xbe: {  	s3 =	sand.u32 $0x4000, s31;
	s1 =	sadd.s32 s1, s30  }
0xbf: {  	s0 =	sor.u32 s3, s0;
	s1 =	sshll.u32 s1, $0x11  }
0xc0: {  	s0 =	sor.u32 s1, s0  }
0xc1: {  	s0 =	sadd.s32 $0x8F2B, s0  }
0xc2: {  	[sflag:s0] =	ssyncadd.remote.s32 $0x1  }
0xc3: {  	_ =	sfence.sel $0xFFFF  }
0xc4: {  	[dreg:$0x0] =	wrdreg $0xFFFFFFFF;
	(pc) =	sbr.abs _section_cstart, $3  }
0xc5: {  	[dreg:$0x1] =	wrdreg $0xFFFFFFFF  }
0xc6: {  	_ =	task.clear_ibuf [dreg:s9], $0x2FFFF;
	_ =	strace $0x9FFFFFFF  }
0xc7: {  	(tm) =	ssettm $0x7FFFFFFF  }
tec
execute0_lowered:
.L_overlay_start_1:
0x0: {  	(tag) =	ssettag $0x1  }
0x1: {  	s0 =	rddreg [dreg:$0x0]  }
0x2: {  	s1 =	rddreg [dreg:$0x1];
	v0 =	vlaneseq.u32  }
0x3: {  	s4 =	rddreg [dreg:$0x2];
	v0 =	vmul.u32 $0x10, v0  }
0x4: {  	s9 =	rddreg [dreg:$0x3];
	s3 =	simm.s32 $0x0  }
0x5: {  	[smem:$0x7FF] =	sst s3;
	v1 =	vor.u32 $0x2, v0  }
0x6: {  	s2 =	rddreg [dreg:$0x4];
	_ =	strace $0x80000047;
	[tilespmem:$0x1FE70] =	vst v1;
	v1 =	vor.u32 $0x3, v0  }
0x7: {  	[tilespmem:$0x1FE80] =	vst v1;
	v1 =	vor.u32 $0x4, v0  }
0x8: {  	[tilespmem:$0x1FE90] =	vst v1;
	v1 =	vor.u32 $0x5, v0  }
0x9: {  	[tilespmem:$0x1FEA0] =	vst v1;
	v1 =	vor.u32 $0x6, v0  }
0xa: {  	[tilespmem:$0x1FEB0] =	vst v1;
	v1 =	vor.u32 $0x7, v0  }
0xb: {  	[tilespmem:$0x1FEC0] =	vst v1;
	v1 =	vor.u32 $0x8, v0  }
0xc: {  	[tilespmem:$0x1FED0] =	vst v1;
	v1 =	vor.u32 $0x9, v0  }
0xd: {  	[tilespmem:$0x1FEE0] =	vst v1;
	v1 =	vor.u32 $0xA, v0  }
0xe: {  	[tilespmem:$0x1FEF0] =	vst v1;
	v1 =	vor.u32 $0xB, v0  }
0xf: {  	[tilespmem:$0x1FF00] =	vst v1;
	v1 =	vor.u32 $0xC, v0  }
0x10: {  	[tilespmem:$0x1FF10] =	vst v1;
	v1 =	vor.u32 $0xD, v0  }
0x11: {  	[tilespmem:$0x1FF20] =	vst v1;
	v1 =	vor.u32 $0xE, v0  }
0x12: {  	[tilespmem:$0x1FF30] =	vst v1;
	v1 =	vor.u32 $0xF, v0  }
0x13: {  	s13 =	stileid.u32;
	s6 =	srdreg.scid;
	[tilespmem:$0x1FF40] =	vst v1;
	v1 =	vor.u32 $0x100, v0  }
0x14: {  	s14 =	simm.s32 $0x5;
	s15 =	simm.s32 $0x50;
	s16 =	simm.s32 $0x4E20;
	[tilespmem:$0x1FF50] =	vst v1;
	v1 =	vor.u32 $0x101, v0  }
0x15: {  	s17 =	simm.s32 $0x6220;
	s18 =	simm.s32 $0x1;
	s19 =	simm.s32 $0x2;
	[tilespmem:$0x1FF60] =	vst v1;
	v1 =	vor.u32 $0x102, v0  }
0x16: {  	s20 =	simm.s32 $0x7620;
	s21 =	simm.s32 $0x8A20;
	s22 =	simm.s32 $0x9E20;
	[tilespmem:$0x1FF70] =	vst v1;
	v1 =	vor.u32 $0x103, v0  }
0x17: {  	s23 =	simm.s32 $0x3;
	s24 =	simm.s32 $0x4;
	s26 =	simm.s32 $0x0;
	[tilespmem:$0x1FF80] =	vst v1;
	v1 =	vor.u32 $0x104, v0  }
0x18: {  	s5 =	smul.u32 $0x9C40, s13;
	s6 =	sand.u32 $0x1, s6;
	s10 =	sshll.u32 s13, $0x1;
	[tilespmem:$0x1FF90] =	vst v1;
	v1 =	vor.u32 $0x105, v0  }
0x19: {  	s31 =	sshll.u32 s13, $0x6;
	s8 =	ssub.s32 $0x2, s6;
	s6 =	sor.u32 s6, s10;
	[tilespmem:$0x1FFA0] =	vst v1;
	v1 =	vor.u32 $0x106, v0  }
0x1a: {  	s7 =	sshrl.u32 s5, $0x3;
	s11 =	sshrl.u32 s8, $0x1;
	s30 =	smul.u32 $0x4E2, s6;
	[tilespmem:$0x1FFB0] =	vst v1;
	v1 =	vor.u32 $0x107, v0  }
0x1b: {  	s12 =	sadd.s32 s5, s2;
	s6 =	sor.u32 $0x1C05, s31;
	s7 =	sadd.s32 s7, s4;
	[tilespmem:$0x1FFC0] =	vst v1;
	v1 =	vor.u32 $0x108, v0  }
0x1c: {  	v25 =	vor.u32 $0x1, v0;
	s4 =	sadd.s32 $0x14000, s4;
	s29 =	ssub.s32 s8, s11;
	s11 =	sshrl.u32 s12, $0x3;
	[tilespmem:$0x1FFD0] =	vst v1;
	v1 =	vor.u32 $0x109, v0  }
0x1d: {  	v27 =	vor.u32 $0x10B, v0;
	v28 =	vor.u32 $0x10C, v0;
	s12 =	simm.s32 $0x6;
	s5 =	sadd.s32 $0x600, s7;
	s7 =	sadd.s32 s0, s30;
	[tilespmem:$0x1FFE0] =	vst v1;
	v1 =	vor.u32 $0x10A, v0  }
0x1e: {  	v29 =	vor.u32 $0x10D, v0;
	v30 =	vor.u32 $0x10E, v0;
	v31 =	vor.u32 $0x10F, v0;
	s8 =	sadd.s32 s1, s30;
	s9 =	sadd.s32 s9, s30;
	s10 =	smax.u32 s29, $0x1;
	[tilespmem:$0x1FFF0] =	vst v1  }
.LBB2_1:
0x1f: {  	[spmem:s11], [sflag:s6] =	dma.local [hbm:s5], $0x1388  }
0x20: {  	[tilespmem:s3], [sflag:$0x6] =	stream.linear.gather [hbm4b:s7+s3], $0x2710, $0x38;
	[tilespmem:$0x16670] =	vst v63  }
0x21: {  	_ =	swait.ge [sflag:s12], $0x2710  }
0x22: {  	[sflag:s12] =	ssyncset.done $0x0  }
0x23: {  	s0 =	simm.s32 $0x2710;
	[sflag:s12] =	ssyncadd.s32 $0xFFFFD8F0  }
0x24: {  	[tilespmem:s0], [sflag:$0x6] =	stream.linear.gather [hbm4b:s8+s3], $0x2710, $0x38;
	[tilespmem:$0x16670] =	vst v63  }
0x25: {  	_ =	swait.ge [sflag:s12], $0x2710  }
0x26: {  	[sflag:s12] =	ssyncset.done $0x0  }
0x27: {  	[sflag:s12] =	ssyncadd.s32 $0xFFFFD8F0  }
0x28: {  	_ =	swait.ge [sflag:s14], $0x1388  }
0x29: {  	[sflag:s14] =	ssyncset.done $0x0  }
0x2a: {  	[sflag:s14] =	ssyncadd.s32 $0xFFFFEC78  }
0x2b: {  	[bflag:$0x0] =	sbarrier.arrive $0xFFFF  }
0x2c: {  	[tilespmem:s16], [sflag:$0x1] =	stream.indirect.gather [spmem:s2], $0x40, s3, s15, $0xb8;
	[tilespmem:$0x16670] =	vst v63  }
0x2d: {  	s28 =	simm.s32 $0x0  }
0x2e: {  	[tilespmem:s17], [sflag:$0x2] =	stream.indirect.gather [hbm4b:s4+s15], $0x40, s0, s15, $0xb8;
	[tilespmem:$0x16670] =	vst v63  }
.LBB2_2:
0x2f: {  	_ =	swait.ge [sflag:s18], $0x1400  }
0x30: {  	[sflag:s18] =	ssyncset.done $0x0  }
0x31: {  	[sflag:s18] =	ssyncadd.s32 $0xFFFFEC00  }
0x32: {  	s29 =	smul.u32 $0xA0, s28;
	_ =	swait.ge [sflag:s19], $0x1400  }
0x33: {  	[sflag:s19] =	ssyncset.done $0x0  }
0x34: {  	s30 =	sadd.s32 $0x50, s29;
	[sflag:s19] =	ssyncadd.s32 $0xFFFFEC00  }
0x35: {  	[tilespmem:s20], [sflag:$0x3] =	stream.indirect.gather [spmem:s2], $0x40, s30, s15, $0xb8;
	[tilespmem:$0x16670] =	vst v63  }
0x36: {  	s31 =	simm.s32 $0x0;
	s0 =	sadd.s32 $0x2760, s29  }
0x37: {  	[tilespmem:s21], [sflag:$0x4] =	stream.indirect.gather [hbm4b:s4+s15], $0x40, s0, s15, $0xb8;
	[tilespmem:$0x16670] =	vst v63  }
0x38: {  	v1 =	vld [tilespmem:s31+$0x6230]  }
0x39: {  	v2 =	vld [tilespmem:s31+$0x4E20]  }
0x3a: {  	v3 =	vld [tilespmem:s31+$0x4E30]  }
0x3b: {  	v4 =	vld [tilespmem:s31+$0x6220]  }
0x3c: {  	v5 =	vld [tilespmem:s31+$0x6240]  }
0x3d: {  	v6 =	vld [tilespmem:s31+$0x4E40];
	_ =	sdelay $0x1  }
0x3e: {  	v7 =	vld [tilespmem:s31+$0x6250]  }
0x3f: {  	v1 =	vmul.bf16 v1, v3;
	v3 =	vld [tilespmem:s31+$0x4E50]  }
0x40: {  	v2 =	vmul.bf16 v4, v2  }
0x41: {  	v5 =	vmul.bf16 v5, v6;
	v4 =	vunpack.i.u.bf16.f32 v1  }
0x42: {  	v1 =	vunpack.i.l.bf16.f32 v1;
	v8 =	vunpack.i.u.bf16.f32 v2;
	v2 =	vunpack.i.l.bf16.f32 v2  }
0x43: {  	v1 =	vadd.f32 v1, v2;
	v2 =	vadd.f32 v4, v8  }
0x44: {  	v4 =	vunpack.i.u.bf16.f32 v5;
	v5 =	vunpack.i.l.bf16.f32 v5;
	v3 =	vmul.bf16 v7, v3  }
0x45: {  	v1 =	vadd.f32 v5, v1;
	v2 =	vadd.f32 v4, v2  }
0x46: {  	v4 =	vunpack.i.u.bf16.f32 v3;
	v3 =	vunpack.i.l.bf16.f32 v3  }
0x47: {  	v1 =	vadd.f32 v3, v1;
	v2 =	vadd.f32 v4, v2;
	_ =	sdelay $0x1  }
0x48: {  	v1 =	vadd.f32 v1, v2  }
0x49: {  	s0 =	simm.s32 $0x9E60  }
0x4a: {  	[tilespmem:s0+$0xFFFFFFC0] =	vst v1  }
0x4b: {  	v1 =	vld [tilespmem:s31+$0x4E60]  }
0x4c: {  	v2 =	vld [tilespmem:s31+$0x6270]  }
0x4d: {  	v3 =	vld [tilespmem:s31+$0x6260]  }
0x4e: {  	v4 =	vld [tilespmem:s31+$0x4E70]  }
0x4f: {  	v5 =	vld [tilespmem:s31+$0x6280]  }
0x50: {  	v6 =	vld [tilespmem:s31+$0x4E80];
	_ =	sdelay $0x1  }
0x51: {  	v7 =	vld [tilespmem:s31+$0x6290]  }
0x52: {  	v1 =	vmul.bf16 v3, v1;
	v3 =	vld [tilespmem:s31+$0x4E90]  }
0x53: {  	v2 =	vmul.bf16 v2, v4  }
0x54: {  	v5 =	vmul.bf16 v5, v6;
	v4 =	vunpack.i.u.bf16.f32 v1  }
0x55: {  	v1 =	vunpack.i.l.bf16.f32 v1;
	v8 =	vunpack.i.u.bf16.f32 v2;
	v2 =	vunpack.i.l.bf16.f32 v2  }
0x56: {  	v1 =	vadd.f32 v2, v1;
	v2 =	vadd.f32 v8, v4  }
0x57: {  	v4 =	vunpack.i.u.bf16.f32 v5;
	v5 =	vunpack.i.l.bf16.f32 v5;
	v3 =	vmul.bf16 v7, v3  }
0x58: {  	v1 =	vadd.f32 v5, v1;
	v2 =	vadd.f32 v4, v2  }
0x59: {  	v4 =	vunpack.i.u.bf16.f32 v3;
	v3 =	vunpack.i.l.bf16.f32 v3  }
0x5a: {  	v1 =	vadd.f32 v3, v1;
	v2 =	vadd.f32 v4, v2;
	_ =	sdelay $0x1  }
0x5b: {  	v1 =	vadd.f32 v1, v2;
	_ =	sdelay $0x1  }
0x5c: {  	[tilespmem:s0+$0xFFFFFFD0] =	vst v1  }
0x5d: {  	v1 =	vld [tilespmem:s31+$0x4EA0]  }
0x5e: {  	v2 =	vld [tilespmem:s31+$0x62A0]  }
0x5f: {  	v3 =	vld [tilespmem:s31+$0x62B0]  }
0x60: {  	v4 =	vld [tilespmem:s31+$0x4EB0]  }
0x61: {  	v5 =	vld [tilespmem:s31+$0x4EC0]  }
0x62: {  	v6 =	vld [tilespmem:s31+$0x62C0];
	_ =	sdelay $0x1  }
0x63: {  	v7 =	vld [tilespmem:s31+$0x62D0]  }
0x64: {  	v1 =	vmul.bf16 v2, v1;
	v2 =	vld [tilespmem:s31+$0x4ED0]  }
0x65: {  	v3 =	vmul.bf16 v3, v4  }
0x66: {  	v5 =	vmul.bf16 v6, v5;
	v4 =	vunpack.i.l.bf16.f32 v1  }
0x67: {  	v1 =	vunpack.i.u.bf16.f32 v1;
	v8 =	vunpack.i.u.bf16.f32 v3;
	v3 =	vunpack.i.l.bf16.f32 v3  }
0x68: {  	v3 =	vadd.f32 v3, v4;
	v1 =	vadd.f32 v8, v1  }
0x69: {  	v4 =	vunpack.i.u.bf16.f32 v5;
	v5 =	vunpack.i.l.bf16.f32 v5;
	v2 =	vmul.bf16 v7, v2  }
0x6a: {  	v3 =	vadd.f32 v5, v3;
	v1 =	vadd.f32 v4, v1  }
0x6b: {  	v4 =	vunpack.i.u.bf16.f32 v2;
	v2 =	vunpack.i.l.bf16.f32 v2  }
0x6c: {  	v2 =	vadd.f32 v2, v3;
	v1 =	vadd.f32 v4, v1;
	_ =	sdelay $0x1  }
0x6d: {  	v1 =	vadd.f32 v2, v1;
	_ =	sdelay $0x1  }
0x6e: {  	[tilespmem:s0+$0xFFFFFFE0] =	vst v1  }
0x6f: {  	v1 =	vld [tilespmem:s31+$0x4EE0]  }
0x70: {  	v2 =	vld [tilespmem:s31+$0x62F0]  }
0x71: {  	v3 =	vld [tilespmem:s31+$0x62E0]  }
0x72: {  	v4 =	vld [tilespmem:s31+$0x4EF0]  }
0x73: {  	v5 =	vld [tilespmem:s31+$0x4F00]  }
0x74: {  	v6 =	vld [tilespmem:s31+$0x6300];
	_ =	sdelay $0x1  }
0x75: {  	v7 =	vld [tilespmem:s31+$0x6310]  }
0x76: {  	v1 =	vmul.bf16 v3, v1;
	v3 =	vld [tilespmem:s31+$0x4F10]  }
0x77: {  	v2 =	vmul.bf16 v2, v4  }
0x78: {  	v5 =	vmul.bf16 v6, v5;
	v4 =	vunpack.i.u.bf16.f32 v1  }
0x79: {  	v1 =	vunpack.i.l.bf16.f32 v1;
	v8 =	vunpack.i.u.bf16.f32 v2;
	v2 =	vunpack.i.l.bf16.f32 v2  }
0x7a: {  	v1 =	vadd.f32 v2, v1;
	v2 =	vadd.f32 v8, v4  }
0x7b: {  	v4 =	vunpack.i.u.bf16.f32 v5;
	v5 =	vunpack.i.l.bf16.f32 v5;
	v3 =	vmul.bf16 v7, v3  }
0x7c: {  	v1 =	vadd.f32 v5, v1;
	v2 =	vadd.f32 v4, v2  }
0x7d: {  	v4 =	vunpack.i.u.bf16.f32 v3;
	v3 =	vunpack.i.l.bf16.f32 v3  }
0x7e: {  	v1 =	vadd.f32 v3, v1;
	v2 =	vadd.f32 v4, v2;
	_ =	sdelay $0x1  }
0x7f: {  	v1 =	vadd.f32 v1, v2;
	_ =	sdelay $0x1  }
0x80: {  	[tilespmem:s0+$0xFFFFFFF0] =	vst v1  }
0x81: {  	v1 =	vld [tilespmem:s31+$0x6330]  }
0x82: {  	v2 =	vld [tilespmem:s31+$0x4F20]  }
0x83: {  	v3 =	vld [tilespmem:s31+$0x6320]  }
0x84: {  	v4 =	vld [tilespmem:s31+$0x4F30]  }
0x85: {  	v5 =	vld [tilespmem:s31+$0x4F40]  }
0x86: {  	v6 =	vld [tilespmem:s31+$0x6340];
	_ =	sdelay $0x1  }
0x87: {  	v7 =	vld [tilespmem:s31+$0x4F50]  }
0x88: {  	v2 =	vmul.bf16 v3, v2;
	v3 =	vld [tilespmem:s31+$0x6350]  }
0x89: {  	v1 =	vmul.bf16 v1, v4  }
0x8a: {  	v5 =	vmul.bf16 v6, v5;
	v4 =	vunpack.i.u.bf16.f32 v2  }
0x8b: {  	v2 =	vunpack.i.l.bf16.f32 v2;
	v8 =	vunpack.i.u.bf16.f32 v1;
	v1 =	vunpack.i.l.bf16.f32 v1  }
0x8c: {  	v1 =	vadd.f32 v1, v2;
	v2 =	vadd.f32 v8, v4  }
0x8d: {  	v4 =	vunpack.i.u.bf16.f32 v5;
	v5 =	vunpack.i.l.bf16.f32 v5;
	v3 =	vmul.bf16 v3, v7  }
0x8e: {  	v1 =	vadd.f32 v5, v1;
	v2 =	vadd.f32 v4, v2  }
0x8f: {  	v4 =	vunpack.i.u.bf16.f32 v3;
	v3 =	vunpack.i.l.bf16.f32 v3  }
0x90: {  	v1 =	vadd.f32 v3, v1;
	v2 =	vadd.f32 v4, v2;
	_ =	sdelay $0x1  }
0x91: {  	v1 =	vadd.f32 v1, v2;
	_ =	sdelay $0x1  }
0x92: {  	[tilespmem:s0+$0x0] =	vst v1  }
0x93: {  	v1 =	vld [tilespmem:s31+$0x4F60]  }
0x94: {  	v2 =	vld [tilespmem:s31+$0x6360]  }
0x95: {  	v3 =	vld [tilespmem:s31+$0x6370]  }
0x96: {  	v4 =	vld [tilespmem:s31+$0x4F70]  }
0x97: {  	v5 =	vld [tilespmem:s31+$0x4F80]  }
0x98: {  	v6 =	vld [tilespmem:s31+$0x6380];
	_ =	sdelay $0x1  }
0x99: {  	v7 =	vld [tilespmem:s31+$0x4F90]  }
0x9a: {  	v1 =	vmul.bf16 v2, v1;
	v2 =	vld [tilespmem:s31+$0x6390]  }
0x9b: {  	v3 =	vmul.bf16 v3, v4  }
0x9c: {  	v5 =	vmul.bf16 v6, v5;
	v4 =	vunpack.i.l.bf16.f32 v1  }
0x9d: {  	v1 =	vunpack.i.u.bf16.f32 v1;
	v8 =	vunpack.i.u.bf16.f32 v3;
	v3 =	vunpack.i.l.bf16.f32 v3  }
0x9e: {  	v3 =	vadd.f32 v3, v4;
	v1 =	vadd.f32 v8, v1  }
0x9f: {  	v4 =	vunpack.i.u.bf16.f32 v5;
	v5 =	vunpack.i.l.bf16.f32 v5;
	v2 =	vmul.bf16 v2, v7  }
0xa0: {  	v3 =	vadd.f32 v5, v3;
	v1 =	vadd.f32 v4, v1  }
0xa1: {  	v4 =	vunpack.i.u.bf16.f32 v2;
	v2 =	vunpack.i.l.bf16.f32 v2  }
0xa2: {  	v2 =	vadd.f32 v2, v3;
	v1 =	vadd.f32 v4, v1;
	_ =	sdelay $0x1  }
0xa3: {  	v1 =	vadd.f32 v2, v1;
	_ =	sdelay $0x1  }
0xa4: {  	[tilespmem:s0+$0x10] =	vst v1  }
0xa5: {  	v1 =	vld [tilespmem:s31+$0x4FD0]  }
0xa6: {  	v2 =	vld [tilespmem:s31+$0x63C0]  }
0xa7: {  	v3 =	vld [tilespmem:s31+$0x4FC0]  }
0xa8: {  	v4 =	vld [tilespmem:s31+$0x63A0]  }
0xa9: {  	v5 =	vld [tilespmem:s31+$0x4FA0]  }
0xaa: {  	v6 =	vld [tilespmem:s31+$0x63D0]  }
0xab: {  	v7 =	vld [tilespmem:s31+$0x63B0]  }
0xac: {  	v8 =	vld [tilespmem:s31+$0x4FB0];
	_ =	sdelay $0x2  }
0xad: {  	v5 =	vmul.bf16 v4, v5  }
0xae: {  	v3 =	vmul.bf16 v2, v3  }
0xaf: {  	v4 =	vmul.bf16 v6, v1;
	v6 =	vmul.bf16 v7, v8;
	v2 =	vunpack.i.u.bf16.f32 v5  }
0xb0: {  	s25 =	simm.s32 $0x800;
	s1 =	simm.s32 $0x9E60;
	v1 =	vunpack.i.u.bf16.f32 v3;
	v3 =	vunpack.i.l.bf16.f32 v3;
	v5 =	vunpack.i.l.bf16.f32 v5  }
.LBB2_3:
0xb1: {  	p0 =	sne.s32 s25, $0x4800  }
0xb2: {  	s0 =	sadd.s32 $0x80, s0;
	s13 =	smov.u32 s25;
	s25 =	sadd.s32 $0x800, s25  }
0xb3: {  	_ = 	snop  }
0xb4: {  	v7 =	vunpack.i.u.bf16.f32 v4;
	v4 =	vunpack.i.l.bf16.f32 v4;
	_ =	sdelay $0x3  }
0xb5: {  	v8 =	vunpack.i.u.bf16.f32 v6;
	v6 =	vunpack.i.l.bf16.f32 v6  }
0xb6: {  	v5 =	vadd.f32 v6, v5;
	v2 =	vadd.f32 v8, v2;
	_ =	sdelay $0x1  }
0xb7: {  	v3 =	vadd.f32 v3, v5;
	v1 =	vadd.f32 v1, v2;
	_ =	sdelay $0x1  }
0xb8: {  	v2 =	vadd.f32 v4, v3;
	v1 =	vadd.f32 v7, v1;
	_ =	sdelay $0x1  }
0xb9: {  	v1 =	vadd.f32 v2, v1;
	_ =	sdelay $0x1  }
0xba: {  	[tilespmem:s1+$0x20] =	vst v1  }
0xbb: {  	v1 =	vld [tilespmem:s31+$0x5000]  }
0xbc: {  	v2 =	vld [tilespmem:s31+$0x6400]  }
0xbd: {  	v3 =	vld [tilespmem:s31+$0x63F0]  }
0xbe: {  	v4 =	vld [tilespmem:s31+$0x4FE0]  }
0xbf: {  	v5 =	vld [tilespmem:s31+$0x4FF0]  }
0xc0: {  	v6 =	vld [tilespmem:s31+$0x63E0]  }
0xc1: {  	v7 =	vld [tilespmem:s31+$0x5010]  }
0xc2: {  	v8 =	vld [tilespmem:s31+$0x6410];
	_ =	sdelay $0x1  }
0xc3: {  	v1 =	vmul.bf16 v2, v1  }
0xc4: {  	v3 =	vmul.bf16 v3, v5;
	v2 =	vmul.bf16 v6, v4;
	_ =	sdelay $0x1  }
0xc5: {  	v5 =	vunpack.i.u.bf16.f32 v1;
	v1 =	vunpack.i.l.bf16.f32 v1;
	v4 =	vunpack.i.u.bf16.f32 v3  }
0xc6: {  	v3 =	vunpack.i.l.bf16.f32 v3;
	v6 =	vunpack.i.u.bf16.f32 v2;
	v2 =	vunpack.i.l.bf16.f32 v2  }
0xc7: {  	v2 =	vadd.f32 v3, v2;
	v3 =	vadd.f32 v4, v6  }
0xc8: {  	v4 =	vmul.bf16 v8, v7  }
0xc9: {  	v1 =	vadd.f32 v1, v2;
	v2 =	vadd.f32 v5, v3  }
0xca: {  	v3 =	vunpack.i.u.bf16.f32 v4;
	v4 =	vunpack.i.l.bf16.f32 v4  }
0xcb: {  	v1 =	vadd.f32 v4, v1;
	v2 =	vadd.f32 v3, v2;
	_ =	sdelay $0x1  }
0xcc: {  	v1 =	vadd.f32 v1, v2;
	_ =	sdelay $0x1  }
0xcd: {  	s31 =	sshra.s32 s13, $0x2;
	[tilespmem:s1+$0x30] =	vst v1;
	s1 =	smov.u32 s0  }
0xce: {  	v1 =	vld [tilespmem:s31+$0x6230]  }
0xcf: {  	v2 =	vld [tilespmem:s31+$0x4E20]  }
0xd0: {  	v3 =	vld [tilespmem:s31+$0x4E30]  }
0xd1: {  	v4 =	vld [tilespmem:s31+$0x6220]  }
0xd2: {  	v5 =	vld [tilespmem:s31+$0x6240]  }
0xd3: {  	v6 =	vld [tilespmem:s31+$0x4E40]  }
0xd4: {  	v7 =	vld [tilespmem:s31+$0x6250]  }
0xd5: {  	v1 =	vmul.bf16 v1, v3;
	v3 =	vld [tilespmem:s31+$0x4E50]  }
0xd6: {  	v2 =	vmul.bf16 v4, v2  }
0xd7: {  	v4 =	vunpack.i.u.bf16.f32 v1;
	v1 =	vunpack.i.l.bf16.f32 v1  }
0xd8: {  	v8 =	vunpack.i.u.bf16.f32 v2;
	v2 =	vunpack.i.l.bf16.f32 v2;
	v5 =	vmul.bf16 v5, v6  }
0xd9: {  	v1 =	vadd.f32 v1, v2;
	v2 =	vadd.f32 v4, v8  }
0xda: {  	v4 =	vunpack.i.u.bf16.f32 v5;
	v5 =	vunpack.i.l.bf16.f32 v5;
	v3 =	vmul.bf16 v7, v3  }
0xdb: {  	v1 =	vadd.f32 v5, v1;
	v2 =	vadd.f32 v4, v2  }
0xdc: {  	v4 =	vunpack.i.u.bf16.f32 v3;
	v3 =	vunpack.i.l.bf16.f32 v3  }
0xdd: {  	v1 =	vadd.f32 v3, v1;
	v2 =	vadd.f32 v4, v2;
	_ =	sdelay $0x1  }
0xde: {  	v1 =	vadd.f32 v1, v2;
	_ =	sdelay $0x1  }
0xdf: {  	[tilespmem:s0+$0xFFFFFFC0] =	vst v1  }
0xe0: {  	v1 =	vld [tilespmem:s31+$0x4E60]  }
0xe1: {  	v2 =	vld [tilespmem:s31+$0x6270]  }
0xe2: {  	v3 =	vld [tilespmem:s31+$0x6260]  }
0xe3: {  	v4 =	vld [tilespmem:s31+$0x4E70]  }
0xe4: {  	v5 =	vld [tilespmem:s31+$0x6280]  }
0xe5: {  	v6 =	vld [tilespmem:s31+$0x4E80]  }
0xe6: {  	v7 =	vld [tilespmem:s31+$0x6290]  }
0xe7: {  	v1 =	vmul.bf16 v3, v1;
	v3 =	vld [tilespmem:s31+$0x4E90]  }
0xe8: {  	v2 =	vmul.bf16 v2, v4  }
0xe9: {  	v4 =	vunpack.i.u.bf16.f32 v1;
	v1 =	vunpack.i.l.bf16.f32 v1  }
0xea: {  	v8 =	vunpack.i.u.bf16.f32 v2;
	v2 =	vunpack.i.l.bf16.f32 v2;
	v5 =	vmul.bf16 v5, v6  }
0xeb: {  	v1 =	vadd.f32 v2, v1;
	v2 =	vadd.f32 v8, v4  }
0xec: {  	v4 =	vunpack.i.u.bf16.f32 v5;
	v5 =	vunpack.i.l.bf16.f32 v5;
	v3 =	vmul.bf16 v7, v3  }
0xed: {  	v1 =	vadd.f32 v5, v1;
	v2 =	vadd.f32 v4, v2  }
0xee: {  	v4 =	vunpack.i.u.bf16.f32 v3;
	v3 =	vunpack.i.l.bf16.f32 v3  }
0xef: {  	v1 =	vadd.f32 v3, v1;
	v2 =	vadd.f32 v4, v2;
	_ =	sdelay $0x1  }
0xf0: {  	v1 =	vadd.f32 v1, v2;
	_ =	sdelay $0x1  }
0xf1: {  	[tilespmem:s0+$0xFFFFFFD0] =	vst v1  }
0xf2: {  	v1 =	vld [tilespmem:s31+$0x4EA0]  }
0xf3: {  	v2 =	vld [tilespmem:s31+$0x62A0]  }
0xf4: {  	v3 =	vld [tilespmem:s31+$0x62B0]  }
0xf5: {  	v4 =	vld [tilespmem:s31+$0x4EB0]  }
0xf6: {  	v5 =	vld [tilespmem:s31+$0x4EC0]  }
0xf7: {  	v6 =	vld [tilespmem:s31+$0x62C0]  }
0xf8: {  	v1 =	vmul.bf16 v2, v1;
	v2 =	vld [tilespmem:s31+$0x62D0]  }
0xf9: {  	v7 =	vld [tilespmem:s31+$0x4ED0]  }
0xfa: {  	v8 =	vunpack.i.l.bf16.f32 v1;
	v3 =	vmul.bf16 v3, v4  }
0xfb: {  	v1 =	vunpack.i.u.bf16.f32 v1  }
0xfc: {  	v4 =	vunpack.i.u.bf16.f32 v3;
	v3 =	vunpack.i.l.bf16.f32 v3;
	v5 =	vmul.bf16 v6, v5  }
0xfd: {  	v3 =	vadd.f32 v3, v8;
	v1 =	vadd.f32 v4, v1  }
0xfe: {  	v4 =	vunpack.i.u.bf16.f32 v5;
	v5 =	vunpack.i.l.bf16.f32 v5;
	v2 =	vmul.bf16 v2, v7  }
0xff: {  	v3 =	vadd.f32 v5, v3;
	v1 =	vadd.f32 v4, v1  }
0x100: {  	v4 =	vunpack.i.u.bf16.f32 v2;
	v2 =	vunpack.i.l.bf16.f32 v2  }
0x101: {  	v2 =	vadd.f32 v2, v3;
	v1 =	vadd.f32 v4, v1;
	_ =	sdelay $0x1  }
0x102: {  	v1 =	vadd.f32 v2, v1;
	_ =	sdelay $0x1  }
0x103: {  	[tilespmem:s0+$0xFFFFFFE0] =	vst v1  }
0x104: {  	v1 =	vld [tilespmem:s31+$0x4EE0]  }
0x105: {  	v2 =	vld [tilespmem:s31+$0x62F0]  }
0x106: {  	v3 =	vld [tilespmem:s31+$0x62E0]  }
0x107: {  	v4 =	vld [tilespmem:s31+$0x4EF0]  }
0x108: {  	v5 =	vld [tilespmem:s31+$0x4F00]  }
0x109: {  	v6 =	vld [tilespmem:s31+$0x6300]  }
0x10a: {  	v7 =	vld [tilespmem:s31+$0x6310]  }
0x10b: {  	v1 =	vmul.bf16 v3, v1;
	v3 =	vld [tilespmem:s31+$0x4F10]  }
0x10c: {  	v2 =	vmul.bf16 v2, v4  }
0x10d: {  	v4 =	vunpack.i.u.bf16.f32 v1;
	v1 =	vunpack.i.l.bf16.f32 v1  }
0x10e: {  	v8 =	vunpack.i.u.bf16.f32 v2;
	v2 =	vunpack.i.l.bf16.f32 v2;
	v5 =	vmul.bf16 v6, v5  }
0x10f: {  	v1 =	vadd.f32 v2, v1;
	v2 =	vadd.f32 v8, v4  }
0x110: {  	v4 =	vunpack.i.u.bf16.f32 v5;
	v5 =	vunpack.i.l.bf16.f32 v5;
	v3 =	vmul.bf16 v7, v3  }
0x111: {  	v1 =	vadd.f32 v5, v1;
	v2 =	vadd.f32 v4, v2  }
0x112: {  	v4 =	vunpack.i.u.bf16.f32 v3;
	v3 =	vunpack.i.l.bf16.f32 v3  }
0x113: {  	v1 =	vadd.f32 v3, v1;
	v2 =	vadd.f32 v4, v2;
	_ =	sdelay $0x1  }
0x114: {  	v1 =	vadd.f32 v1, v2;
	_ =	sdelay $0x1  }
0x115: {  	[tilespmem:s0+$0xFFFFFFF0] =	vst v1  }
0x116: {  	v1 =	vld [tilespmem:s31+$0x6330]  }
0x117: {  	v2 =	vld [tilespmem:s31+$0x4F20]  }
0x118: {  	v3 =	vld [tilespmem:s31+$0x6320]  }
0x119: {  	v4 =	vld [tilespmem:s31+$0x4F30]  }
0x11a: {  	v5 =	vld [tilespmem:s31+$0x4F40]  }
0x11b: {  	v6 =	vld [tilespmem:s31+$0x6340]  }
0x11c: {  	v7 =	vld [tilespmem:s31+$0x4F50]  }
0x11d: {  	v2 =	vmul.bf16 v3, v2;
	v3 =	vld [tilespmem:s31+$0x6350]  }
0x11e: {  	v1 =	vmul.bf16 v1, v4  }
0x11f: {  	v4 =	vunpack.i.u.bf16.f32 v2;
	v2 =	vunpack.i.l.bf16.f32 v2  }
0x120: {  	v8 =	vunpack.i.u.bf16.f32 v1;
	v1 =	vunpack.i.l.bf16.f32 v1;
	v5 =	vmul.bf16 v6, v5  }
0x121: {  	v1 =	vadd.f32 v1, v2;
	v2 =	vadd.f32 v8, v4  }
0x122: {  	v4 =	vunpack.i.u.bf16.f32 v5;
	v5 =	vunpack.i.l.bf16.f32 v5;
	v3 =	vmul.bf16 v3, v7  }
0x123: {  	v1 =	vadd.f32 v5, v1;
	v2 =	vadd.f32 v4, v2  }
0x124: {  	v4 =	vunpack.i.u.bf16.f32 v3;
	v3 =	vunpack.i.l.bf16.f32 v3  }
0x125: {  	v1 =	vadd.f32 v3, v1;
	v2 =	vadd.f32 v4, v2;
	_ =	sdelay $0x1  }
0x126: {  	v1 =	vadd.f32 v1, v2;
	_ =	sdelay $0x1  }
0x127: {  	[tilespmem:s0+$0x0] =	vst v1  }
0x128: {  	v1 =	vld [tilespmem:s31+$0x4F60]  }
0x129: {  	v2 =	vld [tilespmem:s31+$0x6360]  }
0x12a: {  	v3 =	vld [tilespmem:s31+$0x6370]  }
0x12b: {  	v4 =	vld [tilespmem:s31+$0x4F70]  }
0x12c: {  	v5 =	vld [tilespmem:s31+$0x4F80]  }
0x12d: {  	v6 =	vld [tilespmem:s31+$0x6380]  }
0x12e: {  	v1 =	vmul.bf16 v2, v1;
	v2 =	vld [tilespmem:s31+$0x4F90]  }
0x12f: {  	v7 =	vld [tilespmem:s31+$0x6390]  }
0x130: {  	v8 =	vunpack.i.l.bf16.f32 v1;
	v3 =	vmul.bf16 v3, v4  }
0x131: {  	v1 =	vunpack.i.u.bf16.f32 v1  }
0x132: {  	v4 =	vunpack.i.u.bf16.f32 v3;
	v3 =	vunpack.i.l.bf16.f32 v3;
	v5 =	vmul.bf16 v6, v5  }
0x133: {  	v3 =	vadd.f32 v3, v8;
	v1 =	vadd.f32 v4, v1  }
0x134: {  	v4 =	vunpack.i.u.bf16.f32 v5;
	v5 =	vunpack.i.l.bf16.f32 v5;
	v2 =	vmul.bf16 v7, v2  }
0x135: {  	v3 =	vadd.f32 v5, v3;
	v1 =	vadd.f32 v4, v1  }
0x136: {  	v4 =	vunpack.i.u.bf16.f32 v2;
	v2 =	vunpack.i.l.bf16.f32 v2  }
0x137: {  	v2 =	vadd.f32 v2, v3;
	v1 =	vadd.f32 v4, v1;
	_ =	sdelay $0x1  }
0x138: {  	v1 =	vadd.f32 v2, v1;
	_ =	sdelay $0x1  }
0x139: {  	[tilespmem:s0+$0x10] =	vst v1  }
0x13a: {  	v1 =	vld [tilespmem:s31+$0x4FD0]  }
0x13b: {  	v2 =	vld [tilespmem:s31+$0x63C0]  }
0x13c: {  	v3 =	vld [tilespmem:s31+$0x4FC0]  }
0x13d: {  	v4 =	vld [tilespmem:s31+$0x63D0]  }
0x13e: {  	v5 =	vld [tilespmem:s31+$0x63A0]  }
0x13f: {  	v6 =	vld [tilespmem:s31+$0x4FA0]  }
0x140: {  	v7 =	vld [tilespmem:s31+$0x63B0]  }
0x141: {  	v8 =	vld [tilespmem:s31+$0x4FB0];
	_ =	sdelay $0x1  }
.Ltmp0:
0x142: {  	(pc) =	sbr.rel @p0 .LBB2_3-.Ltmp0, $4  }
0x143: {  	v3 =	vmul.bf16 v2, v3;
	v5 =	vmul.bf16 v5, v6  }
0x144: {  	v4 =	vmul.bf16 v4, v1  }
0x145: {  	v1 =	vunpack.i.u.bf16.f32 v3;
	v3 =	vunpack.i.l.bf16.f32 v3;
	v2 =	vunpack.i.u.bf16.f32 v5  }
0x146: {  	v5 =	vunpack.i.l.bf16.f32 v5;
	v6 =	vmul.bf16 v7, v8  }
0x147: {  	_ = 	snop  }
0x148: {  	v7 =	vunpack.i.u.bf16.f32 v6;
	v6 =	vunpack.i.l.bf16.f32 v6  }
0x149: {  	v5 =	vadd.f32 v6, v5;
	v2 =	vadd.f32 v7, v2;
	_ =	sdelay $0x1  }
0x14a: {  	v3 =	vadd.f32 v3, v5;
	v1 =	vadd.f32 v1, v2  }
0x14b: {  	v2 =	vunpack.i.u.bf16.f32 v4;
	v4 =	vunpack.i.l.bf16.f32 v4  }
0x14c: {  	v3 =	vadd.f32 v4, v3;
	v1 =	vadd.f32 v2, v1;
	_ =	sdelay $0x1  }
0x14d: {  	v1 =	vadd.f32 v3, v1;
	_ =	sdelay $0x1  }
0x14e: {  	[tilespmem:s1+$0x20] =	vst v1  }
0x14f: {  	v1 =	vld [tilespmem:s31+$0x5000]  }
0x150: {  	v2 =	vld [tilespmem:s31+$0x63F0]  }
0x151: {  	v3 =	vld [tilespmem:s31+$0x4FE0]  }
0x152: {  	v4 =	vld [tilespmem:s31+$0x4FF0]  }
0x153: {  	v5 =	vld [tilespmem:s31+$0x63E0]  }
0x154: {  	v6 =	vld [tilespmem:s31+$0x6400];
	_ =	sdelay $0x1  }
0x155: {  	v7 =	vld [tilespmem:s31+$0x5010]  }
0x156: {  	v8 =	vld [tilespmem:s31+$0x6410];
	v2 =	vmul.bf16 v2, v4  }
0x157: {  	v3 =	vmul.bf16 v5, v3  }
0x158: {  	v1 =	vmul.bf16 v6, v1;
	v4 =	vunpack.i.u.bf16.f32 v2  }
0x159: {  	v5 =	vunpack.i.u.bf16.f32 v3;
	v3 =	vunpack.i.l.bf16.f32 v3;
	v2 =	vunpack.i.l.bf16.f32 v2  }
0x15a: {  	v2 =	vadd.f32 v2, v3;
	v3 =	vadd.f32 v4, v5  }
0x15b: {  	v4 =	vunpack.i.u.bf16.f32 v1;
	v1 =	vunpack.i.l.bf16.f32 v1;
	v5 =	vmul.bf16 v8, v7  }
0x15c: {  	v1 =	vadd.f32 v1, v2;
	v2 =	vadd.f32 v4, v3  }
0x15d: {  	v3 =	vunpack.i.u.bf16.f32 v5  }
0x15e: {  	v4 =	vunpack.i.l.bf16.f32 v5;
	v2 =	vadd.f32 v3, v2;
	v3 =	vld [tilespmem:$0x1FE70]  }
0x15f: {  	v1 =	vadd.f32 v4, v1;
	v4 =	vld [tilespmem:$0x1FE80];
	_ =	sdelay $0x1  }
0x160: {  	v1 =	vadd.f32 v1, v2  }
0x161: {  	v6 =	vld [tilespmem:$0x1FEA0]  }
0x162: {  	v5 =	vld [tilespmem:$0x1FE90];
	[tilespmem:s1+$0x30] =	vst v1  }
0x163: {  	v1 =	vld.idx.msk [tilespmem:v0+s22+$0x0], $0xffff  }
0x164: {  	v2 =	vld.idx.msk [tilespmem:v25+s22+$0x0], $0xffff  }
0x165: {  	v3 =	vld.idx.msk [tilespmem:v3+s22+$0x0], $0xffff  }
0x166: {  	v4 =	vld.idx.msk [tilespmem:v4+s22+$0x0], $0xffff  }
0x167: {  	v7 =	vld [tilespmem:$0x1FEB0]  }
0x168: {  	v8 =	vld [tilespmem:$0x1FEC0];
	_ =	sdelay $0x1  }
0x169: {  	v1 =	vadd.f32 v3, v1;
	v3 =	vld [tilespmem:$0x1FED0]  }
0x16a: {  	v2 =	vadd.f32 v4, v2;
	v4 =	vld [tilespmem:$0x1FEE0]  }
0x16b: {  	v5 =	vld.idx.msk [tilespmem:v5+s22+$0x0], $0xffff;
	_ =	sdelay $0x1  }
0x16c: {  	v6 =	vld.idx.msk [tilespmem:v6+s22+$0x0], $0xffff  }
0x16d: {  	v7 =	vld.idx.msk [tilespmem:v7+s22+$0x0], $0xffff  }
0x16e: {  	v8 =	vld.idx.msk [tilespmem:v8+s22+$0x0], $0xffff  }
0x16f: {  	v1 =	vadd.f32 v5, v1;
	v5 =	vld [tilespmem:$0x1FEF0]  }
0x170: {  	v3 =	vld.idx.msk [tilespmem:v3+s22+$0x0], $0xffff  }
0x171: {  	v4 =	vld.idx.msk [tilespmem:v4+s22+$0x0], $0xffff  }
0x172: {  	v2 =	vadd.f32 v6, v2;
	v6 =	vld [tilespmem:$0x1FF00]  }
0x173: {  	v1 =	vadd.f32 v7, v1;
	v7 =	vld [tilespmem:$0x1FF10]  }
0x174: {  	v2 =	vadd.f32 v8, v2;
	v8 =	vld [tilespmem:$0x1FF20]  }
0x175: {  	v1 =	vadd.f32 v3, v1;
	v3 =	vld [tilespmem:$0x1FF30]  }
0x176: {  	v2 =	vadd.f32 v4, v2;
	v4 =	vld [tilespmem:$0x1FF40];
	_ =	sdelay $0x2  }
0x177: {  	v5 =	vld.idx.msk [tilespmem:v5+s22+$0x0], $0xffff  }
0x178: {  	v6 =	vld.idx.msk [tilespmem:v6+s22+$0x0], $0xffff  }
0x179: {  	v7 =	vld.idx.msk [tilespmem:v7+s22+$0x0], $0xffff  }
0x17a: {  	v8 =	vld.idx.msk [tilespmem:v8+s22+$0x0], $0xffff  }
0x17b: {  	v3 =	vld.idx.msk [tilespmem:v3+s22+$0x0], $0xffff  }
0x17c: {  	v4 =	vld.idx.msk [tilespmem:v4+s22+$0x0], $0xffff  }
0x17d: {  	v1 =	vadd.f32 v5, v1;
	v2 =	vadd.f32 v6, v2;
	_ =	sdelay $0x1  }
0x17e: {  	v1 =	vadd.f32 v7, v1;
	v2 =	vadd.f32 v8, v2;
	_ =	sdelay $0x1  }
0x17f: {  	v1 =	vadd.f32 v3, v1;
	v2 =	vadd.f32 v4, v2;
	_ =	sdelay $0x1  }
0x180: {  	v1 =	vadd.f32 v2, v1;
	_ =	sdelay $0x1  }
0x181: {  	v1 =	vsub.f32 $0.0e+00, v1;
	_ =	sdelay $0x1  }
0x182: {  	v1 =	vmul.f32 $1.442695020e+00, v1;
	_ =	sdelay $0x1  }
0x183: {  	(erf) = vpow2.f32 v1;
	_ =	sdelay $0x8  }
0x184: {  	v1 =	vpop (erf)  }
0x185: {  	v1 =	vadd.f32 $1.000000000e+00, v1;
	_ =	sdelay $0x1  }
0x186: {  	(erf) = vrcp.f32 v1;
	_ =	sdelay $0x6  }
0x187: {  	v2 =	vld [tilespmem:$0x1FF60]  }
0x188: {  	v3 =	vld [tilespmem:$0x1FF70]  }
0x189: {  	v4 =	vld [tilespmem:$0x1FF80];
	v1 =	vpop (erf)  }
0x18a: {  	[tilespmem:s29+$0xA320] =	vst v1;
	v1 =	vld [tilespmem:$0x1FF50];
	_ =	sdelay $0x1  }
0x18b: {  	v5 =	vld [tilespmem:$0x1FF90];
	_ =	sdelay $0x1  }
0x18c: {  	v6 =	vld [tilespmem:$0x1FFA0]  }
0x18d: {  	v2 =	vld.idx.msk [tilespmem:v2+s22+$0x0], $0xffff  }
0x18e: {  	v3 =	vld.idx.msk [tilespmem:v3+s22+$0x0], $0xffff  }
0x18f: {  	v4 =	vld.idx.msk [tilespmem:v4+s22+$0x0], $0xffff  }
0x190: {  	v1 =	vld.idx.msk [tilespmem:v1+s22+$0x0], $0xffff  }
0x191: {  	v7 =	vld [tilespmem:$0x1FFB0]  }
0x192: {  	v5 =	vld.idx.msk [tilespmem:v5+s22+$0x0], $0xffff  }
0x193: {  	v8 =	vld [tilespmem:$0x1FFC0]  }
0x194: {  	v2 =	vadd.f32 v4, v2;
	v4 =	vld [tilespmem:$0x1FFE0]  }
0x195: {  	v1 =	vadd.f32 v3, v1;
	v3 =	vld [tilespmem:$0x1FFD0];
	_ =	sdelay $0x1  }
0x196: {  	v1 =	vadd.f32 v5, v1;
	v5 =	vld [tilespmem:$0x1FFF0];
	_ =	sdelay $0x1  }
0x197: {  	v6 =	vld.idx.msk [tilespmem:v6+s22+$0x0], $0xffff  }
0x198: {  	v7 =	vld.idx.msk [tilespmem:v7+s22+$0x0], $0xffff  }
0x199: {  	v8 =	vld.idx.msk [tilespmem:v8+s22+$0x0], $0xffff  }
0x19a: {  	v4 =	vld.idx.msk [tilespmem:v4+s22+$0x0], $0xffff  }
0x19b: {  	v3 =	vld.idx.msk [tilespmem:v3+s22+$0x0], $0xffff  }
0x19c: {  	v2 =	vadd.f32 v6, v2;
	v6 =	vld.idx.msk [tilespmem:v27+s22+$0x0], $0xffff  }
0x19d: {  	v5 =	vld.idx.msk [tilespmem:v5+s22+$0x0], $0xffff  }
0x19e: {  	v2 =	vadd.f32 v8, v2;
	v8 =	vld.idx.msk [tilespmem:v29+s22+$0x0], $0xffff;
	v1 =	vadd.f32 v7, v1  }
0x19f: {  	v7 =	vld.idx.msk [tilespmem:v28+s22+$0x0], $0xffff  }
0x1a0: {  	v2 =	vadd.f32 v4, v2;
	v4 =	vld.idx.msk [tilespmem:v31+s22+$0x0], $0xffff;
	v1 =	vadd.f32 v3, v1  }
0x1a1: {  	v3 =	vld.idx.msk [tilespmem:v30+s22+$0x0], $0xffff  }
0x1a2: {  	v2 =	vadd.f32 v6, v2;
	v1 =	vadd.f32 v5, v1;
	_ =	sdelay $0x1  }
0x1a3: {  	v2 =	vadd.f32 v8, v2;
	v1 =	vadd.f32 v7, v1;
	_ =	sdelay $0x1  }
0x1a4: {  	v2 =	vadd.f32 v4, v2;
	v1 =	vadd.f32 v3, v1;
	_ =	sdelay $0x1  }
0x1a5: {  	v1 =	vadd.f32 v2, v1;
	_ =	sdelay $0x1  }
0x1a6: {  	v1 =	vsub.f32 $0.0e+00, v1;
	_ =	sdelay $0x1  }
0x1a7: {  	v1 =	vmul.f32 $1.442695020e+00, v1;
	_ =	sdelay $0x1  }
0x1a8: {  	(erf) = vpow2.f32 v1;
	_ =	sdelay $0x8  }
0x1a9: {  	v1 =	vpop (erf)  }
0x1aa: {  	v1 =	vadd.f32 $1.000000000e+00, v1;
	_ =	sdelay $0x1  }
0x1ab: {  	(erf) = vrcp.f32 v1;
	_ =	sdelay $0x5  }
0x1ac: {  	v32 =	vor.u32 $0x200, v0  }
0x1ad: {  	v33 =	vor.u32 $0x201, v0  }
0x1ae: {  	v34 =	vor.u32 $0x202, v0  }
0x1af: {  	v35 =	vor.u32 $0x203, v0;
	v1 =	vpop (erf)  }
0x1b0: {  	v36 =	vor.u32 $0x204, v0;
	[tilespmem:s29+$0xA330] =	vst v1  }
0x1b1: {  	v37 =	vor.u32 $0x205, v0;
	v1 =	vld.idx.msk [tilespmem:v32+s22+$0x0], $0xffff  }
0x1b2: {  	v38 =	vor.u32 $0x206, v0;
	v2 =	vld.idx.msk [tilespmem:v33+s22+$0x0], $0xffff  }
0x1b3: {  	v42 =	vor.u32 $0x207, v0;
	v3 =	vld.idx.msk [tilespmem:v34+s22+$0x0], $0xffff  }
0x1b4: {  	v39 =	vor.u32 $0x208, v0;
	v4 =	vld.idx.msk [tilespmem:v35+s22+$0x0], $0xffff  }
0x1b5: {  	v43 =	vor.u32 $0x209, v0;
	v5 =	vld.idx.msk [tilespmem:v36+s22+$0x0], $0xffff  }
0x1b6: {  	v40 =	vor.u32 $0x20A, v0;
	v6 =	vld.idx.msk [tilespmem:v37+s22+$0x0], $0xffff  }
0x1b7: {  	v44 =	vor.u32 $0x20B, v0;
	v7 =	vld.idx.msk [tilespmem:v38+s22+$0x0], $0xffff  }
0x1b8: {  	v41 =	vor.u32 $0x20C, v0;
	v8 =	vld.idx.msk [tilespmem:v42+s22+$0x0], $0xffff  }
0x1b9: {  	v46 =	vor.u32 $0x20D, v0;
	v1 =	vadd.f32 v3, v1;
	v2 =	vadd.f32 v4, v2;
	v3 =	vld.idx.msk [tilespmem:v39+s22+$0x0], $0xffff  }
0x1ba: {  	v45 =	vor.u32 $0x20E, v0;
	v4 =	vld.idx.msk [tilespmem:v43+s22+$0x0], $0xffff  }
0x1bb: {  	v47 =	vor.u32 $0x20F, v0;
	v1 =	vadd.f32 v5, v1;
	v2 =	vadd.f32 v6, v2;
	v5 =	vld.idx.msk [tilespmem:v40+s22+$0x0], $0xffff  }
0x1bc: {  	v6 =	vld.idx.msk [tilespmem:v44+s22+$0x0], $0xffff  }
0x1bd: {  	v1 =	vadd.f32 v7, v1;
	v2 =	vadd.f32 v8, v2;
	v7 =	vld.idx.msk [tilespmem:v41+s22+$0x0], $0xffff  }
0x1be: {  	v8 =	vld.idx.msk [tilespmem:v46+s22+$0x0], $0xffff  }
0x1bf: {  	v1 =	vadd.f32 v3, v1;
	v2 =	vadd.f32 v4, v2;
	v3 =	vld.idx.msk [tilespmem:v45+s22+$0x0], $0xffff  }
0x1c0: {  	v4 =	vld.idx.msk [tilespmem:v47+s22+$0x0], $0xffff  }
0x1c1: {  	v1 =	vadd.f32 v5, v1;
	v2 =	vadd.f32 v6, v2;
	_ =	sdelay $0x1  }
0x1c2: {  	v1 =	vadd.f32 v7, v1;
	v2 =	vadd.f32 v8, v2;
	_ =	sdelay $0x1  }
0x1c3: {  	v1 =	vadd.f32 v3, v1;
	v2 =	vadd.f32 v4, v2;
	_ =	sdelay $0x1  }
0x1c4: {  	v1 =	vadd.f32 v2, v1;
	_ =	sdelay $0x1  }
0x1c5: {  	v1 =	vsub.f32 $0.0e+00, v1;
	_ =	sdelay $0x1  }
0x1c6: {  	v1 =	vmul.f32 $1.442695020e+00, v1;
	_ =	sdelay $0x1  }
0x1c7: {  	(erf) = vpow2.f32 v1;
	_ =	sdelay $0x8  }
0x1c8: {  	v1 =	vpop (erf)  }
0x1c9: {  	v1 =	vadd.f32 $1.000000000e+00, v1;
	_ =	sdelay $0x1  }
0x1ca: {  	(erf) = vrcp.f32 v1;
	_ =	sdelay $0x5  }
0x1cb: {  	v48 =	vor.u32 $0x300, v0  }
0x1cc: {  	v49 =	vor.u32 $0x301, v0  }
0x1cd: {  	v50 =	vor.u32 $0x302, v0  }
0x1ce: {  	v51 =	vor.u32 $0x303, v0;
	v1 =	vpop (erf)  }
0x1cf: {  	v52 =	vor.u32 $0x304, v0;
	[tilespmem:s29+$0xA340] =	vst v1  }
0x1d0: {  	v53 =	vor.u32 $0x305, v0;
	v1 =	vld.idx.msk [tilespmem:v48+s22+$0x0], $0xffff  }
0x1d1: {  	v54 =	vor.u32 $0x306, v0;
	v2 =	vld.idx.msk [tilespmem:v49+s22+$0x0], $0xffff  }
0x1d2: {  	v58 =	vor.u32 $0x307, v0;
	v3 =	vld.idx.msk [tilespmem:v50+s22+$0x0], $0xffff  }
0x1d3: {  	v55 =	vor.u32 $0x308, v0;
	v4 =	vld.idx.msk [tilespmem:v51+s22+$0x0], $0xffff  }
0x1d4: {  	v59 =	vor.u32 $0x309, v0;
	v5 =	vld.idx.msk [tilespmem:v52+s22+$0x0], $0xffff  }
0x1d5: {  	v56 =	vor.u32 $0x30A, v0;
	v6 =	vld.idx.msk [tilespmem:v53+s22+$0x0], $0xffff  }
0x1d6: {  	v60 =	vor.u32 $0x30B, v0;
	v7 =	vld.idx.msk [tilespmem:v54+s22+$0x0], $0xffff  }
0x1d7: {  	v57 =	vor.u32 $0x30C, v0;
	v8 =	vld.idx.msk [tilespmem:v58+s22+$0x0], $0xffff  }
0x1d8: {  	v62 =	vor.u32 $0x30D, v0;
	v1 =	vadd.f32 v3, v1;
	v2 =	vadd.f32 v4, v2;
	v3 =	vld.idx.msk [tilespmem:v55+s22+$0x0], $0xffff  }
0x1d9: {  	v61 =	vor.u32 $0x30E, v0;
	v4 =	vld.idx.msk [tilespmem:v59+s22+$0x0], $0xffff  }
0x1da: {  	v63 =	vor.u32 $0x30F, v0;
	v1 =	vadd.f32 v5, v1;
	v2 =	vadd.f32 v6, v2;
	v5 =	vld.idx.msk [tilespmem:v56+s22+$0x0], $0xffff  }
0x1db: {  	v6 =	vld.idx.msk [tilespmem:v60+s22+$0x0], $0xffff  }
0x1dc: {  	v1 =	vadd.f32 v7, v1;
	v2 =	vadd.f32 v8, v2;
	v7 =	vld.idx.msk [tilespmem:v57+s22+$0x0], $0xffff  }
0x1dd: {  	v8 =	vld.idx.msk [tilespmem:v62+s22+$0x0], $0xffff  }
0x1de: {  	v1 =	vadd.f32 v3, v1;
	v2 =	vadd.f32 v4, v2;
	v3 =	vld.idx.msk [tilespmem:v61+s22+$0x0], $0xffff  }
0x1df: {  	v4 =	vld.idx.msk [tilespmem:v63+s22+$0x0], $0xffff  }
0x1e0: {  	v1 =	vadd.f32 v5, v1;
	v2 =	vadd.f32 v6, v2;
	_ =	sdelay $0x1  }
0x1e1: {  	v1 =	vadd.f32 v7, v1;
	v2 =	vadd.f32 v8, v2;
	_ =	sdelay $0x1  }
0x1e2: {  	v1 =	vadd.f32 v3, v1;
	v2 =	vadd.f32 v4, v2;
	_ =	sdelay $0x1  }
0x1e3: {  	v1 =	vadd.f32 v2, v1;
	_ =	sdelay $0x1  }
0x1e4: {  	v1 =	vsub.f32 $0.0e+00, v1;
	_ =	sdelay $0x1  }
0x1e5: {  	v1 =	vmul.f32 $1.442695020e+00, v1;
	_ =	sdelay $0x1  }
0x1e6: {  	(erf) = vpow2.f32 v1;
	_ =	sdelay $0x8  }
0x1e7: {  	v1 =	vpop (erf)  }
0x1e8: {  	v1 =	vadd.f32 $1.000000000e+00, v1;
	_ =	sdelay $0x1  }
0x1e9: {  	(erf) = vrcp.f32 v1;
	_ =	sdelay $0x5  }
0x1ea: {  	v1 =	vor.u32 $0x400, v0  }
0x1eb: {  	v2 =	vor.u32 $0x401, v0  }
0x1ec: {  	v4 =	vor.u32 $0x403, v0  }
0x1ed: {  	v3 =	vor.u32 $0x402, v0;
	v5 =	vpop (erf)  }
0x1ee: {  	v6 =	vor.u32 $0x405, v0;
	[tilespmem:s29+$0xA350] =	vst v5  }
0x1ef: {  	v5 =	vor.u32 $0x404, v0;
	v14 =	vld.idx.msk [tilespmem:v1+s22+$0x0], $0xffff  }
0x1f0: {  	v7 =	vor.u32 $0x406, v0;
	v15 =	vld.idx.msk [tilespmem:v2+s22+$0x0], $0xffff  }
0x1f1: {  	v11 =	vor.u32 $0x407, v0;
	v17 =	vld.idx.msk [tilespmem:v4+s22+$0x0], $0xffff  }
0x1f2: {  	v8 =	vor.u32 $0x408, v0;
	v16 =	vld.idx.msk [tilespmem:v3+s22+$0x0], $0xffff  }
0x1f3: {  	v12 =	vor.u32 $0x409, v0;
	v19 =	vld.idx.msk [tilespmem:v6+s22+$0x0], $0xffff  }
0x1f4: {  	v13 =	vor.u32 $0x40B, v0;
	v18 =	vld.idx.msk [tilespmem:v5+s22+$0x0], $0xffff  }
0x1f5: {  	v9 =	vor.u32 $0x40A, v0;
	v20 =	vld.idx.msk [tilespmem:v7+s22+$0x0], $0xffff  }
0x1f6: {  	v21 =	vld.idx.msk [tilespmem:v11+s22+$0x0], $0xffff;
	v17 =	vadd.f32 v17, v15;
	v15 =	vor.u32 $0x40D, v0  }
0x1f7: {  	v10 =	vor.u32 $0x40C, v0;
	v22 =	vld.idx.msk [tilespmem:v8+s22+$0x0], $0xffff;
	v16 =	vadd.f32 v16, v14  }
0x1f8: {  	v23 =	vld.idx.msk [tilespmem:v12+s22+$0x0], $0xffff;
	v14 =	vor.u32 $0x40E, v0  }
0x1f9: {  	v24 =	vld.idx.msk [tilespmem:v13+s22+$0x0], $0xffff;
	v17 =	vadd.f32 v19, v17;
	v18 =	vadd.f32 v18, v16;
	v16 =	vor.u32 $0x40F, v0  }
0x1fa: {  	v19 =	vld.idx.msk [tilespmem:v9+s22+$0x0], $0xffff  }
0x1fb: {  	v17 =	vadd.f32 v21, v17;
	v21 =	vld.idx.msk [tilespmem:v15+s22+$0x0], $0xffff;
	v18 =	vadd.f32 v20, v18  }
0x1fc: {  	v20 =	vld.idx.msk [tilespmem:v10+s22+$0x0], $0xffff  }
0x1fd: {  	v17 =	vadd.f32 v23, v17;
	v18 =	vadd.f32 v22, v18;
	v22 =	vld.idx.msk [tilespmem:v14+s22+$0x0], $0xffff  }
0x1fe: {  	v23 =	vld.idx.msk [tilespmem:v16+s22+$0x0], $0xffff  }
0x1ff: {  	v17 =	vadd.f32 v24, v17;
	v18 =	vadd.f32 v19, v18;
	_ =	sdelay $0x1  }
0x200: {  	v17 =	vadd.f32 v21, v17;
	v18 =	vadd.f32 v20, v18;
	_ =	sdelay $0x1  }
0x201: {  	v18 =	vadd.f32 v22, v18;
	v17 =	vadd.f32 v23, v17;
	_ =	sdelay $0x1  }
0x202: {  	v17 =	vadd.f32 v17, v18;
	_ =	sdelay $0x1  }
0x203: {  	v17 =	vsub.f32 $0.0e+00, v17;
	_ =	sdelay $0x1  }
0x204: {  	v17 =	vmul.f32 $1.442695020e+00, v17;
	_ =	sdelay $0x1  }
0x205: {  	(erf) = vpow2.f32 v17;
	_ =	sdelay $0x8  }
0x206: {  	v17 =	vpop (erf)  }
0x207: {  	v17 =	vadd.f32 $1.000000000e+00, v17;
	_ =	sdelay $0x1  }
0x208: {  	(erf) = vrcp.f32 v17;
	_ =	sdelay $0x8  }
0x209: {  	v17 =	vpop (erf)  }
0x20a: {  	[tilespmem:s29+$0xA360] =	vst v17  }
0x20b: {  	_ =	swait.ge [sflag:s23], $0x1400  }
0x20c: {  	[sflag:s23] =	ssyncset.done $0x0  }
0x20d: {  	[sflag:s23] =	ssyncadd.s32 $0xFFFFEC00  }
0x20e: {  	_ =	swait.ge [sflag:s24], $0x1400  }
0x20f: {  	[sflag:s24] =	ssyncset.done $0x0  }
0x210: {  	s0 =	sadd.s32 $0xA0, s29;
	[sflag:s24] =	ssyncadd.s32 $0xFFFFEC00  }
0x211: {  	[tilespmem:s16], [sflag:$0x1] =	stream.indirect.gather [spmem:s2], $0x40, s0, s15, $0xb8;
	[tilespmem:$0x16670] =	vst v63  }
0x212: {  	s25 =	sadd.s32 $0x27B0, s29;
	s31 =	simm.s32 $0x0  }
0x213: {  	[tilespmem:s17], [sflag:$0x2] =	stream.indirect.gather [hbm4b:s4+s15], $0x40, s25, s15, $0xb8;
	[tilespmem:$0x16670] =	vst v63  }
0x214: {  	v17 =	vld [tilespmem:s31+$0x8A30]  }
0x215: {  	v18 =	vld [tilespmem:s31+$0x7620]  }
0x216: {  	v19 =	vld [tilespmem:s31+$0x7630]  }
0x217: {  	v20 =	vld [tilespmem:s31+$0x8A20]  }
0x218: {  	v21 =	vld [tilespmem:s31+$0x8A40]  }
0x219: {  	v22 =	vld [tilespmem:s31+$0x7640];
	_ =	sdelay $0x1  }
0x21a: {  	v23 =	vld [tilespmem:s31+$0x8A50]  }
0x21b: {  	v17 =	vmul.bf16 v17, v19;
	v19 =	vld [tilespmem:s31+$0x7650]  }
0x21c: {  	v18 =	vmul.bf16 v20, v18  }
0x21d: {  	v21 =	vmul.bf16 v21, v22;
	v20 =	vunpack.i.u.bf16.f32 v17  }
0x21e: {  	v17 =	vunpack.i.l.bf16.f32 v17;
	v24 =	vunpack.i.u.bf16.f32 v18;
	v18 =	vunpack.i.l.bf16.f32 v18  }
0x21f: {  	v17 =	vadd.f32 v17, v18;
	v18 =	vadd.f32 v20, v24  }
0x220: {  	v20 =	vunpack.i.u.bf16.f32 v21;
	v21 =	vunpack.i.l.bf16.f32 v21;
	v19 =	vmul.bf16 v23, v19  }
0x221: {  	v17 =	vadd.f32 v21, v17;
	v18 =	vadd.f32 v20, v18  }
0x222: {  	v20 =	vunpack.i.u.bf16.f32 v19;
	v19 =	vunpack.i.l.bf16.f32 v19  }
0x223: {  	v17 =	vadd.f32 v19, v17;
	v18 =	vadd.f32 v20, v18;
	_ =	sdelay $0x1  }
0x224: {  	v17 =	vadd.f32 v17, v18  }
0x225: {  	s0 =	simm.s32 $0x9E60  }
0x226: {  	[tilespmem:s0+$0xFFFFFFC0] =	vst v17  }
0x227: {  	v17 =	vld [tilespmem:s31+$0x7660]  }
0x228: {  	v18 =	vld [tilespmem:s31+$0x8A70]  }
0x229: {  	v19 =	vld [tilespmem:s31+$0x8A60]  }
0x22a: {  	v20 =	vld [tilespmem:s31+$0x7670]  }
0x22b: {  	v21 =	vld [tilespmem:s31+$0x8A80]  }
0x22c: {  	v22 =	vld [tilespmem:s31+$0x7680];
	_ =	sdelay $0x1  }
0x22d: {  	v23 =	vld [tilespmem:s31+$0x8A90]  }
0x22e: {  	v17 =	vmul.bf16 v19, v17;
	v19 =	vld [tilespmem:s31+$0x7690]  }
0x22f: {  	v18 =	vmul.bf16 v18, v20  }
0x230: {  	v21 =	vmul.bf16 v21, v22;
	v20 =	vunpack.i.u.bf16.f32 v17  }
0x231: {  	v17 =	vunpack.i.l.bf16.f32 v17;
	v24 =	vunpack.i.u.bf16.f32 v18;
	v18 =	vunpack.i.l.bf16.f32 v18  }
0x232: {  	v17 =	vadd.f32 v18, v17;
	v18 =	vadd.f32 v24, v20  }
0x233: {  	v20 =	vunpack.i.u.bf16.f32 v21;
	v21 =	vunpack.i.l.bf16.f32 v21;
	v19 =	vmul.bf16 v23, v19  }
0x234: {  	v17 =	vadd.f32 v21, v17;
	v18 =	vadd.f32 v20, v18  }
0x235: {  	v20 =	vunpack.i.u.bf16.f32 v19;
	v19 =	vunpack.i.l.bf16.f32 v19  }
0x236: {  	v17 =	vadd.f32 v19, v17;
	v18 =	vadd.f32 v20, v18;
	_ =	sdelay $0x1  }
0x237: {  	v17 =	vadd.f32 v17, v18;
	_ =	sdelay $0x1  }
0x238: {  	[tilespmem:s0+$0xFFFFFFD0] =	vst v17  }
0x239: {  	v17 =	vld [tilespmem:s31+$0x76A0]  }
0x23a: {  	v18 =	vld [tilespmem:s31+$0x8AA0]  }
0x23b: {  	v19 =	vld [tilespmem:s31+$0x8AB0]  }
0x23c: {  	v20 =	vld [tilespmem:s31+$0x76B0]  }
0x23d: {  	v21 =	vld [tilespmem:s31+$0x76C0]  }
0x23e: {  	v22 =	vld [tilespmem:s31+$0x8AC0];
	_ =	sdelay $0x1  }
0x23f: {  	v23 =	vld [tilespmem:s31+$0x8AD0]  }
0x240: {  	v17 =	vmul.bf16 v18, v17;
	v18 =	vld [tilespmem:s31+$0x76D0]  }
0x241: {  	v19 =	vmul.bf16 v19, v20  }
0x242: {  	v21 =	vmul.bf16 v22, v21;
	v20 =	vunpack.i.l.bf16.f32 v17  }
0x243: {  	v17 =	vunpack.i.u.bf16.f32 v17;
	v24 =	vunpack.i.u.bf16.f32 v19;
	v19 =	vunpack.i.l.bf16.f32 v19  }
0x244: {  	v19 =	vadd.f32 v19, v20;
	v17 =	vadd.f32 v24, v17  }
0x245: {  	v20 =	vunpack.i.u.bf16.f32 v21;
	v21 =	vunpack.i.l.bf16.f32 v21;
	v18 =	vmul.bf16 v23, v18  }
0x246: {  	v19 =	vadd.f32 v21, v19;
	v17 =	vadd.f32 v20, v17  }
0x247: {  	v20 =	vunpack.i.u.bf16.f32 v18;
	v18 =	vunpack.i.l.bf16.f32 v18  }
0x248: {  	v18 =	vadd.f32 v18, v19;
	v17 =	vadd.f32 v20, v17;
	_ =	sdelay $0x1  }
0x249: {  	v17 =	vadd.f32 v18, v17;
	_ =	sdelay $0x1  }
0x24a: {  	[tilespmem:s0+$0xFFFFFFE0] =	vst v17  }
0x24b: {  	v17 =	vld [tilespmem:s31+$0x76E0]  }
0x24c: {  	v18 =	vld [tilespmem:s31+$0x8AF0]  }
0x24d: {  	v19 =	vld [tilespmem:s31+$0x8AE0]  }
0x24e: {  	v20 =	vld [tilespmem:s31+$0x76F0]  }
0x24f: {  	v21 =	vld [tilespmem:s31+$0x7700]  }
0x250: {  	v22 =	vld [tilespmem:s31+$0x8B00];
	_ =	sdelay $0x1  }
0x251: {  	v23 =	vld [tilespmem:s31+$0x8B10]  }
0x252: {  	v17 =	vmul.bf16 v19, v17;
	v19 =	vld [tilespmem:s31+$0x7710]  }
0x253: {  	v18 =	vmul.bf16 v18, v20  }
0x254: {  	v21 =	vmul.bf16 v22, v21;
	v20 =	vunpack.i.u.bf16.f32 v17  }
0x255: {  	v17 =	vunpack.i.l.bf16.f32 v17;
	v24 =	vunpack.i.u.bf16.f32 v18;
	v18 =	vunpack.i.l.bf16.f32 v18  }
0x256: {  	v17 =	vadd.f32 v18, v17;
	v18 =	vadd.f32 v24, v20  }
0x257: {  	v20 =	vunpack.i.u.bf16.f32 v21;
	v21 =	vunpack.i.l.bf16.f32 v21;
	v19 =	vmul.bf16 v23, v19  }
0x258: {  	v17 =	vadd.f32 v21, v17;
	v18 =	vadd.f32 v20, v18  }
0x259: {  	v20 =	vunpack.i.u.bf16.f32 v19;
	v19 =	vunpack.i.l.bf16.f32 v19  }
0x25a: {  	v17 =	vadd.f32 v19, v17;
	v18 =	vadd.f32 v20, v18;
	_ =	sdelay $0x1  }
0x25b: {  	v17 =	vadd.f32 v17, v18;
	_ =	sdelay $0x1  }
0x25c: {  	[tilespmem:s0+$0xFFFFFFF0] =	vst v17  }
0x25d: {  	v17 =	vld [tilespmem:s31+$0x8B30]  }
0x25e: {  	v18 =	vld [tilespmem:s31+$0x7720]  }
0x25f: {  	v19 =	vld [tilespmem:s31+$0x8B20]  }
0x260: {  	v20 =	vld [tilespmem:s31+$0x7730]  }
0x261: {  	v21 =	vld [tilespmem:s31+$0x7740]  }
0x262: {  	v22 =	vld [tilespmem:s31+$0x8B40];
	_ =	sdelay $0x1  }
0x263: {  	v23 =	vld [tilespmem:s31+$0x7750]  }
0x264: {  	v18 =	vmul.bf16 v19, v18;
	v19 =	vld [tilespmem:s31+$0x8B50]  }
0x265: {  	v17 =	vmul.bf16 v17, v20  }
0x266: {  	v21 =	vmul.bf16 v22, v21;
	v20 =	vunpack.i.u.bf16.f32 v18  }
0x267: {  	v18 =	vunpack.i.l.bf16.f32 v18;
	v24 =	vunpack.i.u.bf16.f32 v17;
	v17 =	vunpack.i.l.bf16.f32 v17  }
0x268: {  	v17 =	vadd.f32 v17, v18;
	v18 =	vadd.f32 v24, v20  }
0x269: {  	v20 =	vunpack.i.u.bf16.f32 v21;
	v21 =	vunpack.i.l.bf16.f32 v21;
	v19 =	vmul.bf16 v19, v23  }
0x26a: {  	v17 =	vadd.f32 v21, v17;
	v18 =	vadd.f32 v20, v18  }
0x26b: {  	v20 =	vunpack.i.u.bf16.f32 v19;
	v19 =	vunpack.i.l.bf16.f32 v19  }
0x26c: {  	v17 =	vadd.f32 v19, v17;
	v18 =	vadd.f32 v20, v18;
	_ =	sdelay $0x1  }
0x26d: {  	v17 =	vadd.f32 v17, v18;
	_ =	sdelay $0x1  }
0x26e: {  	[tilespmem:s0+$0x0] =	vst v17  }
0x26f: {  	v17 =	vld [tilespmem:s31+$0x7760]  }
0x270: {  	v18 =	vld [tilespmem:s31+$0x8B60]  }
0x271: {  	v19 =	vld [tilespmem:s31+$0x8B70]  }
0x272: {  	v20 =	vld [tilespmem:s31+$0x7770]  }
0x273: {  	v21 =	vld [tilespmem:s31+$0x7780]  }
0x274: {  	v22 =	vld [tilespmem:s31+$0x8B80];
	_ =	sdelay $0x1  }
0x275: {  	v23 =	vld [tilespmem:s31+$0x7790]  }
0x276: {  	v17 =	vmul.bf16 v18, v17;
	v18 =	vld [tilespmem:s31+$0x8B90]  }
0x277: {  	v19 =	vmul.bf16 v19, v20  }
0x278: {  	v21 =	vmul.bf16 v22, v21;
	v20 =	vunpack.i.l.bf16.f32 v17  }
0x279: {  	v17 =	vunpack.i.u.bf16.f32 v17;
	v24 =	vunpack.i.u.bf16.f32 v19;
	v19 =	vunpack.i.l.bf16.f32 v19  }
0x27a: {  	v19 =	vadd.f32 v19, v20;
	v17 =	vadd.f32 v24, v17  }
0x27b: {  	v20 =	vunpack.i.u.bf16.f32 v21;
	v21 =	vunpack.i.l.bf16.f32 v21;
	v18 =	vmul.bf16 v18, v23  }
0x27c: {  	v19 =	vadd.f32 v21, v19;
	v17 =	vadd.f32 v20, v17  }
0x27d: {  	v20 =	vunpack.i.u.bf16.f32 v18;
	v18 =	vunpack.i.l.bf16.f32 v18  }
0x27e: {  	v18 =	vadd.f32 v18, v19;
	v17 =	vadd.f32 v20, v17;
	_ =	sdelay $0x1  }
0x27f: {  	v17 =	vadd.f32 v18, v17;
	_ =	sdelay $0x1  }
0x280: {  	[tilespmem:s0+$0x10] =	vst v17  }
0x281: {  	v17 =	vld [tilespmem:s31+$0x77D0]  }
0x282: {  	v18 =	vld [tilespmem:s31+$0x8BC0]  }
0x283: {  	v19 =	vld [tilespmem:s31+$0x77C0]  }
0x284: {  	v20 =	vld [tilespmem:s31+$0x8BD0]  }
0x285: {  	v21 =	vld [tilespmem:s31+$0x8BA0]  }
0x286: {  	v22 =	vld [tilespmem:s31+$0x77A0]  }
0x287: {  	v23 =	vld [tilespmem:s31+$0x8BB0]  }
0x288: {  	v24 =	vld [tilespmem:s31+$0x77B0];
	_ =	sdelay $0x2  }
0x289: {  	v22 =	vmul.bf16 v21, v22  }
0x28a: {  	v26 =	vmov v25;
	v25 =	vmul.bf16 v18, v19  }
0x28b: {  	v19 =	vmul.bf16 v20, v17;
	v21 =	vmul.bf16 v23, v24;
	v18 =	vunpack.i.u.bf16.f32 v22  }
0x28c: {  	s1 =	simm.s32 $0x9E60;
	s25 =	simm.s32 $0x800;
	v17 =	vunpack.i.u.bf16.f32 v25;
	v20 =	vunpack.i.l.bf16.f32 v25;
	v22 =	vunpack.i.l.bf16.f32 v22  }
.LBB2_5:
0x28d: {  	p0 =	sne.s32 s25, $0x4800  }
0x28e: {  	s0 =	sadd.s32 $0x80, s0;
	s13 =	smov.u32 s25;
	s25 =	sadd.s32 $0x800, s25  }
0x28f: {  	_ = 	snop  }
0x290: {  	v23 =	vunpack.i.u.bf16.f32 v19;
	v19 =	vunpack.i.l.bf16.f32 v19;
	_ =	sdelay $0x3  }
0x291: {  	v24 =	vunpack.i.u.bf16.f32 v21;
	v21 =	vunpack.i.l.bf16.f32 v21  }
0x292: {  	v21 =	vadd.f32 v21, v22;
	v18 =	vadd.f32 v24, v18;
	_ =	sdelay $0x1  }
0x293: {  	v20 =	vadd.f32 v20, v21;
	v17 =	vadd.f32 v17, v18;
	_ =	sdelay $0x1  }
0x294: {  	v18 =	vadd.f32 v19, v20;
	v17 =	vadd.f32 v23, v17;
	_ =	sdelay $0x1  }
0x295: {  	v17 =	vadd.f32 v18, v17;
	_ =	sdelay $0x1  }
0x296: {  	[tilespmem:s1+$0x20] =	vst v17  }
0x297: {  	v17 =	vld [tilespmem:s31+$0x7800]  }
0x298: {  	v18 =	vld [tilespmem:s31+$0x8C00]  }
0x299: {  	v19 =	vld [tilespmem:s31+$0x8BF0]  }
0x29a: {  	v20 =	vld [tilespmem:s31+$0x77E0]  }
0x29b: {  	v21 =	vld [tilespmem:s31+$0x77F0]  }
0x29c: {  	v22 =	vld [tilespmem:s31+$0x8BE0]  }
0x29d: {  	v23 =	vld [tilespmem:s31+$0x7810]  }
0x29e: {  	v24 =	vld [tilespmem:s31+$0x8C10];
	_ =	sdelay $0x1  }
0x29f: {  	v17 =	vmul.bf16 v18, v17  }
0x2a0: {  	v19 =	vmul.bf16 v19, v21;
	v18 =	vmul.bf16 v22, v20;
	_ =	sdelay $0x1  }
0x2a1: {  	v21 =	vunpack.i.u.bf16.f32 v17;
	v17 =	vunpack.i.l.bf16.f32 v17;
	v20 =	vunpack.i.u.bf16.f32 v19  }
0x2a2: {  	v19 =	vunpack.i.l.bf16.f32 v19;
	v22 =	vunpack.i.u.bf16.f32 v18;
	v18 =	vunpack.i.l.bf16.f32 v18  }
0x2a3: {  	v18 =	vadd.f32 v19, v18;
	v19 =	vadd.f32 v20, v22  }
0x2a4: {  	v20 =	vmul.bf16 v24, v23  }
0x2a5: {  	v17 =	vadd.f32 v17, v18;
	v18 =	vadd.f32 v21, v19  }
0x2a6: {  	v19 =	vunpack.i.u.bf16.f32 v20;
	v20 =	vunpack.i.l.bf16.f32 v20  }
0x2a7: {  	v17 =	vadd.f32 v20, v17;
	v18 =	vadd.f32 v19, v18;
	_ =	sdelay $0x1  }
0x2a8: {  	v17 =	vadd.f32 v17, v18;
	_ =	sdelay $0x1  }
0x2a9: {  	s31 =	sshra.s32 s13, $0x2;
	[tilespmem:s1+$0x30] =	vst v17;
	s1 =	smov.u32 s0  }
0x2aa: {  	v17 =	vld [tilespmem:s31+$0x8A30]  }
0x2ab: {  	v18 =	vld [tilespmem:s31+$0x7620]  }
0x2ac: {  	v19 =	vld [tilespmem:s31+$0x7630]  }
0x2ad: {  	v20 =	vld [tilespmem:s31+$0x8A20]  }
0x2ae: {  	v21 =	vld [tilespmem:s31+$0x8A40]  }
0x2af: {  	v22 =	vld [tilespmem:s31+$0x7640]  }
0x2b0: {  	v23 =	vld [tilespmem:s31+$0x8A50]  }
0x2b1: {  	v17 =	vmul.bf16 v17, v19;
	v19 =	vld [tilespmem:s31+$0x7650]  }
0x2b2: {  	v18 =	vmul.bf16 v20, v18  }
0x2b3: {  	v20 =	vunpack.i.u.bf16.f32 v17;
	v17 =	vunpack.i.l.bf16.f32 v17  }
0x2b4: {  	v24 =	vunpack.i.u.bf16.f32 v18;
	v18 =	vunpack.i.l.bf16.f32 v18;
	v21 =	vmul.bf16 v21, v22  }
0x2b5: {  	v17 =	vadd.f32 v17, v18;
	v18 =	vadd.f32 v20, v24  }
0x2b6: {  	v20 =	vunpack.i.u.bf16.f32 v21;
	v21 =	vunpack.i.l.bf16.f32 v21;
	v19 =	vmul.bf16 v23, v19  }
0x2b7: {  	v17 =	vadd.f32 v21, v17;
	v18 =	vadd.f32 v20, v18  }
0x2b8: {  	v20 =	vunpack.i.u.bf16.f32 v19;
	v19 =	vunpack.i.l.bf16.f32 v19  }
0x2b9: {  	v17 =	vadd.f32 v19, v17;
	v18 =	vadd.f32 v20, v18;
	_ =	sdelay $0x1  }
0x2ba: {  	v17 =	vadd.f32 v17, v18;
	_ =	sdelay $0x1  }
0x2bb: {  	[tilespmem:s0+$0xFFFFFFC0] =	vst v17  }
0x2bc: {  	v17 =	vld [tilespmem:s31+$0x7660]  }
0x2bd: {  	v18 =	vld [tilespmem:s31+$0x8A70]  }
0x2be: {  	v19 =	vld [tilespmem:s31+$0x8A60]  }
0x2bf: {  	v20 =	vld [tilespmem:s31+$0x7670]  }
0x2c0: {  	v21 =	vld [tilespmem:s31+$0x8A80]  }
0x2c1: {  	v22 =	vld [tilespmem:s31+$0x7680]  }
0x2c2: {  	v23 =	vld [tilespmem:s31+$0x8A90]  }
0x2c3: {  	v17 =	vmul.bf16 v19, v17;
	v19 =	vld [tilespmem:s31+$0x7690]  }
0x2c4: {  	v18 =	vmul.bf16 v18, v20  }
0x2c5: {  	v20 =	vunpack.i.u.bf16.f32 v17;
	v17 =	vunpack.i.l.bf16.f32 v17  }
0x2c6: {  	v24 =	vunpack.i.u.bf16.f32 v18;
	v18 =	vunpack.i.l.bf16.f32 v18;
	v21 =	vmul.bf16 v21, v22  }
0x2c7: {  	v17 =	vadd.f32 v18, v17;
	v18 =	vadd.f32 v24, v20  }
0x2c8: {  	v20 =	vunpack.i.u.bf16.f32 v21;
	v21 =	vunpack.i.l.bf16.f32 v21;
	v19 =	vmul.bf16 v23, v19  }
0x2c9: {  	v17 =	vadd.f32 v21, v17;
	v18 =	vadd.f32 v20, v18  }
0x2ca: {  	v20 =	vunpack.i.u.bf16.f32 v19;
	v19 =	vunpack.i.l.bf16.f32 v19  }
0x2cb: {  	v17 =	vadd.f32 v19, v17;
	v18 =	vadd.f32 v20, v18;
	_ =	sdelay $0x1  }
0x2cc: {  	v17 =	vadd.f32 v17, v18;
	_ =	sdelay $0x1  }
0x2cd: {  	[tilespmem:s0+$0xFFFFFFD0] =	vst v17  }
0x2ce: {  	v17 =	vld [tilespmem:s31+$0x76A0]  }
0x2cf: {  	v18 =	vld [tilespmem:s31+$0x8AA0]  }
0x2d0: {  	v19 =	vld [tilespmem:s31+$0x8AB0]  }
0x2d1: {  	v20 =	vld [tilespmem:s31+$0x76B0]  }
0x2d2: {  	v21 =	vld [tilespmem:s31+$0x76C0]  }
0x2d3: {  	v22 =	vld [tilespmem:s31+$0x8AC0]  }
0x2d4: {  	v17 =	vmul.bf16 v18, v17;
	v18 =	vld [tilespmem:s31+$0x8AD0]  }
0x2d5: {  	v23 =	vld [tilespmem:s31+$0x76D0]  }
0x2d6: {  	v24 =	vunpack.i.l.bf16.f32 v17;
	v19 =	vmul.bf16 v19, v20  }
0x2d7: {  	v17 =	vunpack.i.u.bf16.f32 v17  }
0x2d8: {  	v20 =	vunpack.i.u.bf16.f32 v19;
	v19 =	vunpack.i.l.bf16.f32 v19;
	v21 =	vmul.bf16 v22, v21  }
0x2d9: {  	v19 =	vadd.f32 v19, v24;
	v17 =	vadd.f32 v20, v17  }
0x2da: {  	v20 =	vunpack.i.u.bf16.f32 v21;
	v21 =	vunpack.i.l.bf16.f32 v21;
	v18 =	vmul.bf16 v18, v23  }
0x2db: {  	v19 =	vadd.f32 v21, v19;
	v17 =	vadd.f32 v20, v17  }
0x2dc: {  	v20 =	vunpack.i.u.bf16.f32 v18;
	v18 =	vunpack.i.l.bf16.f32 v18  }
0x2dd: {  	v18 =	vadd.f32 v18, v19;
	v17 =	vadd.f32 v20, v17;
	_ =	sdelay $0x1  }
0x2de: {  	v17 =	vadd.f32 v18, v17;
	_ =	sdelay $0x1  }
0x2df: {  	[tilespmem:s0+$0xFFFFFFE0] =	vst v17  }
0x2e0: {  	v17 =	vld [tilespmem:s31+$0x76E0]  }
0x2e1: {  	v18 =	vld [tilespmem:s31+$0x8AF0]  }
0x2e2: {  	v19 =	vld [tilespmem:s31+$0x8AE0]  }
0x2e3: {  	v20 =	vld [tilespmem:s31+$0x76F0]  }
0x2e4: {  	v21 =	vld [tilespmem:s31+$0x7700]  }
0x2e5: {  	v22 =	vld [tilespmem:s31+$0x8B00]  }
0x2e6: {  	v23 =	vld [tilespmem:s31+$0x8B10]  }
0x2e7: {  	v17 =	vmul.bf16 v19, v17;
	v19 =	vld [tilespmem:s31+$0x7710]  }
0x2e8: {  	v18 =	vmul.bf16 v18, v20  }
0x2e9: {  	v20 =	vunpack.i.u.bf16.f32 v17;
	v17 =	vunpack.i.l.bf16.f32 v17  }
0x2ea: {  	v24 =	vunpack.i.u.bf16.f32 v18;
	v18 =	vunpack.i.l.bf16.f32 v18;
	v21 =	vmul.bf16 v22, v21  }
0x2eb: {  	v17 =	vadd.f32 v18, v17;
	v18 =	vadd.f32 v24, v20  }
0x2ec: {  	v20 =	vunpack.i.u.bf16.f32 v21;
	v21 =	vunpack.i.l.bf16.f32 v21;
	v19 =	vmul.bf16 v23, v19  }
0x2ed: {  	v17 =	vadd.f32 v21, v17;
	v18 =	vadd.f32 v20, v18  }
0x2ee: {  	v20 =	vunpack.i.u.bf16.f32 v19;
	v19 =	vunpack.i.l.bf16.f32 v19  }
0x2ef: {  	v17 =	vadd.f32 v19, v17;
	v18 =	vadd.f32 v20, v18;
	_ =	sdelay $0x1  }
0x2f0: {  	v17 =	vadd.f32 v17, v18;
	_ =	sdelay $0x1  }
0x2f1: {  	[tilespmem:s0+$0xFFFFFFF0] =	vst v17  }
0x2f2: {  	v17 =	vld [tilespmem:s31+$0x8B30]  }
0x2f3: {  	v18 =	vld [tilespmem:s31+$0x7720]  }
0x2f4: {  	v19 =	vld [tilespmem:s31+$0x8B20]  }
0x2f5: {  	v20 =	vld [tilespmem:s31+$0x7730]  }
0x2f6: {  	v21 =	vld [tilespmem:s31+$0x7740]  }
0x2f7: {  	v22 =	vld [tilespmem:s31+$0x8B40]  }
0x2f8: {  	v23 =	vld [tilespmem:s31+$0x7750]  }
0x2f9: {  	v18 =	vmul.bf16 v19, v18;
	v19 =	vld [tilespmem:s31+$0x8B50]  }
0x2fa: {  	v17 =	vmul.bf16 v17, v20  }
0x2fb: {  	v20 =	vunpack.i.u.bf16.f32 v18;
	v18 =	vunpack.i.l.bf16.f32 v18  }
0x2fc: {  	v24 =	vunpack.i.u.bf16.f32 v17;
	v17 =	vunpack.i.l.bf16.f32 v17;
	v21 =	vmul.bf16 v22, v21  }
0x2fd: {  	v17 =	vadd.f32 v17, v18;
	v18 =	vadd.f32 v24, v20  }
0x2fe: {  	v20 =	vunpack.i.u.bf16.f32 v21;
	v21 =	vunpack.i.l.bf16.f32 v21;
	v19 =	vmul.bf16 v19, v23  }
0x2ff: {  	v17 =	vadd.f32 v21, v17;
	v18 =	vadd.f32 v20, v18  }
0x300: {  	v20 =	vunpack.i.u.bf16.f32 v19;
	v19 =	vunpack.i.l.bf16.f32 v19  }
0x301: {  	v17 =	vadd.f32 v19, v17;
	v18 =	vadd.f32 v20, v18;
	_ =	sdelay $0x1  }
0x302: {  	v17 =	vadd.f32 v17, v18;
	_ =	sdelay $0x1  }
0x303: {  	[tilespmem:s0+$0x0] =	vst v17  }
0x304: {  	v17 =	vld [tilespmem:s31+$0x7760]  }
0x305: {  	v18 =	vld [tilespmem:s31+$0x8B60]  }
0x306: {  	v19 =	vld [tilespmem:s31+$0x8B70]  }
0x307: {  	v20 =	vld [tilespmem:s31+$0x7770]  }
0x308: {  	v21 =	vld [tilespmem:s31+$0x7780]  }
0x309: {  	v22 =	vld [tilespmem:s31+$0x8B80]  }
0x30a: {  	v17 =	vmul.bf16 v18, v17;
	v18 =	vld [tilespmem:s31+$0x7790]  }
0x30b: {  	v23 =	vld [tilespmem:s31+$0x8B90]  }
0x30c: {  	v24 =	vunpack.i.l.bf16.f32 v17;
	v19 =	vmul.bf16 v19, v20  }
0x30d: {  	v17 =	vunpack.i.u.bf16.f32 v17  }
0x30e: {  	v20 =	vunpack.i.u.bf16.f32 v19;
	v19 =	vunpack.i.l.bf16.f32 v19;
	v21 =	vmul.bf16 v22, v21  }
0x30f: {  	v19 =	vadd.f32 v19, v24;
	v17 =	vadd.f32 v20, v17  }
0x310: {  	v20 =	vunpack.i.u.bf16.f32 v21;
	v21 =	vunpack.i.l.bf16.f32 v21;
	v18 =	vmul.bf16 v23, v18  }
0x311: {  	v19 =	vadd.f32 v21, v19;
	v17 =	vadd.f32 v20, v17  }
0x312: {  	v20 =	vunpack.i.u.bf16.f32 v18;
	v18 =	vunpack.i.l.bf16.f32 v18  }
0x313: {  	v18 =	vadd.f32 v18, v19;
	v17 =	vadd.f32 v20, v17;
	_ =	sdelay $0x1  }
0x314: {  	v17 =	vadd.f32 v18, v17;
	_ =	sdelay $0x1  }
0x315: {  	[tilespmem:s0+$0x10] =	vst v17  }
0x316: {  	v17 =	vld [tilespmem:s31+$0x77D0]  }
0x317: {  	v18 =	vld [tilespmem:s31+$0x8BC0]  }
0x318: {  	v19 =	vld [tilespmem:s31+$0x77C0]  }
0x319: {  	v20 =	vld [tilespmem:s31+$0x8BD0]  }
0x31a: {  	v21 =	vld [tilespmem:s31+$0x8BA0]  }
0x31b: {  	v22 =	vld [tilespmem:s31+$0x77A0]  }
0x31c: {  	v23 =	vld [tilespmem:s31+$0x8BB0]  }
0x31d: {  	v24 =	vld [tilespmem:s31+$0x77B0];
	_ =	sdelay $0x1  }
.Ltmp1:
0x31e: {  	(pc) =	sbr.rel @p0 .LBB2_5-.Ltmp1, $4  }
0x31f: {  	v21 =	vmul.bf16 v21, v22;
	v22 =	vmul.bf16 v18, v19  }
0x320: {  	v19 =	vmul.bf16 v20, v17  }
0x321: {  	v18 =	vunpack.i.u.bf16.f32 v21;
	v17 =	vunpack.i.u.bf16.f32 v22;
	v20 =	vunpack.i.l.bf16.f32 v22  }
0x322: {  	v22 =	vunpack.i.l.bf16.f32 v21;
	v21 =	vmul.bf16 v23, v24  }
0x323: {  	_ = 	snop  }
0x324: {  	v23 =	vunpack.i.u.bf16.f32 v21;
	v21 =	vunpack.i.l.bf16.f32 v21  }
0x325: {  	v21 =	vadd.f32 v21, v22;
	v18 =	vadd.f32 v23, v18;
	_ =	sdelay $0x1  }
0x326: {  	v20 =	vadd.f32 v20, v21;
	v17 =	vadd.f32 v17, v18  }
0x327: {  	v18 =	vunpack.i.u.bf16.f32 v19;
	v19 =	vunpack.i.l.bf16.f32 v19  }
0x328: {  	v19 =	vadd.f32 v19, v20;
	v17 =	vadd.f32 v18, v17;
	_ =	sdelay $0x1  }
0x329: {  	v17 =	vadd.f32 v19, v17;
	_ =	sdelay $0x1  }
0x32a: {  	[tilespmem:s1+$0x20] =	vst v17  }
0x32b: {  	v17 =	vld [tilespmem:s31+$0x7800]  }
0x32c: {  	v18 =	vld [tilespmem:s31+$0x8BF0]  }
0x32d: {  	v19 =	vld [tilespmem:s31+$0x77E0]  }
0x32e: {  	v20 =	vld [tilespmem:s31+$0x77F0]  }
0x32f: {  	v21 =	vld [tilespmem:s31+$0x8BE0]  }
0x330: {  	v22 =	vld [tilespmem:s31+$0x8C00];
	_ =	sdelay $0x1  }
0x331: {  	v23 =	vld [tilespmem:s31+$0x7810]  }
0x332: {  	v24 =	vld [tilespmem:s31+$0x8C10];
	v18 =	vmul.bf16 v18, v20  }
0x333: {  	v19 =	vmul.bf16 v21, v19  }
0x334: {  	v17 =	vmul.bf16 v22, v17;
	v20 =	vunpack.i.u.bf16.f32 v18  }
0x335: {  	v21 =	vunpack.i.u.bf16.f32 v19;
	v19 =	vunpack.i.l.bf16.f32 v19;
	v18 =	vunpack.i.l.bf16.f32 v18  }
0x336: {  	v18 =	vadd.f32 v18, v19;
	v19 =	vadd.f32 v20, v21  }
0x337: {  	v20 =	vunpack.i.u.bf16.f32 v17;
	v17 =	vunpack.i.l.bf16.f32 v17;
	v21 =	vmul.bf16 v24, v23  }
0x338: {  	v17 =	vadd.f32 v17, v18;
	v18 =	vadd.f32 v20, v19  }
0x339: {  	v19 =	vunpack.i.u.bf16.f32 v21  }
0x33a: {  	v20 =	vunpack.i.l.bf16.f32 v21;
	v18 =	vadd.f32 v19, v18;
	v19 =	vld [tilespmem:$0x1FE70]  }
0x33b: {  	v17 =	vadd.f32 v20, v17;
	v20 =	vld [tilespmem:$0x1FE80];
	_ =	sdelay $0x1  }
0x33c: {  	v17 =	vadd.f32 v17, v18  }
0x33d: {  	v22 =	vld [tilespmem:$0x1FEA0]  }
0x33e: {  	v21 =	vld [tilespmem:$0x1FE90];
	[tilespmem:s1+$0x30] =	vst v17  }
0x33f: {  	v17 =	vld.idx.msk [tilespmem:v0+s22+$0x0], $0xffff  }
0x340: {  	v18 =	vld.idx.msk [tilespmem:v26+s22+$0x0], $0xffff  }
0x341: {  	v19 =	vld.idx.msk [tilespmem:v19+s22+$0x0], $0xffff  }
0x342: {  	v20 =	vld.idx.msk [tilespmem:v20+s22+$0x0], $0xffff  }
0x343: {  	v23 =	vld [tilespmem:$0x1FEB0]  }
0x344: {  	v24 =	vld [tilespmem:$0x1FEC0];
	_ =	sdelay $0x1  }
0x345: {  	v17 =	vadd.f32 v19, v17;
	v19 =	vld [tilespmem:$0x1FED0]  }
0x346: {  	v18 =	vadd.f32 v20, v18;
	v20 =	vld [tilespmem:$0x1FEE0]  }
0x347: {  	v21 =	vld.idx.msk [tilespmem:v21+s22+$0x0], $0xffff;
	_ =	sdelay $0x1  }
0x348: {  	v22 =	vld.idx.msk [tilespmem:v22+s22+$0x0], $0xffff  }
0x349: {  	v23 =	vld.idx.msk [tilespmem:v23+s22+$0x0], $0xffff  }
0x34a: {  	v24 =	vld.idx.msk [tilespmem:v24+s22+$0x0], $0xffff  }
0x34b: {  	v17 =	vadd.f32 v21, v17;
	v21 =	vld [tilespmem:$0x1FEF0]  }
0x34c: {  	v19 =	vld.idx.msk [tilespmem:v19+s22+$0x0], $0xffff  }
0x34d: {  	v20 =	vld.idx.msk [tilespmem:v20+s22+$0x0], $0xffff  }
0x34e: {  	v18 =	vadd.f32 v22, v18;
	v22 =	vld [tilespmem:$0x1FF00]  }
0x34f: {  	v17 =	vadd.f32 v23, v17;
	v23 =	vld [tilespmem:$0x1FF10]  }
0x350: {  	v18 =	vadd.f32 v24, v18;
	v24 =	vld [tilespmem:$0x1FF20]  }
0x351: {  	v17 =	vadd.f32 v19, v17;
	v19 =	vld [tilespmem:$0x1FF30]  }
0x352: {  	v18 =	vadd.f32 v20, v18;
	v20 =	vld [tilespmem:$0x1FF40];
	_ =	sdelay $0x2  }
0x353: {  	v21 =	vld.idx.msk [tilespmem:v21+s22+$0x0], $0xffff  }
0x354: {  	v22 =	vld.idx.msk [tilespmem:v22+s22+$0x0], $0xffff  }
0x355: {  	v23 =	vld.idx.msk [tilespmem:v23+s22+$0x0], $0xffff  }
0x356: {  	v24 =	vld.idx.msk [tilespmem:v24+s22+$0x0], $0xffff  }
0x357: {  	v19 =	vld.idx.msk [tilespmem:v19+s22+$0x0], $0xffff  }
0x358: {  	v20 =	vld.idx.msk [tilespmem:v20+s22+$0x0], $0xffff  }
0x359: {  	v17 =	vadd.f32 v21, v17;
	v18 =	vadd.f32 v22, v18;
	_ =	sdelay $0x1  }
0x35a: {  	v17 =	vadd.f32 v23, v17;
	v18 =	vadd.f32 v24, v18;
	_ =	sdelay $0x1  }
0x35b: {  	v17 =	vadd.f32 v19, v17;
	v18 =	vadd.f32 v20, v18;
	_ =	sdelay $0x1  }
0x35c: {  	v17 =	vadd.f32 v18, v17;
	_ =	sdelay $0x1  }
0x35d: {  	v17 =	vsub.f32 $0.0e+00, v17;
	_ =	sdelay $0x1  }
0x35e: {  	v17 =	vmul.f32 $1.442695020e+00, v17;
	_ =	sdelay $0x1  }
0x35f: {  	(erf) = vpow2.f32 v17;
	_ =	sdelay $0x8  }
0x360: {  	v17 =	vpop (erf)  }
0x361: {  	v17 =	vadd.f32 $1.000000000e+00, v17;
	_ =	sdelay $0x1  }
0x362: {  	(erf) = vrcp.f32 v17;
	_ =	sdelay $0x6  }
0x363: {  	v18 =	vld [tilespmem:$0x1FF60]  }
0x364: {  	v19 =	vld [tilespmem:$0x1FF70]  }
0x365: {  	v20 =	vld [tilespmem:$0x1FF80];
	v17 =	vpop (erf)  }
0x366: {  	[tilespmem:s30+$0xA320] =	vst v17;
	v17 =	vld [tilespmem:$0x1FF50];
	_ =	sdelay $0x1  }
0x367: {  	v21 =	vld [tilespmem:$0x1FF90];
	_ =	sdelay $0x1  }
0x368: {  	v22 =	vld [tilespmem:$0x1FFA0]  }
0x369: {  	v18 =	vld.idx.msk [tilespmem:v18+s22+$0x0], $0xffff  }
0x36a: {  	v19 =	vld.idx.msk [tilespmem:v19+s22+$0x0], $0xffff  }
0x36b: {  	v20 =	vld.idx.msk [tilespmem:v20+s22+$0x0], $0xffff  }
0x36c: {  	v17 =	vld.idx.msk [tilespmem:v17+s22+$0x0], $0xffff  }
0x36d: {  	v23 =	vld [tilespmem:$0x1FFB0]  }
0x36e: {  	v21 =	vld.idx.msk [tilespmem:v21+s22+$0x0], $0xffff  }
0x36f: {  	v24 =	vld [tilespmem:$0x1FFC0]  }
0x370: {  	v18 =	vadd.f32 v20, v18;
	v20 =	vld [tilespmem:$0x1FFE0]  }
0x371: {  	v17 =	vadd.f32 v19, v17;
	v19 =	vld [tilespmem:$0x1FFD0];
	_ =	sdelay $0x1  }
0x372: {  	v17 =	vadd.f32 v21, v17;
	v21 =	vld [tilespmem:$0x1FFF0];
	_ =	sdelay $0x1  }
0x373: {  	v22 =	vld.idx.msk [tilespmem:v22+s22+$0x0], $0xffff  }
0x374: {  	v23 =	vld.idx.msk [tilespmem:v23+s22+$0x0], $0xffff  }
0x375: {  	v24 =	vld.idx.msk [tilespmem:v24+s22+$0x0], $0xffff  }
0x376: {  	v20 =	vld.idx.msk [tilespmem:v20+s22+$0x0], $0xffff  }
0x377: {  	v19 =	vld.idx.msk [tilespmem:v19+s22+$0x0], $0xffff  }
0x378: {  	v18 =	vadd.f32 v22, v18;
	v22 =	vld.idx.msk [tilespmem:v27+s22+$0x0], $0xffff  }
0x379: {  	v21 =	vld.idx.msk [tilespmem:v21+s22+$0x0], $0xffff  }
0x37a: {  	v18 =	vadd.f32 v24, v18;
	v24 =	vld.idx.msk [tilespmem:v29+s22+$0x0], $0xffff;
	v17 =	vadd.f32 v23, v17  }
0x37b: {  	v23 =	vld.idx.msk [tilespmem:v28+s22+$0x0], $0xffff  }
0x37c: {  	v18 =	vadd.f32 v20, v18;
	v20 =	vld.idx.msk [tilespmem:v31+s22+$0x0], $0xffff;
	v17 =	vadd.f32 v19, v17  }
0x37d: {  	v19 =	vld.idx.msk [tilespmem:v30+s22+$0x0], $0xffff  }
0x37e: {  	v18 =	vadd.f32 v22, v18;
	v17 =	vadd.f32 v21, v17;
	_ =	sdelay $0x1  }
0x37f: {  	v18 =	vadd.f32 v24, v18;
	v17 =	vadd.f32 v23, v17;
	_ =	sdelay $0x1  }
0x380: {  	v18 =	vadd.f32 v20, v18;
	v17 =	vadd.f32 v19, v17;
	_ =	sdelay $0x1  }
0x381: {  	v17 =	vadd.f32 v18, v17;
	_ =	sdelay $0x1  }
0x382: {  	v17 =	vsub.f32 $0.0e+00, v17;
	_ =	sdelay $0x1  }
0x383: {  	v17 =	vmul.f32 $1.442695020e+00, v17;
	_ =	sdelay $0x1  }
0x384: {  	(erf) = vpow2.f32 v17;
	_ =	sdelay $0x8  }
0x385: {  	v17 =	vpop (erf)  }
0x386: {  	v17 =	vadd.f32 $1.000000000e+00, v17;
	_ =	sdelay $0x1  }
0x387: {  	(erf) = vrcp.f32 v17;
	_ =	sdelay $0x8  }
0x388: {  	v17 =	vpop (erf)  }
0x389: {  	[tilespmem:s29+$0xA380] =	vst v17  }
0x38a: {  	v17 =	vld.idx.msk [tilespmem:v32+s22+$0x0], $0xffff  }
0x38b: {  	v18 =	vld.idx.msk [tilespmem:v33+s22+$0x0], $0xffff  }
0x38c: {  	v19 =	vld.idx.msk [tilespmem:v34+s22+$0x0], $0xffff  }
0x38d: {  	v20 =	vld.idx.msk [tilespmem:v35+s22+$0x0], $0xffff  }
0x38e: {  	v21 =	vld.idx.msk [tilespmem:v36+s22+$0x0], $0xffff  }
0x38f: {  	v22 =	vld.idx.msk [tilespmem:v37+s22+$0x0], $0xffff  }
0x390: {  	v23 =	vld.idx.msk [tilespmem:v38+s22+$0x0], $0xffff  }
0x391: {  	v24 =	vld.idx.msk [tilespmem:v42+s22+$0x0], $0xffff  }
0x392: {  	v17 =	vadd.f32 v19, v17;
	v18 =	vadd.f32 v20, v18;
	v19 =	vld.idx.msk [tilespmem:v39+s22+$0x0], $0xffff  }
0x393: {  	v20 =	vld.idx.msk [tilespmem:v43+s22+$0x0], $0xffff  }
0x394: {  	v17 =	vadd.f32 v21, v17;
	v18 =	vadd.f32 v22, v18;
	v21 =	vld.idx.msk [tilespmem:v40+s22+$0x0], $0xffff  }
0x395: {  	v22 =	vld.idx.msk [tilespmem:v44+s22+$0x0], $0xffff  }
0x396: {  	v17 =	vadd.f32 v23, v17;
	v18 =	vadd.f32 v24, v18;
	v23 =	vld.idx.msk [tilespmem:v41+s22+$0x0], $0xffff  }
0x397: {  	v24 =	vld.idx.msk [tilespmem:v46+s22+$0x0], $0xffff  }
0x398: {  	v17 =	vadd.f32 v19, v17;
	v18 =	vadd.f32 v20, v18;
	v19 =	vld.idx.msk [tilespmem:v45+s22+$0x0], $0xffff  }
0x399: {  	v20 =	vld.idx.msk [tilespmem:v47+s22+$0x0], $0xffff  }
0x39a: {  	v17 =	vadd.f32 v21, v17;
	v18 =	vadd.f32 v22, v18;
	_ =	sdelay $0x1  }
0x39b: {  	v17 =	vadd.f32 v23, v17;
	v18 =	vadd.f32 v24, v18;
	_ =	sdelay $0x1  }
0x39c: {  	v17 =	vadd.f32 v19, v17;
	v18 =	vadd.f32 v20, v18;
	_ =	sdelay $0x1  }
0x39d: {  	v17 =	vadd.f32 v18, v17;
	_ =	sdelay $0x1  }
0x39e: {  	v17 =	vsub.f32 $0.0e+00, v17;
	_ =	sdelay $0x1  }
0x39f: {  	v17 =	vmul.f32 $1.442695020e+00, v17;
	_ =	sdelay $0x1  }
0x3a0: {  	(erf) = vpow2.f32 v17;
	_ =	sdelay $0x8  }
0x3a1: {  	v17 =	vpop (erf)  }
0x3a2: {  	v17 =	vadd.f32 $1.000000000e+00, v17;
	_ =	sdelay $0x1  }
0x3a3: {  	(erf) = vrcp.f32 v17;
	_ =	sdelay $0x8  }
0x3a4: {  	v17 =	vpop (erf)  }
0x3a5: {  	[tilespmem:s29+$0xA390] =	vst v17  }
0x3a6: {  	v17 =	vld.idx.msk [tilespmem:v48+s22+$0x0], $0xffff  }
0x3a7: {  	v18 =	vld.idx.msk [tilespmem:v49+s22+$0x0], $0xffff  }
0x3a8: {  	v19 =	vld.idx.msk [tilespmem:v50+s22+$0x0], $0xffff  }
0x3a9: {  	v20 =	vld.idx.msk [tilespmem:v51+s22+$0x0], $0xffff  }
0x3aa: {  	v21 =	vld.idx.msk [tilespmem:v52+s22+$0x0], $0xffff  }
0x3ab: {  	v22 =	vld.idx.msk [tilespmem:v53+s22+$0x0], $0xffff  }
0x3ac: {  	v23 =	vld.idx.msk [tilespmem:v54+s22+$0x0], $0xffff  }
0x3ad: {  	v24 =	vld.idx.msk [tilespmem:v58+s22+$0x0], $0xffff  }
0x3ae: {  	v17 =	vadd.f32 v19, v17;
	v18 =	vadd.f32 v20, v18;
	v19 =	vld.idx.msk [tilespmem:v55+s22+$0x0], $0xffff  }
0x3af: {  	v20 =	vld.idx.msk [tilespmem:v59+s22+$0x0], $0xffff  }
0x3b0: {  	v17 =	vadd.f32 v21, v17;
	v18 =	vadd.f32 v22, v18;
	v21 =	vld.idx.msk [tilespmem:v56+s22+$0x0], $0xffff  }
0x3b1: {  	v22 =	vld.idx.msk [tilespmem:v60+s22+$0x0], $0xffff  }
0x3b2: {  	v17 =	vadd.f32 v23, v17;
	v18 =	vadd.f32 v24, v18;
	v23 =	vld.idx.msk [tilespmem:v57+s22+$0x0], $0xffff  }
0x3b3: {  	v24 =	vld.idx.msk [tilespmem:v62+s22+$0x0], $0xffff  }
0x3b4: {  	v17 =	vadd.f32 v19, v17;
	v18 =	vadd.f32 v20, v18;
	v19 =	vld.idx.msk [tilespmem:v61+s22+$0x0], $0xffff  }
0x3b5: {  	v20 =	vld.idx.msk [tilespmem:v63+s22+$0x0], $0xffff  }
0x3b6: {  	v17 =	vadd.f32 v21, v17;
	v18 =	vadd.f32 v22, v18;
	_ =	sdelay $0x1  }
0x3b7: {  	v17 =	vadd.f32 v23, v17;
	v18 =	vadd.f32 v24, v18;
	_ =	sdelay $0x1  }
0x3b8: {  	v17 =	vadd.f32 v19, v17;
	v18 =	vadd.f32 v20, v18;
	_ =	sdelay $0x1  }
0x3b9: {  	v17 =	vadd.f32 v18, v17;
	_ =	sdelay $0x1  }
0x3ba: {  	v17 =	vsub.f32 $0.0e+00, v17;
	_ =	sdelay $0x1  }
0x3bb: {  	v17 =	vmul.f32 $1.442695020e+00, v17;
	_ =	sdelay $0x1  }
0x3bc: {  	(erf) = vpow2.f32 v17;
	_ =	sdelay $0x8  }
0x3bd: {  	v17 =	vpop (erf)  }
0x3be: {  	v17 =	vadd.f32 $1.000000000e+00, v17;
	_ =	sdelay $0x1  }
0x3bf: {  	(erf) = vrcp.f32 v17;
	_ =	sdelay $0x8  }
0x3c0: {  	v17 =	vpop (erf)  }
0x3c1: {  	[tilespmem:s29+$0xA3A0] =	vst v17  }
0x3c2: {  	v17 =	vld.idx.msk [tilespmem:v1+s22+$0x0], $0xffff  }
0x3c3: {  	v18 =	vld.idx.msk [tilespmem:v2+s22+$0x0], $0xffff  }
0x3c4: {  	v19 =	vld.idx.msk [tilespmem:v3+s22+$0x0], $0xffff  }
0x3c5: {  	v20 =	vld.idx.msk [tilespmem:v4+s22+$0x0], $0xffff  }
0x3c6: {  	v21 =	vld.idx.msk [tilespmem:v5+s22+$0x0], $0xffff  }
0x3c7: {  	v22 =	vld.idx.msk [tilespmem:v6+s22+$0x0], $0xffff  }
0x3c8: {  	v23 =	vld.idx.msk [tilespmem:v7+s22+$0x0], $0xffff  }
0x3c9: {  	v24 =	vld.idx.msk [tilespmem:v11+s22+$0x0], $0xffff  }
0x3ca: {  	v17 =	vadd.f32 v19, v17;
	v18 =	vadd.f32 v20, v18;
	v19 =	vld.idx.msk [tilespmem:v8+s22+$0x0], $0xffff  }
0x3cb: {  	v20 =	vld.idx.msk [tilespmem:v12+s22+$0x0], $0xffff  }
0x3cc: {  	v17 =	vadd.f32 v21, v17;
	v18 =	vadd.f32 v22, v18;
	v21 =	vld.idx.msk [tilespmem:v9+s22+$0x0], $0xffff  }
0x3cd: {  	v22 =	vld.idx.msk [tilespmem:v13+s22+$0x0], $0xffff  }
0x3ce: {  	v17 =	vadd.f32 v23, v17;
	v18 =	vadd.f32 v24, v18;
	v23 =	vld.idx.msk [tilespmem:v10+s22+$0x0], $0xffff  }
0x3cf: {  	v24 =	vld.idx.msk [tilespmem:v15+s22+$0x0], $0xffff  }
0x3d0: {  	v17 =	vadd.f32 v19, v17;
	v18 =	vadd.f32 v20, v18;
	v19 =	vld.idx.msk [tilespmem:v14+s22+$0x0], $0xffff  }
0x3d1: {  	v20 =	vld.idx.msk [tilespmem:v16+s22+$0x0], $0xffff  }
0x3d2: {  	v17 =	vadd.f32 v21, v17;
	v18 =	vadd.f32 v22, v18;
	_ =	sdelay $0x1  }
0x3d3: {  	v17 =	vadd.f32 v23, v17;
	v18 =	vadd.f32 v24, v18;
	_ =	sdelay $0x1  }
0x3d4: {  	v17 =	vadd.f32 v19, v17;
	v18 =	vadd.f32 v20, v18;
	_ =	sdelay $0x1  }
0x3d5: {  	v17 =	vadd.f32 v18, v17;
	_ =	sdelay $0x1  }
0x3d6: {  	v17 =	vsub.f32 $0.0e+00, v17;
	_ =	sdelay $0x1  }
0x3d7: {  	v17 =	vmul.f32 $1.442695020e+00, v17;
	_ =	sdelay $0x1  }
0x3d8: {  	(erf) = vpow2.f32 v17;
	_ =	sdelay $0x8  }
0x3d9: {  	v17 =	vpop (erf)  }
0x3da: {  	v17 =	vadd.f32 $1.000000000e+00, v17;
	_ =	sdelay $0x1  }
0x3db: {  	(erf) = vrcp.f32 v17;
	_ =	sdelay $0x3  }
0x3dc: {  	s28 =	sadd.s32 $0x1, s28  }
0x3dd: {  	p0 =	sne.s32 s28, $0x3E  }
.Ltmp2:
0x3de: {  	_ = 	snop;
	(pc) =	sbr.rel @p0 .LBB2_2-.Ltmp2, $3  }
0x3df: {  	_ =	sdelay $0x1  }
0x3e0: {  	v17 =	vpop (erf)  }
0x3e1: {  	v25 =	vmov v26;
	[tilespmem:s29+$0xA3B0] =	vst v17  }
0x3e2: {  	_ =	swait.ge [sflag:s18], $0x1400  }
0x3e3: {  	[sflag:s18] =	ssyncset.done $0x0  }
0x3e4: {  	[sflag:s18] =	ssyncadd.s32 $0xFFFFEC00  }
0x3e5: {  	_ =	swait.ge [sflag:s19], $0x1400  }
0x3e6: {  	[sflag:s19] =	ssyncset.done $0x0  }
0x3e7: {  	s28 =	simm.s32 $0x0;
	[sflag:s19] =	ssyncadd.s32 $0xFFFFEC00  }
0x3e8: {  	v17 =	vld [tilespmem:s28+$0x6230]  }
0x3e9: {  	v18 =	vld [tilespmem:s28+$0x4E20]  }
0x3ea: {  	v19 =	vld [tilespmem:s28+$0x4E30]  }
0x3eb: {  	v20 =	vld [tilespmem:s28+$0x6220]  }
0x3ec: {  	v21 =	vld [tilespmem:s28+$0x6240]  }
0x3ed: {  	v22 =	vld [tilespmem:s28+$0x4E40];
	_ =	sdelay $0x1  }
0x3ee: {  	v23 =	vld [tilespmem:s28+$0x6250]  }
0x3ef: {  	v17 =	vmul.bf16 v17, v19;
	v19 =	vld [tilespmem:s28+$0x4E50]  }
0x3f0: {  	v18 =	vmul.bf16 v20, v18  }
0x3f1: {  	v21 =	vmul.bf16 v21, v22;
	v20 =	vunpack.i.u.bf16.f32 v17  }
0x3f2: {  	v17 =	vunpack.i.l.bf16.f32 v17;
	v24 =	vunpack.i.u.bf16.f32 v18;
	v18 =	vunpack.i.l.bf16.f32 v18  }
0x3f3: {  	v17 =	vadd.f32 v17, v18;
	v18 =	vadd.f32 v20, v24  }
0x3f4: {  	v20 =	vunpack.i.u.bf16.f32 v21;
	v21 =	vunpack.i.l.bf16.f32 v21;
	v19 =	vmul.bf16 v23, v19  }
0x3f5: {  	v17 =	vadd.f32 v21, v17;
	v18 =	vadd.f32 v20, v18  }
0x3f6: {  	v20 =	vunpack.i.u.bf16.f32 v19;
	v19 =	vunpack.i.l.bf16.f32 v19  }
0x3f7: {  	v17 =	vadd.f32 v19, v17;
	v18 =	vadd.f32 v20, v18;
	_ =	sdelay $0x1  }
0x3f8: {  	v17 =	vadd.f32 v17, v18  }
0x3f9: {  	s0 =	simm.s32 $0x9E60  }
0x3fa: {  	[tilespmem:s0+$0xFFFFFFC0] =	vst v17  }
0x3fb: {  	v17 =	vld [tilespmem:s28+$0x4E60]  }
0x3fc: {  	v18 =	vld [tilespmem:s28+$0x6270]  }
0x3fd: {  	v19 =	vld [tilespmem:s28+$0x6260]  }
0x3fe: {  	v20 =	vld [tilespmem:s28+$0x4E70]  }
0x3ff: {  	v21 =	vld [tilespmem:s28+$0x6280]  }
0x400: {  	v22 =	vld [tilespmem:s28+$0x4E80];
	_ =	sdelay $0x1  }
0x401: {  	v23 =	vld [tilespmem:s28+$0x6290]  }
0x402: {  	v17 =	vmul.bf16 v19, v17;
	v19 =	vld [tilespmem:s28+$0x4E90]  }
0x403: {  	v18 =	vmul.bf16 v18, v20  }
0x404: {  	v21 =	vmul.bf16 v21, v22;
	v20 =	vunpack.i.u.bf16.f32 v17  }
0x405: {  	v17 =	vunpack.i.l.bf16.f32 v17;
	v24 =	vunpack.i.u.bf16.f32 v18;
	v18 =	vunpack.i.l.bf16.f32 v18  }
0x406: {  	v17 =	vadd.f32 v18, v17;
	v18 =	vadd.f32 v24, v20  }
0x407: {  	v20 =	vunpack.i.u.bf16.f32 v21;
	v21 =	vunpack.i.l.bf16.f32 v21;
	v19 =	vmul.bf16 v23, v19  }
0x408: {  	v17 =	vadd.f32 v21, v17;
	v18 =	vadd.f32 v20, v18  }
0x409: {  	v20 =	vunpack.i.u.bf16.f32 v19;
	v19 =	vunpack.i.l.bf16.f32 v19  }
0x40a: {  	v17 =	vadd.f32 v19, v17;
	v18 =	vadd.f32 v20, v18;
	_ =	sdelay $0x1  }
0x40b: {  	v17 =	vadd.f32 v17, v18;
	_ =	sdelay $0x1  }
0x40c: {  	[tilespmem:s0+$0xFFFFFFD0] =	vst v17  }
0x40d: {  	v17 =	vld [tilespmem:s28+$0x4EA0]  }
0x40e: {  	v18 =	vld [tilespmem:s28+$0x62A0]  }
0x40f: {  	v19 =	vld [tilespmem:s28+$0x62B0]  }
0x410: {  	v20 =	vld [tilespmem:s28+$0x4EB0]  }
0x411: {  	v21 =	vld [tilespmem:s28+$0x4EC0]  }
0x412: {  	v22 =	vld [tilespmem:s28+$0x62C0];
	_ =	sdelay $0x1  }
0x413: {  	v23 =	vld [tilespmem:s28+$0x62D0]  }
0x414: {  	v17 =	vmul.bf16 v18, v17;
	v18 =	vld [tilespmem:s28+$0x4ED0]  }
0x415: {  	v19 =	vmul.bf16 v19, v20  }
0x416: {  	v21 =	vmul.bf16 v22, v21;
	v20 =	vunpack.i.l.bf16.f32 v17  }
0x417: {  	v17 =	vunpack.i.u.bf16.f32 v17;
	v24 =	vunpack.i.u.bf16.f32 v19;
	v19 =	vunpack.i.l.bf16.f32 v19  }
0x418: {  	v19 =	vadd.f32 v19, v20;
	v17 =	vadd.f32 v24, v17  }
0x419: {  	v20 =	vunpack.i.u.bf16.f32 v21;
	v21 =	vunpack.i.l.bf16.f32 v21;
	v18 =	vmul.bf16 v23, v18  }
0x41a: {  	v19 =	vadd.f32 v21, v19;
	v17 =	vadd.f32 v20, v17  }
0x41b: {  	v20 =	vunpack.i.u.bf16.f32 v18;
	v18 =	vunpack.i.l.bf16.f32 v18  }
0x41c: {  	v18 =	vadd.f32 v18, v19;
	v17 =	vadd.f32 v20, v17;
	_ =	sdelay $0x1  }
0x41d: {  	v17 =	vadd.f32 v18, v17;
	_ =	sdelay $0x1  }
0x41e: {  	[tilespmem:s0+$0xFFFFFFE0] =	vst v17  }
0x41f: {  	v17 =	vld [tilespmem:s28+$0x4EE0]  }
0x420: {  	v18 =	vld [tilespmem:s28+$0x62F0]  }
0x421: {  	v19 =	vld [tilespmem:s28+$0x62E0]  }
0x422: {  	v20 =	vld [tilespmem:s28+$0x4EF0]  }
0x423: {  	v21 =	vld [tilespmem:s28+$0x4F00]  }
0x424: {  	v22 =	vld [tilespmem:s28+$0x6300];
	_ =	sdelay $0x1  }
0x425: {  	v23 =	vld [tilespmem:s28+$0x6310]  }
0x426: {  	v17 =	vmul.bf16 v19, v17;
	v19 =	vld [tilespmem:s28+$0x4F10]  }
0x427: {  	v18 =	vmul.bf16 v18, v20  }
0x428: {  	v21 =	vmul.bf16 v22, v21;
	v20 =	vunpack.i.u.bf16.f32 v17  }
0x429: {  	v17 =	vunpack.i.l.bf16.f32 v17;
	v24 =	vunpack.i.u.bf16.f32 v18;
	v18 =	vunpack.i.l.bf16.f32 v18  }
0x42a: {  	v17 =	vadd.f32 v18, v17;
	v18 =	vadd.f32 v24, v20  }
0x42b: {  	v20 =	vunpack.i.u.bf16.f32 v21;
	v21 =	vunpack.i.l.bf16.f32 v21;
	v19 =	vmul.bf16 v23, v19  }
0x42c: {  	v17 =	vadd.f32 v21, v17;
	v18 =	vadd.f32 v20, v18  }
0x42d: {  	v20 =	vunpack.i.u.bf16.f32 v19;
	v19 =	vunpack.i.l.bf16.f32 v19  }
0x42e: {  	v17 =	vadd.f32 v19, v17;
	v18 =	vadd.f32 v20, v18;
	_ =	sdelay $0x1  }
0x42f: {  	v17 =	vadd.f32 v17, v18;
	_ =	sdelay $0x1  }
0x430: {  	[tilespmem:s0+$0xFFFFFFF0] =	vst v17  }
0x431: {  	v17 =	vld [tilespmem:s28+$0x6330]  }
0x432: {  	v18 =	vld [tilespmem:s28+$0x4F20]  }
0x433: {  	v19 =	vld [tilespmem:s28+$0x6320]  }
0x434: {  	v20 =	vld [tilespmem:s28+$0x4F30]  }
0x435: {  	v21 =	vld [tilespmem:s28+$0x4F40]  }
0x436: {  	v22 =	vld [tilespmem:s28+$0x6340];
	_ =	sdelay $0x1  }
0x437: {  	v23 =	vld [tilespmem:s28+$0x4F50]  }
0x438: {  	v18 =	vmul.bf16 v19, v18;
	v19 =	vld [tilespmem:s28+$0x6350]  }
0x439: {  	v17 =	vmul.bf16 v17, v20  }
0x43a: {  	v21 =	vmul.bf16 v22, v21;
	v20 =	vunpack.i.u.bf16.f32 v18  }
0x43b: {  	v18 =	vunpack.i.l.bf16.f32 v18;
	v24 =	vunpack.i.u.bf16.f32 v17;
	v17 =	vunpack.i.l.bf16.f32 v17  }
0x43c: {  	v17 =	vadd.f32 v17, v18;
	v18 =	vadd.f32 v24, v20  }
0x43d: {  	v20 =	vunpack.i.u.bf16.f32 v21;
	v21 =	vunpack.i.l.bf16.f32 v21;
	v19 =	vmul.bf16 v19, v23  }
0x43e: {  	v17 =	vadd.f32 v21, v17;
	v18 =	vadd.f32 v20, v18  }
0x43f: {  	v20 =	vunpack.i.u.bf16.f32 v19;
	v19 =	vunpack.i.l.bf16.f32 v19  }
0x440: {  	v17 =	vadd.f32 v19, v17;
	v18 =	vadd.f32 v20, v18;
	_ =	sdelay $0x1  }
0x441: {  	v17 =	vadd.f32 v17, v18;
	_ =	sdelay $0x1  }
0x442: {  	[tilespmem:s0+$0x0] =	vst v17  }
0x443: {  	v17 =	vld [tilespmem:s28+$0x4F60]  }
0x444: {  	v18 =	vld [tilespmem:s28+$0x6360]  }
0x445: {  	v19 =	vld [tilespmem:s28+$0x6370]  }
0x446: {  	v20 =	vld [tilespmem:s28+$0x4F70]  }
0x447: {  	v21 =	vld [tilespmem:s28+$0x4F80]  }
0x448: {  	v22 =	vld [tilespmem:s28+$0x6380];
	_ =	sdelay $0x1  }
0x449: {  	v23 =	vld [tilespmem:s28+$0x4F90]  }
0x44a: {  	v17 =	vmul.bf16 v18, v17;
	v18 =	vld [tilespmem:s28+$0x6390]  }
0x44b: {  	v19 =	vmul.bf16 v19, v20  }
0x44c: {  	v21 =	vmul.bf16 v22, v21;
	v20 =	vunpack.i.l.bf16.f32 v17  }
0x44d: {  	v17 =	vunpack.i.u.bf16.f32 v17;
	v24 =	vunpack.i.u.bf16.f32 v19;
	v19 =	vunpack.i.l.bf16.f32 v19  }
0x44e: {  	v19 =	vadd.f32 v19, v20;
	v17 =	vadd.f32 v24, v17  }
0x44f: {  	v20 =	vunpack.i.u.bf16.f32 v21;
	v21 =	vunpack.i.l.bf16.f32 v21;
	v18 =	vmul.bf16 v18, v23  }
0x450: {  	v19 =	vadd.f32 v21, v19;
	v17 =	vadd.f32 v20, v17  }
0x451: {  	v20 =	vunpack.i.u.bf16.f32 v18;
	v18 =	vunpack.i.l.bf16.f32 v18  }
0x452: {  	v18 =	vadd.f32 v18, v19;
	v17 =	vadd.f32 v20, v17;
	_ =	sdelay $0x1  }
0x453: {  	v17 =	vadd.f32 v18, v17;
	_ =	sdelay $0x1  }
0x454: {  	[tilespmem:s0+$0x10] =	vst v17  }
0x455: {  	v17 =	vld [tilespmem:s28+$0x4FD0]  }
0x456: {  	v18 =	vld [tilespmem:s28+$0x63C0]  }
0x457: {  	v19 =	vld [tilespmem:s28+$0x4FC0]  }
0x458: {  	v20 =	vld [tilespmem:s28+$0x63A0]  }
0x459: {  	v21 =	vld [tilespmem:s28+$0x4FA0]  }
0x45a: {  	v22 =	vld [tilespmem:s28+$0x63D0]  }
0x45b: {  	v23 =	vld [tilespmem:s28+$0x63B0]  }
0x45c: {  	v24 =	vld [tilespmem:s28+$0x4FB0];
	_ =	sdelay $0x2  }
0x45d: {  	v21 =	vmul.bf16 v20, v21  }
0x45e: {  	v19 =	vmul.bf16 v18, v19  }
0x45f: {  	v20 =	vmul.bf16 v22, v17;
	v22 =	vmul.bf16 v23, v24;
	v18 =	vunpack.i.u.bf16.f32 v21  }
0x460: {  	s25 =	simm.s32 $0x800;
	s1 =	simm.s32 $0x9E60;
	v17 =	vunpack.i.u.bf16.f32 v19;
	v19 =	vunpack.i.l.bf16.f32 v19;
	v21 =	vunpack.i.l.bf16.f32 v21  }
.LBB2_8:
0x461: {  	p0 =	sne.s32 s25, $0x4800  }
0x462: {  	s0 =	sadd.s32 $0x80, s0;
	s13 =	smov.u32 s25;
	s25 =	sadd.s32 $0x800, s25  }
0x463: {  	_ = 	snop  }
0x464: {  	v23 =	vunpack.i.u.bf16.f32 v20;
	v20 =	vunpack.i.l.bf16.f32 v20;
	_ =	sdelay $0x3  }
0x465: {  	v24 =	vunpack.i.u.bf16.f32 v22;
	v22 =	vunpack.i.l.bf16.f32 v22  }
0x466: {  	v21 =	vadd.f32 v22, v21;
	v18 =	vadd.f32 v24, v18;
	_ =	sdelay $0x1  }
0x467: {  	v19 =	vadd.f32 v19, v21;
	v17 =	vadd.f32 v17, v18;
	_ =	sdelay $0x1  }
0x468: {  	v18 =	vadd.f32 v20, v19;
	v17 =	vadd.f32 v23, v17;
	_ =	sdelay $0x1  }
0x469: {  	v17 =	vadd.f32 v18, v17;
	_ =	sdelay $0x1  }
0x46a: {  	[tilespmem:s1+$0x20] =	vst v17  }
0x46b: {  	v17 =	vld [tilespmem:s28+$0x5000]  }
0x46c: {  	v18 =	vld [tilespmem:s28+$0x6400]  }
0x46d: {  	v19 =	vld [tilespmem:s28+$0x63F0]  }
0x46e: {  	v20 =	vld [tilespmem:s28+$0x4FE0]  }
0x46f: {  	v21 =	vld [tilespmem:s28+$0x4FF0]  }
0x470: {  	v22 =	vld [tilespmem:s28+$0x63E0]  }
0x471: {  	v23 =	vld [tilespmem:s28+$0x5010]  }
0x472: {  	v24 =	vld [tilespmem:s28+$0x6410];
	_ =	sdelay $0x1  }
0x473: {  	v17 =	vmul.bf16 v18, v17  }
0x474: {  	v19 =	vmul.bf16 v19, v21;
	v18 =	vmul.bf16 v22, v20;
	_ =	sdelay $0x1  }
0x475: {  	v21 =	vunpack.i.u.bf16.f32 v17;
	v17 =	vunpack.i.l.bf16.f32 v17;
	v20 =	vunpack.i.u.bf16.f32 v19  }
0x476: {  	v19 =	vunpack.i.l.bf16.f32 v19;
	v22 =	vunpack.i.u.bf16.f32 v18;
	v18 =	vunpack.i.l.bf16.f32 v18  }
0x477: {  	v18 =	vadd.f32 v19, v18;
	v19 =	vadd.f32 v20, v22  }
0x478: {  	v20 =	vmul.bf16 v24, v23  }
0x479: {  	v17 =	vadd.f32 v17, v18;
	v18 =	vadd.f32 v21, v19  }
0x47a: {  	v19 =	vunpack.i.u.bf16.f32 v20;
	v20 =	vunpack.i.l.bf16.f32 v20  }
0x47b: {  	v17 =	vadd.f32 v20, v17;
	v18 =	vadd.f32 v19, v18;
	_ =	sdelay $0x1  }
0x47c: {  	v17 =	vadd.f32 v17, v18;
	_ =	sdelay $0x1  }
0x47d: {  	s28 =	sshra.s32 s13, $0x2;
	[tilespmem:s1+$0x30] =	vst v17;
	s1 =	smov.u32 s0  }
0x47e: {  	v17 =	vld [tilespmem:s28+$0x6230]  }
0x47f: {  	v18 =	vld [tilespmem:s28+$0x4E20]  }
0x480: {  	v19 =	vld [tilespmem:s28+$0x4E30]  }
0x481: {  	v20 =	vld [tilespmem:s28+$0x6220]  }
0x482: {  	v21 =	vld [tilespmem:s28+$0x6240]  }
0x483: {  	v22 =	vld [tilespmem:s28+$0x4E40]  }
0x484: {  	v23 =	vld [tilespmem:s28+$0x6250]  }
0x485: {  	v17 =	vmul.bf16 v17, v19;
	v19 =	vld [tilespmem:s28+$0x4E50]  }
0x486: {  	v18 =	vmul.bf16 v20, v18  }
0x487: {  	v20 =	vunpack.i.u.bf16.f32 v17;
	v17 =	vunpack.i.l.bf16.f32 v17  }
0x488: {  	v24 =	vunpack.i.u.bf16.f32 v18;
	v18 =	vunpack.i.l.bf16.f32 v18;
	v21 =	vmul.bf16 v21, v22  }
0x489: {  	v17 =	vadd.f32 v17, v18;
	v18 =	vadd.f32 v20, v24  }
0x48a: {  	v20 =	vunpack.i.u.bf16.f32 v21;
	v21 =	vunpack.i.l.bf16.f32 v21;
	v19 =	vmul.bf16 v23, v19  }
0x48b: {  	v17 =	vadd.f32 v21, v17;
	v18 =	vadd.f32 v20, v18  }
0x48c: {  	v20 =	vunpack.i.u.bf16.f32 v19;
	v19 =	vunpack.i.l.bf16.f32 v19  }
0x48d: {  	v17 =	vadd.f32 v19, v17;
	v18 =	vadd.f32 v20, v18;
	_ =	sdelay $0x1  }
0x48e: {  	v17 =	vadd.f32 v17, v18;
	_ =	sdelay $0x1  }
0x48f: {  	[tilespmem:s0+$0xFFFFFFC0] =	vst v17  }
0x490: {  	v17 =	vld [tilespmem:s28+$0x4E60]  }
0x491: {  	v18 =	vld [tilespmem:s28+$0x6270]  }
0x492: {  	v19 =	vld [tilespmem:s28+$0x6260]  }
0x493: {  	v20 =	vld [tilespmem:s28+$0x4E70]  }
0x494: {  	v21 =	vld [tilespmem:s28+$0x6280]  }
0x495: {  	v22 =	vld [tilespmem:s28+$0x4E80]  }
0x496: {  	v23 =	vld [tilespmem:s28+$0x6290]  }
0x497: {  	v17 =	vmul.bf16 v19, v17;
	v19 =	vld [tilespmem:s28+$0x4E90]  }
0x498: {  	v18 =	vmul.bf16 v18, v20  }
0x499: {  	v20 =	vunpack.i.u.bf16.f32 v17;
	v17 =	vunpack.i.l.bf16.f32 v17  }
0x49a: {  	v24 =	vunpack.i.u.bf16.f32 v18;
	v18 =	vunpack.i.l.bf16.f32 v18;
	v21 =	vmul.bf16 v21, v22  }
0x49b: {  	v17 =	vadd.f32 v18, v17;
	v18 =	vadd.f32 v24, v20  }
0x49c: {  	v20 =	vunpack.i.u.bf16.f32 v21;
	v21 =	vunpack.i.l.bf16.f32 v21;
	v19 =	vmul.bf16 v23, v19  }
0x49d: {  	v17 =	vadd.f32 v21, v17;
	v18 =	vadd.f32 v20, v18  }
0x49e: {  	v20 =	vunpack.i.u.bf16.f32 v19;
	v19 =	vunpack.i.l.bf16.f32 v19  }
0x49f: {  	v17 =	vadd.f32 v19, v17;
	v18 =	vadd.f32 v20, v18;
	_ =	sdelay $0x1  }
0x4a0: {  	v17 =	vadd.f32 v17, v18;
	_ =	sdelay $0x1  }
0x4a1: {  	[tilespmem:s0+$0xFFFFFFD0] =	vst v17  }
0x4a2: {  	v17 =	vld [tilespmem:s28+$0x4EA0]  }
0x4a3: {  	v18 =	vld [tilespmem:s28+$0x62A0]  }
0x4a4: {  	v19 =	vld [tilespmem:s28+$0x62B0]  }
0x4a5: {  	v20 =	vld [tilespmem:s28+$0x4EB0]  }
0x4a6: {  	v21 =	vld [tilespmem:s28+$0x4EC0]  }
0x4a7: {  	v22 =	vld [tilespmem:s28+$0x62C0]  }
0x4a8: {  	v17 =	vmul.bf16 v18, v17;
	v18 =	vld [tilespmem:s28+$0x62D0]  }
0x4a9: {  	v23 =	vld [tilespmem:s28+$0x4ED0]  }
0x4aa: {  	v24 =	vunpack.i.l.bf16.f32 v17;
	v19 =	vmul.bf16 v19, v20  }
0x4ab: {  	v17 =	vunpack.i.u.bf16.f32 v17  }
0x4ac: {  	v20 =	vunpack.i.u.bf16.f32 v19;
	v19 =	vunpack.i.l.bf16.f32 v19;
	v21 =	vmul.bf16 v22, v21  }
0x4ad: {  	v19 =	vadd.f32 v19, v24;
	v17 =	vadd.f32 v20, v17  }
0x4ae: {  	v20 =	vunpack.i.u.bf16.f32 v21;
	v21 =	vunpack.i.l.bf16.f32 v21;
	v18 =	vmul.bf16 v18, v23  }
0x4af: {  	v19 =	vadd.f32 v21, v19;
	v17 =	vadd.f32 v20, v17  }
0x4b0: {  	v20 =	vunpack.i.u.bf16.f32 v18;
	v18 =	vunpack.i.l.bf16.f32 v18  }
0x4b1: {  	v18 =	vadd.f32 v18, v19;
	v17 =	vadd.f32 v20, v17;
	_ =	sdelay $0x1  }
0x4b2: {  	v17 =	vadd.f32 v18, v17;
	_ =	sdelay $0x1  }
0x4b3: {  	[tilespmem:s0+$0xFFFFFFE0] =	vst v17  }
0x4b4: {  	v17 =	vld [tilespmem:s28+$0x4EE0]  }
0x4b5: {  	v18 =	vld [tilespmem:s28+$0x62F0]  }
0x4b6: {  	v19 =	vld [tilespmem:s28+$0x62E0]  }
0x4b7: {  	v20 =	vld [tilespmem:s28+$0x4EF0]  }
0x4b8: {  	v21 =	vld [tilespmem:s28+$0x4F00]  }
0x4b9: {  	v22 =	vld [tilespmem:s28+$0x6300]  }
0x4ba: {  	v23 =	vld [tilespmem:s28+$0x6310]  }
0x4bb: {  	v17 =	vmul.bf16 v19, v17;
	v19 =	vld [tilespmem:s28+$0x4F10]  }
0x4bc: {  	v18 =	vmul.bf16 v18, v20  }
0x4bd: {  	v20 =	vunpack.i.u.bf16.f32 v17;
	v17 =	vunpack.i.l.bf16.f32 v17  }
0x4be: {  	v24 =	vunpack.i.u.bf16.f32 v18;
	v18 =	vunpack.i.l.bf16.f32 v18;
	v21 =	vmul.bf16 v22, v21  }
0x4bf: {  	v17 =	vadd.f32 v18, v17;
	v18 =	vadd.f32 v24, v20  }
0x4c0: {  	v20 =	vunpack.i.u.bf16.f32 v21;
	v21 =	vunpack.i.l.bf16.f32 v21;
	v19 =	vmul.bf16 v23, v19  }
0x4c1: {  	v17 =	vadd.f32 v21, v17;
	v18 =	vadd.f32 v20, v18  }
0x4c2: {  	v20 =	vunpack.i.u.bf16.f32 v19;
	v19 =	vunpack.i.l.bf16.f32 v19  }
0x4c3: {  	v17 =	vadd.f32 v19, v17;
	v18 =	vadd.f32 v20, v18;
	_ =	sdelay $0x1  }
0x4c4: {  	v17 =	vadd.f32 v17, v18;
	_ =	sdelay $0x1  }
0x4c5: {  	[tilespmem:s0+$0xFFFFFFF0] =	vst v17  }
0x4c6: {  	v17 =	vld [tilespmem:s28+$0x6330]  }
0x4c7: {  	v18 =	vld [tilespmem:s28+$0x4F20]  }
0x4c8: {  	v19 =	vld [tilespmem:s28+$0x6320]  }
0x4c9: {  	v20 =	vld [tilespmem:s28+$0x4F30]  }
0x4ca: {  	v21 =	vld [tilespmem:s28+$0x4F40]  }
0x4cb: {  	v22 =	vld [tilespmem:s28+$0x6340]  }
0x4cc: {  	v23 =	vld [tilespmem:s28+$0x4F50]  }
0x4cd: {  	v18 =	vmul.bf16 v19, v18;
	v19 =	vld [tilespmem:s28+$0x6350]  }
0x4ce: {  	v17 =	vmul.bf16 v17, v20  }
0x4cf: {  	v20 =	vunpack.i.u.bf16.f32 v18;
	v18 =	vunpack.i.l.bf16.f32 v18  }
0x4d0: {  	v24 =	vunpack.i.u.bf16.f32 v17;
	v17 =	vunpack.i.l.bf16.f32 v17;
	v21 =	vmul.bf16 v22, v21  }
0x4d1: {  	v17 =	vadd.f32 v17, v18;
	v18 =	vadd.f32 v24, v20  }
0x4d2: {  	v20 =	vunpack.i.u.bf16.f32 v21;
	v21 =	vunpack.i.l.bf16.f32 v21;
	v19 =	vmul.bf16 v19, v23  }
0x4d3: {  	v17 =	vadd.f32 v21, v17;
	v18 =	vadd.f32 v20, v18  }
0x4d4: {  	v20 =	vunpack.i.u.bf16.f32 v19;
	v19 =	vunpack.i.l.bf16.f32 v19  }
0x4d5: {  	v17 =	vadd.f32 v19, v17;
	v18 =	vadd.f32 v20, v18;
	_ =	sdelay $0x1  }
0x4d6: {  	v17 =	vadd.f32 v17, v18;
	_ =	sdelay $0x1  }
0x4d7: {  	[tilespmem:s0+$0x0] =	vst v17  }
0x4d8: {  	v17 =	vld [tilespmem:s28+$0x4F60]  }
0x4d9: {  	v18 =	vld [tilespmem:s28+$0x6360]  }
0x4da: {  	v19 =	vld [tilespmem:s28+$0x6370]  }
0x4db: {  	v20 =	vld [tilespmem:s28+$0x4F70]  }
0x4dc: {  	v21 =	vld [tilespmem:s28+$0x4F80]  }
0x4dd: {  	v22 =	vld [tilespmem:s28+$0x6380]  }
0x4de: {  	v17 =	vmul.bf16 v18, v17;
	v18 =	vld [tilespmem:s28+$0x4F90]  }
0x4df: {  	v23 =	vld [tilespmem:s28+$0x6390]  }
0x4e0: {  	v24 =	vunpack.i.l.bf16.f32 v17;
	v19 =	vmul.bf16 v19, v20  }
0x4e1: {  	v17 =	vunpack.i.u.bf16.f32 v17  }
0x4e2: {  	v20 =	vunpack.i.u.bf16.f32 v19;
	v19 =	vunpack.i.l.bf16.f32 v19;
	v21 =	vmul.bf16 v22, v21  }
0x4e3: {  	v19 =	vadd.f32 v19, v24;
	v17 =	vadd.f32 v20, v17  }
0x4e4: {  	v20 =	vunpack.i.u.bf16.f32 v21;
	v21 =	vunpack.i.l.bf16.f32 v21;
	v18 =	vmul.bf16 v23, v18  }
0x4e5: {  	v19 =	vadd.f32 v21, v19;
	v17 =	vadd.f32 v20, v17  }
0x4e6: {  	v20 =	vunpack.i.u.bf16.f32 v18;
	v18 =	vunpack.i.l.bf16.f32 v18  }
0x4e7: {  	v18 =	vadd.f32 v18, v19;
	v17 =	vadd.f32 v20, v17;
	_ =	sdelay $0x1  }
0x4e8: {  	v17 =	vadd.f32 v18, v17;
	_ =	sdelay $0x1  }
0x4e9: {  	[tilespmem:s0+$0x10] =	vst v17  }
0x4ea: {  	v17 =	vld [tilespmem:s28+$0x4FD0]  }
0x4eb: {  	v18 =	vld [tilespmem:s28+$0x63C0]  }
0x4ec: {  	v19 =	vld [tilespmem:s28+$0x4FC0]  }
0x4ed: {  	v20 =	vld [tilespmem:s28+$0x63D0]  }
0x4ee: {  	v21 =	vld [tilespmem:s28+$0x63A0]  }
0x4ef: {  	v22 =	vld [tilespmem:s28+$0x4FA0]  }
0x4f0: {  	v23 =	vld [tilespmem:s28+$0x63B0]  }
0x4f1: {  	v24 =	vld [tilespmem:s28+$0x4FB0];
	_ =	sdelay $0x1  }
.Ltmp3:
0x4f2: {  	(pc) =	sbr.rel @p0 .LBB2_8-.Ltmp3, $4  }
0x4f3: {  	v19 =	vmul.bf16 v18, v19;
	v21 =	vmul.bf16 v21, v22  }
0x4f4: {  	v20 =	vmul.bf16 v20, v17  }
0x4f5: {  	v17 =	vunpack.i.u.bf16.f32 v19;
	v19 =	vunpack.i.l.bf16.f32 v19;
	v18 =	vunpack.i.u.bf16.f32 v21  }
0x4f6: {  	v21 =	vunpack.i.l.bf16.f32 v21;
	v22 =	vmul.bf16 v23, v24  }
0x4f7: {  	_ = 	snop  }
0x4f8: {  	v23 =	vunpack.i.u.bf16.f32 v22;
	v22 =	vunpack.i.l.bf16.f32 v22  }
0x4f9: {  	v21 =	vadd.f32 v22, v21;
	v18 =	vadd.f32 v23, v18;
	_ =	sdelay $0x1  }
0x4fa: {  	v19 =	vadd.f32 v19, v21;
	v17 =	vadd.f32 v17, v18  }
0x4fb: {  	v18 =	vunpack.i.u.bf16.f32 v20;
	v20 =	vunpack.i.l.bf16.f32 v20  }
0x4fc: {  	v19 =	vadd.f32 v20, v19;
	v17 =	vadd.f32 v18, v17;
	_ =	sdelay $0x1  }
0x4fd: {  	v17 =	vadd.f32 v19, v17;
	_ =	sdelay $0x1  }
0x4fe: {  	[tilespmem:s1+$0x20] =	vst v17  }
0x4ff: {  	v17 =	vld [tilespmem:s28+$0x5000]  }
0x500: {  	v18 =	vld [tilespmem:s28+$0x63F0]  }
0x501: {  	v19 =	vld [tilespmem:s28+$0x4FE0]  }
0x502: {  	v20 =	vld [tilespmem:s28+$0x4FF0]  }
0x503: {  	v21 =	vld [tilespmem:s28+$0x63E0]  }
0x504: {  	v22 =	vld [tilespmem:s28+$0x6400];
	_ =	sdelay $0x1  }
0x505: {  	v23 =	vld [tilespmem:s28+$0x5010]  }
0x506: {  	v24 =	vld [tilespmem:s28+$0x6410];
	v18 =	vmul.bf16 v18, v20  }
0x507: {  	v19 =	vmul.bf16 v21, v19  }
0x508: {  	v17 =	vmul.bf16 v22, v17;
	v20 =	vunpack.i.u.bf16.f32 v18  }
0x509: {  	v21 =	vunpack.i.u.bf16.f32 v19;
	v19 =	vunpack.i.l.bf16.f32 v19;
	v18 =	vunpack.i.l.bf16.f32 v18  }
0x50a: {  	v18 =	vadd.f32 v18, v19;
	v19 =	vadd.f32 v20, v21  }
0x50b: {  	v20 =	vunpack.i.u.bf16.f32 v17;
	v17 =	vunpack.i.l.bf16.f32 v17;
	v21 =	vmul.bf16 v24, v23  }
0x50c: {  	v17 =	vadd.f32 v17, v18;
	v18 =	vadd.f32 v20, v19  }
0x50d: {  	v23 =	vld [tilespmem:$0x1FE70];
	v19 =	vunpack.i.u.bf16.f32 v21;
	v20 =	vunpack.i.l.bf16.f32 v21  }
0x50e: {  	v17 =	vadd.f32 v20, v17;
	v18 =	vadd.f32 v19, v18;
	v20 =	vld [tilespmem:$0x1FE80];
	_ =	sdelay $0x1  }
0x50f: {  	v17 =	vadd.f32 v17, v18  }
0x510: {  	v22 =	vld [tilespmem:$0x1FEA0]  }
0x511: {  	v21 =	vld [tilespmem:$0x1FE90];
	[tilespmem:s1+$0x30] =	vst v17  }
0x512: {  	v17 =	vld.idx.msk [tilespmem:v0+s22+$0x0], $0xffff  }
0x513: {  	v18 =	vld.idx.msk [tilespmem:v25+s22+$0x0], $0xffff  }
0x514: {  	v19 =	vld.idx.msk [tilespmem:v23+s22+$0x0], $0xffff  }
0x515: {  	v20 =	vld.idx.msk [tilespmem:v20+s22+$0x0], $0xffff  }
0x516: {  	v24 =	vld [tilespmem:$0x1FEC0]  }
0x517: {  	v23 =	vld [tilespmem:$0x1FEB0];
	_ =	sdelay $0x1  }
0x518: {  	v17 =	vadd.f32 v19, v17;
	v19 =	vld [tilespmem:$0x1FED0]  }
0x519: {  	v18 =	vadd.f32 v20, v18;
	v20 =	vld [tilespmem:$0x1FEE0]  }
0x51a: {  	v21 =	vld.idx.msk [tilespmem:v21+s22+$0x0], $0xffff;
	_ =	sdelay $0x1  }
0x51b: {  	v22 =	vld.idx.msk [tilespmem:v22+s22+$0x0], $0xffff  }
0x51c: {  	v24 =	vld.idx.msk [tilespmem:v24+s22+$0x0], $0xffff  }
0x51d: {  	v23 =	vld.idx.msk [tilespmem:v23+s22+$0x0], $0xffff  }
0x51e: {  	v17 =	vadd.f32 v21, v17;
	v21 =	vld [tilespmem:$0x1FEF0]  }
0x51f: {  	v19 =	vld.idx.msk [tilespmem:v19+s22+$0x0], $0xffff  }
0x520: {  	v18 =	vadd.f32 v22, v18;
	v20 =	vld.idx.msk [tilespmem:v20+s22+$0x0], $0xffff  }
0x521: {  	v22 =	vld [tilespmem:$0x1FF00]  }
0x522: {  	v18 =	vadd.f32 v24, v18;
	v24 =	vld [tilespmem:$0x1FF20];
	v17 =	vadd.f32 v23, v17  }
0x523: {  	v23 =	vld [tilespmem:$0x1FF10]  }
0x524: {  	v17 =	vadd.f32 v19, v17;
	v19 =	vld [tilespmem:$0x1FF30]  }
0x525: {  	v18 =	vadd.f32 v20, v18;
	v20 =	vld [tilespmem:$0x1FF40];
	_ =	sdelay $0x2  }
0x526: {  	v21 =	vld.idx.msk [tilespmem:v21+s22+$0x0], $0xffff  }
0x527: {  	v22 =	vld.idx.msk [tilespmem:v22+s22+$0x0], $0xffff  }
0x528: {  	v24 =	vld.idx.msk [tilespmem:v24+s22+$0x0], $0xffff  }
0x529: {  	v23 =	vld.idx.msk [tilespmem:v23+s22+$0x0], $0xffff  }
0x52a: {  	v19 =	vld.idx.msk [tilespmem:v19+s22+$0x0], $0xffff  }
0x52b: {  	v20 =	vld.idx.msk [tilespmem:v20+s22+$0x0], $0xffff  }
0x52c: {  	v17 =	vadd.f32 v21, v17;
	v18 =	vadd.f32 v22, v18;
	_ =	sdelay $0x1  }
0x52d: {  	v18 =	vadd.f32 v24, v18;
	v17 =	vadd.f32 v23, v17;
	_ =	sdelay $0x1  }
0x52e: {  	v17 =	vadd.f32 v19, v17;
	v18 =	vadd.f32 v20, v18;
	_ =	sdelay $0x1  }
0x52f: {  	v17 =	vadd.f32 v18, v17;
	_ =	sdelay $0x1  }
0x530: {  	v17 =	vsub.f32 $0.0e+00, v17;
	_ =	sdelay $0x1  }
0x531: {  	v17 =	vmul.f32 $1.442695020e+00, v17;
	_ =	sdelay $0x1  }
0x532: {  	(erf) = vpow2.f32 v17;
	_ =	sdelay $0x8  }
0x533: {  	v17 =	vpop (erf)  }
0x534: {  	v17 =	vadd.f32 $1.000000000e+00, v17;
	_ =	sdelay $0x1  }
0x535: {  	(erf) = vrcp.f32 v17;
	_ =	sdelay $0x2  }
0x536: {  	v21 =	vld [tilespmem:$0x1FF50];
	_ =	sdelay $0x4  }
0x537: {  	v22 =	vld [tilespmem:$0x1FF60]  }
0x538: {  	v23 =	vld [tilespmem:$0x1FF70];
	v17 =	vpop (erf)  }
0x539: {  	v20 =	vld [tilespmem:$0x1FF80];
	[tilespmem:$0xC9E0] =	vst v17  }
0x53a: {  	v17 =	vld.idx.msk [tilespmem:v21+s22+$0x0], $0xffff  }
0x53b: {  	v21 =	vld [tilespmem:$0x1FF90];
	_ =	sdelay $0x2  }
0x53c: {  	v24 =	vld [tilespmem:$0x1FFC0]  }
0x53d: {  	v18 =	vld.idx.msk [tilespmem:v22+s22+$0x0], $0xffff  }
0x53e: {  	v19 =	vld.idx.msk [tilespmem:v23+s22+$0x0], $0xffff  }
0x53f: {  	v20 =	vld.idx.msk [tilespmem:v20+s22+$0x0], $0xffff  }
0x540: {  	v22 =	vld [tilespmem:$0x1FFA0]  }
0x541: {  	v21 =	vld.idx.msk [tilespmem:v21+s22+$0x0], $0xffff  }
0x542: {  	v23 =	vld [tilespmem:$0x1FFB0]  }
0x543: {  	v17 =	vadd.f32 v19, v17;
	v19 =	vld [tilespmem:$0x1FFD0]  }
0x544: {  	v18 =	vadd.f32 v20, v18;
	v20 =	vld [tilespmem:$0x1FFE0];
	_ =	sdelay $0x1  }
0x545: {  	v17 =	vadd.f32 v21, v17;
	v21 =	vld [tilespmem:$0x1FFF0];
	_ =	sdelay $0x1  }
0x546: {  	v22 =	vld.idx.msk [tilespmem:v22+s22+$0x0], $0xffff  }
0x547: {  	v24 =	vld.idx.msk [tilespmem:v24+s22+$0x0], $0xffff  }
0x548: {  	v23 =	vld.idx.msk [tilespmem:v23+s22+$0x0], $0xffff  }
0x549: {  	v19 =	vld.idx.msk [tilespmem:v19+s22+$0x0], $0xffff  }
0x54a: {  	v20 =	vld.idx.msk [tilespmem:v20+s22+$0x0], $0xffff  }
0x54b: {  	v18 =	vadd.f32 v22, v18;
	v22 =	vld.idx.msk [tilespmem:v27+s22+$0x0], $0xffff  }
0x54c: {  	v21 =	vld.idx.msk [tilespmem:v21+s22+$0x0], $0xffff  }
0x54d: {  	v17 =	vadd.f32 v23, v17;
	v18 =	vadd.f32 v24, v18;
	v23 =	vld.idx.msk [tilespmem:v28+s22+$0x0], $0xffff  }
0x54e: {  	v24 =	vld.idx.msk [tilespmem:v29+s22+$0x0], $0xffff  }
0x54f: {  	v17 =	vadd.f32 v19, v17;
	v18 =	vadd.f32 v20, v18;
	v19 =	vld.idx.msk [tilespmem:v30+s22+$0x0], $0xffff  }
0x550: {  	v20 =	vld.idx.msk [tilespmem:v31+s22+$0x0], $0xffff  }
0x551: {  	v18 =	vadd.f32 v22, v18;
	v17 =	vadd.f32 v21, v17;
	_ =	sdelay $0x1  }
0x552: {  	v18 =	vadd.f32 v24, v18;
	v17 =	vadd.f32 v23, v17;
	_ =	sdelay $0x1  }
0x553: {  	v18 =	vadd.f32 v20, v18;
	v17 =	vadd.f32 v19, v17;
	_ =	sdelay $0x1  }
0x554: {  	v17 =	vadd.f32 v18, v17;
	_ =	sdelay $0x1  }
0x555: {  	v17 =	vsub.f32 $0.0e+00, v17;
	_ =	sdelay $0x1  }
0x556: {  	v17 =	vmul.f32 $1.442695020e+00, v17;
	_ =	sdelay $0x1  }
0x557: {  	(erf) = vpow2.f32 v17;
	_ =	sdelay $0x8  }
0x558: {  	v17 =	vpop (erf)  }
0x559: {  	v17 =	vadd.f32 $1.000000000e+00, v17;
	_ =	sdelay $0x1  }
0x55a: {  	(erf) = vrcp.f32 v17;
	_ =	sdelay $0x8  }
0x55b: {  	v17 =	vpop (erf)  }
0x55c: {  	[tilespmem:$0xC9F0] =	vst v17  }
0x55d: {  	v17 =	vld.idx.msk [tilespmem:v32+s22+$0x0], $0xffff  }
0x55e: {  	v18 =	vld.idx.msk [tilespmem:v33+s22+$0x0], $0xffff  }
0x55f: {  	v32 =	vld.idx.msk [tilespmem:v34+s22+$0x0], $0xffff  }
0x560: {  	v33 =	vld.idx.msk [tilespmem:v35+s22+$0x0], $0xffff  }
0x561: {  	v34 =	vld.idx.msk [tilespmem:v36+s22+$0x0], $0xffff  }
0x562: {  	v35 =	vld.idx.msk [tilespmem:v37+s22+$0x0], $0xffff  }
0x563: {  	v36 =	vld.idx.msk [tilespmem:v38+s22+$0x0], $0xffff  }
0x564: {  	v24 =	vld.idx.msk [tilespmem:v42+s22+$0x0], $0xffff  }
0x565: {  	v37 =	vld.idx.msk [tilespmem:v39+s22+$0x0], $0xffff;
	v17 =	vadd.f32 v32, v17;
	v18 =	vadd.f32 v33, v18  }
0x566: {  	v38 =	vld.idx.msk [tilespmem:v43+s22+$0x0], $0xffff  }
0x567: {  	v39 =	vld.idx.msk [tilespmem:v40+s22+$0x0], $0xffff;
	v17 =	vadd.f32 v34, v17;
	v18 =	vadd.f32 v35, v18  }
0x568: {  	v40 =	vld.idx.msk [tilespmem:v44+s22+$0x0], $0xffff  }
0x569: {  	v42 =	vld.idx.msk [tilespmem:v41+s22+$0x0], $0xffff;
	v17 =	vadd.f32 v36, v17;
	v18 =	vadd.f32 v24, v18  }
0x56a: {  	v24 =	vld.idx.msk [tilespmem:v46+s22+$0x0], $0xffff  }
0x56b: {  	v43 =	vld.idx.msk [tilespmem:v45+s22+$0x0], $0xffff;
	v17 =	vadd.f32 v37, v17;
	v18 =	vadd.f32 v38, v18  }
0x56c: {  	v44 =	vld.idx.msk [tilespmem:v47+s22+$0x0], $0xffff  }
0x56d: {  	v17 =	vadd.f32 v39, v17;
	v18 =	vadd.f32 v40, v18;
	_ =	sdelay $0x1  }
0x56e: {  	v17 =	vadd.f32 v42, v17;
	v18 =	vadd.f32 v24, v18;
	_ =	sdelay $0x1  }
0x56f: {  	v17 =	vadd.f32 v43, v17;
	v18 =	vadd.f32 v44, v18;
	_ =	sdelay $0x1  }
0x570: {  	v17 =	vadd.f32 v18, v17;
	_ =	sdelay $0x1  }
0x571: {  	v17 =	vsub.f32 $0.0e+00, v17;
	_ =	sdelay $0x1  }
0x572: {  	v17 =	vmul.f32 $1.442695020e+00, v17;
	_ =	sdelay $0x1  }
0x573: {  	(erf) = vpow2.f32 v17;
	_ =	sdelay $0x8  }
0x574: {  	v17 =	vpop (erf)  }
0x575: {  	v17 =	vadd.f32 $1.000000000e+00, v17;
	_ =	sdelay $0x1  }
0x576: {  	(erf) = vrcp.f32 v17;
	_ =	sdelay $0x8  }
0x577: {  	v17 =	vpop (erf)  }
0x578: {  	[tilespmem:$0xCA00] =	vst v17  }
0x579: {  	v17 =	vld.idx.msk [tilespmem:v48+s22+$0x0], $0xffff  }
0x57a: {  	v45 =	vld.idx.msk [tilespmem:v49+s22+$0x0], $0xffff  }
0x57b: {  	v46 =	vld.idx.msk [tilespmem:v50+s22+$0x0], $0xffff  }
0x57c: {  	v47 =	vld.idx.msk [tilespmem:v51+s22+$0x0], $0xffff  }
0x57d: {  	v48 =	vld.idx.msk [tilespmem:v52+s22+$0x0], $0xffff  }
0x57e: {  	v49 =	vld.idx.msk [tilespmem:v53+s22+$0x0], $0xffff  }
0x57f: {  	v50 =	vld.idx.msk [tilespmem:v54+s22+$0x0], $0xffff  }
0x580: {  	v24 =	vld.idx.msk [tilespmem:v58+s22+$0x0], $0xffff  }
0x581: {  	v51 =	vld.idx.msk [tilespmem:v55+s22+$0x0], $0xffff;
	v17 =	vadd.f32 v46, v17;
	v18 =	vadd.f32 v47, v45  }
0x582: {  	v52 =	vld.idx.msk [tilespmem:v59+s22+$0x0], $0xffff  }
0x583: {  	v53 =	vld.idx.msk [tilespmem:v56+s22+$0x0], $0xffff;
	v17 =	vadd.f32 v48, v17;
	v18 =	vadd.f32 v49, v18  }
0x584: {  	v54 =	vld.idx.msk [tilespmem:v60+s22+$0x0], $0xffff  }
0x585: {  	v55 =	vld.idx.msk [tilespmem:v57+s22+$0x0], $0xffff;
	v17 =	vadd.f32 v50, v17;
	v18 =	vadd.f32 v24, v18  }
0x586: {  	v24 =	vld.idx.msk [tilespmem:v62+s22+$0x0], $0xffff  }
0x587: {  	v56 =	vld.idx.msk [tilespmem:v61+s22+$0x0], $0xffff;
	v17 =	vadd.f32 v51, v17;
	v18 =	vadd.f32 v52, v18  }
0x588: {  	v57 =	vld.idx.msk [tilespmem:v63+s22+$0x0], $0xffff  }
0x589: {  	v17 =	vadd.f32 v53, v17;
	v18 =	vadd.f32 v54, v18;
	_ =	sdelay $0x1  }
0x58a: {  	v17 =	vadd.f32 v55, v17;
	v18 =	vadd.f32 v24, v18;
	_ =	sdelay $0x1  }
0x58b: {  	v17 =	vadd.f32 v56, v17;
	v18 =	vadd.f32 v57, v18;
	_ =	sdelay $0x1  }
0x58c: {  	v17 =	vadd.f32 v18, v17;
	_ =	sdelay $0x1  }
0x58d: {  	v17 =	vsub.f32 $0.0e+00, v17;
	_ =	sdelay $0x1  }
0x58e: {  	v17 =	vmul.f32 $1.442695020e+00, v17;
	_ =	sdelay $0x1  }
0x58f: {  	(erf) = vpow2.f32 v17;
	_ =	sdelay $0x8  }
0x590: {  	v17 =	vpop (erf)  }
0x591: {  	v17 =	vadd.f32 $1.000000000e+00, v17;
	_ =	sdelay $0x1  }
0x592: {  	(erf) = vrcp.f32 v17;
	_ =	sdelay $0x8  }
0x593: {  	v17 =	vpop (erf)  }
0x594: {  	[tilespmem:$0xCA10] =	vst v17  }
0x595: {  	v1 =	vld.idx.msk [tilespmem:v1+s22+$0x0], $0xffff  }
0x596: {  	v2 =	vld.idx.msk [tilespmem:v2+s22+$0x0], $0xffff  }
0x597: {  	v3 =	vld.idx.msk [tilespmem:v3+s22+$0x0], $0xffff  }
0x598: {  	v4 =	vld.idx.msk [tilespmem:v4+s22+$0x0], $0xffff  }
0x599: {  	v5 =	vld.idx.msk [tilespmem:v5+s22+$0x0], $0xffff  }
0x59a: {  	v6 =	vld.idx.msk [tilespmem:v6+s22+$0x0], $0xffff  }
0x59b: {  	v7 =	vld.idx.msk [tilespmem:v7+s22+$0x0], $0xffff  }
0x59c: {  	v11 =	vld.idx.msk [tilespmem:v11+s22+$0x0], $0xffff  }
0x59d: {  	v58 =	vld.idx.msk [tilespmem:v12+s22+$0x0], $0xffff;
	v1 =	vadd.f32 v3, v1;
	v2 =	vadd.f32 v4, v2  }
0x59e: {  	v3 =	vld.idx.msk [tilespmem:v8+s22+$0x0], $0xffff  }
0x59f: {  	v59 =	vld.idx.msk [tilespmem:v9+s22+$0x0], $0xffff;
	v1 =	vadd.f32 v5, v1;
	v2 =	vadd.f32 v6, v2  }
0x5a0: {  	v60 =	vld.idx.msk [tilespmem:v13+s22+$0x0], $0xffff  }
0x5a1: {  	v61 =	vld.idx.msk [tilespmem:v10+s22+$0x0], $0xffff;
	v1 =	vadd.f32 v7, v1;
	v2 =	vadd.f32 v11, v2  }
0x5a2: {  	v62 =	vld.idx.msk [tilespmem:v15+s22+$0x0], $0xffff  }
0x5a3: {  	v63 =	vld.idx.msk [tilespmem:v16+s22+$0x0], $0xffff;
	v1 =	vadd.f32 v3, v1;
	v2 =	vadd.f32 v58, v2  }
0x5a4: {  	v3 =	vld.idx.msk [tilespmem:v14+s22+$0x0], $0xffff  }
0x5a5: {  	v1 =	vadd.f32 v59, v1;
	v2 =	vadd.f32 v60, v2;
	_ =	sdelay $0x1  }
0x5a6: {  	v1 =	vadd.f32 v61, v1;
	v2 =	vadd.f32 v62, v2;
	_ =	sdelay $0x1  }
0x5a7: {  	v1 =	vadd.f32 v3, v1;
	v2 =	vadd.f32 v63, v2;
	_ =	sdelay $0x1  }
0x5a8: {  	v1 =	vadd.f32 v2, v1;
	_ =	sdelay $0x1  }
0x5a9: {  	v1 =	vsub.f32 $0.0e+00, v1;
	_ =	sdelay $0x1  }
0x5aa: {  	v1 =	vmul.f32 $1.442695020e+00, v1;
	_ =	sdelay $0x1  }
0x5ab: {  	(erf) = vpow2.f32 v1;
	_ =	sdelay $0x8  }
0x5ac: {  	v1 =	vpop (erf)  }
0x5ad: {  	v1 =	vadd.f32 $1.000000000e+00, v1;
	_ =	sdelay $0x1  }
0x5ae: {  	(erf) = vrcp.f32 v1;
	_ =	sdelay $0x7  }
0x5af: {  	s26 =	sadd.s32 $0x1, s26  }
0x5b0: {  	p0 =	sne.s32 s26, s10;
	v1 =	vpop (erf)  }
.Ltmp4:
0x5b1: {  	s0 =	simm.s32 $0xA320;
	[tilespmem:$0xCA20] =	vst v1;
	(pc) =	sbr.rel @p0 .LBB2_1-.Ltmp4, $4  }
0x5b2: {  	[hbm4b:s9+s3] =	stream.linear.scatter [tilespmem:s0], [sflag:$0x6], $0x2710, $0x38;
	[tilespmem:$0x16670] =	vst v63  }
0x5b3: {  	_ =	swait.ge [sflag:s12], $0x2710  }
0x5b4: {  	[sflag:s12] =	ssyncset.done $0x0  }
0x5b5: {  	[sflag:s12] =	ssyncadd.s32 $0xFFFFD8F0  }
0x5b6: {  	_ =	sfence.sel $0x180000  }
0x5b7: {  	[bflag:$0x0] =	sbarrier.arrive $0xFFFF  }
0x5b8: {  	_ =	strace $0x90000047  }
0x5b9: {  	s0 =	stileid.u32;
	[bflag:$0x2] =	sbarrier.arrive $0xFFFF  }
0x5ba: {  	p0 =	sne.s32 s0, $0x0;
	s0 =	rddreg [dreg:$0x5]  }
0x5bb: {  	s0 =	sadd.s32 @!p0 $0x100000, s0  }
0x5bc: {  	[sflag:s0] =	ssyncadd.tile.s32 @!p0 $0x1;
	_ =	shalt  }
.Lfunc_end2:
_tile_overlayer_lowered:
.L_overlay_start_2:
0x5bd: {  	(tag) =	ssettag $0x2  }
0x5be: {  	s0 =	rddreg [dreg:$0x0];
	s2 =	stileid.u32  }
0x5bf: {  	s1 =	rddreg [dreg:$0x1];
	p0 =	sne.s32 s2, $0x0  }
0x5c0: {  	s3 =	rddreg [dreg:$0x2];
	[bflag:$0x3] =	sbarrier.arrive $0xFFFF;
	s2 =	simm.s32 @!p0 $0x1C06  }
0x5c1: {  	[timem:s3], [sflag:s2] =	dma.local @!p0 [hbm:s0], s1  }
0x5c2: {  	s0 =	simm.s32 @!p0 $0x6  }
0x5c3: {  	_ =	swait.ge @!p0 [sflag:s0], s1  }
0x5c4: {  	s1 =	ssub.s32 @!p0 $0x0, s1;
	[sflag:s0] =	ssyncset.done @!p0 $0x0  }
0x5c5: {  	[sflag:s0] =	ssyncadd.s32 @!p0 s1  }
0x5c6: {  	[bflag:$0x3] =	sbarrier.arrive $0xFFFF  }
0x5c7: {  	_ =	shalt  }

</sc_bundles>
